<compile_context>
chip_gen: v7x
topology: tpu7x:2x2x1
jax: 0.10.2.dev20260603
libtpu: 0.0.44.dev20260713+nightly
codegen_flags: <defaults>
</compile_context>

<pallas_src>
import numpy as np
import jax
import jax.numpy as jnp
from jax import lax
from jax.experimental import pallas as pl
from jax.experimental.pallas import tpu as pltpu
from jax.experimental.pallas import tpu_sc as plsc

B = 16384
L = 200
E = 64
NC = 2
NS = 16
NW = NC * NS
ROWS_PER_W = B // NW
HALF = L // 2
RCHUNK = 128
NCHUNK = ROWS_PER_W // RCHUNK
OCHUNK = 128
LANES = 16

NBUF = 4


def _awe_body(x_hbm, table_hbm, out_hbm, idx_v, gath_v, outb_v,
              sem0, sem1, sem2, sem3, semi):
    wid = lax.axis_index("s") * NC + lax.axis_index("c")
    sems = (sem0, sem1, sem2, sem3)

    def issue_idx(c, ib):
        pltpu.async_copy(
            x_hbm.at[pl.ds(wid * (2 * ROWS_PER_W) + c * (2 * RCHUNK),
                           2 * RCHUNK)],
            idx_v.at[ib], semi)

    def drain_idx(ib):
        pltpu.make_async_copy(x_hbm.at[pl.ds(0, 2 * RCHUNK)],
                              idx_v.at[ib], semi).wait()

    def issue(ib, rloc, b):
        pltpu.async_copy(table_hbm.at[idx_v.at[ib, 2 * rloc]],
                         gath_v.at[b, pl.ds(0, HALF)], sems[b])
        pltpu.async_copy(table_hbm.at[idx_v.at[ib, 2 * rloc + 1]],
                         gath_v.at[b, pl.ds(HALF, HALF)], sems[b])

    def drain(b):
        pltpu.make_async_copy(table_hbm.at[pl.ds(0, L)],
                              gath_v.at[b], sems[b]).wait()

    def accum_store(rloc, b):
        def body(i, accs):
            a0, a1, a2, a3 = accs
            v0 = gath_v[b, i, pl.ds(0, LANES)]
            v1 = gath_v[b, i, pl.ds(LANES, LANES)]
            v2 = gath_v[b, i, pl.ds(2 * LANES, LANES)]
            v3 = gath_v[b, i, pl.ds(3 * LANES, LANES)]
            return (a0 + v0, a1 + v1, a2 + v2, a3 + v3)

        z = jnp.zeros((LANES,), jnp.float32)
        a0, a1, a2, a3 = plsc.parallel_loop(0, L, unroll=8,
                                            carry=(z, z, z, z))(body)
        scale = jnp.float32(1.0 / L)
        slot = rloc % OCHUNK
        outb_v[slot, pl.ds(0, LANES)] = a0 * scale
        outb_v[slot, pl.ds(LANES, LANES)] = a1 * scale
        outb_v[slot, pl.ds(2 * LANES, LANES)] = a2 * scale
        outb_v[slot, pl.ds(3 * LANES, LANES)] = a3 * scale

    issue_idx(0, 0)
    drain_idx(0)
    for c in range(NCHUNK):
        ib = c % 2
        if c + 1 < NCHUNK:
            issue_idx(c + 1, 1 - ib)
            drain_idx(1 - ib)

        if c == 0:
            for j in range(NBUF - 1):
                issue(ib, j, j)

        @pl.loop(0, RCHUNK, step=NBUF)
        def _rows(r):
            for j in range(NBUF):
                t = r + j + NBUF - 1
                buf = (j + NBUF - 1) % NBUF

                @pl.when(t < RCHUNK)
                def _():
                    issue(ib, t, buf)

                if c + 1 < NCHUNK:
                    @pl.when(t >= RCHUNK)
                    def _():
                        issue(1 - ib, t - RCHUNK, buf)

                drain(j)
                accum_store(r + j, j)

            @pl.when(r % OCHUNK == OCHUNK - NBUF)
            def _():
                pltpu.sync_copy(
                    outb_v,
                    out_hbm.at[pl.ds(wid * ROWS_PER_W + c * RCHUNK
                                     + (r // OCHUNK) * OCHUNK, OCHUNK)])


def kernel(x, table):
    x2 = x.astype(jnp.int32).reshape(2 * B, HALF)
    mesh = plsc.VectorSubcoreMesh(core_axis_name="c", subcore_axis_name="s")
    f = pl.kernel(
        _awe_body,
        out_type=jax.ShapeDtypeStruct((B, E), jnp.float32),
        mesh=mesh,
        scratch_types=[
            pltpu.VMEM((2, 2 * RCHUNK, HALF), jnp.int32),
            pltpu.VMEM((NBUF, L, E), jnp.float32),
            pltpu.VMEM((OCHUNK, E), jnp.float32),
            pltpu.SemaphoreType.DMA,
            pltpu.SemaphoreType.DMA,
            pltpu.SemaphoreType.DMA,
            pltpu.SemaphoreType.DMA,
            pltpu.SemaphoreType.DMA,
        ],
        compiler_params=pltpu.CompilerParams(use_tc_tiling_on_sc=False),
    )
    return f(x2, table)

# --- scband reference (transcript-rebuilt; emitter-appended) ---
"""Pipeline reference for scband-awe-85529978732608 (READ-ONLY COPY).

The authoritative reference and input builder live on the scoring server;
editing this copy changes nothing except your own understanding.
"""

import jax, jax.numpy as jnp
import numpy as np

VOCAB = 1000000
EMBED = 64
BATCH = 16384
HIST = 200

def setup_inputs(seed: int = 0) -> dict:
    key = jax.random.key(seed)
    k1, k2 = jax.random.split(key)
    x = jax.random.randint(k1, (BATCH, HIST), 0, VOCAB, dtype=jnp.int64 if jax.config.jax_enable_x64 else jnp.int32)
    table = jax.random.normal(k2, (VOCAB, EMBED), dtype=jnp.float32)
    return {"x": x, "table": table}

def reference(x, table):
    # nn.Embedding lookup
    embedded = jnp.take(table, x, axis=0)  # [B, L, E]
    # torch.mean(embedded, axis=1)
    awe = jnp.mean(embedded, axis=1)  # [B, E]
    return awe

if __name__ == "__main__":
    import jax
    _d = setup_inputs()
    print(jax.jit(kernel)(*tuple(_d.values())))

</pallas_src>

<mosaic_0001>
#map = affine_map<(d0, d1) -> (0, 0)>
module attributes {stable_mosaic.version = 14 : i64} {
  func.func @_awe_body(%arg0: i32, %arg1: i32, %arg2: memref<32768x100xi32, #tpu.memory_space<hbm>>, %arg3: memref<1000000x64xf32, #tpu.memory_space<hbm>>, %arg4: memref<16384x64xf32, #tpu.memory_space<hbm>>, %arg5: memref<2x256x100xi32, #tpu.memory_space<vmem>>, %arg6: memref<4x200x64xf32, #tpu.memory_space<vmem>>, %arg7: memref<128x64xf32, #tpu.memory_space<vmem>>, %arg8: memref<!tpu.dma_semaphore, #tpu.memory_space<semaphore_mem>>, %arg9: memref<!tpu.dma_semaphore, #tpu.memory_space<semaphore_mem>>, %arg10: memref<!tpu.dma_semaphore, #tpu.memory_space<semaphore_mem>>, %arg11: memref<!tpu.dma_semaphore, #tpu.memory_space<semaphore_mem>>, %arg12: memref<!tpu.dma_semaphore, #tpu.memory_space<semaphore_mem>>) attributes {dimension_semantics = [#tpu.dimension_semantics<core_parallel>, #tpu.dimension_semantics<subcore_parallel>], iteration_bounds = array<i64: 2, 16>, scalar_prefetch = 0 : i64, scratch_operands = 8 : i64, tpu.core_type = #tpu.core_type<sc_vector_subcore>, window_params = [{transform_indices = #map}, {transform_indices = #map}, {transform_indices = #map}]} {
    %mul3A = arith.constant 2 : i32
    %mul3A_0 = arith.muli %arg1, %mul3A : i32
    %add3A = arith.addi %mul3A_0, %arg0 : i32
    %mul3A_1 = arith.constant 1024 : i32
    %mul3A_2 = arith.muli %add3A, %mul3A_1 : i32
    %add3A_3 = arith.constant 0 : i32
    %add3A_4 = arith.addi %mul3A_2, %add3A_3 : i32
    %dma_start3A = arith.constant 0 : i32
    %dma_start3A_5 = arith.constant 0 : i32
    %dma_start3A_6 = arith.constant 0 : i32
    %dma_start3A_7 = tpu.memref_slice %arg5[%dma_start3A, %dma_start3A_5, %dma_start3A_6] : memref<2x256x100xi32, #tpu.memory_space<vmem>> -> memref<1x256x100xi32, #tpu.memory_space<vmem>>
    %dma_start3A_8 = tpu.memref_squeeze %dma_start3A_7 : memref<1x256x100xi32, #tpu.memory_space<vmem>> -> memref<256x100xi32, #tpu.memory_space<vmem>>
    %dma_start3A_9 = arith.constant 0 : i32
    %dma_start3A_10 = tpu.memref_slice %arg2[%add3A_4, %dma_start3A_9] : memref<32768x100xi32, #tpu.memory_space<hbm>> -> memref<256x100xi32, #tpu.memory_space<hbm>>
    %dma_start3A_11 = arith.constant 0 : i32
    %dma_start3A_12 = arith.constant 0 : i32
    %dma_start3A_13 = tpu.memref_slice %arg5[%dma_start3A, %dma_start3A_11, %dma_start3A_12] : memref<2x256x100xi32, #tpu.memory_space<vmem>> -> memref<1x256x100xi32, #tpu.memory_space<vmem>>
    %dma_start3A_14 = tpu.memref_squeeze %dma_start3A_13 : memref<1x256x100xi32, #tpu.memory_space<vmem>> -> memref<256x100xi32, #tpu.memory_space<vmem>>
    %dma_start3A_15 = arith.constant 0 : i32
    %dma_start3A_16 = tpu.memref_slice %arg2[%add3A_4, %dma_start3A_15] : memref<32768x100xi32, #tpu.memory_space<hbm>> -> memref<256x100xi32, #tpu.memory_space<hbm>>
    tpu.enqueue_dma source(%dma_start3A_16 : memref<256x100xi32, #tpu.memory_space<hbm>>) target(%dma_start3A_14 : memref<256x100xi32, #tpu.memory_space<vmem>>) target_semaphore(%arg12 : memref<!tpu.dma_semaphore, #tpu.memory_space<semaphore_mem>>)
    %dma_wait3A = arith.constant 0 : i32
    %dma_wait3A_17 = arith.constant 0 : i32
    %dma_wait3A_18 = arith.constant 0 : i32
    %dma_wait3A_19 = tpu.memref_slice %arg5[%dma_wait3A, %dma_wait3A_17, %dma_wait3A_18] : memref<2x256x100xi32, #tpu.memory_space<vmem>> -> memref<1x256x100xi32, #tpu.memory_space<vmem>>
    %dma_wait3A_20 = tpu.memref_squeeze %dma_wait3A_19 : memref<1x256x100xi32, #tpu.memory_space<vmem>> -> memref<256x100xi32, #tpu.memory_space<vmem>>
    %dma_wait3A_21 = arith.constant 0 : i32
    %dma_wait3A_22 = arith.constant 0 : i32
    %dma_wait3A_23 = tpu.memref_slice %arg2[%dma_wait3A_21, %dma_wait3A_22] : memref<32768x100xi32, #tpu.memory_space<hbm>> -> memref<256x100xi32, #tpu.memory_space<hbm>>
    %dma_wait3A_24 = arith.constant 0 : i32
    %dma_wait3A_25 = arith.constant 0 : i32
    %dma_wait3A_26 = tpu.memref_slice %arg5[%dma_wait3A, %dma_wait3A_24, %dma_wait3A_25] : memref<2x256x100xi32, #tpu.memory_space<vmem>> -> memref<1x256x100xi32, #tpu.memory_space<vmem>>
    %dma_wait3A_27 = tpu.memref_squeeze %dma_wait3A_26 : memref<1x256x100xi32, #tpu.memory_space<vmem>> -> memref<256x100xi32, #tpu.memory_space<vmem>>
    %dma_wait3A_28 = arith.constant 0 : i32
    %dma_wait3A_29 = arith.constant 0 : i32
    %dma_wait3A_30 = tpu.memref_slice %arg2[%dma_wait3A_28, %dma_wait3A_29] : memref<32768x100xi32, #tpu.memory_space<hbm>> -> memref<256x100xi32, #tpu.memory_space<hbm>>
    tpu.wait_dma2 semaphore(%arg12 : memref<!tpu.dma_semaphore, #tpu.memory_space<semaphore_mem>>) src(%dma_wait3A_30 : memref<256x100xi32, #tpu.memory_space<hbm>>) dst(%dma_wait3A_27 : memref<256x100xi32, #tpu.memory_space<vmem>>)
    %mul3A_31 = arith.constant 1024 : i32
    %mul3A_32 = arith.muli %add3A, %mul3A_31 : i32
    %add3A_33 = arith.constant 256 : i32
    %add3A_34 = arith.addi %mul3A_32, %add3A_33 : i32
    %dma_start3A_35 = arith.constant 1 : i32
    %dma_start3A_36 = arith.constant 0 : i32
    %dma_start3A_37 = arith.constant 0 : i32
    %dma_start3A_38 = tpu.memref_slice %arg5[%dma_start3A_35, %dma_start3A_36, %dma_start3A_37] : memref<2x256x100xi32, #tpu.memory_space<vmem>> -> memref<1x256x100xi32, #tpu.memory_space<vmem>>
    %dma_start3A_39 = tpu.memref_squeeze %dma_start3A_38 : memref<1x256x100xi32, #tpu.memory_space<vmem>> -> memref<256x100xi32, #tpu.memory_space<vmem>>
    %dma_start3A_40 = arith.constant 0 : i32
    %dma_start3A_41 = tpu.memref_slice %arg2[%add3A_34, %dma_start3A_40] : memref<32768x100xi32, #tpu.memory_space<hbm>> -> memref<256x100xi32, #tpu.memory_space<hbm>>
    %dma_start3A_42 = arith.constant 0 : i32
    %dma_start3A_43 = arith.constant 0 : i32
    %dma_start3A_44 = tpu.memref_slice %arg5[%dma_start3A_35, %dma_start3A_42, %dma_start3A_43] : memref<2x256x100xi32, #tpu.memory_space<vmem>> -> memref<1x256x100xi32, #tpu.memory_space<vmem>>
    %dma_start3A_45 = tpu.memref_squeeze %dma_start3A_44 : memref<1x256x100xi32, #tpu.memory_space<vmem>> -> memref<256x100xi32, #tpu.memory_space<vmem>>
    %dma_start3A_46 = arith.constant 0 : i32
    %dma_start3A_47 = tpu.memref_slice %arg2[%add3A_34, %dma_start3A_46] : memref<32768x100xi32, #tpu.memory_space<hbm>> -> memref<256x100xi32, #tpu.memory_space<hbm>>
    tpu.enqueue_dma source(%dma_start3A_47 : memref<256x100xi32, #tpu.memory_space<hbm>>) target(%dma_start3A_45 : memref<256x100xi32, #tpu.memory_space<vmem>>) target_semaphore(%arg12 : memref<!tpu.dma_semaphore, #tpu.memory_space<semaphore_mem>>)
    %dma_wait3A_48 = arith.constant 1 : i32
    %dma_wait3A_49 = arith.constant 0 : i32
    %dma_wait3A_50 = arith.constant 0 : i32
    %dma_wait3A_51 = tpu.memref_slice %arg5[%dma_wait3A_48, %dma_wait3A_49, %dma_wait3A_50] : memref<2x256x100xi32, #tpu.memory_space<vmem>> -> memref<1x256x100xi32, #tpu.memory_space<vmem>>
    %dma_wait3A_52 = tpu.memref_squeeze %dma_wait3A_51 : memref<1x256x100xi32, #tpu.memory_space<vmem>> -> memref<256x100xi32, #tpu.memory_space<vmem>>
    %dma_wait3A_53 = arith.constant 0 : i32
    %dma_wait3A_54 = arith.constant 0 : i32
    %dma_wait3A_55 = tpu.memref_slice %arg2[%dma_wait3A_53, %dma_wait3A_54] : memref<32768x100xi32, #tpu.memory_space<hbm>> -> memref<256x100xi32, #tpu.memory_space<hbm>>
    %dma_wait3A_56 = arith.constant 0 : i32
    %dma_wait3A_57 = arith.constant 0 : i32
    %dma_wait3A_58 = tpu.memref_slice %arg5[%dma_wait3A_48, %dma_wait3A_56, %dma_wait3A_57] : memref<2x256x100xi32, #tpu.memory_space<vmem>> -> memref<1x256x100xi32, #tpu.memory_space<vmem>>
    %dma_wait3A_59 = tpu.memref_squeeze %dma_wait3A_58 : memref<1x256x100xi32, #tpu.memory_space<vmem>> -> memref<256x100xi32, #tpu.memory_space<vmem>>
    %dma_wait3A_60 = arith.constant 0 : i32
    %dma_wait3A_61 = arith.constant 0 : i32
    %dma_wait3A_62 = tpu.memref_slice %arg2[%dma_wait3A_60, %dma_wait3A_61] : memref<32768x100xi32, #tpu.memory_space<hbm>> -> memref<256x100xi32, #tpu.memory_space<hbm>>
    tpu.wait_dma2 semaphore(%arg12 : memref<!tpu.dma_semaphore, #tpu.memory_space<semaphore_mem>>) src(%dma_wait3A_62 : memref<256x100xi32, #tpu.memory_space<hbm>>) dst(%dma_wait3A_59 : memref<256x100xi32, #tpu.memory_space<vmem>>)
    %dma_start3A_63 = arith.constant 0 : i32
    %dma_start3A_64 = arith.constant 0 : i32
    %dma_start3A_65 = arith.constant 0 : i32
    %dma_start3A_66 = arith.constant 0 : i32
    %dma_start3A_67 = arith.constant 0 : i32
    %dma_start3A_68 = tpu.memref_slice %arg6[%dma_start3A_65, %dma_start3A_66, %dma_start3A_67] : memref<4x200x64xf32, #tpu.memory_space<vmem>> -> memref<1x100x64xf32, #tpu.memory_space<vmem>>
    %dma_start3A_69 = tpu.memref_squeeze %dma_start3A_68 : memref<1x100x64xf32, #tpu.memory_space<vmem>> -> memref<100x64xf32, #tpu.memory_space<vmem>>
    %dma_start3A_70 = arith.constant 0 : i32
    %dma_start3A_71 = tpu.memref_slice %arg5[%dma_start3A_63, %dma_start3A_64, %dma_start3A_70] : memref<2x256x100xi32, #tpu.memory_space<vmem>> -> memref<1x1x100xi32, #tpu.memory_space<vmem>>
    %dma_start3A_72 = tpu.memref_squeeze %dma_start3A_71 : memref<1x1x100xi32, #tpu.memory_space<vmem>> -> memref<100xi32, #tpu.memory_space<vmem>>
    %dma_start3A_73 = arith.constant 0 : i32
    %dma_start3A_74 = arith.constant 0 : i32
    %dma_start3A_75 = tpu.memref_slice %arg3[%dma_start3A_73, %dma_start3A_74] : memref<1000000x64xf32, #tpu.memory_space<hbm>> -> memref<1000000x64xf32, #tpu.memory_space<hbm>>
    tpu.enqueue_indirect_dma source(%dma_start3A_75 : memref<1000000x64xf32, #tpu.memory_space<hbm>>) target(%dma_start3A_69 : memref<100x64xf32, #tpu.memory_space<vmem>>) offsets(%dma_start3A_72 : memref<100xi32, #tpu.memory_space<vmem>>) semaphore(%arg8 : memref<!tpu.dma_semaphore, #tpu.memory_space<semaphore_mem>>)
    %dma_start3A_76 = arith.constant 0 : i32
    %dma_start3A_77 = arith.constant 1 : i32
    %dma_start3A_78 = arith.constant 0 : i32
    %dma_start3A_79 = arith.constant 100 : i32
    %dma_start3A_80 = arith.constant 0 : i32
    %dma_start3A_81 = tpu.memref_slice %arg6[%dma_start3A_78, %dma_start3A_79, %dma_start3A_80] : memref<4x200x64xf32, #tpu.memory_space<vmem>> -> memref<1x100x64xf32, #tpu.memory_space<vmem>>
    %dma_start3A_82 = tpu.memref_squeeze %dma_start3A_81 : memref<1x100x64xf32, #tpu.memory_space<vmem>> -> memref<100x64xf32, #tpu.memory_space<vmem>>
    %dma_start3A_83 = arith.constant 0 : i32
    %dma_start3A_84 = tpu.memref_slice %arg5[%dma_start3A_76, %dma_start3A_77, %dma_start3A_83] : memref<2x256x100xi32, #tpu.memory_space<vmem>> -> memref<1x1x100xi32, #tpu.memory_space<vmem>>
    %dma_start3A_85 = tpu.memref_squeeze %dma_start3A_84 : memref<1x1x100xi32, #tpu.memory_space<vmem>> -> memref<100xi32, #tpu.memory_space<vmem>>
    %dma_start3A_86 = arith.constant 0 : i32
    %dma_start3A_87 = arith.constant 0 : i32
    %dma_start3A_88 = tpu.memref_slice %arg3[%dma_start3A_86, %dma_start3A_87] : memref<1000000x64xf32, #tpu.memory_space<hbm>> -> memref<1000000x64xf32, #tpu.memory_space<hbm>>
    tpu.enqueue_indirect_dma source(%dma_start3A_88 : memref<1000000x64xf32, #tpu.memory_space<hbm>>) target(%dma_start3A_82 : memref<100x64xf32, #tpu.memory_space<vmem>>) offsets(%dma_start3A_85 : memref<100xi32, #tpu.memory_space<vmem>>) semaphore(%arg8 : memref<!tpu.dma_semaphore, #tpu.memory_space<semaphore_mem>>)
    %dma_start3A_89 = arith.constant 0 : i32
    %dma_start3A_90 = arith.constant 2 : i32
    %dma_start3A_91 = arith.constant 1 : i32
    %dma_start3A_92 = arith.constant 0 : i32
    %dma_start3A_93 = arith.constant 0 : i32
    %dma_start3A_94 = tpu.memref_slice %arg6[%dma_start3A_91, %dma_start3A_92, %dma_start3A_93] : memref<4x200x64xf32, #tpu.memory_space<vmem>> -> memref<1x100x64xf32, #tpu.memory_space<vmem>>
    %dma_start3A_95 = tpu.memref_squeeze %dma_start3A_94 : memref<1x100x64xf32, #tpu.memory_space<vmem>> -> memref<100x64xf32, #tpu.memory_space<vmem>>
    %dma_start3A_96 = arith.constant 0 : i32
    %dma_start3A_97 = tpu.memref_slice %arg5[%dma_start3A_89, %dma_start3A_90, %dma_start3A_96] : memref<2x256x100xi32, #tpu.memory_space<vmem>> -> memref<1x1x100xi32, #tpu.memory_space<vmem>>
    %dma_start3A_98 = tpu.memref_squeeze %dma_start3A_97 : memref<1x1x100xi32, #tpu.memory_space<vmem>> -> memref<100xi32, #tpu.memory_space<vmem>>
    %dma_start3A_99 = arith.constant 0 : i32
    %dma_start3A_100 = arith.constant 0 : i32
    %dma_start3A_101 = tpu.memref_slice %arg3[%dma_start3A_99, %dma_start3A_100] : memref<1000000x64xf32, #tpu.memory_space<hbm>> -> memref<1000000x64xf32, #tpu.memory_space<hbm>>
    tpu.enqueue_indirect_dma source(%dma_start3A_101 : memref<1000000x64xf32, #tpu.memory_space<hbm>>) target(%dma_start3A_95 : memref<100x64xf32, #tpu.memory_space<vmem>>) offsets(%dma_start3A_98 : memref<100xi32, #tpu.memory_space<vmem>>) semaphore(%arg9 : memref<!tpu.dma_semaphore, #tpu.memory_space<semaphore_mem>>)
    %dma_start3A_102 = arith.constant 0 : i32
    %dma_start3A_103 = arith.constant 3 : i32
    %dma_start3A_104 = arith.constant 1 : i32
    %dma_start3A_105 = arith.constant 100 : i32
    %dma_start3A_106 = arith.constant 0 : i32
    %dma_start3A_107 = tpu.memref_slice %arg6[%dma_start3A_104, %dma_start3A_105, %dma_start3A_106] : memref<4x200x64xf32, #tpu.memory_space<vmem>> -> memref<1x100x64xf32, #tpu.memory_space<vmem>>
    %dma_start3A_108 = tpu.memref_squeeze %dma_start3A_107 : memref<1x100x64xf32, #tpu.memory_space<vmem>> -> memref<100x64xf32, #tpu.memory_space<vmem>>
    %dma_start3A_109 = arith.constant 0 : i32
    %dma_start3A_110 = tpu.memref_slice %arg5[%dma_start3A_102, %dma_start3A_103, %dma_start3A_109] : memref<2x256x100xi32, #tpu.memory_space<vmem>> -> memref<1x1x100xi32, #tpu.memory_space<vmem>>
    %dma_start3A_111 = tpu.memref_squeeze %dma_start3A_110 : memref<1x1x100xi32, #tpu.memory_space<vmem>> -> memref<100xi32, #tpu.memory_space<vmem>>
    %dma_start3A_112 = arith.constant 0 : i32
    %dma_start3A_113 = arith.constant 0 : i32
    %dma_start3A_114 = tpu.memref_slice %arg3[%dma_start3A_112, %dma_start3A_113] : memref<1000000x64xf32, #tpu.memory_space<hbm>> -> memref<1000000x64xf32, #tpu.memory_space<hbm>>
    tpu.enqueue_indirect_dma source(%dma_start3A_114 : memref<1000000x64xf32, #tpu.memory_space<hbm>>) target(%dma_start3A_108 : memref<100x64xf32, #tpu.memory_space<vmem>>) offsets(%dma_start3A_111 : memref<100xi32, #tpu.memory_space<vmem>>) semaphore(%arg9 : memref<!tpu.dma_semaphore, #tpu.memory_space<semaphore_mem>>)
    %dma_start3A_115 = arith.constant 0 : i32
    %dma_start3A_116 = arith.constant 4 : i32
    %dma_start3A_117 = arith.constant 2 : i32
    %dma_start3A_118 = arith.constant 0 : i32
    %dma_start3A_119 = arith.constant 0 : i32
    %dma_start3A_120 = tpu.memref_slice %arg6[%dma_start3A_117, %dma_start3A_118, %dma_start3A_119] : memref<4x200x64xf32, #tpu.memory_space<vmem>> -> memref<1x100x64xf32, #tpu.memory_space<vmem>>
    %dma_start3A_121 = tpu.memref_squeeze %dma_start3A_120 : memref<1x100x64xf32, #tpu.memory_space<vmem>> -> memref<100x64xf32, #tpu.memory_space<vmem>>
    %dma_start3A_122 = arith.constant 0 : i32
    %dma_start3A_123 = tpu.memref_slice %arg5[%dma_start3A_115, %dma_start3A_116, %dma_start3A_122] : memref<2x256x100xi32, #tpu.memory_space<vmem>> -> memref<1x1x100xi32, #tpu.memory_space<vmem>>
    %dma_start3A_124 = tpu.memref_squeeze %dma_start3A_123 : memref<1x1x100xi32, #tpu.memory_space<vmem>> -> memref<100xi32, #tpu.memory_space<vmem>>
    %dma_start3A_125 = arith.constant 0 : i32
    %dma_start3A_126 = arith.constant 0 : i32
    %dma_start3A_127 = tpu.memref_slice %arg3[%dma_start3A_125, %dma_start3A_126] : memref<1000000x64xf32, #tpu.memory_space<hbm>> -> memref<1000000x64xf32, #tpu.memory_space<hbm>>
    tpu.enqueue_indirect_dma source(%dma_start3A_127 : memref<1000000x64xf32, #tpu.memory_space<hbm>>) target(%dma_start3A_121 : memref<100x64xf32, #tpu.memory_space<vmem>>) offsets(%dma_start3A_124 : memref<100xi32, #tpu.memory_space<vmem>>) semaphore(%arg10 : memref<!tpu.dma_semaphore, #tpu.memory_space<semaphore_mem>>)
    %dma_start3A_128 = arith.constant 0 : i32
    %dma_start3A_129 = arith.constant 5 : i32
    %dma_start3A_130 = arith.constant 2 : i32
    %dma_start3A_131 = arith.constant 100 : i32
    %dma_start3A_132 = arith.constant 0 : i32
    %dma_start3A_133 = tpu.memref_slice %arg6[%dma_start3A_130, %dma_start3A_131, %dma_start3A_132] : memref<4x200x64xf32, #tpu.memory_space<vmem>> -> memref<1x100x64xf32, #tpu.memory_space<vmem>>
    %dma_start3A_134 = tpu.memref_squeeze %dma_start3A_133 : memref<1x100x64xf32, #tpu.memory_space<vmem>> -> memref<100x64xf32, #tpu.memory_space<vmem>>
    %dma_start3A_135 = arith.constant 0 : i32
    %dma_start3A_136 = tpu.memref_slice %arg5[%dma_start3A_128, %dma_start3A_129, %dma_start3A_135] : memref<2x256x100xi32, #tpu.memory_space<vmem>> -> memref<1x1x100xi32, #tpu.memory_space<vmem>>
    %dma_start3A_137 = tpu.memref_squeeze %dma_start3A_136 : memref<1x1x100xi32, #tpu.memory_space<vmem>> -> memref<100xi32, #tpu.memory_space<vmem>>
    %dma_start3A_138 = arith.constant 0 : i32
    %dma_start3A_139 = arith.constant 0 : i32
    %dma_start3A_140 = tpu.memref_slice %arg3[%dma_start3A_138, %dma_start3A_139] : memref<1000000x64xf32, #tpu.memory_space<hbm>> -> memref<1000000x64xf32, #tpu.memory_space<hbm>>
    tpu.enqueue_indirect_dma source(%dma_start3A_140 : memref<1000000x64xf32, #tpu.memory_space<hbm>>) target(%dma_start3A_134 : memref<100x64xf32, #tpu.memory_space<vmem>>) offsets(%dma_start3A_137 : memref<100xi32, #tpu.memory_space<vmem>>) semaphore(%arg10 : memref<!tpu.dma_semaphore, #tpu.memory_space<semaphore_mem>>)
    %scan3A = arith.constant 0 : i32
    %scan3A_141 = arith.constant 32 : i32
    %scan3A_142 = arith.addi %scan3A, %scan3A_141 : i32
    %scan3A_143 = arith.constant 1 : i32
    scf.for %scan3A_224 = %scan3A to %scan3A_142 step %scan3A_143  : i32 {
      %mul3A_225 = arith.constant 4 : i32
      %mul3A_226 = arith.muli %scan3A_224, %mul3A_225 : i32
      %add3A_227 = arith.constant 0 : i32
      %add3A_228 = arith.addi %add3A_227, %mul3A_226 : i32
      %add3A_229 = arith.constant 0 : i32
      %add3A_230 = arith.addi %add3A_228, %add3A_229 : i32
      %add3A_231 = arith.constant 4 : i32
      %add3A_232 = arith.addi %add3A_230, %add3A_231 : i32
      %sub3A = arith.constant 1 : i32
      %sub3A_233 = arith.subi %add3A_232, %sub3A : i32
      %lt3A = arith.constant 128 : i32
      %lt3A_234 = arith.cmpi slt, %sub3A_233, %lt3A : i32
      %convert_element_type3A = arith.extui %lt3A_234 : i1 to i32
      %cond3A = arith.constant 0 : i32
      %cond3A_235 = arith.cmpi ne, %convert_element_type3A, %cond3A : i32
      scf.if %cond3A_235 {
        %mul3A_584 = arith.constant 2 : i32
        %mul3A_585 = arith.muli %mul3A_584, %sub3A_233 : i32
        %dma_start3A_586 = arith.constant 0 : i32
        %dma_start3A_587 = arith.constant 3 : i32
        %dma_start3A_588 = arith.constant 0 : i32
        %dma_start3A_589 = arith.constant 0 : i32
        %dma_start3A_590 = tpu.memref_slice %arg6[%dma_start3A_587, %dma_start3A_588, %dma_start3A_589] : memref<4x200x64xf32, #tpu.memory_space<vmem>> -> memref<1x100x64xf32, #tpu.memory_space<vmem>>
        %dma_start3A_591 = tpu.memref_squeeze %dma_start3A_590 : memref<1x100x64xf32, #tpu.memory_space<vmem>> -> memref<100x64xf32, #tpu.memory_space<vmem>>
        %dma_start3A_592 = arith.constant 0 : i32
        %dma_start3A_593 = tpu.memref_slice %arg5[%dma_start3A_586, %mul3A_585, %dma_start3A_592] : memref<2x256x100xi32, #tpu.memory_space<vmem>> -> memref<1x1x100xi32, #tpu.memory_space<vmem>>
        %dma_start3A_594 = tpu.memref_squeeze %dma_start3A_593 : memref<1x1x100xi32, #tpu.memory_space<vmem>> -> memref<100xi32, #tpu.memory_space<vmem>>
        %dma_start3A_595 = arith.constant 0 : i32
        %dma_start3A_596 = arith.constant 0 : i32
        %dma_start3A_597 = tpu.memref_slice %arg3[%dma_start3A_595, %dma_start3A_596] : memref<1000000x64xf32, #tpu.memory_space<hbm>> -> memref<1000000x64xf32, #tpu.memory_space<hbm>>
        tpu.enqueue_indirect_dma source(%dma_start3A_597 : memref<1000000x64xf32, #tpu.memory_space<hbm>>) target(%dma_start3A_591 : memref<100x64xf32, #tpu.memory_space<vmem>>) offsets(%dma_start3A_594 : memref<100xi32, #tpu.memory_space<vmem>>) semaphore(%arg11 : memref<!tpu.dma_semaphore, #tpu.memory_space<semaphore_mem>>)
        %mul3A_598 = arith.constant 2 : i32
        %mul3A_599 = arith.muli %mul3A_598, %sub3A_233 : i32
        %add3A_600 = arith.constant 1 : i32
        %add3A_601 = arith.addi %mul3A_599, %add3A_600 : i32
        %dma_start3A_602 = arith.constant 0 : i32
        %dma_start3A_603 = arith.constant 3 : i32
        %dma_start3A_604 = arith.constant 100 : i32
        %dma_start3A_605 = arith.constant 0 : i32
        %dma_start3A_606 = tpu.memref_slice %arg6[%dma_start3A_603, %dma_start3A_604, %dma_start3A_605] : memref<4x200x64xf32, #tpu.memory_space<vmem>> -> memref<1x100x64xf32, #tpu.memory_space<vmem>>
        %dma_start3A_607 = tpu.memref_squeeze %dma_start3A_606 : memref<1x100x64xf32, #tpu.memory_space<vmem>> -> memref<100x64xf32, #tpu.memory_space<vmem>>
        %dma_start3A_608 = arith.constant 0 : i32
        %dma_start3A_609 = tpu.memref_slice %arg5[%dma_start3A_602, %add3A_601, %dma_start3A_608] : memref<2x256x100xi32, #tpu.memory_space<vmem>> -> memref<1x1x100xi32, #tpu.memory_space<vmem>>
        %dma_start3A_610 = tpu.memref_squeeze %dma_start3A_609 : memref<1x1x100xi32, #tpu.memory_space<vmem>> -> memref<100xi32, #tpu.memory_space<vmem>>
        %dma_start3A_611 = arith.constant 0 : i32
        %dma_start3A_612 = arith.constant 0 : i32
        %dma_start3A_613 = tpu.memref_slice %arg3[%dma_start3A_611, %dma_start3A_612] : memref<1000000x64xf32, #tpu.memory_space<hbm>> -> memref<1000000x64xf32, #tpu.memory_space<hbm>>
        tpu.enqueue_indirect_dma source(%dma_start3A_613 : memref<1000000x64xf32, #tpu.memory_space<hbm>>) target(%dma_start3A_607 : memref<100x64xf32, #tpu.memory_space<vmem>>) offsets(%dma_start3A_610 : memref<100xi32, #tpu.memory_space<vmem>>) semaphore(%arg11 : memref<!tpu.dma_semaphore, #tpu.memory_space<semaphore_mem>>)
      } else {
      }
      %ge3A = arith.constant 128 : i32
      %ge3A_236 = arith.cmpi sge, %sub3A_233, %ge3A : i32
      %convert_element_type3A_237 = arith.extui %ge3A_236 : i1 to i32
      %cond3A_238 = arith.constant 0 : i32
      %cond3A_239 = arith.cmpi ne, %convert_element_type3A_237, %cond3A_238 : i32
      scf.if %cond3A_239 {
        %sub3A_584 = arith.constant 128 : i32
        %sub3A_585 = arith.subi %sub3A_233, %sub3A_584 : i32
        %mul3A_586 = arith.constant 2 : i32
        %mul3A_587 = arith.muli %mul3A_586, %sub3A_585 : i32
        %dma_start3A_588 = arith.constant 1 : i32
        %dma_start3A_589 = arith.constant 3 : i32
        %dma_start3A_590 = arith.constant 0 : i32
        %dma_start3A_591 = arith.constant 0 : i32
        %dma_start3A_592 = tpu.memref_slice %arg6[%dma_start3A_589, %dma_start3A_590, %dma_start3A_591] : memref<4x200x64xf32, #tpu.memory_space<vmem>> -> memref<1x100x64xf32, #tpu.memory_space<vmem>>
        %dma_start3A_593 = tpu.memref_squeeze %dma_start3A_592 : memref<1x100x64xf32, #tpu.memory_space<vmem>> -> memref<100x64xf32, #tpu.memory_space<vmem>>
        %dma_start3A_594 = arith.constant 0 : i32
        %dma_start3A_595 = tpu.memref_slice %arg5[%dma_start3A_588, %mul3A_587, %dma_start3A_594] : memref<2x256x100xi32, #tpu.memory_space<vmem>> -> memref<1x1x100xi32, #tpu.memory_space<vmem>>
        %dma_start3A_596 = tpu.memref_squeeze %dma_start3A_595 : memref<1x1x100xi32, #tpu.memory_space<vmem>> -> memref<100xi32, #tpu.memory_space<vmem>>
        %dma_start3A_597 = arith.constant 0 : i32
        %dma_start3A_598 = arith.constant 0 : i32
        %dma_start3A_599 = tpu.memref_slice %arg3[%dma_start3A_597, %dma_start3A_598] : memref<1000000x64xf32, #tpu.memory_space<hbm>> -> memref<1000000x64xf32, #tpu.memory_space<hbm>>
        tpu.enqueue_indirect_dma source(%dma_start3A_599 : memref<1000000x64xf32, #tpu.memory_space<hbm>>) target(%dma_start3A_593 : memref<100x64xf32, #tpu.memory_space<vmem>>) offsets(%dma_start3A_596 : memref<100xi32, #tpu.memory_space<vmem>>) semaphore(%arg11 : memref<!tpu.dma_semaphore, #tpu.memory_space<semaphore_mem>>)
        %mul3A_600 = arith.constant 2 : i32
        %mul3A_601 = arith.muli %mul3A_600, %sub3A_585 : i32
        %add3A_602 = arith.constant 1 : i32
        %add3A_603 = arith.addi %mul3A_601, %add3A_602 : i32
        %dma_start3A_604 = arith.constant 1 : i32
        %dma_start3A_605 = arith.constant 3 : i32
        %dma_start3A_606 = arith.constant 100 : i32
        %dma_start3A_607 = arith.constant 0 : i32
        %dma_start3A_608 = tpu.memref_slice %arg6[%dma_start3A_605, %dma_start3A_606, %dma_start3A_607] : memref<4x200x64xf32, #tpu.memory_space<vmem>> -> memref<1x100x64xf32, #tpu.memory_space<vmem>>
        %dma_start3A_609 = tpu.memref_squeeze %dma_start3A_608 : memref<1x100x64xf32, #tpu.memory_space<vmem>> -> memref<100x64xf32, #tpu.memory_space<vmem>>
        %dma_start3A_610 = arith.constant 0 : i32
        %dma_start3A_611 = tpu.memref_slice %arg5[%dma_start3A_604, %add3A_603, %dma_start3A_610] : memref<2x256x100xi32, #tpu.memory_space<vmem>> -> memref<1x1x100xi32, #tpu.memory_space<vmem>>
        %dma_start3A_612 = tpu.memref_squeeze %dma_start3A_611 : memref<1x1x100xi32, #tpu.memory_space<vmem>> -> memref<100xi32, #tpu.memory_space<vmem>>
        %dma_start3A_613 = arith.constant 0 : i32
        %dma_start3A_614 = arith.constant 0 : i32
        %dma_start3A_615 = tpu.memref_slice %arg3[%dma_start3A_613, %dma_start3A_614] : memref<1000000x64xf32, #tpu.memory_space<hbm>> -> memref<1000000x64xf32, #tpu.memory_space<hbm>>
        tpu.enqueue_indirect_dma source(%dma_start3A_615 : memref<1000000x64xf32, #tpu.memory_space<hbm>>) target(%dma_start3A_609 : memref<100x64xf32, #tpu.memory_space<vmem>>) offsets(%dma_start3A_612 : memref<100xi32, #tpu.memory_space<vmem>>) semaphore(%arg11 : memref<!tpu.dma_semaphore, #tpu.memory_space<semaphore_mem>>)
      } else {
      }
      %dma_wait3A_240 = arith.constant 0 : i32
      %dma_wait3A_241 = arith.constant 0 : i32
      %dma_wait3A_242 = arith.constant 0 : i32
      %dma_wait3A_243 = tpu.memref_slice %arg6[%dma_wait3A_240, %dma_wait3A_241, %dma_wait3A_242] : memref<4x200x64xf32, #tpu.memory_space<vmem>> -> memref<1x200x64xf32, #tpu.memory_space<vmem>>
      %dma_wait3A_244 = tpu.memref_squeeze %dma_wait3A_243 : memref<1x200x64xf32, #tpu.memory_space<vmem>> -> memref<200x64xf32, #tpu.memory_space<vmem>>
      %dma_wait3A_245 = arith.constant 0 : i32
      %dma_wait3A_246 = arith.constant 0 : i32
      %dma_wait3A_247 = tpu.memref_slice %arg3[%dma_wait3A_245, %dma_wait3A_246] : memref<1000000x64xf32, #tpu.memory_space<hbm>> -> memref<200x64xf32, #tpu.memory_space<hbm>>
      %dma_wait3A_248 = arith.constant 0 : i32
      %dma_wait3A_249 = arith.constant 0 : i32
      %dma_wait3A_250 = tpu.memref_slice %arg6[%dma_wait3A_240, %dma_wait3A_248, %dma_wait3A_249] : memref<4x200x64xf32, #tpu.memory_space<vmem>> -> memref<1x200x64xf32, #tpu.memory_space<vmem>>
      %dma_wait3A_251 = tpu.memref_squeeze %dma_wait3A_250 : memref<1x200x64xf32, #tpu.memory_space<vmem>> -> memref<200x64xf32, #tpu.memory_space<vmem>>
      %dma_wait3A_252 = arith.constant 0 : i32
      %dma_wait3A_253 = arith.constant 0 : i32
      %dma_wait3A_254 = tpu.memref_slice %arg3[%dma_wait3A_252, %dma_wait3A_253] : memref<1000000x64xf32, #tpu.memory_space<hbm>> -> memref<200x64xf32, #tpu.memory_space<hbm>>
      tpu.wait_dma2 semaphore(%arg8 : memref<!tpu.dma_semaphore, #tpu.memory_space<semaphore_mem>>) src(%dma_wait3A_254 : memref<200x64xf32, #tpu.memory_space<hbm>>) dst(%dma_wait3A_251 : memref<200x64xf32, #tpu.memory_space<vmem>>)
      %add3A_255 = arith.constant 0 : i32
      %add3A_256 = arith.addi %add3A_228, %add3A_255 : i32
      %broadcast_in_dim3A = arith.constant 0.000000e+00 : f32
      %broadcast_in_dim3A_257 = vector.broadcast %broadcast_in_dim3A : f32 to vector<16xf32>
      %parallel_loop3A = arith.constant 0 : i32
      %parallel_loop3A_258 = arith.constant 200 : i32
      %parallel_loop3A_259 = arith.constant 1 : i32
      %parallel_loop3A_260:4 = scf.for %parallel_loop3A_584 = %parallel_loop3A to %parallel_loop3A_258 step %parallel_loop3A_259 iter_args(%parallel_loop3A_585 = %broadcast_in_dim3A_257, %parallel_loop3A_586 = %broadcast_in_dim3A_257, %parallel_loop3A_587 = %broadcast_in_dim3A_257, %parallel_loop3A_588 = %broadcast_in_dim3A_257) -> (vector<16xf32>, vector<16xf32>, vector<16xf32>, vector<16xf32>)  : i32 {
        %parallel_loop3A_589 = arith.constant 0 : i32
        %parallel_loop3A_590 = arith.index_cast %parallel_loop3A_589 : i32 to index
        %parallel_loop3A_591 = arith.index_cast %parallel_loop3A_584 : i32 to index
        %parallel_loop3A_592 = arith.constant 0 : index
        %parallel_loop3A_593 = tpu.vector_load %arg6[%parallel_loop3A_590, %parallel_loop3A_591, %parallel_loop3A_592] {strides = array<i32>} : memref<4x200x64xf32, #tpu.memory_space<vmem>>, vector<1x1x16xf32>,
        %parallel_loop3A_594 = vector.shape_cast %parallel_loop3A_593 : vector<1x1x16xf32> to vector<16xf32>
        %parallel_loop3A_595 = arith.constant 0 : i32
        %parallel_loop3A_596 = arith.index_cast %parallel_loop3A_595 : i32 to index
        %parallel_loop3A_597 = arith.index_cast %parallel_loop3A_584 : i32 to index
        %parallel_loop3A_598 = arith.constant 16 : index
        %parallel_loop3A_599 = tpu.vector_load %arg6[%parallel_loop3A_596, %parallel_loop3A_597, %parallel_loop3A_598] {strides = array<i32>} : memref<4x200x64xf32, #tpu.memory_space<vmem>>, vector<1x1x16xf32>,
        %parallel_loop3A_600 = vector.shape_cast %parallel_loop3A_599 : vector<1x1x16xf32> to vector<16xf32>
        %parallel_loop3A_601 = arith.constant 0 : i32
        %parallel_loop3A_602 = arith.index_cast %parallel_loop3A_601 : i32 to index
        %parallel_loop3A_603 = arith.index_cast %parallel_loop3A_584 : i32 to index
        %parallel_loop3A_604 = arith.constant 32 : index
        %parallel_loop3A_605 = tpu.vector_load %arg6[%parallel_loop3A_602, %parallel_loop3A_603, %parallel_loop3A_604] {strides = array<i32>} : memref<4x200x64xf32, #tpu.memory_space<vmem>>, vector<1x1x16xf32>,
        %parallel_loop3A_606 = vector.shape_cast %parallel_loop3A_605 : vector<1x1x16xf32> to vector<16xf32>
        %parallel_loop3A_607 = arith.constant 0 : i32
        %parallel_loop3A_608 = arith.index_cast %parallel_loop3A_607 : i32 to index
        %parallel_loop3A_609 = arith.index_cast %parallel_loop3A_584 : i32 to index
        %parallel_loop3A_610 = arith.constant 48 : index
        %parallel_loop3A_611 = tpu.vector_load %arg6[%parallel_loop3A_608, %parallel_loop3A_609, %parallel_loop3A_610] {strides = array<i32>} : memref<4x200x64xf32, #tpu.memory_space<vmem>>, vector<1x1x16xf32>,
        %parallel_loop3A_612 = vector.shape_cast %parallel_loop3A_611 : vector<1x1x16xf32> to vector<16xf32>
        %parallel_loop3A_613 = arith.addf %parallel_loop3A_585, %parallel_loop3A_594 : vector<16xf32>
        %parallel_loop3A_614 = arith.addf %parallel_loop3A_586, %parallel_loop3A_600 : vector<16xf32>
        %parallel_loop3A_615 = arith.addf %parallel_loop3A_587, %parallel_loop3A_606 : vector<16xf32>
        %parallel_loop3A_616 = arith.addf %parallel_loop3A_588, %parallel_loop3A_612 : vector<16xf32>
        scf.yield %parallel_loop3A_613, %parallel_loop3A_614, %parallel_loop3A_615, %parallel_loop3A_616 : vector<16xf32>, vector<16xf32>, vector<16xf32>, vector<16xf32>
      } {sc.loop_unroll_factor = 8 : i64, sc.parallel_access}
      %jit3A = arith.constant 128 : i32
      %eq3A = arith.constant 0 : i32
      %eq3A_261 = arith.cmpi eq, %jit3A, %eq3A : i32
      %jit3A_262 = arith.constant 1 : i32
      %select_n3A = arith.select %eq3A_261, %jit3A_262, %jit3A : i32
      %rem3A = arith.remsi %add3A_256, %select_n3A : i32
      %ne3A = arith.constant 0 : i32
      %ne3A_263 = arith.cmpi ne, %rem3A, %ne3A : i32
      %lt3A_264 = arith.constant 0 : i32
      %lt3A_265 = arith.cmpi slt, %rem3A, %lt3A_264 : i32
      %lt3A_266 = arith.constant 0 : i32
      %lt3A_267 = arith.cmpi slt, %select_n3A, %lt3A_266 : i32
      %ne3A_268 = arith.xori %lt3A_265, %lt3A_267 : i1
      %and3A = arith.andi %ne3A_268, %ne3A_263 : i1
      %add3A_269 = arith.addi %rem3A, %select_n3A : i32
      %select_n3A_270 = arith.select %and3A, %add3A_269, %rem3A : i32
      %mul3A_271 = arith.constant 5.000000e-03 : f32
      %mul3A_272 = vector.broadcast %mul3A_271 : f32 to vector<16xf32>
      %mul3A_273 = arith.mulf %parallel_loop3A_260#0, %mul3A_272 : vector<16xf32>
      %swap3A = arith.index_cast %select_n3A_270 : i32 to index
      %swap3A_274 = arith.constant 0 : index
      %swap3A_275 = tpu.vector_load %arg7[%swap3A, %swap3A_274] {strides = array<i32>} : memref<128x64xf32, #tpu.memory_space<vmem>>, vector<1x16xf32>,
      %swap3A_276 = vector.shape_cast %swap3A_275 : vector<1x16xf32> to vector<16xf32>
      %swap3A_277 = vector.shape_cast %mul3A_273 : vector<16xf32> to vector<1x16xf32>
      tpu.vector_store %arg7[%swap3A, %swap3A_274], %swap3A_277 {strides = array<i32>} : memref<128x64xf32, #tpu.memory_space<vmem>>, vector<1x16xf32>,
      %mul3A_278 = arith.constant 5.000000e-03 : f32
      %mul3A_279 = vector.broadcast %mul3A_278 : f32 to vector<16xf32>
      %mul3A_280 = arith.mulf %parallel_loop3A_260#1, %mul3A_279 : vector<16xf32>
      %swap3A_281 = arith.index_cast %select_n3A_270 : i32 to index
      %swap3A_282 = arith.constant 16 : index
      %swap3A_283 = tpu.vector_load %arg7[%swap3A_281, %swap3A_282] {strides = array<i32>} : memref<128x64xf32, #tpu.memory_space<vmem>>, vector<1x16xf32>,
      %swap3A_284 = vector.shape_cast %swap3A_283 : vector<1x16xf32> to vector<16xf32>
      %swap3A_285 = vector.shape_cast %mul3A_280 : vector<16xf32> to vector<1x16xf32>
      tpu.vector_store %arg7[%swap3A_281, %swap3A_282], %swap3A_285 {strides = array<i32>} : memref<128x64xf32, #tpu.memory_space<vmem>>, vector<1x16xf32>,
      %mul3A_286 = arith.constant 5.000000e-03 : f32
      %mul3A_287 = vector.broadcast %mul3A_286 : f32 to vector<16xf32>
      %mul3A_288 = arith.mulf %parallel_loop3A_260#2, %mul3A_287 : vector<16xf32>
      %swap3A_289 = arith.index_cast %select_n3A_270 : i32 to index
      %swap3A_290 = arith.constant 32 : index
      %swap3A_291 = tpu.vector_load %arg7[%swap3A_289, %swap3A_290] {strides = array<i32>} : memref<128x64xf32, #tpu.memory_space<vmem>>, vector<1x16xf32>,
      %swap3A_292 = vector.shape_cast %swap3A_291 : vector<1x16xf32> to vector<16xf32>
      %swap3A_293 = vector.shape_cast %mul3A_288 : vector<16xf32> to vector<1x16xf32>
      tpu.vector_store %arg7[%swap3A_289, %swap3A_290], %swap3A_293 {strides = array<i32>} : memref<128x64xf32, #tpu.memory_space<vmem>>, vector<1x16xf32>,
      %mul3A_294 = arith.constant 5.000000e-03 : f32
      %mul3A_295 = vector.broadcast %mul3A_294 : f32 to vector<16xf32>
      %mul3A_296 = arith.mulf %parallel_loop3A_260#3, %mul3A_295 : vector<16xf32>
      %swap3A_297 = arith.index_cast %select_n3A_270 : i32 to index
      %swap3A_298 = arith.constant 48 : index
      %swap3A_299 = tpu.vector_load %arg7[%swap3A_297, %swap3A_298] {strides = array<i32>} : memref<128x64xf32, #tpu.memory_space<vmem>>, vector<1x16xf32>,
      %swap3A_300 = vector.shape_cast %swap3A_299 : vector<1x16xf32> to vector<16xf32>
      %swap3A_301 = vector.shape_cast %mul3A_296 : vector<16xf32> to vector<1x16xf32>
      tpu.vector_store %arg7[%swap3A_297, %swap3A_298], %swap3A_301 {strides = array<i32>} : memref<128x64xf32, #tpu.memory_space<vmem>>, vector<1x16xf32>,
      %add3A_302 = arith.constant 1 : i32
      %add3A_303 = arith.addi %add3A_228, %add3A_302 : i32
      %add3A_304 = arith.constant 4 : i32
      %add3A_305 = arith.addi %add3A_303, %add3A_304 : i32
      %sub3A_306 = arith.constant 1 : i32
      %sub3A_307 = arith.subi %add3A_305, %sub3A_306 : i32
      %lt3A_308 = arith.constant 128 : i32
      %lt3A_309 = arith.cmpi slt, %sub3A_307, %lt3A_308 : i32
      %convert_element_type3A_310 = arith.extui %lt3A_309 : i1 to i32
      %cond3A_311 = arith.constant 0 : i32
      %cond3A_312 = arith.cmpi ne, %convert_element_type3A_310, %cond3A_311 : i32
      scf.if %cond3A_312 {
        %mul3A_584 = arith.constant 2 : i32
        %mul3A_585 = arith.muli %mul3A_584, %sub3A_307 : i32
        %dma_start3A_586 = arith.constant 0 : i32
        %dma_start3A_587 = arith.constant 0 : i32
        %dma_start3A_588 = arith.constant 0 : i32
        %dma_start3A_589 = arith.constant 0 : i32
        %dma_start3A_590 = tpu.memref_slice %arg6[%dma_start3A_587, %dma_start3A_588, %dma_start3A_589] : memref<4x200x64xf32, #tpu.memory_space<vmem>> -> memref<1x100x64xf32, #tpu.memory_space<vmem>>
        %dma_start3A_591 = tpu.memref_squeeze %dma_start3A_590 : memref<1x100x64xf32, #tpu.memory_space<vmem>> -> memref<100x64xf32, #tpu.memory_space<vmem>>
        %dma_start3A_592 = arith.constant 0 : i32
        %dma_start3A_593 = tpu.memref_slice %arg5[%dma_start3A_586, %mul3A_585, %dma_start3A_592] : memref<2x256x100xi32, #tpu.memory_space<vmem>> -> memref<1x1x100xi32, #tpu.memory_space<vmem>>
        %dma_start3A_594 = tpu.memref_squeeze %dma_start3A_593 : memref<1x1x100xi32, #tpu.memory_space<vmem>> -> memref<100xi32, #tpu.memory_space<vmem>>
        %dma_start3A_595 = arith.constant 0 : i32
        %dma_start3A_596 = arith.constant 0 : i32
        %dma_start3A_597 = tpu.memref_slice %arg3[%dma_start3A_595, %dma_start3A_596] : memref<1000000x64xf32, #tpu.memory_space<hbm>> -> memref<1000000x64xf32, #tpu.memory_space<hbm>>
        tpu.enqueue_indirect_dma source(%dma_start3A_597 : memref<1000000x64xf32, #tpu.memory_space<hbm>>) target(%dma_start3A_591 : memref<100x64xf32, #tpu.memory_space<vmem>>) offsets(%dma_start3A_594 : memref<100xi32, #tpu.memory_space<vmem>>) semaphore(%arg8 : memref<!tpu.dma_semaphore, #tpu.memory_space<semaphore_mem>>)
        %mul3A_598 = arith.constant 2 : i32
        %mul3A_599 = arith.muli %mul3A_598, %sub3A_307 : i32
        %add3A_600 = arith.constant 1 : i32
        %add3A_601 = arith.addi %mul3A_599, %add3A_600 : i32
        %dma_start3A_602 = arith.constant 0 : i32
        %dma_start3A_603 = arith.constant 0 : i32
        %dma_start3A_604 = arith.constant 100 : i32
        %dma_start3A_605 = arith.constant 0 : i32
        %dma_start3A_606 = tpu.memref_slice %arg6[%dma_start3A_603, %dma_start3A_604, %dma_start3A_605] : memref<4x200x64xf32, #tpu.memory_space<vmem>> -> memref<1x100x64xf32, #tpu.memory_space<vmem>>
        %dma_start3A_607 = tpu.memref_squeeze %dma_start3A_606 : memref<1x100x64xf32, #tpu.memory_space<vmem>> -> memref<100x64xf32, #tpu.memory_space<vmem>>
        %dma_start3A_608 = arith.constant 0 : i32
        %dma_start3A_609 = tpu.memref_slice %arg5[%dma_start3A_602, %add3A_601, %dma_start3A_608] : memref<2x256x100xi32, #tpu.memory_space<vmem>> -> memref<1x1x100xi32, #tpu.memory_space<vmem>>
        %dma_start3A_610 = tpu.memref_squeeze %dma_start3A_609 : memref<1x1x100xi32, #tpu.memory_space<vmem>> -> memref<100xi32, #tpu.memory_space<vmem>>
        %dma_start3A_611 = arith.constant 0 : i32
        %dma_start3A_612 = arith.constant 0 : i32
        %dma_start3A_613 = tpu.memref_slice %arg3[%dma_start3A_611, %dma_start3A_612] : memref<1000000x64xf32, #tpu.memory_space<hbm>> -> memref<1000000x64xf32, #tpu.memory_space<hbm>>
        tpu.enqueue_indirect_dma source(%dma_start3A_613 : memref<1000000x64xf32, #tpu.memory_space<hbm>>) target(%dma_start3A_607 : memref<100x64xf32, #tpu.memory_space<vmem>>) offsets(%dma_start3A_610 : memref<100xi32, #tpu.memory_space<vmem>>) semaphore(%arg8 : memref<!tpu.dma_semaphore, #tpu.memory_space<semaphore_mem>>)
      } else {
      }
      %ge3A_313 = arith.constant 128 : i32
      %ge3A_314 = arith.cmpi sge, %sub3A_307, %ge3A_313 : i32
      %convert_element_type3A_315 = arith.extui %ge3A_314 : i1 to i32
      %cond3A_316 = arith.constant 0 : i32
      %cond3A_317 = arith.cmpi ne, %convert_element_type3A_315, %cond3A_316 : i32
      scf.if %cond3A_317 {
        %sub3A_584 = arith.constant 128 : i32
        %sub3A_585 = arith.subi %sub3A_307, %sub3A_584 : i32
        %mul3A_586 = arith.constant 2 : i32
        %mul3A_587 = arith.muli %mul3A_586, %sub3A_585 : i32
        %dma_start3A_588 = arith.constant 1 : i32
        %dma_start3A_589 = arith.constant 0 : i32
        %dma_start3A_590 = arith.constant 0 : i32
        %dma_start3A_591 = arith.constant 0 : i32
        %dma_start3A_592 = tpu.memref_slice %arg6[%dma_start3A_589, %dma_start3A_590, %dma_start3A_591] : memref<4x200x64xf32, #tpu.memory_space<vmem>> -> memref<1x100x64xf32, #tpu.memory_space<vmem>>
        %dma_start3A_593 = tpu.memref_squeeze %dma_start3A_592 : memref<1x100x64xf32, #tpu.memory_space<vmem>> -> memref<100x64xf32, #tpu.memory_space<vmem>>
        %dma_start3A_594 = arith.constant 0 : i32
        %dma_start3A_595 = tpu.memref_slice %arg5[%dma_start3A_588, %mul3A_587, %dma_start3A_594] : memref<2x256x100xi32, #tpu.memory_space<vmem>> -> memref<1x1x100xi32, #tpu.memory_space<vmem>>
        %dma_start3A_596 = tpu.memref_squeeze %dma_start3A_595 : memref<1x1x100xi32, #tpu.memory_space<vmem>> -> memref<100xi32, #tpu.memory_space<vmem>>
        %dma_start3A_597 = arith.constant 0 : i32
        %dma_start3A_598 = arith.constant 0 : i32
        %dma_start3A_599 = tpu.memref_slice %arg3[%dma_start3A_597, %dma_start3A_598] : memref<1000000x64xf32, #tpu.memory_space<hbm>> -> memref<1000000x64xf32, #tpu.memory_space<hbm>>
        tpu.enqueue_indirect_dma source(%dma_start3A_599 : memref<1000000x64xf32, #tpu.memory_space<hbm>>) target(%dma_start3A_593 : memref<100x64xf32, #tpu.memory_space<vmem>>) offsets(%dma_start3A_596 : memref<100xi32, #tpu.memory_space<vmem>>) semaphore(%arg8 : memref<!tpu.dma_semaphore, #tpu.memory_space<semaphore_mem>>)
        %mul3A_600 = arith.constant 2 : i32
        %mul3A_601 = arith.muli %mul3A_600, %sub3A_585 : i32
        %add3A_602 = arith.constant 1 : i32
        %add3A_603 = arith.addi %mul3A_601, %add3A_602 : i32
        %dma_start3A_604 = arith.constant 1 : i32
        %dma_start3A_605 = arith.constant 0 : i32
        %dma_start3A_606 = arith.constant 100 : i32
        %dma_start3A_607 = arith.constant 0 : i32
        %dma_start3A_608 = tpu.memref_slice %arg6[%dma_start3A_605, %dma_start3A_606, %dma_start3A_607] : memref<4x200x64xf32, #tpu.memory_space<vmem>> -> memref<1x100x64xf32, #tpu.memory_space<vmem>>
        %dma_start3A_609 = tpu.memref_squeeze %dma_start3A_608 : memref<1x100x64xf32, #tpu.memory_space<vmem>> -> memref<100x64xf32, #tpu.memory_space<vmem>>
        %dma_start3A_610 = arith.constant 0 : i32
        %dma_start3A_611 = tpu.memref_slice %arg5[%dma_start3A_604, %add3A_603, %dma_start3A_610] : memref<2x256x100xi32, #tpu.memory_space<vmem>> -> memref<1x1x100xi32, #tpu.memory_space<vmem>>
        %dma_start3A_612 = tpu.memref_squeeze %dma_start3A_611 : memref<1x1x100xi32, #tpu.memory_space<vmem>> -> memref<100xi32, #tpu.memory_space<vmem>>
        %dma_start3A_613 = arith.constant 0 : i32
        %dma_start3A_614 = arith.constant 0 : i32
        %dma_start3A_615 = tpu.memref_slice %arg3[%dma_start3A_613, %dma_start3A_614] : memref<1000000x64xf32, #tpu.memory_space<hbm>> -> memref<1000000x64xf32, #tpu.memory_space<hbm>>
        tpu.enqueue_indirect_dma source(%dma_start3A_615 : memref<1000000x64xf32, #tpu.memory_space<hbm>>) target(%dma_start3A_609 : memref<100x64xf32, #tpu.memory_space<vmem>>) offsets(%dma_start3A_612 : memref<100xi32, #tpu.memory_space<vmem>>) semaphore(%arg8 : memref<!tpu.dma_semaphore, #tpu.memory_space<semaphore_mem>>)
      } else {
      }
      %dma_wait3A_318 = arith.constant 1 : i32
      %dma_wait3A_319 = arith.constant 0 : i32
      %dma_wait3A_320 = arith.constant 0 : i32
      %dma_wait3A_321 = tpu.memref_slice %arg6[%dma_wait3A_318, %dma_wait3A_319, %dma_wait3A_320] : memref<4x200x64xf32, #tpu.memory_space<vmem>> -> memref<1x200x64xf32, #tpu.memory_space<vmem>>
      %dma_wait3A_322 = tpu.memref_squeeze %dma_wait3A_321 : memref<1x200x64xf32, #tpu.memory_space<vmem>> -> memref<200x64xf32, #tpu.memory_space<vmem>>
      %dma_wait3A_323 = arith.constant 0 : i32
      %dma_wait3A_324 = arith.constant 0 : i32
      %dma_wait3A_325 = tpu.memref_slice %arg3[%dma_wait3A_323, %dma_wait3A_324] : memref<1000000x64xf32, #tpu.memory_space<hbm>> -> memref<200x64xf32, #tpu.memory_space<hbm>>
      %dma_wait3A_326 = arith.constant 0 : i32
      %dma_wait3A_327 = arith.constant 0 : i32
      %dma_wait3A_328 = tpu.memref_slice %arg6[%dma_wait3A_318, %dma_wait3A_326, %dma_wait3A_327] : memref<4x200x64xf32, #tpu.memory_space<vmem>> -> memref<1x200x64xf32, #tpu.memory_space<vmem>>
      %dma_wait3A_329 = tpu.memref_squeeze %dma_wait3A_328 : memref<1x200x64xf32, #tpu.memory_space<vmem>> -> memref<200x64xf32, #tpu.memory_space<vmem>>
      %dma_wait3A_330 = arith.constant 0 : i32
      %dma_wait3A_331 = arith.constant 0 : i32
      %dma_wait3A_332 = tpu.memref_slice %arg3[%dma_wait3A_330, %dma_wait3A_331] : memref<1000000x64xf32, #tpu.memory_space<hbm>> -> memref<200x64xf32, #tpu.memory_space<hbm>>
      tpu.wait_dma2 semaphore(%arg9 : memref<!tpu.dma_semaphore, #tpu.memory_space<semaphore_mem>>) src(%dma_wait3A_332 : memref<200x64xf32, #tpu.memory_space<hbm>>) dst(%dma_wait3A_329 : memref<200x64xf32, #tpu.memory_space<vmem>>)
      %add3A_333 = arith.constant 1 : i32
      %add3A_334 = arith.addi %add3A_228, %add3A_333 : i32
      %broadcast_in_dim3A_335 = arith.constant 0.000000e+00 : f32
      %broadcast_in_dim3A_336 = vector.broadcast %broadcast_in_dim3A_335 : f32 to vector<16xf32>
      %parallel_loop3A_337 = arith.constant 0 : i32
      %parallel_loop3A_338 = arith.constant 200 : i32
      %parallel_loop3A_339 = arith.constant 1 : i32
      %parallel_loop3A_340:4 = scf.for %parallel_loop3A_584 = %parallel_loop3A_337 to %parallel_loop3A_338 step %parallel_loop3A_339 iter_args(%parallel_loop3A_585 = %broadcast_in_dim3A_336, %parallel_loop3A_586 = %broadcast_in_dim3A_336, %parallel_loop3A_587 = %broadcast_in_dim3A_336, %parallel_loop3A_588 = %broadcast_in_dim3A_336) -> (vector<16xf32>, vector<16xf32>, vector<16xf32>, vector<16xf32>)  : i32 {
        %parallel_loop3A_589 = arith.constant 1 : i32
        %parallel_loop3A_590 = arith.index_cast %parallel_loop3A_589 : i32 to index
        %parallel_loop3A_591 = arith.index_cast %parallel_loop3A_584 : i32 to index
        %parallel_loop3A_592 = arith.constant 0 : index
        %parallel_loop3A_593 = tpu.vector_load %arg6[%parallel_loop3A_590, %parallel_loop3A_591, %parallel_loop3A_592] {strides = array<i32>} : memref<4x200x64xf32, #tpu.memory_space<vmem>>, vector<1x1x16xf32>,
        %parallel_loop3A_594 = vector.shape_cast %parallel_loop3A_593 : vector<1x1x16xf32> to vector<16xf32>
        %parallel_loop3A_595 = arith.constant 1 : i32
        %parallel_loop3A_596 = arith.index_cast %parallel_loop3A_595 : i32 to index
        %parallel_loop3A_597 = arith.index_cast %parallel_loop3A_584 : i32 to index
        %parallel_loop3A_598 = arith.constant 16 : index
        %parallel_loop3A_599 = tpu.vector_load %arg6[%parallel_loop3A_596, %parallel_loop3A_597, %parallel_loop3A_598] {strides = array<i32>} : memref<4x200x64xf32, #tpu.memory_space<vmem>>, vector<1x1x16xf32>,
        %parallel_loop3A_600 = vector.shape_cast %parallel_loop3A_599 : vector<1x1x16xf32> to vector<16xf32>
        %parallel_loop3A_601 = arith.constant 1 : i32
        %parallel_loop3A_602 = arith.index_cast %parallel_loop3A_601 : i32 to index
        %parallel_loop3A_603 = arith.index_cast %parallel_loop3A_584 : i32 to index
        %parallel_loop3A_604 = arith.constant 32 : index
        %parallel_loop3A_605 = tpu.vector_load %arg6[%parallel_loop3A_602, %parallel_loop3A_603, %parallel_loop3A_604] {strides = array<i32>} : memref<4x200x64xf32, #tpu.memory_space<vmem>>, vector<1x1x16xf32>,
        %parallel_loop3A_606 = vector.shape_cast %parallel_loop3A_605 : vector<1x1x16xf32> to vector<16xf32>
        %parallel_loop3A_607 = arith.constant 1 : i32
        %parallel_loop3A_608 = arith.index_cast %parallel_loop3A_607 : i32 to index
        %parallel_loop3A_609 = arith.index_cast %parallel_loop3A_584 : i32 to index
        %parallel_loop3A_610 = arith.constant 48 : index
        %parallel_loop3A_611 = tpu.vector_load %arg6[%parallel_loop3A_608, %parallel_loop3A_609, %parallel_loop3A_610] {strides = array<i32>} : memref<4x200x64xf32, #tpu.memory_space<vmem>>, vector<1x1x16xf32>,
        %parallel_loop3A_612 = vector.shape_cast %parallel_loop3A_611 : vector<1x1x16xf32> to vector<16xf32>
        %parallel_loop3A_613 = arith.addf %parallel_loop3A_585, %parallel_loop3A_594 : vector<16xf32>
        %parallel_loop3A_614 = arith.addf %parallel_loop3A_586, %parallel_loop3A_600 : vector<16xf32>
        %parallel_loop3A_615 = arith.addf %parallel_loop3A_587, %parallel_loop3A_606 : vector<16xf32>
        %parallel_loop3A_616 = arith.addf %parallel_loop3A_588, %parallel_loop3A_612 : vector<16xf32>
        scf.yield %parallel_loop3A_613, %parallel_loop3A_614, %parallel_loop3A_615, %parallel_loop3A_616 : vector<16xf32>, vector<16xf32>, vector<16xf32>, vector<16xf32>
      } {sc.loop_unroll_factor = 8 : i64, sc.parallel_access}
      %jit3A_341 = arith.constant 128 : i32
      %eq3A_342 = arith.constant 0 : i32
      %eq3A_343 = arith.cmpi eq, %jit3A_341, %eq3A_342 : i32
      %jit3A_344 = arith.constant 1 : i32
      %select_n3A_345 = arith.select %eq3A_343, %jit3A_344, %jit3A_341 : i32
      %rem3A_346 = arith.remsi %add3A_334, %select_n3A_345 : i32
      %ne3A_347 = arith.constant 0 : i32
      %ne3A_348 = arith.cmpi ne, %rem3A_346, %ne3A_347 : i32
      %lt3A_349 = arith.constant 0 : i32
      %lt3A_350 = arith.cmpi slt, %rem3A_346, %lt3A_349 : i32
      %lt3A_351 = arith.constant 0 : i32
      %lt3A_352 = arith.cmpi slt, %select_n3A_345, %lt3A_351 : i32
      %ne3A_353 = arith.xori %lt3A_350, %lt3A_352 : i1
      %and3A_354 = arith.andi %ne3A_353, %ne3A_348 : i1
      %add3A_355 = arith.addi %rem3A_346, %select_n3A_345 : i32
      %select_n3A_356 = arith.select %and3A_354, %add3A_355, %rem3A_346 : i32
      %mul3A_357 = arith.constant 5.000000e-03 : f32
      %mul3A_358 = vector.broadcast %mul3A_357 : f32 to vector<16xf32>
      %mul3A_359 = arith.mulf %parallel_loop3A_340#0, %mul3A_358 : vector<16xf32>
      %swap3A_360 = arith.index_cast %select_n3A_356 : i32 to index
      %swap3A_361 = arith.constant 0 : index
      %swap3A_362 = tpu.vector_load %arg7[%swap3A_360, %swap3A_361] {strides = array<i32>} : memref<128x64xf32, #tpu.memory_space<vmem>>, vector<1x16xf32>,
      %swap3A_363 = vector.shape_cast %swap3A_362 : vector<1x16xf32> to vector<16xf32>
      %swap3A_364 = vector.shape_cast %mul3A_359 : vector<16xf32> to vector<1x16xf32>
      tpu.vector_store %arg7[%swap3A_360, %swap3A_361], %swap3A_364 {strides = array<i32>} : memref<128x64xf32, #tpu.memory_space<vmem>>, vector<1x16xf32>,
      %mul3A_365 = arith.constant 5.000000e-03 : f32
      %mul3A_366 = vector.broadcast %mul3A_365 : f32 to vector<16xf32>
      %mul3A_367 = arith.mulf %parallel_loop3A_340#1, %mul3A_366 : vector<16xf32>
      %swap3A_368 = arith.index_cast %select_n3A_356 : i32 to index
      %swap3A_369 = arith.constant 16 : index
      %swap3A_370 = tpu.vector_load %arg7[%swap3A_368, %swap3A_369] {strides = array<i32>} : memref<128x64xf32, #tpu.memory_space<vmem>>, vector<1x16xf32>,
      %swap3A_371 = vector.shape_cast %swap3A_370 : vector<1x16xf32> to vector<16xf32>
      %swap3A_372 = vector.shape_cast %mul3A_367 : vector<16xf32> to vector<1x16xf32>
      tpu.vector_store %arg7[%swap3A_368, %swap3A_369], %swap3A_372 {strides = array<i32>} : memref<128x64xf32, #tpu.memory_space<vmem>>, vector<1x16xf32>,
      %mul3A_373 = arith.constant 5.000000e-03 : f32
      %mul3A_374 = vector.broadcast %mul3A_373 : f32 to vector<16xf32>
      %mul3A_375 = arith.mulf %parallel_loop3A_340#2, %mul3A_374 : vector<16xf32>
      %swap3A_376 = arith.index_cast %select_n3A_356 : i32 to index
      %swap3A_377 = arith.constant 32 : index
      %swap3A_378 = tpu.vector_load %arg7[%swap3A_376, %swap3A_377] {strides = array<i32>} : memref<128x64xf32, #tpu.memory_space<vmem>>, vector<1x16xf32>,
      %swap3A_379 = vector.shape_cast %swap3A_378 : vector<1x16xf32> to vector<16xf32>
      %swap3A_380 = vector.shape_cast %mul3A_375 : vector<16xf32> to vector<1x16xf32>
      tpu.vector_store %arg7[%swap3A_376, %swap3A_377], %swap3A_380 {strides = array<i32>} : memref<128x64xf32, #tpu.memory_space<vmem>>, vector<1x16xf32>,
      %mul3A_381 = arith.constant 5.000000e-03 : f32
      %mul3A_382 = vector.broadcast %mul3A_381 : f32 to vector<16xf32>
      %mul3A_383 = arith.mulf %parallel_loop3A_340#3, %mul3A_382 : vector<16xf32>
      %swap3A_384 = arith.index_cast %select_n3A_356 : i32 to index
      %swap3A_385 = arith.constant 48 : index
      %swap3A_386 = tpu.vector_load %arg7[%swap3A_384, %swap3A_385] {strides = array<i32>} : memref<128x64xf32, #tpu.memory_space<vmem>>, vector<1x16xf32>,
      %swap3A_387 = vector.shape_cast %swap3A_386 : vector<1x16xf32> to vector<16xf32>
      %swap3A_388 = vector.shape_cast %mul3A_383 : vector<16xf32> to vector<1x16xf32>
      tpu.vector_store %arg7[%swap3A_384, %swap3A_385], %swap3A_388 {strides = array<i32>} : memref<128x64xf32, #tpu.memory_space<vmem>>, vector<1x16xf32>,
      %add3A_389 = arith.constant 2 : i32
      %add3A_390 = arith.addi %add3A_228, %add3A_389 : i32
      %add3A_391 = arith.constant 4 : i32
      %add3A_392 = arith.addi %add3A_390, %add3A_391 : i32
      %sub3A_393 = arith.constant 1 : i32
      %sub3A_394 = arith.subi %add3A_392, %sub3A_393 : i32
      %lt3A_395 = arith.constant 128 : i32
      %lt3A_396 = arith.cmpi slt, %sub3A_394, %lt3A_395 : i32
      %convert_element_type3A_397 = arith.extui %lt3A_396 : i1 to i32
      %cond3A_398 = arith.constant 0 : i32
      %cond3A_399 = arith.cmpi ne, %convert_element_type3A_397, %cond3A_398 : i32
      scf.if %cond3A_399 {
        %mul3A_584 = arith.constant 2 : i32
        %mul3A_585 = arith.muli %mul3A_584, %sub3A_394 : i32
        %dma_start3A_586 = arith.constant 0 : i32
        %dma_start3A_587 = arith.constant 1 : i32
        %dma_start3A_588 = arith.constant 0 : i32
        %dma_start3A_589 = arith.constant 0 : i32
        %dma_start3A_590 = tpu.memref_slice %arg6[%dma_start3A_587, %dma_start3A_588, %dma_start3A_589] : memref<4x200x64xf32, #tpu.memory_space<vmem>> -> memref<1x100x64xf32, #tpu.memory_space<vmem>>
        %dma_start3A_591 = tpu.memref_squeeze %dma_start3A_590 : memref<1x100x64xf32, #tpu.memory_space<vmem>> -> memref<100x64xf32, #tpu.memory_space<vmem>>
        %dma_start3A_592 = arith.constant 0 : i32
        %dma_start3A_593 = tpu.memref_slice %arg5[%dma_start3A_586, %mul3A_585, %dma_start3A_592] : memref<2x256x100xi32, #tpu.memory_space<vmem>> -> memref<1x1x100xi32, #tpu.memory_space<vmem>>
        %dma_start3A_594 = tpu.memref_squeeze %dma_start3A_593 : memref<1x1x100xi32, #tpu.memory_space<vmem>> -> memref<100xi32, #tpu.memory_space<vmem>>
        %dma_start3A_595 = arith.constant 0 : i32
        %dma_start3A_596 = arith.constant 0 : i32
        %dma_start3A_597 = tpu.memref_slice %arg3[%dma_start3A_595, %dma_start3A_596] : memref<1000000x64xf32, #tpu.memory_space<hbm>> -> memref<1000000x64xf32, #tpu.memory_space<hbm>>
        tpu.enqueue_indirect_dma source(%dma_start3A_597 : memref<1000000x64xf32, #tpu.memory_space<hbm>>) target(%dma_start3A_591 : memref<100x64xf32, #tpu.memory_space<vmem>>) offsets(%dma_start3A_594 : memref<100xi32, #tpu.memory_space<vmem>>) semaphore(%arg9 : memref<!tpu.dma_semaphore, #tpu.memory_space<semaphore_mem>>)
        %mul3A_598 = arith.constant 2 : i32
        %mul3A_599 = arith.muli %mul3A_598, %sub3A_394 : i32
        %add3A_600 = arith.constant 1 : i32
        %add3A_601 = arith.addi %mul3A_599, %add3A_600 : i32
        %dma_start3A_602 = arith.constant 0 : i32
        %dma_start3A_603 = arith.constant 1 : i32
        %dma_start3A_604 = arith.constant 100 : i32
        %dma_start3A_605 = arith.constant 0 : i32
        %dma_start3A_606 = tpu.memref_slice %arg6[%dma_start3A_603, %dma_start3A_604, %dma_start3A_605] : memref<4x200x64xf32, #tpu.memory_space<vmem>> -> memref<1x100x64xf32, #tpu.memory_space<vmem>>
        %dma_start3A_607 = tpu.memref_squeeze %dma_start3A_606 : memref<1x100x64xf32, #tpu.memory_space<vmem>> -> memref<100x64xf32, #tpu.memory_space<vmem>>
        %dma_start3A_608 = arith.constant 0 : i32
        %dma_start3A_609 = tpu.memref_slice %arg5[%dma_start3A_602, %add3A_601, %dma_start3A_608] : memref<2x256x100xi32, #tpu.memory_space<vmem>> -> memref<1x1x100xi32, #tpu.memory_space<vmem>>
        %dma_start3A_610 = tpu.memref_squeeze %dma_start3A_609 : memref<1x1x100xi32, #tpu.memory_space<vmem>> -> memref<100xi32, #tpu.memory_space<vmem>>
        %dma_start3A_611 = arith.constant 0 : i32
        %dma_start3A_612 = arith.constant 0 : i32
        %dma_start3A_613 = tpu.memref_slice %arg3[%dma_start3A_611, %dma_start3A_612] : memref<1000000x64xf32, #tpu.memory_space<hbm>> -> memref<1000000x64xf32, #tpu.memory_space<hbm>>
        tpu.enqueue_indirect_dma source(%dma_start3A_613 : memref<1000000x64xf32, #tpu.memory_space<hbm>>) target(%dma_start3A_607 : memref<100x64xf32, #tpu.memory_space<vmem>>) offsets(%dma_start3A_610 : memref<100xi32, #tpu.memory_space<vmem>>) semaphore(%arg9 : memref<!tpu.dma_semaphore, #tpu.memory_space<semaphore_mem>>)
      } else {
      }
      %ge3A_400 = arith.constant 128 : i32
      %ge3A_401 = arith.cmpi sge, %sub3A_394, %ge3A_400 : i32
      %convert_element_type3A_402 = arith.extui %ge3A_401 : i1 to i32
      %cond3A_403 = arith.constant 0 : i32
      %cond3A_404 = arith.cmpi ne, %convert_element_type3A_402, %cond3A_403 : i32
      scf.if %cond3A_404 {
        %sub3A_584 = arith.constant 128 : i32
        %sub3A_585 = arith.subi %sub3A_394, %sub3A_584 : i32
        %mul3A_586 = arith.constant 2 : i32
        %mul3A_587 = arith.muli %mul3A_586, %sub3A_585 : i32
        %dma_start3A_588 = arith.constant 1 : i32
        %dma_start3A_589 = arith.constant 1 : i32
        %dma_start3A_590 = arith.constant 0 : i32
        %dma_start3A_591 = arith.constant 0 : i32
        %dma_start3A_592 = tpu.memref_slice %arg6[%dma_start3A_589, %dma_start3A_590, %dma_start3A_591] : memref<4x200x64xf32, #tpu.memory_space<vmem>> -> memref<1x100x64xf32, #tpu.memory_space<vmem>>
        %dma_start3A_593 = tpu.memref_squeeze %dma_start3A_592 : memref<1x100x64xf32, #tpu.memory_space<vmem>> -> memref<100x64xf32, #tpu.memory_space<vmem>>
        %dma_start3A_594 = arith.constant 0 : i32
        %dma_start3A_595 = tpu.memref_slice %arg5[%dma_start3A_588, %mul3A_587, %dma_start3A_594] : memref<2x256x100xi32, #tpu.memory_space<vmem>> -> memref<1x1x100xi32, #tpu.memory_space<vmem>>
        %dma_start3A_596 = tpu.memref_squeeze %dma_start3A_595 : memref<1x1x100xi32, #tpu.memory_space<vmem>> -> memref<100xi32, #tpu.memory_space<vmem>>
        %dma_start3A_597 = arith.constant 0 : i32
        %dma_start3A_598 = arith.constant 0 : i32
        %dma_start3A_599 = tpu.memref_slice %arg3[%dma_start3A_597, %dma_start3A_598] : memref<1000000x64xf32, #tpu.memory_space<hbm>> -> memref<1000000x64xf32, #tpu.memory_space<hbm>>
        tpu.enqueue_indirect_dma source(%dma_start3A_599 : memref<1000000x64xf32, #tpu.memory_space<hbm>>) target(%dma_start3A_593 : memref<100x64xf32, #tpu.memory_space<vmem>>) offsets(%dma_start3A_596 : memref<100xi32, #tpu.memory_space<vmem>>) semaphore(%arg9 : memref<!tpu.dma_semaphore, #tpu.memory_space<semaphore_mem>>)
        %mul3A_600 = arith.constant 2 : i32
        %mul3A_601 = arith.muli %mul3A_600, %sub3A_585 : i32
        %add3A_602 = arith.constant 1 : i32
        %add3A_603 = arith.addi %mul3A_601, %add3A_602 : i32
        %dma_start3A_604 = arith.constant 1 : i32
        %dma_start3A_605 = arith.constant 1 : i32
        %dma_start3A_606 = arith.constant 100 : i32
        %dma_start3A_607 = arith.constant 0 : i32
        %dma_start3A_608 = tpu.memref_slice %arg6[%dma_start3A_605, %dma_start3A_606, %dma_start3A_607] : memref<4x200x64xf32, #tpu.memory_space<vmem>> -> memref<1x100x64xf32, #tpu.memory_space<vmem>>
        %dma_start3A_609 = tpu.memref_squeeze %dma_start3A_608 : memref<1x100x64xf32, #tpu.memory_space<vmem>> -> memref<100x64xf32, #tpu.memory_space<vmem>>
        %dma_start3A_610 = arith.constant 0 : i32
        %dma_start3A_611 = tpu.memref_slice %arg5[%dma_start3A_604, %add3A_603, %dma_start3A_610] : memref<2x256x100xi32, #tpu.memory_space<vmem>> -> memref<1x1x100xi32, #tpu.memory_space<vmem>>
        %dma_start3A_612 = tpu.memref_squeeze %dma_start3A_611 : memref<1x1x100xi32, #tpu.memory_space<vmem>> -> memref<100xi32, #tpu.memory_space<vmem>>
        %dma_start3A_613 = arith.constant 0 : i32
        %dma_start3A_614 = arith.constant 0 : i32
        %dma_start3A_615 = tpu.memref_slice %arg3[%dma_start3A_613, %dma_start3A_614] : memref<1000000x64xf32, #tpu.memory_space<hbm>> -> memref<1000000x64xf32, #tpu.memory_space<hbm>>
        tpu.enqueue_indirect_dma source(%dma_start3A_615 : memref<1000000x64xf32, #tpu.memory_space<hbm>>) target(%dma_start3A_609 : memref<100x64xf32, #tpu.memory_space<vmem>>) offsets(%dma_start3A_612 : memref<100xi32, #tpu.memory_space<vmem>>) semaphore(%arg9 : memref<!tpu.dma_semaphore, #tpu.memory_space<semaphore_mem>>)
      } else {
      }
      %dma_wait3A_405 = arith.constant 2 : i32
      %dma_wait3A_406 = arith.constant 0 : i32
      %dma_wait3A_407 = arith.constant 0 : i32
      %dma_wait3A_408 = tpu.memref_slice %arg6[%dma_wait3A_405, %dma_wait3A_406, %dma_wait3A_407] : memref<4x200x64xf32, #tpu.memory_space<vmem>> -> memref<1x200x64xf32, #tpu.memory_space<vmem>>
      %dma_wait3A_409 = tpu.memref_squeeze %dma_wait3A_408 : memref<1x200x64xf32, #tpu.memory_space<vmem>> -> memref<200x64xf32, #tpu.memory_space<vmem>>
      %dma_wait3A_410 = arith.constant 0 : i32
      %dma_wait3A_411 = arith.constant 0 : i32
      %dma_wait3A_412 = tpu.memref_slice %arg3[%dma_wait3A_410, %dma_wait3A_411] : memref<1000000x64xf32, #tpu.memory_space<hbm>> -> memref<200x64xf32, #tpu.memory_space<hbm>>
      %dma_wait3A_413 = arith.constant 0 : i32
      %dma_wait3A_414 = arith.constant 0 : i32
      %dma_wait3A_415 = tpu.memref_slice %arg6[%dma_wait3A_405, %dma_wait3A_413, %dma_wait3A_414] : memref<4x200x64xf32, #tpu.memory_space<vmem>> -> memref<1x200x64xf32, #tpu.memory_space<vmem>>
      %dma_wait3A_416 = tpu.memref_squeeze %dma_wait3A_415 : memref<1x200x64xf32, #tpu.memory_space<vmem>> -> memref<200x64xf32, #tpu.memory_space<vmem>>
      %dma_wait3A_417 = arith.constant 0 : i32
      %dma_wait3A_418 = arith.constant 0 : i32
      %dma_wait3A_419 = tpu.memref_slice %arg3[%dma_wait3A_417, %dma_wait3A_418] : memref<1000000x64xf32, #tpu.memory_space<hbm>> -> memref<200x64xf32, #tpu.memory_space<hbm>>
      tpu.wait_dma2 semaphore(%arg10 : memref<!tpu.dma_semaphore, #tpu.memory_space<semaphore_mem>>) src(%dma_wait3A_419 : memref<200x64xf32, #tpu.memory_space<hbm>>) dst(%dma_wait3A_416 : memref<200x64xf32, #tpu.memory_space<vmem>>)
      %add3A_420 = arith.constant 2 : i32
      %add3A_421 = arith.addi %add3A_228, %add3A_420 : i32
      %broadcast_in_dim3A_422 = arith.constant 0.000000e+00 : f32
      %broadcast_in_dim3A_423 = vector.broadcast %broadcast_in_dim3A_422 : f32 to vector<16xf32>
      %parallel_loop3A_424 = arith.constant 0 : i32
      %parallel_loop3A_425 = arith.constant 200 : i32
      %parallel_loop3A_426 = arith.constant 1 : i32
      %parallel_loop3A_427:4 = scf.for %parallel_loop3A_584 = %parallel_loop3A_424 to %parallel_loop3A_425 step %parallel_loop3A_426 iter_args(%parallel_loop3A_585 = %broadcast_in_dim3A_423, %parallel_loop3A_586 = %broadcast_in_dim3A_423, %parallel_loop3A_587 = %broadcast_in_dim3A_423, %parallel_loop3A_588 = %broadcast_in_dim3A_423) -> (vector<16xf32>, vector<16xf32>, vector<16xf32>, vector<16xf32>)  : i32 {
        %parallel_loop3A_589 = arith.constant 2 : i32
        %parallel_loop3A_590 = arith.index_cast %parallel_loop3A_589 : i32 to index
        %parallel_loop3A_591 = arith.index_cast %parallel_loop3A_584 : i32 to index
        %parallel_loop3A_592 = arith.constant 0 : index
        %parallel_loop3A_593 = tpu.vector_load %arg6[%parallel_loop3A_590, %parallel_loop3A_591, %parallel_loop3A_592] {strides = array<i32>} : memref<4x200x64xf32, #tpu.memory_space<vmem>>, vector<1x1x16xf32>,
        %parallel_loop3A_594 = vector.shape_cast %parallel_loop3A_593 : vector<1x1x16xf32> to vector<16xf32>
        %parallel_loop3A_595 = arith.constant 2 : i32
        %parallel_loop3A_596 = arith.index_cast %parallel_loop3A_595 : i32 to index
        %parallel_loop3A_597 = arith.index_cast %parallel_loop3A_584 : i32 to index
        %parallel_loop3A_598 = arith.constant 16 : index
        %parallel_loop3A_599 = tpu.vector_load %arg6[%parallel_loop3A_596, %parallel_loop3A_597, %parallel_loop3A_598] {strides = array<i32>} : memref<4x200x64xf32, #tpu.memory_space<vmem>>, vector<1x1x16xf32>,
        %parallel_loop3A_600 = vector.shape_cast %parallel_loop3A_599 : vector<1x1x16xf32> to vector<16xf32>
        %parallel_loop3A_601 = arith.constant 2 : i32
        %parallel_loop3A_602 = arith.index_cast %parallel_loop3A_601 : i32 to index
        %parallel_loop3A_603 = arith.index_cast %parallel_loop3A_584 : i32 to index
        %parallel_loop3A_604 = arith.constant 32 : index
        %parallel_loop3A_605 = tpu.vector_load %arg6[%parallel_loop3A_602, %parallel_loop3A_603, %parallel_loop3A_604] {strides = array<i32>} : memref<4x200x64xf32, #tpu.memory_space<vmem>>, vector<1x1x16xf32>,
        %parallel_loop3A_606 = vector.shape_cast %parallel_loop3A_605 : vector<1x1x16xf32> to vector<16xf32>
        %parallel_loop3A_607 = arith.constant 2 : i32
        %parallel_loop3A_608 = arith.index_cast %parallel_loop3A_607 : i32 to index
        %parallel_loop3A_609 = arith.index_cast %parallel_loop3A_584 : i32 to index
        %parallel_loop3A_610 = arith.constant 48 : index
        %parallel_loop3A_611 = tpu.vector_load %arg6[%parallel_loop3A_608, %parallel_loop3A_609, %parallel_loop3A_610] {strides = array<i32>} : memref<4x200x64xf32, #tpu.memory_space<vmem>>, vector<1x1x16xf32>,
        %parallel_loop3A_612 = vector.shape_cast %parallel_loop3A_611 : vector<1x1x16xf32> to vector<16xf32>
        %parallel_loop3A_613 = arith.addf %parallel_loop3A_585, %parallel_loop3A_594 : vector<16xf32>
        %parallel_loop3A_614 = arith.addf %parallel_loop3A_586, %parallel_loop3A_600 : vector<16xf32>
        %parallel_loop3A_615 = arith.addf %parallel_loop3A_587, %parallel_loop3A_606 : vector<16xf32>
        %parallel_loop3A_616 = arith.addf %parallel_loop3A_588, %parallel_loop3A_612 : vector<16xf32>
        scf.yield %parallel_loop3A_613, %parallel_loop3A_614, %parallel_loop3A_615, %parallel_loop3A_616 : vector<16xf32>, vector<16xf32>, vector<16xf32>, vector<16xf32>
      } {sc.loop_unroll_factor = 8 : i64, sc.parallel_access}
      %jit3A_428 = arith.constant 128 : i32
      %eq3A_429 = arith.constant 0 : i32
      %eq3A_430 = arith.cmpi eq, %jit3A_428, %eq3A_429 : i32
      %jit3A_431 = arith.constant 1 : i32
      %select_n3A_432 = arith.select %eq3A_430, %jit3A_431, %jit3A_428 : i32
      %rem3A_433 = arith.remsi %add3A_421, %select_n3A_432 : i32
      %ne3A_434 = arith.constant 0 : i32
      %ne3A_435 = arith.cmpi ne, %rem3A_433, %ne3A_434 : i32
      %lt3A_436 = arith.constant 0 : i32
      %lt3A_437 = arith.cmpi slt, %rem3A_433, %lt3A_436 : i32
      %lt3A_438 = arith.constant 0 : i32
      %lt3A_439 = arith.cmpi slt, %select_n3A_432, %lt3A_438 : i32
      %ne3A_440 = arith.xori %lt3A_437, %lt3A_439 : i1
      %and3A_441 = arith.andi %ne3A_440, %ne3A_435 : i1
      %add3A_442 = arith.addi %rem3A_433, %select_n3A_432 : i32
      %select_n3A_443 = arith.select %and3A_441, %add3A_442, %rem3A_433 : i32
      %mul3A_444 = arith.constant 5.000000e-03 : f32
      %mul3A_445 = vector.broadcast %mul3A_444 : f32 to vector<16xf32>
      %mul3A_446 = arith.mulf %parallel_loop3A_427#0, %mul3A_445 : vector<16xf32>
      %swap3A_447 = arith.index_cast %select_n3A_443 : i32 to index
      %swap3A_448 = arith.constant 0 : index
      %swap3A_449 = tpu.vector_load %arg7[%swap3A_447, %swap3A_448] {strides = array<i32>} : memref<128x64xf32, #tpu.memory_space<vmem>>, vector<1x16xf32>,
      %swap3A_450 = vector.shape_cast %swap3A_449 : vector<1x16xf32> to vector<16xf32>
      %swap3A_451 = vector.shape_cast %mul3A_446 : vector<16xf32> to vector<1x16xf32>
      tpu.vector_store %arg7[%swap3A_447, %swap3A_448], %swap3A_451 {strides = array<i32>} : memref<128x64xf32, #tpu.memory_space<vmem>>, vector<1x16xf32>,
      %mul3A_452 = arith.constant 5.000000e-03 : f32
      %mul3A_453 = vector.broadcast %mul3A_452 : f32 to vector<16xf32>
      %mul3A_454 = arith.mulf %parallel_loop3A_427#1, %mul3A_453 : vector<16xf32>
      %swap3A_455 = arith.index_cast %select_n3A_443 : i32 to index
      %swap3A_456 = arith.constant 16 : index
      %swap3A_457 = tpu.vector_load %arg7[%swap3A_455, %swap3A_456] {strides = array<i32>} : memref<128x64xf32, #tpu.memory_space<vmem>>, vector<1x16xf32>,
      %swap3A_458 = vector.shape_cast %swap3A_457 : vector<1x16xf32> to vector<16xf32>
      %swap3A_459 = vector.shape_cast %mul3A_454 : vector<16xf32> to vector<1x16xf32>
      tpu.vector_store %arg7[%swap3A_455, %swap3A_456], %swap3A_459 {strides = array<i32>} : memref<128x64xf32, #tpu.memory_space<vmem>>, vector<1x16xf32>,
      %mul3A_460 = arith.constant 5.000000e-03 : f32
      %mul3A_461 = vector.broadcast %mul3A_460 : f32 to vector<16xf32>
      %mul3A_462 = arith.mulf %parallel_loop3A_427#2, %mul3A_461 : vector<16xf32>
      %swap3A_463 = arith.index_cast %select_n3A_443 : i32 to index
      %swap3A_464 = arith.constant 32 : index
      %swap3A_465 = tpu.vector_load %arg7[%swap3A_463, %swap3A_464] {strides = array<i32>} : memref<128x64xf32, #tpu.memory_space<vmem>>, vector<1x16xf32>,
      %swap3A_466 = vector.shape_cast %swap3A_465 : vector<1x16xf32> to vector<16xf32>
      %swap3A_467 = vector.shape_cast %mul3A_462 : vector<16xf32> to vector<1x16xf32>
      tpu.vector_store %arg7[%swap3A_463, %swap3A_464], %swap3A_467 {strides = array<i32>} : memref<128x64xf32, #tpu.memory_space<vmem>>, vector<1x16xf32>,
      %mul3A_468 = arith.constant 5.000000e-03 : f32
      %mul3A_469 = vector.broadcast %mul3A_468 : f32 to vector<16xf32>
      %mul3A_470 = arith.mulf %parallel_loop3A_427#3, %mul3A_469 : vector<16xf32>
      %swap3A_471 = arith.index_cast %select_n3A_443 : i32 to index
      %swap3A_472 = arith.constant 48 : index
      %swap3A_473 = tpu.vector_load %arg7[%swap3A_471, %swap3A_472] {strides = array<i32>} : memref<128x64xf32, #tpu.memory_space<vmem>>, vector<1x16xf32>,
      %swap3A_474 = vector.shape_cast %swap3A_473 : vector<1x16xf32> to vector<16xf32>
      %swap3A_475 = vector.shape_cast %mul3A_470 : vector<16xf32> to vector<1x16xf32>
      tpu.vector_store %arg7[%swap3A_471, %swap3A_472], %swap3A_475 {strides = array<i32>} : memref<128x64xf32, #tpu.memory_space<vmem>>, vector<1x16xf32>,
      %add3A_476 = arith.constant 3 : i32
      %add3A_477 = arith.addi %add3A_228, %add3A_476 : i32
      %add3A_478 = arith.constant 4 : i32
      %add3A_479 = arith.addi %add3A_477, %add3A_478 : i32
      %sub3A_480 = arith.constant 1 : i32
      %sub3A_481 = arith.subi %add3A_479, %sub3A_480 : i32
      %lt3A_482 = arith.constant 128 : i32
      %lt3A_483 = arith.cmpi slt, %sub3A_481, %lt3A_482 : i32
      %convert_element_type3A_484 = arith.extui %lt3A_483 : i1 to i32
      %cond3A_485 = arith.constant 0 : i32
      %cond3A_486 = arith.cmpi ne, %convert_element_type3A_484, %cond3A_485 : i32
      scf.if %cond3A_486 {
        %mul3A_584 = arith.constant 2 : i32
        %mul3A_585 = arith.muli %mul3A_584, %sub3A_481 : i32
        %dma_start3A_586 = arith.constant 0 : i32
        %dma_start3A_587 = arith.constant 2 : i32
        %dma_start3A_588 = arith.constant 0 : i32
        %dma_start3A_589 = arith.constant 0 : i32
        %dma_start3A_590 = tpu.memref_slice %arg6[%dma_start3A_587, %dma_start3A_588, %dma_start3A_589] : memref<4x200x64xf32, #tpu.memory_space<vmem>> -> memref<1x100x64xf32, #tpu.memory_space<vmem>>
        %dma_start3A_591 = tpu.memref_squeeze %dma_start3A_590 : memref<1x100x64xf32, #tpu.memory_space<vmem>> -> memref<100x64xf32, #tpu.memory_space<vmem>>
        %dma_start3A_592 = arith.constant 0 : i32
        %dma_start3A_593 = tpu.memref_slice %arg5[%dma_start3A_586, %mul3A_585, %dma_start3A_592] : memref<2x256x100xi32, #tpu.memory_space<vmem>> -> memref<1x1x100xi32, #tpu.memory_space<vmem>>
        %dma_start3A_594 = tpu.memref_squeeze %dma_start3A_593 : memref<1x1x100xi32, #tpu.memory_space<vmem>> -> memref<100xi32, #tpu.memory_space<vmem>>
        %dma_start3A_595 = arith.constant 0 : i32
        %dma_start3A_596 = arith.constant 0 : i32
        %dma_start3A_597 = tpu.memref_slice %arg3[%dma_start3A_595, %dma_start3A_596] : memref<1000000x64xf32, #tpu.memory_space<hbm>> -> memref<1000000x64xf32, #tpu.memory_space<hbm>>
        tpu.enqueue_indirect_dma source(%dma_start3A_597 : memref<1000000x64xf32, #tpu.memory_space<hbm>>) target(%dma_start3A_591 : memref<100x64xf32, #tpu.memory_space<vmem>>) offsets(%dma_start3A_594 : memref<100xi32, #tpu.memory_space<vmem>>) semaphore(%arg10 : memref<!tpu.dma_semaphore, #tpu.memory_space<semaphore_mem>>)
        %mul3A_598 = arith.constant 2 : i32
        %mul3A_599 = arith.muli %mul3A_598, %sub3A_481 : i32
        %add3A_600 = arith.constant 1 : i32
        %add3A_601 = arith.addi %mul3A_599, %add3A_600 : i32
        %dma_start3A_602 = arith.constant 0 : i32
        %dma_start3A_603 = arith.constant 2 : i32
        %dma_start3A_604 = arith.constant 100 : i32
        %dma_start3A_605 = arith.constant 0 : i32
        %dma_start3A_606 = tpu.memref_slice %arg6[%dma_start3A_603, %dma_start3A_604, %dma_start3A_605] : memref<4x200x64xf32, #tpu.memory_space<vmem>> -> memref<1x100x64xf32, #tpu.memory_space<vmem>>
        %dma_start3A_607 = tpu.memref_squeeze %dma_start3A_606 : memref<1x100x64xf32, #tpu.memory_space<vmem>> -> memref<100x64xf32, #tpu.memory_space<vmem>>
        %dma_start3A_608 = arith.constant 0 : i32
        %dma_start3A_609 = tpu.memref_slice %arg5[%dma_start3A_602, %add3A_601, %dma_start3A_608] : memref<2x256x100xi32, #tpu.memory_space<vmem>> -> memref<1x1x100xi32, #tpu.memory_space<vmem>>
        %dma_start3A_610 = tpu.memref_squeeze %dma_start3A_609 : memref<1x1x100xi32, #tpu.memory_space<vmem>> -> memref<100xi32, #tpu.memory_space<vmem>>
        %dma_start3A_611 = arith.constant 0 : i32
        %dma_start3A_612 = arith.constant 0 : i32
        %dma_start3A_613 = tpu.memref_slice %arg3[%dma_start3A_611, %dma_start3A_612] : memref<1000000x64xf32, #tpu.memory_space<hbm>> -> memref<1000000x64xf32, #tpu.memory_space<hbm>>
        tpu.enqueue_indirect_dma source(%dma_start3A_613 : memref<1000000x64xf32, #tpu.memory_space<hbm>>) target(%dma_start3A_607 : memref<100x64xf32, #tpu.memory_space<vmem>>) offsets(%dma_start3A_610 : memref<100xi32, #tpu.memory_space<vmem>>) semaphore(%arg10 : memref<!tpu.dma_semaphore, #tpu.memory_space<semaphore_mem>>)
      } else {
      }
      %ge3A_487 = arith.constant 128 : i32
      %ge3A_488 = arith.cmpi sge, %sub3A_481, %ge3A_487 : i32
      %convert_element_type3A_489 = arith.extui %ge3A_488 : i1 to i32
      %cond3A_490 = arith.constant 0 : i32
      %cond3A_491 = arith.cmpi ne, %convert_element_type3A_489, %cond3A_490 : i32
      scf.if %cond3A_491 {
        %sub3A_584 = arith.constant 128 : i32
        %sub3A_585 = arith.subi %sub3A_481, %sub3A_584 : i32
        %mul3A_586 = arith.constant 2 : i32
        %mul3A_587 = arith.muli %mul3A_586, %sub3A_585 : i32
        %dma_start3A_588 = arith.constant 1 : i32
        %dma_start3A_589 = arith.constant 2 : i32
        %dma_start3A_590 = arith.constant 0 : i32
        %dma_start3A_591 = arith.constant 0 : i32
        %dma_start3A_592 = tpu.memref_slice %arg6[%dma_start3A_589, %dma_start3A_590, %dma_start3A_591] : memref<4x200x64xf32, #tpu.memory_space<vmem>> -> memref<1x100x64xf32, #tpu.memory_space<vmem>>
        %dma_start3A_593 = tpu.memref_squeeze %dma_start3A_592 : memref<1x100x64xf32, #tpu.memory_space<vmem>> -> memref<100x64xf32, #tpu.memory_space<vmem>>
        %dma_start3A_594 = arith.constant 0 : i32
        %dma_start3A_595 = tpu.memref_slice %arg5[%dma_start3A_588, %mul3A_587, %dma_start3A_594] : memref<2x256x100xi32, #tpu.memory_space<vmem>> -> memref<1x1x100xi32, #tpu.memory_space<vmem>>
        %dma_start3A_596 = tpu.memref_squeeze %dma_start3A_595 : memref<1x1x100xi32, #tpu.memory_space<vmem>> -> memref<100xi32, #tpu.memory_space<vmem>>
        %dma_start3A_597 = arith.constant 0 : i32
        %dma_start3A_598 = arith.constant 0 : i32
        %dma_start3A_599 = tpu.memref_slice %arg3[%dma_start3A_597, %dma_start3A_598] : memref<1000000x64xf32, #tpu.memory_space<hbm>> -> memref<1000000x64xf32, #tpu.memory_space<hbm>>
        tpu.enqueue_indirect_dma source(%dma_start3A_599 : memref<1000000x64xf32, #tpu.memory_space<hbm>>) target(%dma_start3A_593 : memref<100x64xf32, #tpu.memory_space<vmem>>) offsets(%dma_start3A_596 : memref<100xi32, #tpu.memory_space<vmem>>) semaphore(%arg10 : memref<!tpu.dma_semaphore, #tpu.memory_space<semaphore_mem>>)
        %mul3A_600 = arith.constant 2 : i32
        %mul3A_601 = arith.muli %mul3A_600, %sub3A_585 : i32
        %add3A_602 = arith.constant 1 : i32
        %add3A_603 = arith.addi %mul3A_601, %add3A_602 : i32
        %dma_start3A_604 = arith.constant 1 : i32
        %dma_start3A_605 = arith.constant 2 : i32
        %dma_start3A_606 = arith.constant 100 : i32
        %dma_start3A_607 = arith.constant 0 : i32
        %dma_start3A_608 = tpu.memref_slice %arg6[%dma_start3A_605, %dma_start3A_606, %dma_start3A_607] : memref<4x200x64xf32, #tpu.memory_space<vmem>> -> memref<1x100x64xf32, #tpu.memory_space<vmem>>
        %dma_start3A_609 = tpu.memref_squeeze %dma_start3A_608 : memref<1x100x64xf32, #tpu.memory_space<vmem>> -> memref<100x64xf32, #tpu.memory_space<vmem>>
        %dma_start3A_610 = arith.constant 0 : i32
        %dma_start3A_611 = tpu.memref_slice %arg5[%dma_start3A_604, %add3A_603, %dma_start3A_610] : memref<2x256x100xi32, #tpu.memory_space<vmem>> -> memref<1x1x100xi32, #tpu.memory_space<vmem>>
        %dma_start3A_612 = tpu.memref_squeeze %dma_start3A_611 : memref<1x1x100xi32, #tpu.memory_space<vmem>> -> memref<100xi32, #tpu.memory_space<vmem>>
        %dma_start3A_613 = arith.constant 0 : i32
        %dma_start3A_614 = arith.constant 0 : i32
        %dma_start3A_615 = tpu.memref_slice %arg3[%dma_start3A_613, %dma_start3A_614] : memref<1000000x64xf32, #tpu.memory_space<hbm>> -> memref<1000000x64xf32, #tpu.memory_space<hbm>>
        tpu.enqueue_indirect_dma source(%dma_start3A_615 : memref<1000000x64xf32, #tpu.memory_space<hbm>>) target(%dma_start3A_609 : memref<100x64xf32, #tpu.memory_space<vmem>>) offsets(%dma_start3A_612 : memref<100xi32, #tpu.memory_space<vmem>>) semaphore(%arg10 : memref<!tpu.dma_semaphore, #tpu.memory_space<semaphore_mem>>)
      } else {
      }
      %dma_wait3A_492 = arith.constant 3 : i32
      %dma_wait3A_493 = arith.constant 0 : i32
      %dma_wait3A_494 = arith.constant 0 : i32
      %dma_wait3A_495 = tpu.memref_slice %arg6[%dma_wait3A_492, %dma_wait3A_493, %dma_wait3A_494] : memref<4x200x64xf32, #tpu.memory_space<vmem>> -> memref<1x200x64xf32, #tpu.memory_space<vmem>>
      %dma_wait3A_496 = tpu.memref_squeeze %dma_wait3A_495 : memref<1x200x64xf32, #tpu.memory_space<vmem>> -> memref<200x64xf32, #tpu.memory_space<vmem>>
      %dma_wait3A_497 = arith.constant 0 : i32
      %dma_wait3A_498 = arith.constant 0 : i32
      %dma_wait3A_499 = tpu.memref_slice %arg3[%dma_wait3A_497, %dma_wait3A_498] : memref<1000000x64xf32, #tpu.memory_space<hbm>> -> memref<200x64xf32, #tpu.memory_space<hbm>>
      %dma_wait3A_500 = arith.constant 0 : i32
      %dma_wait3A_501 = arith.constant 0 : i32
      %dma_wait3A_502 = tpu.memref_slice %arg6[%dma_wait3A_492, %dma_wait3A_500, %dma_wait3A_501] : memref<4x200x64xf32, #tpu.memory_space<vmem>> -> memref<1x200x64xf32, #tpu.memory_space<vmem>>
      %dma_wait3A_503 = tpu.memref_squeeze %dma_wait3A_502 : memref<1x200x64xf32, #tpu.memory_space<vmem>> -> memref<200x64xf32, #tpu.memory_space<vmem>>
      %dma_wait3A_504 = arith.constant 0 : i32
      %dma_wait3A_505 = arith.constant 0 : i32
      %dma_wait3A_506 = tpu.memref_slice %arg3[%dma_wait3A_504, %dma_wait3A_505] : memref<1000000x64xf32, #tpu.memory_space<hbm>> -> memref<200x64xf32, #tpu.memory_space<hbm>>
      tpu.wait_dma2 semaphore(%arg11 : memref<!tpu.dma_semaphore, #tpu.memory_space<semaphore_mem>>) src(%dma_wait3A_506 : memref<200x64xf32, #tpu.memory_space<hbm>>) dst(%dma_wait3A_503 : memref<200x64xf32, #tpu.memory_space<vmem>>)
      %add3A_507 = arith.constant 3 : i32
      %add3A_508 = arith.addi %add3A_228, %add3A_507 : i32
      %broadcast_in_dim3A_509 = arith.constant 0.000000e+00 : f32
      %broadcast_in_dim3A_510 = vector.broadcast %broadcast_in_dim3A_509 : f32 to vector<16xf32>
      %parallel_loop3A_511 = arith.constant 0 : i32
      %parallel_loop3A_512 = arith.constant 200 : i32
      %parallel_loop3A_513 = arith.constant 1 : i32
      %parallel_loop3A_514:4 = scf.for %parallel_loop3A_584 = %parallel_loop3A_511 to %parallel_loop3A_512 step %parallel_loop3A_513 iter_args(%parallel_loop3A_585 = %broadcast_in_dim3A_510, %parallel_loop3A_586 = %broadcast_in_dim3A_510, %parallel_loop3A_587 = %broadcast_in_dim3A_510, %parallel_loop3A_588 = %broadcast_in_dim3A_510) -> (vector<16xf32>, vector<16xf32>, vector<16xf32>, vector<16xf32>)  : i32 {
        %parallel_loop3A_589 = arith.constant 3 : i32
        %parallel_loop3A_590 = arith.index_cast %parallel_loop3A_589 : i32 to index
        %parallel_loop3A_591 = arith.index_cast %parallel_loop3A_584 : i32 to index
        %parallel_loop3A_592 = arith.constant 0 : index
        %parallel_loop3A_593 = tpu.vector_load %arg6[%parallel_loop3A_590, %parallel_loop3A_591, %parallel_loop3A_592] {strides = array<i32>} : memref<4x200x64xf32, #tpu.memory_space<vmem>>, vector<1x1x16xf32>,
        %parallel_loop3A_594 = vector.shape_cast %parallel_loop3A_593 : vector<1x1x16xf32> to vector<16xf32>
        %parallel_loop3A_595 = arith.constant 3 : i32
        %parallel_loop3A_596 = arith.index_cast %parallel_loop3A_595 : i32 to index
        %parallel_loop3A_597 = arith.index_cast %parallel_loop3A_584 : i32 to index
        %parallel_loop3A_598 = arith.constant 16 : index
        %parallel_loop3A_599 = tpu.vector_load %arg6[%parallel_loop3A_596, %parallel_loop3A_597, %parallel_loop3A_598] {strides = array<i32>} : memref<4x200x64xf32, #tpu.memory_space<vmem>>, vector<1x1x16xf32>,
        %parallel_loop3A_600 = vector.shape_cast %parallel_loop3A_599 : vector<1x1x16xf32> to vector<16xf32>
        %parallel_loop3A_601 = arith.constant 3 : i32
        %parallel_loop3A_602 = arith.index_cast %parallel_loop3A_601 : i32 to index
        %parallel_loop3A_603 = arith.index_cast %parallel_loop3A_584 : i32 to index
        %parallel_loop3A_604 = arith.constant 32 : index
        %parallel_loop3A_605 = tpu.vector_load %arg6[%parallel_loop3A_602, %parallel_loop3A_603, %parallel_loop3A_604] {strides = array<i32>} : memref<4x200x64xf32, #tpu.memory_space<vmem>>, vector<1x1x16xf32>,
        %parallel_loop3A_606 = vector.shape_cast %parallel_loop3A_605 : vector<1x1x16xf32> to vector<16xf32>
        %parallel_loop3A_607 = arith.constant 3 : i32
        %parallel_loop3A_608 = arith.index_cast %parallel_loop3A_607 : i32 to index
        %parallel_loop3A_609 = arith.index_cast %parallel_loop3A_584 : i32 to index
        %parallel_loop3A_610 = arith.constant 48 : index
        %parallel_loop3A_611 = tpu.vector_load %arg6[%parallel_loop3A_608, %parallel_loop3A_609, %parallel_loop3A_610] {strides = array<i32>} : memref<4x200x64xf32, #tpu.memory_space<vmem>>, vector<1x1x16xf32>,
        %parallel_loop3A_612 = vector.shape_cast %parallel_loop3A_611 : vector<1x1x16xf32> to vector<16xf32>
        %parallel_loop3A_613 = arith.addf %parallel_loop3A_585, %parallel_loop3A_594 : vector<16xf32>
        %parallel_loop3A_614 = arith.addf %parallel_loop3A_586, %parallel_loop3A_600 : vector<16xf32>
        %parallel_loop3A_615 = arith.addf %parallel_loop3A_587, %parallel_loop3A_606 : vector<16xf32>
        %parallel_loop3A_616 = arith.addf %parallel_loop3A_588, %parallel_loop3A_612 : vector<16xf32>
        scf.yield %parallel_loop3A_613, %parallel_loop3A_614, %parallel_loop3A_615, %parallel_loop3A_616 : vector<16xf32>, vector<16xf32>, vector<16xf32>, vector<16xf32>
      } {sc.loop_unroll_factor = 8 : i64, sc.parallel_access}
      %jit3A_515 = arith.constant 128 : i32
      %eq3A_516 = arith.constant 0 : i32
      %eq3A_517 = arith.cmpi eq, %jit3A_515, %eq3A_516 : i32
      %jit3A_518 = arith.constant 1 : i32
      %select_n3A_519 = arith.select %eq3A_517, %jit3A_518, %jit3A_515 : i32
      %rem3A_520 = arith.remsi %add3A_508, %select_n3A_519 : i32
      %ne3A_521 = arith.constant 0 : i32
      %ne3A_522 = arith.cmpi ne, %rem3A_520, %ne3A_521 : i32
      %lt3A_523 = arith.constant 0 : i32
      %lt3A_524 = arith.cmpi slt, %rem3A_520, %lt3A_523 : i32
      %lt3A_525 = arith.constant 0 : i32
      %lt3A_526 = arith.cmpi slt, %select_n3A_519, %lt3A_525 : i32
      %ne3A_527 = arith.xori %lt3A_524, %lt3A_526 : i1
      %and3A_528 = arith.andi %ne3A_527, %ne3A_522 : i1
      %add3A_529 = arith.addi %rem3A_520, %select_n3A_519 : i32
      %select_n3A_530 = arith.select %and3A_528, %add3A_529, %rem3A_520 : i32
      %mul3A_531 = arith.constant 5.000000e-03 : f32
      %mul3A_532 = vector.broadcast %mul3A_531 : f32 to vector<16xf32>
      %mul3A_533 = arith.mulf %parallel_loop3A_514#0, %mul3A_532 : vector<16xf32>
      %swap3A_534 = arith.index_cast %select_n3A_530 : i32 to index
      %swap3A_535 = arith.constant 0 : index
      %swap3A_536 = tpu.vector_load %arg7[%swap3A_534, %swap3A_535] {strides = array<i32>} : memref<128x64xf32, #tpu.memory_space<vmem>>, vector<1x16xf32>,
      %swap3A_537 = vector.shape_cast %swap3A_536 : vector<1x16xf32> to vector<16xf32>
      %swap3A_538 = vector.shape_cast %mul3A_533 : vector<16xf32> to vector<1x16xf32>
      tpu.vector_store %arg7[%swap3A_534, %swap3A_535], %swap3A_538 {strides = array<i32>} : memref<128x64xf32, #tpu.memory_space<vmem>>, vector<1x16xf32>,
      %mul3A_539 = arith.constant 5.000000e-03 : f32
      %mul3A_540 = vector.broadcast %mul3A_539 : f32 to vector<16xf32>
      %mul3A_541 = arith.mulf %parallel_loop3A_514#1, %mul3A_540 : vector<16xf32>
      %swap3A_542 = arith.index_cast %select_n3A_530 : i32 to index
      %swap3A_543 = arith.constant 16 : index
      %swap3A_544 = tpu.vector_load %arg7[%swap3A_542, %swap3A_543] {strides = array<i32>} : memref<128x64xf32, #tpu.memory_space<vmem>>, vector<1x16xf32>,
      %swap3A_545 = vector.shape_cast %swap3A_544 : vector<1x16xf32> to vector<16xf32>
      %swap3A_546 = vector.shape_cast %mul3A_541 : vector<16xf32> to vector<1x16xf32>
      tpu.vector_store %arg7[%swap3A_542, %swap3A_543], %swap3A_546 {strides = array<i32>} : memref<128x64xf32, #tpu.memory_space<vmem>>, vector<1x16xf32>,
      %mul3A_547 = arith.constant 5.000000e-03 : f32
      %mul3A_548 = vector.broadcast %mul3A_547 : f32 to vector<16xf32>
      %mul3A_549 = arith.mulf %parallel_loop3A_514#2, %mul3A_548 : vector<16xf32>
      %swap3A_550 = arith.index_cast %select_n3A_530 : i32 to index
      %swap3A_551 = arith.constant 32 : index
      %swap3A_552 = tpu.vector_load %arg7[%swap3A_550, %swap3A_551] {strides = array<i32>} : memref<128x64xf32, #tpu.memory_space<vmem>>, vector<1x16xf32>,
      %swap3A_553 = vector.shape_cast %swap3A_552 : vector<1x16xf32> to vector<16xf32>
      %swap3A_554 = vector.shape_cast %mul3A_549 : vector<16xf32> to vector<1x16xf32>
      tpu.vector_store %arg7[%swap3A_550, %swap3A_551], %swap3A_554 {strides = array<i32>} : memref<128x64xf32, #tpu.memory_space<vmem>>, vector<1x16xf32>,
      %mul3A_555 = arith.constant 5.000000e-03 : f32
      %mul3A_556 = vector.broadcast %mul3A_555 : f32 to vector<16xf32>
      %mul3A_557 = arith.mulf %parallel_loop3A_514#3, %mul3A_556 : vector<16xf32>
      %swap3A_558 = arith.index_cast %select_n3A_530 : i32 to index
      %swap3A_559 = arith.constant 48 : index
      %swap3A_560 = tpu.vector_load %arg7[%swap3A_558, %swap3A_559] {strides = array<i32>} : memref<128x64xf32, #tpu.memory_space<vmem>>, vector<1x16xf32>,
      %swap3A_561 = vector.shape_cast %swap3A_560 : vector<1x16xf32> to vector<16xf32>
      %swap3A_562 = vector.shape_cast %mul3A_557 : vector<16xf32> to vector<1x16xf32>
      tpu.vector_store %arg7[%swap3A_558, %swap3A_559], %swap3A_562 {strides = array<i32>} : memref<128x64xf32, #tpu.memory_space<vmem>>, vector<1x16xf32>,
      %jit3A_563 = arith.constant 128 : i32
      %eq3A_564 = arith.constant 0 : i32
      %eq3A_565 = arith.cmpi eq, %jit3A_563, %eq3A_564 : i32
      %jit3A_566 = arith.constant 1 : i32
      %select_n3A_567 = arith.select %eq3A_565, %jit3A_566, %jit3A_563 : i32
      %rem3A_568 = arith.remsi %add3A_228, %select_n3A_567 : i32
      %ne3A_569 = arith.constant 0 : i32
      %ne3A_570 = arith.cmpi ne, %rem3A_568, %ne3A_569 : i32
      %lt3A_571 = arith.constant 0 : i32
      %lt3A_572 = arith.cmpi slt, %rem3A_568, %lt3A_571 : i32
      %lt3A_573 = arith.constant 0 : i32
      %lt3A_574 = arith.cmpi slt, %select_n3A_567, %lt3A_573 : i32
      %ne3A_575 = arith.xori %lt3A_572, %lt3A_574 : i1
      %and3A_576 = arith.andi %ne3A_575, %ne3A_570 : i1
      %add3A_577 = arith.addi %rem3A_568, %select_n3A_567 : i32
      %select_n3A_578 = arith.select %and3A_576, %add3A_577, %rem3A_568 : i32
      %eq3A_579 = arith.constant 124 : i32
      %eq3A_580 = arith.cmpi eq, %select_n3A_578, %eq3A_579 : i32
      %convert_element_type3A_581 = arith.extui %eq3A_580 : i1 to i32
      %cond3A_582 = arith.constant 0 : i32
      %cond3A_583 = arith.cmpi ne, %convert_element_type3A_581, %cond3A_582 : i32
      scf.if %cond3A_583 {
        %mul3A_584 = arith.constant 512 : i32
        %mul3A_585 = arith.muli %add3A, %mul3A_584 : i32
        %add3A_586 = arith.constant 0 : i32
        %add3A_587 = arith.addi %mul3A_585, %add3A_586 : i32
        %jit3A_588 = arith.constant 128 : i32
        %div3A = arith.divsi %add3A_228, %jit3A_588 : i32
        %sign3A = arith.constant 0 : i32
        %sign3A_589 = arith.cmpi sgt, %add3A_228, %sign3A : i32
        %sign3A_590 = arith.extui %sign3A_589 : i1 to i32
        %sign3A_591 = arith.constant 0 : i32
        %sign3A_592 = arith.cmpi slt, %add3A_228, %sign3A_591 : i32
        %sign3A_593 = arith.extui %sign3A_592 : i1 to i32
        %sign3A_594 = arith.subi %sign3A_590, %sign3A_593 : i32
        %sign3A_595 = arith.constant 0 : i32
        %sign3A_596 = arith.cmpi sgt, %jit3A_588, %sign3A_595 : i32
        %sign3A_597 = arith.extui %sign3A_596 : i1 to i32
        %sign3A_598 = arith.constant 0 : i32
        %sign3A_599 = arith.cmpi slt, %jit3A_588, %sign3A_598 : i32
        %sign3A_600 = arith.extui %sign3A_599 : i1 to i32
        %sign3A_601 = arith.subi %sign3A_597, %sign3A_600 : i32
        %ne3A_602 = arith.cmpi ne, %sign3A_594, %sign3A_601 : i32
        %rem3A_603 = arith.remsi %add3A_228, %jit3A_588 : i32
        %ne3A_604 = arith.constant 0 : i32
        %ne3A_605 = arith.cmpi ne, %rem3A_603, %ne3A_604 : i32
        %and3A_606 = arith.andi %ne3A_602, %ne3A_605 : i1
        %sub3A_607 = arith.constant 1 : i32
        %sub3A_608 = arith.subi %div3A, %sub3A_607 : i32
        %select_n3A_609 = arith.select %and3A_606, %sub3A_608, %div3A : i32
        %mul3A_610 = arith.constant 128 : i32
        %mul3A_611 = arith.muli %select_n3A_609, %mul3A_610 : i32
        %add3A_612 = arith.addi %add3A_587, %mul3A_611 : i32
        "tpu.region"() ({
          %run_scoped3A = tpu.sem_alloc : memref<!tpu.dma_semaphore, #tpu.memory_space<semaphore_mem>>
          %dma_start3A_613 = arith.constant 0 : i32
          %dma_start3A_614 = tpu.memref_slice %arg4[%add3A_612, %dma_start3A_613] : memref<16384x64xf32, #tpu.memory_space<hbm>> -> memref<128x64xf32, #tpu.memory_space<hbm>>
          %dma_start3A_615 = arith.constant 0 : i32
          %dma_start3A_616 = tpu.memref_slice %arg4[%add3A_612, %dma_start3A_615] : memref<16384x64xf32, #tpu.memory_space<hbm>> -> memref<128x64xf32, #tpu.memory_space<hbm>>
          tpu.enqueue_dma source(%arg7 : memref<128x64xf32, #tpu.memory_space<vmem>>) target(%dma_start3A_616 : memref<128x64xf32, #tpu.memory_space<hbm>>) target_semaphore(%run_scoped3A : memref<!tpu.dma_semaphore, #tpu.memory_space<semaphore_mem>>)
          %dma_wait3A_617 = arith.constant 0 : i32
          %dma_wait3A_618 = tpu.memref_slice %arg4[%add3A_612, %dma_wait3A_617] : memref<16384x64xf32, #tpu.memory_space<hbm>> -> memref<128x64xf32, #tpu.memory_space<hbm>>
          %dma_wait3A_619 = arith.constant 0 : i32
          %dma_wait3A_620 = tpu.memref_slice %arg4[%add3A_612, %dma_wait3A_619] : memref<16384x64xf32, #tpu.memory_space<hbm>> -> memref<128x64xf32, #tpu.memory_space<hbm>>
          tpu.wait_dma2 semaphore(%run_scoped3A : memref<!tpu.dma_semaphore, #tpu.memory_space<semaphore_mem>>) src(%arg7 : memref<128x64xf32, #tpu.memory_space<vmem>>) dst(%dma_wait3A_620 : memref<128x64xf32, #tpu.memory_space<hbm>>)
          tpu.yield
        }) : () -> ()
      } else {
      }
    }
    %scan3A_144 = arith.constant 32 : i32
    %mul3A_145 = arith.constant 1024 : i32
    %mul3A_146 = arith.muli %add3A, %mul3A_145 : i32
    %add3A_147 = arith.constant 512 : i32
    %add3A_148 = arith.addi %mul3A_146, %add3A_147 : i32
    %dma_start3A_149 = arith.constant 0 : i32
    %dma_start3A_150 = arith.constant 0 : i32
    %dma_start3A_151 = arith.constant 0 : i32
    %dma_start3A_152 = tpu.memref_slice %arg5[%dma_start3A_149, %dma_start3A_150, %dma_start3A_151] : memref<2x256x100xi32, #tpu.memory_space<vmem>> -> memref<1x256x100xi32, #tpu.memory_space<vmem>>
    %dma_start3A_153 = tpu.memref_squeeze %dma_start3A_152 : memref<1x256x100xi32, #tpu.memory_space<vmem>> -> memref<256x100xi32, #tpu.memory_space<vmem>>
    %dma_start3A_154 = arith.constant 0 : i32
    %dma_start3A_155 = tpu.memref_slice %arg2[%add3A_148, %dma_start3A_154] : memref<32768x100xi32, #tpu.memory_space<hbm>> -> memref<256x100xi32, #tpu.memory_space<hbm>>
    %dma_start3A_156 = arith.constant 0 : i32
    %dma_start3A_157 = arith.constant 0 : i32
    %dma_start3A_158 = tpu.memref_slice %arg5[%dma_start3A_149, %dma_start3A_156, %dma_start3A_157] : memref<2x256x100xi32, #tpu.memory_space<vmem>> -> memref<1x256x100xi32, #tpu.memory_space<vmem>>
    %dma_start3A_159 = tpu.memref_squeeze %dma_start3A_158 : memref<1x256x100xi32, #tpu.memory_space<vmem>> -> memref<256x100xi32, #tpu.memory_space<vmem>>
    %dma_start3A_160 = arith.constant 0 : i32
    %dma_start3A_161 = tpu.memref_slice %arg2[%add3A_148, %dma_start3A_160] : memref<32768x100xi32, #tpu.memory_space<hbm>> -> memref<256x100xi32, #tpu.memory_space<hbm>>
    tpu.enqueue_dma source(%dma_start3A_161 : memref<256x100xi32, #tpu.memory_space<hbm>>) target(%dma_start3A_159 : memref<256x100xi32, #tpu.memory_space<vmem>>) target_semaphore(%arg12 : memref<!tpu.dma_semaphore, #tpu.memory_space<semaphore_mem>>)
    %dma_wait3A_162 = arith.constant 0 : i32
    %dma_wait3A_163 = arith.constant 0 : i32
    %dma_wait3A_164 = arith.constant 0 : i32
    %dma_wait3A_165 = tpu.memref_slice %arg5[%dma_wait3A_162, %dma_wait3A_163, %dma_wait3A_164] : memref<2x256x100xi32, #tpu.memory_space<vmem>> -> memref<1x256x100xi32, #tpu.memory_space<vmem>>
    %dma_wait3A_166 = tpu.memref_squeeze %dma_wait3A_165 : memref<1x256x100xi32, #tpu.memory_space<vmem>> -> memref<256x100xi32, #tpu.memory_space<vmem>>
    %dma_wait3A_167 = arith.constant 0 : i32
    %dma_wait3A_168 = arith.constant 0 : i32
    %dma_wait3A_169 = tpu.memref_slice %arg2[%dma_wait3A_167, %dma_wait3A_168] : memref<32768x100xi32, #tpu.memory_space<hbm>> -> memref<256x100xi32, #tpu.memory_space<hbm>>
    %dma_wait3A_170 = arith.constant 0 : i32
    %dma_wait3A_171 = arith.constant 0 : i32
    %dma_wait3A_172 = tpu.memref_slice %arg5[%dma_wait3A_162, %dma_wait3A_170, %dma_wait3A_171] : memref<2x256x100xi32, #tpu.memory_space<vmem>> -> memref<1x256x100xi32, #tpu.memory_space<vmem>>
    %dma_wait3A_173 = tpu.memref_squeeze %dma_wait3A_172 : memref<1x256x100xi32, #tpu.memory_space<vmem>> -> memref<256x100xi32, #tpu.memory_space<vmem>>
    %dma_wait3A_174 = arith.constant 0 : i32
    %dma_wait3A_175 = arith.constant 0 : i32
    %dma_wait3A_176 = tpu.memref_slice %arg2[%dma_wait3A_174, %dma_wait3A_175] : memref<32768x100xi32, #tpu.memory_space<hbm>> -> memref<256x100xi32, #tpu.memory_space<hbm>>
    tpu.wait_dma2 semaphore(%arg12 : memref<!tpu.dma_semaphore, #tpu.memory_space<semaphore_mem>>) src(%dma_wait3A_176 : memref<256x100xi32, #tpu.memory_space<hbm>>) dst(%dma_wait3A_173 : memref<256x100xi32, #tpu.memory_space<vmem>>)
    %scan3A_177 = arith.constant 0 : i32
    %scan3A_178 = arith.constant 32 : i32
    %scan3A_179 = arith.addi %scan3A_177, %scan3A_178 : i32
    %scan3A_180 = arith.constant 1 : i32
    scf.for %scan3A_224 = %scan3A_177 to %scan3A_179 step %scan3A_180  : i32 {
      %mul3A_225 = arith.constant 4 : i32
      %mul3A_226 = arith.muli %scan3A_224, %mul3A_225 : i32
      %add3A_227 = arith.constant 0 : i32
      %add3A_228 = arith.addi %add3A_227, %mul3A_226 : i32
      %add3A_229 = arith.constant 0 : i32
      %add3A_230 = arith.addi %add3A_228, %add3A_229 : i32
      %add3A_231 = arith.constant 4 : i32
      %add3A_232 = arith.addi %add3A_230, %add3A_231 : i32
      %sub3A = arith.constant 1 : i32
      %sub3A_233 = arith.subi %add3A_232, %sub3A : i32
      %lt3A = arith.constant 128 : i32
      %lt3A_234 = arith.cmpi slt, %sub3A_233, %lt3A : i32
      %convert_element_type3A = arith.extui %lt3A_234 : i1 to i32
      %cond3A = arith.constant 0 : i32
      %cond3A_235 = arith.cmpi ne, %convert_element_type3A, %cond3A : i32
      scf.if %cond3A_235 {
        %mul3A_584 = arith.constant 2 : i32
        %mul3A_585 = arith.muli %mul3A_584, %sub3A_233 : i32
        %dma_start3A_586 = arith.constant 1 : i32
        %dma_start3A_587 = arith.constant 3 : i32
        %dma_start3A_588 = arith.constant 0 : i32
        %dma_start3A_589 = arith.constant 0 : i32
        %dma_start3A_590 = tpu.memref_slice %arg6[%dma_start3A_587, %dma_start3A_588, %dma_start3A_589] : memref<4x200x64xf32, #tpu.memory_space<vmem>> -> memref<1x100x64xf32, #tpu.memory_space<vmem>>
        %dma_start3A_591 = tpu.memref_squeeze %dma_start3A_590 : memref<1x100x64xf32, #tpu.memory_space<vmem>> -> memref<100x64xf32, #tpu.memory_space<vmem>>
        %dma_start3A_592 = arith.constant 0 : i32
        %dma_start3A_593 = tpu.memref_slice %arg5[%dma_start3A_586, %mul3A_585, %dma_start3A_592] : memref<2x256x100xi32, #tpu.memory_space<vmem>> -> memref<1x1x100xi32, #tpu.memory_space<vmem>>
        %dma_start3A_594 = tpu.memref_squeeze %dma_start3A_593 : memref<1x1x100xi32, #tpu.memory_space<vmem>> -> memref<100xi32, #tpu.memory_space<vmem>>
        %dma_start3A_595 = arith.constant 0 : i32
        %dma_start3A_596 = arith.constant 0 : i32
        %dma_start3A_597 = tpu.memref_slice %arg3[%dma_start3A_595, %dma_start3A_596] : memref<1000000x64xf32, #tpu.memory_space<hbm>> -> memref<1000000x64xf32, #tpu.memory_space<hbm>>
        tpu.enqueue_indirect_dma source(%dma_start3A_597 : memref<1000000x64xf32, #tpu.memory_space<hbm>>) target(%dma_start3A_591 : memref<100x64xf32, #tpu.memory_space<vmem>>) offsets(%dma_start3A_594 : memref<100xi32, #tpu.memory_space<vmem>>) semaphore(%arg11 : memref<!tpu.dma_semaphore, #tpu.memory_space<semaphore_mem>>)
        %mul3A_598 = arith.constant 2 : i32
        %mul3A_599 = arith.muli %mul3A_598, %sub3A_233 : i32
        %add3A_600 = arith.constant 1 : i32
        %add3A_601 = arith.addi %mul3A_599, %add3A_600 : i32
        %dma_start3A_602 = arith.constant 1 : i32
        %dma_start3A_603 = arith.constant 3 : i32
        %dma_start3A_604 = arith.constant 100 : i32
        %dma_start3A_605 = arith.constant 0 : i32
        %dma_start3A_606 = tpu.memref_slice %arg6[%dma_start3A_603, %dma_start3A_604, %dma_start3A_605] : memref<4x200x64xf32, #tpu.memory_space<vmem>> -> memref<1x100x64xf32, #tpu.memory_space<vmem>>
        %dma_start3A_607 = tpu.memref_squeeze %dma_start3A_606 : memref<1x100x64xf32, #tpu.memory_space<vmem>> -> memref<100x64xf32, #tpu.memory_space<vmem>>
        %dma_start3A_608 = arith.constant 0 : i32
        %dma_start3A_609 = tpu.memref_slice %arg5[%dma_start3A_602, %add3A_601, %dma_start3A_608] : memref<2x256x100xi32, #tpu.memory_space<vmem>> -> memref<1x1x100xi32, #tpu.memory_space<vmem>>
        %dma_start3A_610 = tpu.memref_squeeze %dma_start3A_609 : memref<1x1x100xi32, #tpu.memory_space<vmem>> -> memref<100xi32, #tpu.memory_space<vmem>>
        %dma_start3A_611 = arith.constant 0 : i32
        %dma_start3A_612 = arith.constant 0 : i32
        %dma_start3A_613 = tpu.memref_slice %arg3[%dma_start3A_611, %dma_start3A_612] : memref<1000000x64xf32, #tpu.memory_space<hbm>> -> memref<1000000x64xf32, #tpu.memory_space<hbm>>
        tpu.enqueue_indirect_dma source(%dma_start3A_613 : memref<1000000x64xf32, #tpu.memory_space<hbm>>) target(%dma_start3A_607 : memref<100x64xf32, #tpu.memory_space<vmem>>) offsets(%dma_start3A_610 : memref<100xi32, #tpu.memory_space<vmem>>) semaphore(%arg11 : memref<!tpu.dma_semaphore, #tpu.memory_space<semaphore_mem>>)
      } else {
      }
      %ge3A = arith.constant 128 : i32
      %ge3A_236 = arith.cmpi sge, %sub3A_233, %ge3A : i32
      %convert_element_type3A_237 = arith.extui %ge3A_236 : i1 to i32
      %cond3A_238 = arith.constant 0 : i32
      %cond3A_239 = arith.cmpi ne, %convert_element_type3A_237, %cond3A_238 : i32
      scf.if %cond3A_239 {
        %sub3A_584 = arith.constant 128 : i32
        %sub3A_585 = arith.subi %sub3A_233, %sub3A_584 : i32
        %mul3A_586 = arith.constant 2 : i32
        %mul3A_587 = arith.muli %mul3A_586, %sub3A_585 : i32
        %dma_start3A_588 = arith.constant 0 : i32
        %dma_start3A_589 = arith.constant 3 : i32
        %dma_start3A_590 = arith.constant 0 : i32
        %dma_start3A_591 = arith.constant 0 : i32
        %dma_start3A_592 = tpu.memref_slice %arg6[%dma_start3A_589, %dma_start3A_590, %dma_start3A_591] : memref<4x200x64xf32, #tpu.memory_space<vmem>> -> memref<1x100x64xf32, #tpu.memory_space<vmem>>
        %dma_start3A_593 = tpu.memref_squeeze %dma_start3A_592 : memref<1x100x64xf32, #tpu.memory_space<vmem>> -> memref<100x64xf32, #tpu.memory_space<vmem>>
        %dma_start3A_594 = arith.constant 0 : i32
        %dma_start3A_595 = tpu.memref_slice %arg5[%dma_start3A_588, %mul3A_587, %dma_start3A_594] : memref<2x256x100xi32, #tpu.memory_space<vmem>> -> memref<1x1x100xi32, #tpu.memory_space<vmem>>
        %dma_start3A_596 = tpu.memref_squeeze %dma_start3A_595 : memref<1x1x100xi32, #tpu.memory_space<vmem>> -> memref<100xi32, #tpu.memory_space<vmem>>
        %dma_start3A_597 = arith.constant 0 : i32
        %dma_start3A_598 = arith.constant 0 : i32
        %dma_start3A_599 = tpu.memref_slice %arg3[%dma_start3A_597, %dma_start3A_598] : memref<1000000x64xf32, #tpu.memory_space<hbm>> -> memref<1000000x64xf32, #tpu.memory_space<hbm>>
        tpu.enqueue_indirect_dma source(%dma_start3A_599 : memref<1000000x64xf32, #tpu.memory_space<hbm>>) target(%dma_start3A_593 : memref<100x64xf32, #tpu.memory_space<vmem>>) offsets(%dma_start3A_596 : memref<100xi32, #tpu.memory_space<vmem>>) semaphore(%arg11 : memref<!tpu.dma_semaphore, #tpu.memory_space<semaphore_mem>>)
        %mul3A_600 = arith.constant 2 : i32
        %mul3A_601 = arith.muli %mul3A_600, %sub3A_585 : i32
        %add3A_602 = arith.constant 1 : i32
        %add3A_603 = arith.addi %mul3A_601, %add3A_602 : i32
        %dma_start3A_604 = arith.constant 0 : i32
        %dma_start3A_605 = arith.constant 3 : i32
        %dma_start3A_606 = arith.constant 100 : i32
        %dma_start3A_607 = arith.constant 0 : i32
        %dma_start3A_608 = tpu.memref_slice %arg6[%dma_start3A_605, %dma_start3A_606, %dma_start3A_607] : memref<4x200x64xf32, #tpu.memory_space<vmem>> -> memref<1x100x64xf32, #tpu.memory_space<vmem>>
        %dma_start3A_609 = tpu.memref_squeeze %dma_start3A_608 : memref<1x100x64xf32, #tpu.memory_space<vmem>> -> memref<100x64xf32, #tpu.memory_space<vmem>>
        %dma_start3A_610 = arith.constant 0 : i32
        %dma_start3A_611 = tpu.memref_slice %arg5[%dma_start3A_604, %add3A_603, %dma_start3A_610] : memref<2x256x100xi32, #tpu.memory_space<vmem>> -> memref<1x1x100xi32, #tpu.memory_space<vmem>>
        %dma_start3A_612 = tpu.memref_squeeze %dma_start3A_611 : memref<1x1x100xi32, #tpu.memory_space<vmem>> -> memref<100xi32, #tpu.memory_space<vmem>>
        %dma_start3A_613 = arith.constant 0 : i32
        %dma_start3A_614 = arith.constant 0 : i32
        %dma_start3A_615 = tpu.memref_slice %arg3[%dma_start3A_613, %dma_start3A_614] : memref<1000000x64xf32, #tpu.memory_space<hbm>> -> memref<1000000x64xf32, #tpu.memory_space<hbm>>
        tpu.enqueue_indirect_dma source(%dma_start3A_615 : memref<1000000x64xf32, #tpu.memory_space<hbm>>) target(%dma_start3A_609 : memref<100x64xf32, #tpu.memory_space<vmem>>) offsets(%dma_start3A_612 : memref<100xi32, #tpu.memory_space<vmem>>) semaphore(%arg11 : memref<!tpu.dma_semaphore, #tpu.memory_space<semaphore_mem>>)
      } else {
      }
      %dma_wait3A_240 = arith.constant 0 : i32
      %dma_wait3A_241 = arith.constant 0 : i32
      %dma_wait3A_242 = arith.constant 0 : i32
      %dma_wait3A_243 = tpu.memref_slice %arg6[%dma_wait3A_240, %dma_wait3A_241, %dma_wait3A_242] : memref<4x200x64xf32, #tpu.memory_space<vmem>> -> memref<1x200x64xf32, #tpu.memory_space<vmem>>
      %dma_wait3A_244 = tpu.memref_squeeze %dma_wait3A_243 : memref<1x200x64xf32, #tpu.memory_space<vmem>> -> memref<200x64xf32, #tpu.memory_space<vmem>>
      %dma_wait3A_245 = arith.constant 0 : i32
      %dma_wait3A_246 = arith.constant 0 : i32
      %dma_wait3A_247 = tpu.memref_slice %arg3[%dma_wait3A_245, %dma_wait3A_246] : memref<1000000x64xf32, #tpu.memory_space<hbm>> -> memref<200x64xf32, #tpu.memory_space<hbm>>
      %dma_wait3A_248 = arith.constant 0 : i32
      %dma_wait3A_249 = arith.constant 0 : i32
      %dma_wait3A_250 = tpu.memref_slice %arg6[%dma_wait3A_240, %dma_wait3A_248, %dma_wait3A_249] : memref<4x200x64xf32, #tpu.memory_space<vmem>> -> memref<1x200x64xf32, #tpu.memory_space<vmem>>
      %dma_wait3A_251 = tpu.memref_squeeze %dma_wait3A_250 : memref<1x200x64xf32, #tpu.memory_space<vmem>> -> memref<200x64xf32, #tpu.memory_space<vmem>>
      %dma_wait3A_252 = arith.constant 0 : i32
      %dma_wait3A_253 = arith.constant 0 : i32
      %dma_wait3A_254 = tpu.memref_slice %arg3[%dma_wait3A_252, %dma_wait3A_253] : memref<1000000x64xf32, #tpu.memory_space<hbm>> -> memref<200x64xf32, #tpu.memory_space<hbm>>
      tpu.wait_dma2 semaphore(%arg8 : memref<!tpu.dma_semaphore, #tpu.memory_space<semaphore_mem>>) src(%dma_wait3A_254 : memref<200x64xf32, #tpu.memory_space<hbm>>) dst(%dma_wait3A_251 : memref<200x64xf32, #tpu.memory_space<vmem>>)
      %add3A_255 = arith.constant 0 : i32
      %add3A_256 = arith.addi %add3A_228, %add3A_255 : i32
      %broadcast_in_dim3A = arith.constant 0.000000e+00 : f32
      %broadcast_in_dim3A_257 = vector.broadcast %broadcast_in_dim3A : f32 to vector<16xf32>
      %parallel_loop3A = arith.constant 0 : i32
      %parallel_loop3A_258 = arith.constant 200 : i32
      %parallel_loop3A_259 = arith.constant 1 : i32
      %parallel_loop3A_260:4 = scf.for %parallel_loop3A_584 = %parallel_loop3A to %parallel_loop3A_258 step %parallel_loop3A_259 iter_args(%parallel_loop3A_585 = %broadcast_in_dim3A_257, %parallel_loop3A_586 = %broadcast_in_dim3A_257, %parallel_loop3A_587 = %broadcast_in_dim3A_257, %parallel_loop3A_588 = %broadcast_in_dim3A_257) -> (vector<16xf32>, vector<16xf32>, vector<16xf32>, vector<16xf32>)  : i32 {
        %parallel_loop3A_589 = arith.constant 0 : i32
        %parallel_loop3A_590 = arith.index_cast %parallel_loop3A_589 : i32 to index
        %parallel_loop3A_591 = arith.index_cast %parallel_loop3A_584 : i32 to index
        %parallel_loop3A_592 = arith.constant 0 : index
        %parallel_loop3A_593 = tpu.vector_load %arg6[%parallel_loop3A_590, %parallel_loop3A_591, %parallel_loop3A_592] {strides = array<i32>} : memref<4x200x64xf32, #tpu.memory_space<vmem>>, vector<1x1x16xf32>,
        %parallel_loop3A_594 = vector.shape_cast %parallel_loop3A_593 : vector<1x1x16xf32> to vector<16xf32>
        %parallel_loop3A_595 = arith.constant 0 : i32
        %parallel_loop3A_596 = arith.index_cast %parallel_loop3A_595 : i32 to index
        %parallel_loop3A_597 = arith.index_cast %parallel_loop3A_584 : i32 to index
        %parallel_loop3A_598 = arith.constant 16 : index
        %parallel_loop3A_599 = tpu.vector_load %arg6[%parallel_loop3A_596, %parallel_loop3A_597, %parallel_loop3A_598] {strides = array<i32>} : memref<4x200x64xf32, #tpu.memory_space<vmem>>, vector<1x1x16xf32>,
        %parallel_loop3A_600 = vector.shape_cast %parallel_loop3A_599 : vector<1x1x16xf32> to vector<16xf32>
        %parallel_loop3A_601 = arith.constant 0 : i32
        %parallel_loop3A_602 = arith.index_cast %parallel_loop3A_601 : i32 to index
        %parallel_loop3A_603 = arith.index_cast %parallel_loop3A_584 : i32 to index
        %parallel_loop3A_604 = arith.constant 32 : index
        %parallel_loop3A_605 = tpu.vector_load %arg6[%parallel_loop3A_602, %parallel_loop3A_603, %parallel_loop3A_604] {strides = array<i32>} : memref<4x200x64xf32, #tpu.memory_space<vmem>>, vector<1x1x16xf32>,
        %parallel_loop3A_606 = vector.shape_cast %parallel_loop3A_605 : vector<1x1x16xf32> to vector<16xf32>
        %parallel_loop3A_607 = arith.constant 0 : i32
        %parallel_loop3A_608 = arith.index_cast %parallel_loop3A_607 : i32 to index
        %parallel_loop3A_609 = arith.index_cast %parallel_loop3A_584 : i32 to index
        %parallel_loop3A_610 = arith.constant 48 : index
        %parallel_loop3A_611 = tpu.vector_load %arg6[%parallel_loop3A_608, %parallel_loop3A_609, %parallel_loop3A_610] {strides = array<i32>} : memref<4x200x64xf32, #tpu.memory_space<vmem>>, vector<1x1x16xf32>,
        %parallel_loop3A_612 = vector.shape_cast %parallel_loop3A_611 : vector<1x1x16xf32> to vector<16xf32>
        %parallel_loop3A_613 = arith.addf %parallel_loop3A_585, %parallel_loop3A_594 : vector<16xf32>
        %parallel_loop3A_614 = arith.addf %parallel_loop3A_586, %parallel_loop3A_600 : vector<16xf32>
        %parallel_loop3A_615 = arith.addf %parallel_loop3A_587, %parallel_loop3A_606 : vector<16xf32>
        %parallel_loop3A_616 = arith.addf %parallel_loop3A_588, %parallel_loop3A_612 : vector<16xf32>
        scf.yield %parallel_loop3A_613, %parallel_loop3A_614, %parallel_loop3A_615, %parallel_loop3A_616 : vector<16xf32>, vector<16xf32>, vector<16xf32>, vector<16xf32>
      } {sc.loop_unroll_factor = 8 : i64, sc.parallel_access}
      %jit3A = arith.constant 128 : i32
      %eq3A = arith.constant 0 : i32
      %eq3A_261 = arith.cmpi eq, %jit3A, %eq3A : i32
      %jit3A_262 = arith.constant 1 : i32
      %select_n3A = arith.select %eq3A_261, %jit3A_262, %jit3A : i32
      %rem3A = arith.remsi %add3A_256, %select_n3A : i32
      %ne3A = arith.constant 0 : i32
      %ne3A_263 = arith.cmpi ne, %rem3A, %ne3A : i32
      %lt3A_264 = arith.constant 0 : i32
      %lt3A_265 = arith.cmpi slt, %rem3A, %lt3A_264 : i32
      %lt3A_266 = arith.constant 0 : i32
      %lt3A_267 = arith.cmpi slt, %select_n3A, %lt3A_266 : i32
      %ne3A_268 = arith.xori %lt3A_265, %lt3A_267 : i1
      %and3A = arith.andi %ne3A_268, %ne3A_263 : i1
      %add3A_269 = arith.addi %rem3A, %select_n3A : i32
      %select_n3A_270 = arith.select %and3A, %add3A_269, %rem3A : i32
      %mul3A_271 = arith.constant 5.000000e-03 : f32
      %mul3A_272 = vector.broadcast %mul3A_271 : f32 to vector<16xf32>
      %mul3A_273 = arith.mulf %parallel_loop3A_260#0, %mul3A_272 : vector<16xf32>
      %swap3A = arith.index_cast %select_n3A_270 : i32 to index
      %swap3A_274 = arith.constant 0 : index
      %swap3A_275 = tpu.vector_load %arg7[%swap3A, %swap3A_274] {strides = array<i32>} : memref<128x64xf32, #tpu.memory_space<vmem>>, vector<1x16xf32>,
      %swap3A_276 = vector.shape_cast %swap3A_275 : vector<1x16xf32> to vector<16xf32>
      %swap3A_277 = vector.shape_cast %mul3A_273 : vector<16xf32> to vector<1x16xf32>
      tpu.vector_store %arg7[%swap3A, %swap3A_274], %swap3A_277 {strides = array<i32>} : memref<128x64xf32, #tpu.memory_space<vmem>>, vector<1x16xf32>,
      %mul3A_278 = arith.constant 5.000000e-03 : f32
      %mul3A_279 = vector.broadcast %mul3A_278 : f32 to vector<16xf32>
      %mul3A_280 = arith.mulf %parallel_loop3A_260#1, %mul3A_279 : vector<16xf32>
      %swap3A_281 = arith.index_cast %select_n3A_270 : i32 to index
      %swap3A_282 = arith.constant 16 : index
      %swap3A_283 = tpu.vector_load %arg7[%swap3A_281, %swap3A_282] {strides = array<i32>} : memref<128x64xf32, #tpu.memory_space<vmem>>, vector<1x16xf32>,
      %swap3A_284 = vector.shape_cast %swap3A_283 : vector<1x16xf32> to vector<16xf32>
      %swap3A_285 = vector.shape_cast %mul3A_280 : vector<16xf32> to vector<1x16xf32>
      tpu.vector_store %arg7[%swap3A_281, %swap3A_282], %swap3A_285 {strides = array<i32>} : memref<128x64xf32, #tpu.memory_space<vmem>>, vector<1x16xf32>,
      %mul3A_286 = arith.constant 5.000000e-03 : f32
      %mul3A_287 = vector.broadcast %mul3A_286 : f32 to vector<16xf32>
      %mul3A_288 = arith.mulf %parallel_loop3A_260#2, %mul3A_287 : vector<16xf32>
      %swap3A_289 = arith.index_cast %select_n3A_270 : i32 to index
      %swap3A_290 = arith.constant 32 : index
      %swap3A_291 = tpu.vector_load %arg7[%swap3A_289, %swap3A_290] {strides = array<i32>} : memref<128x64xf32, #tpu.memory_space<vmem>>, vector<1x16xf32>,
      %swap3A_292 = vector.shape_cast %swap3A_291 : vector<1x16xf32> to vector<16xf32>
      %swap3A_293 = vector.shape_cast %mul3A_288 : vector<16xf32> to vector<1x16xf32>
      tpu.vector_store %arg7[%swap3A_289, %swap3A_290], %swap3A_293 {strides = array<i32>} : memref<128x64xf32, #tpu.memory_space<vmem>>, vector<1x16xf32>,
      %mul3A_294 = arith.constant 5.000000e-03 : f32
      %mul3A_295 = vector.broadcast %mul3A_294 : f32 to vector<16xf32>
      %mul3A_296 = arith.mulf %parallel_loop3A_260#3, %mul3A_295 : vector<16xf32>
      %swap3A_297 = arith.index_cast %select_n3A_270 : i32 to index
      %swap3A_298 = arith.constant 48 : index
      %swap3A_299 = tpu.vector_load %arg7[%swap3A_297, %swap3A_298] {strides = array<i32>} : memref<128x64xf32, #tpu.memory_space<vmem>>, vector<1x16xf32>,
      %swap3A_300 = vector.shape_cast %swap3A_299 : vector<1x16xf32> to vector<16xf32>
      %swap3A_301 = vector.shape_cast %mul3A_296 : vector<16xf32> to vector<1x16xf32>
      tpu.vector_store %arg7[%swap3A_297, %swap3A_298], %swap3A_301 {strides = array<i32>} : memref<128x64xf32, #tpu.memory_space<vmem>>, vector<1x16xf32>,
      %add3A_302 = arith.constant 1 : i32
      %add3A_303 = arith.addi %add3A_228, %add3A_302 : i32
      %add3A_304 = arith.constant 4 : i32
      %add3A_305 = arith.addi %add3A_303, %add3A_304 : i32
      %sub3A_306 = arith.constant 1 : i32
      %sub3A_307 = arith.subi %add3A_305, %sub3A_306 : i32
      %lt3A_308 = arith.constant 128 : i32
      %lt3A_309 = arith.cmpi slt, %sub3A_307, %lt3A_308 : i32
      %convert_element_type3A_310 = arith.extui %lt3A_309 : i1 to i32
      %cond3A_311 = arith.constant 0 : i32
      %cond3A_312 = arith.cmpi ne, %convert_element_type3A_310, %cond3A_311 : i32
      scf.if %cond3A_312 {
        %mul3A_584 = arith.constant 2 : i32
        %mul3A_585 = arith.muli %mul3A_584, %sub3A_307 : i32
        %dma_start3A_586 = arith.constant 1 : i32
        %dma_start3A_587 = arith.constant 0 : i32
        %dma_start3A_588 = arith.constant 0 : i32
        %dma_start3A_589 = arith.constant 0 : i32
        %dma_start3A_590 = tpu.memref_slice %arg6[%dma_start3A_587, %dma_start3A_588, %dma_start3A_589] : memref<4x200x64xf32, #tpu.memory_space<vmem>> -> memref<1x100x64xf32, #tpu.memory_space<vmem>>
        %dma_start3A_591 = tpu.memref_squeeze %dma_start3A_590 : memref<1x100x64xf32, #tpu.memory_space<vmem>> -> memref<100x64xf32, #tpu.memory_space<vmem>>
        %dma_start3A_592 = arith.constant 0 : i32
        %dma_start3A_593 = tpu.memref_slice %arg5[%dma_start3A_586, %mul3A_585, %dma_start3A_592] : memref<2x256x100xi32, #tpu.memory_space<vmem>> -> memref<1x1x100xi32, #tpu.memory_space<vmem>>
        %dma_start3A_594 = tpu.memref_squeeze %dma_start3A_593 : memref<1x1x100xi32, #tpu.memory_space<vmem>> -> memref<100xi32, #tpu.memory_space<vmem>>
        %dma_start3A_595 = arith.constant 0 : i32
        %dma_start3A_596 = arith.constant 0 : i32
        %dma_start3A_597 = tpu.memref_slice %arg3[%dma_start3A_595, %dma_start3A_596] : memref<1000000x64xf32, #tpu.memory_space<hbm>> -> memref<1000000x64xf32, #tpu.memory_space<hbm>>
        tpu.enqueue_indirect_dma source(%dma_start3A_597 : memref<1000000x64xf32, #tpu.memory_space<hbm>>) target(%dma_start3A_591 : memref<100x64xf32, #tpu.memory_space<vmem>>) offsets(%dma_start3A_594 : memref<100xi32, #tpu.memory_space<vmem>>) semaphore(%arg8 : memref<!tpu.dma_semaphore, #tpu.memory_space<semaphore_mem>>)
        %mul3A_598 = arith.constant 2 : i32
        %mul3A_599 = arith.muli %mul3A_598, %sub3A_307 : i32
        %add3A_600 = arith.constant 1 : i32
        %add3A_601 = arith.addi %mul3A_599, %add3A_600 : i32
        %dma_start3A_602 = arith.constant 1 : i32
        %dma_start3A_603 = arith.constant 0 : i32
        %dma_start3A_604 = arith.constant 100 : i32
        %dma_start3A_605 = arith.constant 0 : i32
        %dma_start3A_606 = tpu.memref_slice %arg6[%dma_start3A_603, %dma_start3A_604, %dma_start3A_605] : memref<4x200x64xf32, #tpu.memory_space<vmem>> -> memref<1x100x64xf32, #tpu.memory_space<vmem>>
        %dma_start3A_607 = tpu.memref_squeeze %dma_start3A_606 : memref<1x100x64xf32, #tpu.memory_space<vmem>> -> memref<100x64xf32, #tpu.memory_space<vmem>>
        %dma_start3A_608 = arith.constant 0 : i32
        %dma_start3A_609 = tpu.memref_slice %arg5[%dma_start3A_602, %add3A_601, %dma_start3A_608] : memref<2x256x100xi32, #tpu.memory_space<vmem>> -> memref<1x1x100xi32, #tpu.memory_space<vmem>>
        %dma_start3A_610 = tpu.memref_squeeze %dma_start3A_609 : memref<1x1x100xi32, #tpu.memory_space<vmem>> -> memref<100xi32, #tpu.memory_space<vmem>>
        %dma_start3A_611 = arith.constant 0 : i32
        %dma_start3A_612 = arith.constant 0 : i32
        %dma_start3A_613 = tpu.memref_slice %arg3[%dma_start3A_611, %dma_start3A_612] : memref<1000000x64xf32, #tpu.memory_space<hbm>> -> memref<1000000x64xf32, #tpu.memory_space<hbm>>
        tpu.enqueue_indirect_dma source(%dma_start3A_613 : memref<1000000x64xf32, #tpu.memory_space<hbm>>) target(%dma_start3A_607 : memref<100x64xf32, #tpu.memory_space<vmem>>) offsets(%dma_start3A_610 : memref<100xi32, #tpu.memory_space<vmem>>) semaphore(%arg8 : memref<!tpu.dma_semaphore, #tpu.memory_space<semaphore_mem>>)
      } else {
      }
      %ge3A_313 = arith.constant 128 : i32
      %ge3A_314 = arith.cmpi sge, %sub3A_307, %ge3A_313 : i32
      %convert_element_type3A_315 = arith.extui %ge3A_314 : i1 to i32
      %cond3A_316 = arith.constant 0 : i32
      %cond3A_317 = arith.cmpi ne, %convert_element_type3A_315, %cond3A_316 : i32
      scf.if %cond3A_317 {
        %sub3A_584 = arith.constant 128 : i32
        %sub3A_585 = arith.subi %sub3A_307, %sub3A_584 : i32
        %mul3A_586 = arith.constant 2 : i32
        %mul3A_587 = arith.muli %mul3A_586, %sub3A_585 : i32
        %dma_start3A_588 = arith.constant 0 : i32
        %dma_start3A_589 = arith.constant 0 : i32
        %dma_start3A_590 = arith.constant 0 : i32
        %dma_start3A_591 = arith.constant 0 : i32
        %dma_start3A_592 = tpu.memref_slice %arg6[%dma_start3A_589, %dma_start3A_590, %dma_start3A_591] : memref<4x200x64xf32, #tpu.memory_space<vmem>> -> memref<1x100x64xf32, #tpu.memory_space<vmem>>
        %dma_start3A_593 = tpu.memref_squeeze %dma_start3A_592 : memref<1x100x64xf32, #tpu.memory_space<vmem>> -> memref<100x64xf32, #tpu.memory_space<vmem>>
        %dma_start3A_594 = arith.constant 0 : i32
        %dma_start3A_595 = tpu.memref_slice %arg5[%dma_start3A_588, %mul3A_587, %dma_start3A_594] : memref<2x256x100xi32, #tpu.memory_space<vmem>> -> memref<1x1x100xi32, #tpu.memory_space<vmem>>
        %dma_start3A_596 = tpu.memref_squeeze %dma_start3A_595 : memref<1x1x100xi32, #tpu.memory_space<vmem>> -> memref<100xi32, #tpu.memory_space<vmem>>
        %dma_start3A_597 = arith.constant 0 : i32
        %dma_start3A_598 = arith.constant 0 : i32
        %dma_start3A_599 = tpu.memref_slice %arg3[%dma_start3A_597, %dma_start3A_598] : memref<1000000x64xf32, #tpu.memory_space<hbm>> -> memref<1000000x64xf32, #tpu.memory_space<hbm>>
        tpu.enqueue_indirect_dma source(%dma_start3A_599 : memref<1000000x64xf32, #tpu.memory_space<hbm>>) target(%dma_start3A_593 : memref<100x64xf32, #tpu.memory_space<vmem>>) offsets(%dma_start3A_596 : memref<100xi32, #tpu.memory_space<vmem>>) semaphore(%arg8 : memref<!tpu.dma_semaphore, #tpu.memory_space<semaphore_mem>>)
        %mul3A_600 = arith.constant 2 : i32
        %mul3A_601 = arith.muli %mul3A_600, %sub3A_585 : i32
        %add3A_602 = arith.constant 1 : i32
        %add3A_603 = arith.addi %mul3A_601, %add3A_602 : i32
        %dma_start3A_604 = arith.constant 0 : i32
        %dma_start3A_605 = arith.constant 0 : i32
        %dma_start3A_606 = arith.constant 100 : i32
        %dma_start3A_607 = arith.constant 0 : i32
        %dma_start3A_608 = tpu.memref_slice %arg6[%dma_start3A_605, %dma_start3A_606, %dma_start3A_607] : memref<4x200x64xf32, #tpu.memory_space<vmem>> -> memref<1x100x64xf32, #tpu.memory_space<vmem>>
        %dma_start3A_609 = tpu.memref_squeeze %dma_start3A_608 : memref<1x100x64xf32, #tpu.memory_space<vmem>> -> memref<100x64xf32, #tpu.memory_space<vmem>>
        %dma_start3A_610 = arith.constant 0 : i32
        %dma_start3A_611 = tpu.memref_slice %arg5[%dma_start3A_604, %add3A_603, %dma_start3A_610] : memref<2x256x100xi32, #tpu.memory_space<vmem>> -> memref<1x1x100xi32, #tpu.memory_space<vmem>>
        %dma_start3A_612 = tpu.memref_squeeze %dma_start3A_611 : memref<1x1x100xi32, #tpu.memory_space<vmem>> -> memref<100xi32, #tpu.memory_space<vmem>>
        %dma_start3A_613 = arith.constant 0 : i32
        %dma_start3A_614 = arith.constant 0 : i32
        %dma_start3A_615 = tpu.memref_slice %arg3[%dma_start3A_613, %dma_start3A_614] : memref<1000000x64xf32, #tpu.memory_space<hbm>> -> memref<1000000x64xf32, #tpu.memory_space<hbm>>
        tpu.enqueue_indirect_dma source(%dma_start3A_615 : memref<1000000x64xf32, #tpu.memory_space<hbm>>) target(%dma_start3A_609 : memref<100x64xf32, #tpu.memory_space<vmem>>) offsets(%dma_start3A_612 : memref<100xi32, #tpu.memory_space<vmem>>) semaphore(%arg8 : memref<!tpu.dma_semaphore, #tpu.memory_space<semaphore_mem>>)
      } else {
      }
      %dma_wait3A_318 = arith.constant 1 : i32
      %dma_wait3A_319 = arith.constant 0 : i32
      %dma_wait3A_320 = arith.constant 0 : i32
      %dma_wait3A_321 = tpu.memref_slice %arg6[%dma_wait3A_318, %dma_wait3A_319, %dma_wait3A_320] : memref<4x200x64xf32, #tpu.memory_space<vmem>> -> memref<1x200x64xf32, #tpu.memory_space<vmem>>
      %dma_wait3A_322 = tpu.memref_squeeze %dma_wait3A_321 : memref<1x200x64xf32, #tpu.memory_space<vmem>> -> memref<200x64xf32, #tpu.memory_space<vmem>>
      %dma_wait3A_323 = arith.constant 0 : i32
      %dma_wait3A_324 = arith.constant 0 : i32
      %dma_wait3A_325 = tpu.memref_slice %arg3[%dma_wait3A_323, %dma_wait3A_324] : memref<1000000x64xf32, #tpu.memory_space<hbm>> -> memref<200x64xf32, #tpu.memory_space<hbm>>
      %dma_wait3A_326 = arith.constant 0 : i32
      %dma_wait3A_327 = arith.constant 0 : i32
      %dma_wait3A_328 = tpu.memref_slice %arg6[%dma_wait3A_318, %dma_wait3A_326, %dma_wait3A_327] : memref<4x200x64xf32, #tpu.memory_space<vmem>> -> memref<1x200x64xf32, #tpu.memory_space<vmem>>
      %dma_wait3A_329 = tpu.memref_squeeze %dma_wait3A_328 : memref<1x200x64xf32, #tpu.memory_space<vmem>> -> memref<200x64xf32, #tpu.memory_space<vmem>>
      %dma_wait3A_330 = arith.constant 0 : i32
      %dma_wait3A_331 = arith.constant 0 : i32
      %dma_wait3A_332 = tpu.memref_slice %arg3[%dma_wait3A_330, %dma_wait3A_331] : memref<1000000x64xf32, #tpu.memory_space<hbm>> -> memref<200x64xf32, #tpu.memory_space<hbm>>
      tpu.wait_dma2 semaphore(%arg9 : memref<!tpu.dma_semaphore, #tpu.memory_space<semaphore_mem>>) src(%dma_wait3A_332 : memref<200x64xf32, #tpu.memory_space<hbm>>) dst(%dma_wait3A_329 : memref<200x64xf32, #tpu.memory_space<vmem>>)
      %add3A_333 = arith.constant 1 : i32
      %add3A_334 = arith.addi %add3A_228, %add3A_333 : i32
      %broadcast_in_dim3A_335 = arith.constant 0.000000e+00 : f32
      %broadcast_in_dim3A_336 = vector.broadcast %broadcast_in_dim3A_335 : f32 to vector<16xf32>
      %parallel_loop3A_337 = arith.constant 0 : i32
      %parallel_loop3A_338 = arith.constant 200 : i32
      %parallel_loop3A_339 = arith.constant 1 : i32
      %parallel_loop3A_340:4 = scf.for %parallel_loop3A_584 = %parallel_loop3A_337 to %parallel_loop3A_338 step %parallel_loop3A_339 iter_args(%parallel_loop3A_585 = %broadcast_in_dim3A_336, %parallel_loop3A_586 = %broadcast_in_dim3A_336, %parallel_loop3A_587 = %broadcast_in_dim3A_336, %parallel_loop3A_588 = %broadcast_in_dim3A_336) -> (vector<16xf32>, vector<16xf32>, vector<16xf32>, vector<16xf32>)  : i32 {
        %parallel_loop3A_589 = arith.constant 1 : i32
        %parallel_loop3A_590 = arith.index_cast %parallel_loop3A_589 : i32 to index
        %parallel_loop3A_591 = arith.index_cast %parallel_loop3A_584 : i32 to index
        %parallel_loop3A_592 = arith.constant 0 : index
        %parallel_loop3A_593 = tpu.vector_load %arg6[%parallel_loop3A_590, %parallel_loop3A_591, %parallel_loop3A_592] {strides = array<i32>} : memref<4x200x64xf32, #tpu.memory_space<vmem>>, vector<1x1x16xf32>,
        %parallel_loop3A_594 = vector.shape_cast %parallel_loop3A_593 : vector<1x1x16xf32> to vector<16xf32>
        %parallel_loop3A_595 = arith.constant 1 : i32
        %parallel_loop3A_596 = arith.index_cast %parallel_loop3A_595 : i32 to index
        %parallel_loop3A_597 = arith.index_cast %parallel_loop3A_584 : i32 to index
        %parallel_loop3A_598 = arith.constant 16 : index
        %parallel_loop3A_599 = tpu.vector_load %arg6[%parallel_loop3A_596, %parallel_loop3A_597, %parallel_loop3A_598] {strides = array<i32>} : memref<4x200x64xf32, #tpu.memory_space<vmem>>, vector<1x1x16xf32>,
        %parallel_loop3A_600 = vector.shape_cast %parallel_loop3A_599 : vector<1x1x16xf32> to vector<16xf32>
        %parallel_loop3A_601 = arith.constant 1 : i32
        %parallel_loop3A_602 = arith.index_cast %parallel_loop3A_601 : i32 to index
        %parallel_loop3A_603 = arith.index_cast %parallel_loop3A_584 : i32 to index
        %parallel_loop3A_604 = arith.constant 32 : index
        %parallel_loop3A_605 = tpu.vector_load %arg6[%parallel_loop3A_602, %parallel_loop3A_603, %parallel_loop3A_604] {strides = array<i32>} : memref<4x200x64xf32, #tpu.memory_space<vmem>>, vector<1x1x16xf32>,
        %parallel_loop3A_606 = vector.shape_cast %parallel_loop3A_605 : vector<1x1x16xf32> to vector<16xf32>
        %parallel_loop3A_607 = arith.constant 1 : i32
        %parallel_loop3A_608 = arith.index_cast %parallel_loop3A_607 : i32 to index
        %parallel_loop3A_609 = arith.index_cast %parallel_loop3A_584 : i32 to index
        %parallel_loop3A_610 = arith.constant 48 : index
        %parallel_loop3A_611 = tpu.vector_load %arg6[%parallel_loop3A_608, %parallel_loop3A_609, %parallel_loop3A_610] {strides = array<i32>} : memref<4x200x64xf32, #tpu.memory_space<vmem>>, vector<1x1x16xf32>,
        %parallel_loop3A_612 = vector.shape_cast %parallel_loop3A_611 : vector<1x1x16xf32> to vector<16xf32>
        %parallel_loop3A_613 = arith.addf %parallel_loop3A_585, %parallel_loop3A_594 : vector<16xf32>
        %parallel_loop3A_614 = arith.addf %parallel_loop3A_586, %parallel_loop3A_600 : vector<16xf32>
        %parallel_loop3A_615 = arith.addf %parallel_loop3A_587, %parallel_loop3A_606 : vector<16xf32>
        %parallel_loop3A_616 = arith.addf %parallel_loop3A_588, %parallel_loop3A_612 : vector<16xf32>
        scf.yield %parallel_loop3A_613, %parallel_loop3A_614, %parallel_loop3A_615, %parallel_loop3A_616 : vector<16xf32>, vector<16xf32>, vector<16xf32>, vector<16xf32>
      } {sc.loop_unroll_factor = 8 : i64, sc.parallel_access}
      %jit3A_341 = arith.constant 128 : i32
      %eq3A_342 = arith.constant 0 : i32
      %eq3A_343 = arith.cmpi eq, %jit3A_341, %eq3A_342 : i32
      %jit3A_344 = arith.constant 1 : i32
      %select_n3A_345 = arith.select %eq3A_343, %jit3A_344, %jit3A_341 : i32
      %rem3A_346 = arith.remsi %add3A_334, %select_n3A_345 : i32
      %ne3A_347 = arith.constant 0 : i32
      %ne3A_348 = arith.cmpi ne, %rem3A_346, %ne3A_347 : i32
      %lt3A_349 = arith.constant 0 : i32
      %lt3A_350 = arith.cmpi slt, %rem3A_346, %lt3A_349 : i32
      %lt3A_351 = arith.constant 0 : i32
      %lt3A_352 = arith.cmpi slt, %select_n3A_345, %lt3A_351 : i32
      %ne3A_353 = arith.xori %lt3A_350, %lt3A_352 : i1
      %and3A_354 = arith.andi %ne3A_353, %ne3A_348 : i1
      %add3A_355 = arith.addi %rem3A_346, %select_n3A_345 : i32
      %select_n3A_356 = arith.select %and3A_354, %add3A_355, %rem3A_346 : i32
      %mul3A_357 = arith.constant 5.000000e-03 : f32
      %mul3A_358 = vector.broadcast %mul3A_357 : f32 to vector<16xf32>
      %mul3A_359 = arith.mulf %parallel_loop3A_340#0, %mul3A_358 : vector<16xf32>
      %swap3A_360 = arith.index_cast %select_n3A_356 : i32 to index
      %swap3A_361 = arith.constant 0 : index
      %swap3A_362 = tpu.vector_load %arg7[%swap3A_360, %swap3A_361] {strides = array<i32>} : memref<128x64xf32, #tpu.memory_space<vmem>>, vector<1x16xf32>,
      %swap3A_363 = vector.shape_cast %swap3A_362 : vector<1x16xf32> to vector<16xf32>
      %swap3A_364 = vector.shape_cast %mul3A_359 : vector<16xf32> to vector<1x16xf32>
      tpu.vector_store %arg7[%swap3A_360, %swap3A_361], %swap3A_364 {strides = array<i32>} : memref<128x64xf32, #tpu.memory_space<vmem>>, vector<1x16xf32>,
      %mul3A_365 = arith.constant 5.000000e-03 : f32
      %mul3A_366 = vector.broadcast %mul3A_365 : f32 to vector<16xf32>
      %mul3A_367 = arith.mulf %parallel_loop3A_340#1, %mul3A_366 : vector<16xf32>
      %swap3A_368 = arith.index_cast %select_n3A_356 : i32 to index
      %swap3A_369 = arith.constant 16 : index
      %swap3A_370 = tpu.vector_load %arg7[%swap3A_368, %swap3A_369] {strides = array<i32>} : memref<128x64xf32, #tpu.memory_space<vmem>>, vector<1x16xf32>,
      %swap3A_371 = vector.shape_cast %swap3A_370 : vector<1x16xf32> to vector<16xf32>
      %swap3A_372 = vector.shape_cast %mul3A_367 : vector<16xf32> to vector<1x16xf32>
      tpu.vector_store %arg7[%swap3A_368, %swap3A_369], %swap3A_372 {strides = array<i32>} : memref<128x64xf32, #tpu.memory_space<vmem>>, vector<1x16xf32>,
      %mul3A_373 = arith.constant 5.000000e-03 : f32
      %mul3A_374 = vector.broadcast %mul3A_373 : f32 to vector<16xf32>
      %mul3A_375 = arith.mulf %parallel_loop3A_340#2, %mul3A_374 : vector<16xf32>
      %swap3A_376 = arith.index_cast %select_n3A_356 : i32 to index
      %swap3A_377 = arith.constant 32 : index
      %swap3A_378 = tpu.vector_load %arg7[%swap3A_376, %swap3A_377] {strides = array<i32>} : memref<128x64xf32, #tpu.memory_space<vmem>>, vector<1x16xf32>,
      %swap3A_379 = vector.shape_cast %swap3A_378 : vector<1x16xf32> to vector<16xf32>
      %swap3A_380 = vector.shape_cast %mul3A_375 : vector<16xf32> to vector<1x16xf32>
      tpu.vector_store %arg7[%swap3A_376, %swap3A_377], %swap3A_380 {strides = array<i32>} : memref<128x64xf32, #tpu.memory_space<vmem>>, vector<1x16xf32>,
      %mul3A_381 = arith.constant 5.000000e-03 : f32
      %mul3A_382 = vector.broadcast %mul3A_381 : f32 to vector<16xf32>
      %mul3A_383 = arith.mulf %parallel_loop3A_340#3, %mul3A_382 : vector<16xf32>
      %swap3A_384 = arith.index_cast %select_n3A_356 : i32 to index
      %swap3A_385 = arith.constant 48 : index
      %swap3A_386 = tpu.vector_load %arg7[%swap3A_384, %swap3A_385] {strides = array<i32>} : memref<128x64xf32, #tpu.memory_space<vmem>>, vector<1x16xf32>,
      %swap3A_387 = vector.shape_cast %swap3A_386 : vector<1x16xf32> to vector<16xf32>
      %swap3A_388 = vector.shape_cast %mul3A_383 : vector<16xf32> to vector<1x16xf32>
      tpu.vector_store %arg7[%swap3A_384, %swap3A_385], %swap3A_388 {strides = array<i32>} : memref<128x64xf32, #tpu.memory_space<vmem>>, vector<1x16xf32>,
      %add3A_389 = arith.constant 2 : i32
      %add3A_390 = arith.addi %add3A_228, %add3A_389 : i32
      %add3A_391 = arith.constant 4 : i32
      %add3A_392 = arith.addi %add3A_390, %add3A_391 : i32
      %sub3A_393 = arith.constant 1 : i32
      %sub3A_394 = arith.subi %add3A_392, %sub3A_393 : i32
      %lt3A_395 = arith.constant 128 : i32
      %lt3A_396 = arith.cmpi slt, %sub3A_394, %lt3A_395 : i32
      %convert_element_type3A_397 = arith.extui %lt3A_396 : i1 to i32
      %cond3A_398 = arith.constant 0 : i32
      %cond3A_399 = arith.cmpi ne, %convert_element_type3A_397, %cond3A_398 : i32
      scf.if %cond3A_399 {
        %mul3A_584 = arith.constant 2 : i32
        %mul3A_585 = arith.muli %mul3A_584, %sub3A_394 : i32
        %dma_start3A_586 = arith.constant 1 : i32
        %dma_start3A_587 = arith.constant 1 : i32
        %dma_start3A_588 = arith.constant 0 : i32
        %dma_start3A_589 = arith.constant 0 : i32
        %dma_start3A_590 = tpu.memref_slice %arg6[%dma_start3A_587, %dma_start3A_588, %dma_start3A_589] : memref<4x200x64xf32, #tpu.memory_space<vmem>> -> memref<1x100x64xf32, #tpu.memory_space<vmem>>
        %dma_start3A_591 = tpu.memref_squeeze %dma_start3A_590 : memref<1x100x64xf32, #tpu.memory_space<vmem>> -> memref<100x64xf32, #tpu.memory_space<vmem>>
        %dma_start3A_592 = arith.constant 0 : i32
        %dma_start3A_593 = tpu.memref_slice %arg5[%dma_start3A_586, %mul3A_585, %dma_start3A_592] : memref<2x256x100xi32, #tpu.memory_space<vmem>> -> memref<1x1x100xi32, #tpu.memory_space<vmem>>
        %dma_start3A_594 = tpu.memref_squeeze %dma_start3A_593 : memref<1x1x100xi32, #tpu.memory_space<vmem>> -> memref<100xi32, #tpu.memory_space<vmem>>
        %dma_start3A_595 = arith.constant 0 : i32
        %dma_start3A_596 = arith.constant 0 : i32
        %dma_start3A_597 = tpu.memref_slice %arg3[%dma_start3A_595, %dma_start3A_596] : memref<1000000x64xf32, #tpu.memory_space<hbm>> -> memref<1000000x64xf32, #tpu.memory_space<hbm>>
        tpu.enqueue_indirect_dma source(%dma_start3A_597 : memref<1000000x64xf32, #tpu.memory_space<hbm>>) target(%dma_start3A_591 : memref<100x64xf32, #tpu.memory_space<vmem>>) offsets(%dma_start3A_594 : memref<100xi32, #tpu.memory_space<vmem>>) semaphore(%arg9 : memref<!tpu.dma_semaphore, #tpu.memory_space<semaphore_mem>>)
        %mul3A_598 = arith.constant 2 : i32
        %mul3A_599 = arith.muli %mul3A_598, %sub3A_394 : i32
        %add3A_600 = arith.constant 1 : i32
        %add3A_601 = arith.addi %mul3A_599, %add3A_600 : i32
        %dma_start3A_602 = arith.constant 1 : i32
        %dma_start3A_603 = arith.constant 1 : i32
        %dma_start3A_604 = arith.constant 100 : i32
        %dma_start3A_605 = arith.constant 0 : i32
        %dma_start3A_606 = tpu.memref_slice %arg6[%dma_start3A_603, %dma_start3A_604, %dma_start3A_605] : memref<4x200x64xf32, #tpu.memory_space<vmem>> -> memref<1x100x64xf32, #tpu.memory_space<vmem>>
        %dma_start3A_607 = tpu.memref_squeeze %dma_start3A_606 : memref<1x100x64xf32, #tpu.memory_space<vmem>> -> memref<100x64xf32, #tpu.memory_space<vmem>>
        %dma_start3A_608 = arith.constant 0 : i32
        %dma_start3A_609 = tpu.memref_slice %arg5[%dma_start3A_602, %add3A_601, %dma_start3A_608] : memref<2x256x100xi32, #tpu.memory_space<vmem>> -> memref<1x1x100xi32, #tpu.memory_space<vmem>>
        %dma_start3A_610 = tpu.memref_squeeze %dma_start3A_609 : memref<1x1x100xi32, #tpu.memory_space<vmem>> -> memref<100xi32, #tpu.memory_space<vmem>>
        %dma_start3A_611 = arith.constant 0 : i32
        %dma_start3A_612 = arith.constant 0 : i32
        %dma_start3A_613 = tpu.memref_slice %arg3[%dma_start3A_611, %dma_start3A_612] : memref<1000000x64xf32, #tpu.memory_space<hbm>> -> memref<1000000x64xf32, #tpu.memory_space<hbm>>
        tpu.enqueue_indirect_dma source(%dma_start3A_613 : memref<1000000x64xf32, #tpu.memory_space<hbm>>) target(%dma_start3A_607 : memref<100x64xf32, #tpu.memory_space<vmem>>) offsets(%dma_start3A_610 : memref<100xi32, #tpu.memory_space<vmem>>) semaphore(%arg9 : memref<!tpu.dma_semaphore, #tpu.memory_space<semaphore_mem>>)
      } else {
      }
      %ge3A_400 = arith.constant 128 : i32
      %ge3A_401 = arith.cmpi sge, %sub3A_394, %ge3A_400 : i32
      %convert_element_type3A_402 = arith.extui %ge3A_401 : i1 to i32
      %cond3A_403 = arith.constant 0 : i32
      %cond3A_404 = arith.cmpi ne, %convert_element_type3A_402, %cond3A_403 : i32
      scf.if %cond3A_404 {
        %sub3A_584 = arith.constant 128 : i32
        %sub3A_585 = arith.subi %sub3A_394, %sub3A_584 : i32
        %mul3A_586 = arith.constant 2 : i32
        %mul3A_587 = arith.muli %mul3A_586, %sub3A_585 : i32
        %dma_start3A_588 = arith.constant 0 : i32
        %dma_start3A_589 = arith.constant 1 : i32
        %dma_start3A_590 = arith.constant 0 : i32
        %dma_start3A_591 = arith.constant 0 : i32
        %dma_start3A_592 = tpu.memref_slice %arg6[%dma_start3A_589, %dma_start3A_590, %dma_start3A_591] : memref<4x200x64xf32, #tpu.memory_space<vmem>> -> memref<1x100x64xf32, #tpu.memory_space<vmem>>
        %dma_start3A_593 = tpu.memref_squeeze %dma_start3A_592 : memref<1x100x64xf32, #tpu.memory_space<vmem>> -> memref<100x64xf32, #tpu.memory_space<vmem>>
        %dma_start3A_594 = arith.constant 0 : i32
        %dma_start3A_595 = tpu.memref_slice %arg5[%dma_start3A_588, %mul3A_587, %dma_start3A_594] : memref<2x256x100xi32, #tpu.memory_space<vmem>> -> memref<1x1x100xi32, #tpu.memory_space<vmem>>
        %dma_start3A_596 = tpu.memref_squeeze %dma_start3A_595 : memref<1x1x100xi32, #tpu.memory_space<vmem>> -> memref<100xi32, #tpu.memory_space<vmem>>
        %dma_start3A_597 = arith.constant 0 : i32
        %dma_start3A_598 = arith.constant 0 : i32
        %dma_start3A_599 = tpu.memref_slice %arg3[%dma_start3A_597, %dma_start3A_598] : memref<1000000x64xf32, #tpu.memory_space<hbm>> -> memref<1000000x64xf32, #tpu.memory_space<hbm>>
        tpu.enqueue_indirect_dma source(%dma_start3A_599 : memref<1000000x64xf32, #tpu.memory_space<hbm>>) target(%dma_start3A_593 : memref<100x64xf32, #tpu.memory_space<vmem>>) offsets(%dma_start3A_596 : memref<100xi32, #tpu.memory_space<vmem>>) semaphore(%arg9 : memref<!tpu.dma_semaphore, #tpu.memory_space<semaphore_mem>>)
        %mul3A_600 = arith.constant 2 : i32
        %mul3A_601 = arith.muli %mul3A_600, %sub3A_585 : i32
        %add3A_602 = arith.constant 1 : i32
        %add3A_603 = arith.addi %mul3A_601, %add3A_602 : i32
        %dma_start3A_604 = arith.constant 0 : i32
        %dma_start3A_605 = arith.constant 1 : i32
        %dma_start3A_606 = arith.constant 100 : i32
        %dma_start3A_607 = arith.constant 0 : i32
        %dma_start3A_608 = tpu.memref_slice %arg6[%dma_start3A_605, %dma_start3A_606, %dma_start3A_607] : memref<4x200x64xf32, #tpu.memory_space<vmem>> -> memref<1x100x64xf32, #tpu.memory_space<vmem>>
        %dma_start3A_609 = tpu.memref_squeeze %dma_start3A_608 : memref<1x100x64xf32, #tpu.memory_space<vmem>> -> memref<100x64xf32, #tpu.memory_space<vmem>>
        %dma_start3A_610 = arith.constant 0 : i32
        %dma_start3A_611 = tpu.memref_slice %arg5[%dma_start3A_604, %add3A_603, %dma_start3A_610] : memref<2x256x100xi32, #tpu.memory_space<vmem>> -> memref<1x1x100xi32, #tpu.memory_space<vmem>>
        %dma_start3A_612 = tpu.memref_squeeze %dma_start3A_611 : memref<1x1x100xi32, #tpu.memory_space<vmem>> -> memref<100xi32, #tpu.memory_space<vmem>>
        %dma_start3A_613 = arith.constant 0 : i32
        %dma_start3A_614 = arith.constant 0 : i32
        %dma_start3A_615 = tpu.memref_slice %arg3[%dma_start3A_613, %dma_start3A_614] : memref<1000000x64xf32, #tpu.memory_space<hbm>> -> memref<1000000x64xf32, #tpu.memory_space<hbm>>
        tpu.enqueue_indirect_dma source(%dma_start3A_615 : memref<1000000x64xf32, #tpu.memory_space<hbm>>) target(%dma_start3A_609 : memref<100x64xf32, #tpu.memory_space<vmem>>) offsets(%dma_start3A_612 : memref<100xi32, #tpu.memory_space<vmem>>) semaphore(%arg9 : memref<!tpu.dma_semaphore, #tpu.memory_space<semaphore_mem>>)
      } else {
      }
      %dma_wait3A_405 = arith.constant 2 : i32
      %dma_wait3A_406 = arith.constant 0 : i32
      %dma_wait3A_407 = arith.constant 0 : i32
      %dma_wait3A_408 = tpu.memref_slice %arg6[%dma_wait3A_405, %dma_wait3A_406, %dma_wait3A_407] : memref<4x200x64xf32, #tpu.memory_space<vmem>> -> memref<1x200x64xf32, #tpu.memory_space<vmem>>
      %dma_wait3A_409 = tpu.memref_squeeze %dma_wait3A_408 : memref<1x200x64xf32, #tpu.memory_space<vmem>> -> memref<200x64xf32, #tpu.memory_space<vmem>>
      %dma_wait3A_410 = arith.constant 0 : i32
      %dma_wait3A_411 = arith.constant 0 : i32
      %dma_wait3A_412 = tpu.memref_slice %arg3[%dma_wait3A_410, %dma_wait3A_411] : memref<1000000x64xf32, #tpu.memory_space<hbm>> -> memref<200x64xf32, #tpu.memory_space<hbm>>
      %dma_wait3A_413 = arith.constant 0 : i32
      %dma_wait3A_414 = arith.constant 0 : i32
      %dma_wait3A_415 = tpu.memref_slice %arg6[%dma_wait3A_405, %dma_wait3A_413, %dma_wait3A_414] : memref<4x200x64xf32, #tpu.memory_space<vmem>> -> memref<1x200x64xf32, #tpu.memory_space<vmem>>
      %dma_wait3A_416 = tpu.memref_squeeze %dma_wait3A_415 : memref<1x200x64xf32, #tpu.memory_space<vmem>> -> memref<200x64xf32, #tpu.memory_space<vmem>>
      %dma_wait3A_417 = arith.constant 0 : i32
      %dma_wait3A_418 = arith.constant 0 : i32
      %dma_wait3A_419 = tpu.memref_slice %arg3[%dma_wait3A_417, %dma_wait3A_418] : memref<1000000x64xf32, #tpu.memory_space<hbm>> -> memref<200x64xf32, #tpu.memory_space<hbm>>
      tpu.wait_dma2 semaphore(%arg10 : memref<!tpu.dma_semaphore, #tpu.memory_space<semaphore_mem>>) src(%dma_wait3A_419 : memref<200x64xf32, #tpu.memory_space<hbm>>) dst(%dma_wait3A_416 : memref<200x64xf32, #tpu.memory_space<vmem>>)
      %add3A_420 = arith.constant 2 : i32
      %add3A_421 = arith.addi %add3A_228, %add3A_420 : i32
      %broadcast_in_dim3A_422 = arith.constant 0.000000e+00 : f32
      %broadcast_in_dim3A_423 = vector.broadcast %broadcast_in_dim3A_422 : f32 to vector<16xf32>
      %parallel_loop3A_424 = arith.constant 0 : i32
      %parallel_loop3A_425 = arith.constant 200 : i32
      %parallel_loop3A_426 = arith.constant 1 : i32
      %parallel_loop3A_427:4 = scf.for %parallel_loop3A_584 = %parallel_loop3A_424 to %parallel_loop3A_425 step %parallel_loop3A_426 iter_args(%parallel_loop3A_585 = %broadcast_in_dim3A_423, %parallel_loop3A_586 = %broadcast_in_dim3A_423, %parallel_loop3A_587 = %broadcast_in_dim3A_423, %parallel_loop3A_588 = %broadcast_in_dim3A_423) -> (vector<16xf32>, vector<16xf32>, vector<16xf32>, vector<16xf32>)  : i32 {
        %parallel_loop3A_589 = arith.constant 2 : i32
        %parallel_loop3A_590 = arith.index_cast %parallel_loop3A_589 : i32 to index
        %parallel_loop3A_591 = arith.index_cast %parallel_loop3A_584 : i32 to index
        %parallel_loop3A_592 = arith.constant 0 : index
        %parallel_loop3A_593 = tpu.vector_load %arg6[%parallel_loop3A_590, %parallel_loop3A_591, %parallel_loop3A_592] {strides = array<i32>} : memref<4x200x64xf32, #tpu.memory_space<vmem>>, vector<1x1x16xf32>,
        %parallel_loop3A_594 = vector.shape_cast %parallel_loop3A_593 : vector<1x1x16xf32> to vector<16xf32>
        %parallel_loop3A_595 = arith.constant 2 : i32
        %parallel_loop3A_596 = arith.index_cast %parallel_loop3A_595 : i32 to index
        %parallel_loop3A_597 = arith.index_cast %parallel_loop3A_584 : i32 to index
        %parallel_loop3A_598 = arith.constant 16 : index
        %parallel_loop3A_599 = tpu.vector_load %arg6[%parallel_loop3A_596, %parallel_loop3A_597, %parallel_loop3A_598] {strides = array<i32>} : memref<4x200x64xf32, #tpu.memory_space<vmem>>, vector<1x1x16xf32>,
        %parallel_loop3A_600 = vector.shape_cast %parallel_loop3A_599 : vector<1x1x16xf32> to vector<16xf32>
        %parallel_loop3A_601 = arith.constant 2 : i32
        %parallel_loop3A_602 = arith.index_cast %parallel_loop3A_601 : i32 to index
        %parallel_loop3A_603 = arith.index_cast %parallel_loop3A_584 : i32 to index
        %parallel_loop3A_604 = arith.constant 32 : index
        %parallel_loop3A_605 = tpu.vector_load %arg6[%parallel_loop3A_602, %parallel_loop3A_603, %parallel_loop3A_604] {strides = array<i32>} : memref<4x200x64xf32, #tpu.memory_space<vmem>>, vector<1x1x16xf32>,
        %parallel_loop3A_606 = vector.shape_cast %parallel_loop3A_605 : vector<1x1x16xf32> to vector<16xf32>
        %parallel_loop3A_607 = arith.constant 2 : i32
        %parallel_loop3A_608 = arith.index_cast %parallel_loop3A_607 : i32 to index
        %parallel_loop3A_609 = arith.index_cast %parallel_loop3A_584 : i32 to index
        %parallel_loop3A_610 = arith.constant 48 : index
        %parallel_loop3A_611 = tpu.vector_load %arg6[%parallel_loop3A_608, %parallel_loop3A_609, %parallel_loop3A_610] {strides = array<i32>} : memref<4x200x64xf32, #tpu.memory_space<vmem>>, vector<1x1x16xf32>,
        %parallel_loop3A_612 = vector.shape_cast %parallel_loop3A_611 : vector<1x1x16xf32> to vector<16xf32>
        %parallel_loop3A_613 = arith.addf %parallel_loop3A_585, %parallel_loop3A_594 : vector<16xf32>
        %parallel_loop3A_614 = arith.addf %parallel_loop3A_586, %parallel_loop3A_600 : vector<16xf32>
        %parallel_loop3A_615 = arith.addf %parallel_loop3A_587, %parallel_loop3A_606 : vector<16xf32>
        %parallel_loop3A_616 = arith.addf %parallel_loop3A_588, %parallel_loop3A_612 : vector<16xf32>
        scf.yield %parallel_loop3A_613, %parallel_loop3A_614, %parallel_loop3A_615, %parallel_loop3A_616 : vector<16xf32>, vector<16xf32>, vector<16xf32>, vector<16xf32>
      } {sc.loop_unroll_factor = 8 : i64, sc.parallel_access}
      %jit3A_428 = arith.constant 128 : i32
      %eq3A_429 = arith.constant 0 : i32
      %eq3A_430 = arith.cmpi eq, %jit3A_428, %eq3A_429 : i32
      %jit3A_431 = arith.constant 1 : i32
      %select_n3A_432 = arith.select %eq3A_430, %jit3A_431, %jit3A_428 : i32
      %rem3A_433 = arith.remsi %add3A_421, %select_n3A_432 : i32
      %ne3A_434 = arith.constant 0 : i32
      %ne3A_435 = arith.cmpi ne, %rem3A_433, %ne3A_434 : i32
      %lt3A_436 = arith.constant 0 : i32
      %lt3A_437 = arith.cmpi slt, %rem3A_433, %lt3A_436 : i32
      %lt3A_438 = arith.constant 0 : i32
      %lt3A_439 = arith.cmpi slt, %select_n3A_432, %lt3A_438 : i32
      %ne3A_440 = arith.xori %lt3A_437, %lt3A_439 : i1
      %and3A_441 = arith.andi %ne3A_440, %ne3A_435 : i1
      %add3A_442 = arith.addi %rem3A_433, %select_n3A_432 : i32
      %select_n3A_443 = arith.select %and3A_441, %add3A_442, %rem3A_433 : i32
      %mul3A_444 = arith.constant 5.000000e-03 : f32
      %mul3A_445 = vector.broadcast %mul3A_444 : f32 to vector<16xf32>
      %mul3A_446 = arith.mulf %parallel_loop3A_427#0, %mul3A_445 : vector<16xf32>
      %swap3A_447 = arith.index_cast %select_n3A_443 : i32 to index
      %swap3A_448 = arith.constant 0 : index
      %swap3A_449 = tpu.vector_load %arg7[%swap3A_447, %swap3A_448] {strides = array<i32>} : memref<128x64xf32, #tpu.memory_space<vmem>>, vector<1x16xf32>,
      %swap3A_450 = vector.shape_cast %swap3A_449 : vector<1x16xf32> to vector<16xf32>
      %swap3A_451 = vector.shape_cast %mul3A_446 : vector<16xf32> to vector<1x16xf32>
      tpu.vector_store %arg7[%swap3A_447, %swap3A_448], %swap3A_451 {strides = array<i32>} : memref<128x64xf32, #tpu.memory_space<vmem>>, vector<1x16xf32>,
      %mul3A_452 = arith.constant 5.000000e-03 : f32
      %mul3A_453 = vector.broadcast %mul3A_452 : f32 to vector<16xf32>
      %mul3A_454 = arith.mulf %parallel_loop3A_427#1, %mul3A_453 : vector<16xf32>
      %swap3A_455 = arith.index_cast %select_n3A_443 : i32 to index
      %swap3A_456 = arith.constant 16 : index
      %swap3A_457 = tpu.vector_load %arg7[%swap3A_455, %swap3A_456] {strides = array<i32>} : memref<128x64xf32, #tpu.memory_space<vmem>>, vector<1x16xf32>,
      %swap3A_458 = vector.shape_cast %swap3A_457 : vector<1x16xf32> to vector<16xf32>
      %swap3A_459 = vector.shape_cast %mul3A_454 : vector<16xf32> to vector<1x16xf32>
      tpu.vector_store %arg7[%swap3A_455, %swap3A_456], %swap3A_459 {strides = array<i32>} : memref<128x64xf32, #tpu.memory_space<vmem>>, vector<1x16xf32>,
      %mul3A_460 = arith.constant 5.000000e-03 : f32
      %mul3A_461 = vector.broadcast %mul3A_460 : f32 to vector<16xf32>
      %mul3A_462 = arith.mulf %parallel_loop3A_427#2, %mul3A_461 : vector<16xf32>
      %swap3A_463 = arith.index_cast %select_n3A_443 : i32 to index
      %swap3A_464 = arith.constant 32 : index
      %swap3A_465 = tpu.vector_load %arg7[%swap3A_463, %swap3A_464] {strides = array<i32>} : memref<128x64xf32, #tpu.memory_space<vmem>>, vector<1x16xf32>,
      %swap3A_466 = vector.shape_cast %swap3A_465 : vector<1x16xf32> to vector<16xf32>
      %swap3A_467 = vector.shape_cast %mul3A_462 : vector<16xf32> to vector<1x16xf32>
      tpu.vector_store %arg7[%swap3A_463, %swap3A_464], %swap3A_467 {strides = array<i32>} : memref<128x64xf32, #tpu.memory_space<vmem>>, vector<1x16xf32>,
      %mul3A_468 = arith.constant 5.000000e-03 : f32
      %mul3A_469 = vector.broadcast %mul3A_468 : f32 to vector<16xf32>
      %mul3A_470 = arith.mulf %parallel_loop3A_427#3, %mul3A_469 : vector<16xf32>
      %swap3A_471 = arith.index_cast %select_n3A_443 : i32 to index
      %swap3A_472 = arith.constant 48 : index
      %swap3A_473 = tpu.vector_load %arg7[%swap3A_471, %swap3A_472] {strides = array<i32>} : memref<128x64xf32, #tpu.memory_space<vmem>>, vector<1x16xf32>,
      %swap3A_474 = vector.shape_cast %swap3A_473 : vector<1x16xf32> to vector<16xf32>
      %swap3A_475 = vector.shape_cast %mul3A_470 : vector<16xf32> to vector<1x16xf32>
      tpu.vector_store %arg7[%swap3A_471, %swap3A_472], %swap3A_475 {strides = array<i32>} : memref<128x64xf32, #tpu.memory_space<vmem>>, vector<1x16xf32>,
      %add3A_476 = arith.constant 3 : i32
      %add3A_477 = arith.addi %add3A_228, %add3A_476 : i32
      %add3A_478 = arith.constant 4 : i32
      %add3A_479 = arith.addi %add3A_477, %add3A_478 : i32
      %sub3A_480 = arith.constant 1 : i32
      %sub3A_481 = arith.subi %add3A_479, %sub3A_480 : i32
      %lt3A_482 = arith.constant 128 : i32
      %lt3A_483 = arith.cmpi slt, %sub3A_481, %lt3A_482 : i32
      %convert_element_type3A_484 = arith.extui %lt3A_483 : i1 to i32
      %cond3A_485 = arith.constant 0 : i32
      %cond3A_486 = arith.cmpi ne, %convert_element_type3A_484, %cond3A_485 : i32
      scf.if %cond3A_486 {
        %mul3A_584 = arith.constant 2 : i32
        %mul3A_585 = arith.muli %mul3A_584, %sub3A_481 : i32
        %dma_start3A_586 = arith.constant 1 : i32
        %dma_start3A_587 = arith.constant 2 : i32
        %dma_start3A_588 = arith.constant 0 : i32
        %dma_start3A_589 = arith.constant 0 : i32
        %dma_start3A_590 = tpu.memref_slice %arg6[%dma_start3A_587, %dma_start3A_588, %dma_start3A_589] : memref<4x200x64xf32, #tpu.memory_space<vmem>> -> memref<1x100x64xf32, #tpu.memory_space<vmem>>
        %dma_start3A_591 = tpu.memref_squeeze %dma_start3A_590 : memref<1x100x64xf32, #tpu.memory_space<vmem>> -> memref<100x64xf32, #tpu.memory_space<vmem>>
        %dma_start3A_592 = arith.constant 0 : i32
        %dma_start3A_593 = tpu.memref_slice %arg5[%dma_start3A_586, %mul3A_585, %dma_start3A_592] : memref<2x256x100xi32, #tpu.memory_space<vmem>> -> memref<1x1x100xi32, #tpu.memory_space<vmem>>
        %dma_start3A_594 = tpu.memref_squeeze %dma_start3A_593 : memref<1x1x100xi32, #tpu.memory_space<vmem>> -> memref<100xi32, #tpu.memory_space<vmem>>
        %dma_start3A_595 = arith.constant 0 : i32
        %dma_start3A_596 = arith.constant 0 : i32
        %dma_start3A_597 = tpu.memref_slice %arg3[%dma_start3A_595, %dma_start3A_596] : memref<1000000x64xf32, #tpu.memory_space<hbm>> -> memref<1000000x64xf32, #tpu.memory_space<hbm>>
        tpu.enqueue_indirect_dma source(%dma_start3A_597 : memref<1000000x64xf32, #tpu.memory_space<hbm>>) target(%dma_start3A_591 : memref<100x64xf32, #tpu.memory_space<vmem>>) offsets(%dma_start3A_594 : memref<100xi32, #tpu.memory_space<vmem>>) semaphore(%arg10 : memref<!tpu.dma_semaphore, #tpu.memory_space<semaphore_mem>>)
        %mul3A_598 = arith.constant 2 : i32
        %mul3A_599 = arith.muli %mul3A_598, %sub3A_481 : i32
        %add3A_600 = arith.constant 1 : i32
        %add3A_601 = arith.addi %mul3A_599, %add3A_600 : i32
        %dma_start3A_602 = arith.constant 1 : i32
        %dma_start3A_603 = arith.constant 2 : i32
        %dma_start3A_604 = arith.constant 100 : i32
        %dma_start3A_605 = arith.constant 0 : i32
        %dma_start3A_606 = tpu.memref_slice %arg6[%dma_start3A_603, %dma_start3A_604, %dma_start3A_605] : memref<4x200x64xf32, #tpu.memory_space<vmem>> -> memref<1x100x64xf32, #tpu.memory_space<vmem>>
        %dma_start3A_607 = tpu.memref_squeeze %dma_start3A_606 : memref<1x100x64xf32, #tpu.memory_space<vmem>> -> memref<100x64xf32, #tpu.memory_space<vmem>>
        %dma_start3A_608 = arith.constant 0 : i32
        %dma_start3A_609 = tpu.memref_slice %arg5[%dma_start3A_602, %add3A_601, %dma_start3A_608] : memref<2x256x100xi32, #tpu.memory_space<vmem>> -> memref<1x1x100xi32, #tpu.memory_space<vmem>>
        %dma_start3A_610 = tpu.memref_squeeze %dma_start3A_609 : memref<1x1x100xi32, #tpu.memory_space<vmem>> -> memref<100xi32, #tpu.memory_space<vmem>>
        %dma_start3A_611 = arith.constant 0 : i32
        %dma_start3A_612 = arith.constant 0 : i32
        %dma_start3A_613 = tpu.memref_slice %arg3[%dma_start3A_611, %dma_start3A_612] : memref<1000000x64xf32, #tpu.memory_space<hbm>> -> memref<1000000x64xf32, #tpu.memory_space<hbm>>
        tpu.enqueue_indirect_dma source(%dma_start3A_613 : memref<1000000x64xf32, #tpu.memory_space<hbm>>) target(%dma_start3A_607 : memref<100x64xf32, #tpu.memory_space<vmem>>) offsets(%dma_start3A_610 : memref<100xi32, #tpu.memory_space<vmem>>) semaphore(%arg10 : memref<!tpu.dma_semaphore, #tpu.memory_space<semaphore_mem>>)
      } else {
      }
      %ge3A_487 = arith.constant 128 : i32
      %ge3A_488 = arith.cmpi sge, %sub3A_481, %ge3A_487 : i32
      %convert_element_type3A_489 = arith.extui %ge3A_488 : i1 to i32
      %cond3A_490 = arith.constant 0 : i32
      %cond3A_491 = arith.cmpi ne, %convert_element_type3A_489, %cond3A_490 : i32
      scf.if %cond3A_491 {
        %sub3A_584 = arith.constant 128 : i32
        %sub3A_585 = arith.subi %sub3A_481, %sub3A_584 : i32
        %mul3A_586 = arith.constant 2 : i32
        %mul3A_587 = arith.muli %mul3A_586, %sub3A_585 : i32
        %dma_start3A_588 = arith.constant 0 : i32
        %dma_start3A_589 = arith.constant 2 : i32
        %dma_start3A_590 = arith.constant 0 : i32
        %dma_start3A_591 = arith.constant 0 : i32
        %dma_start3A_592 = tpu.memref_slice %arg6[%dma_start3A_589, %dma_start3A_590, %dma_start3A_591] : memref<4x200x64xf32, #tpu.memory_space<vmem>> -> memref<1x100x64xf32, #tpu.memory_space<vmem>>
        %dma_start3A_593 = tpu.memref_squeeze %dma_start3A_592 : memref<1x100x64xf32, #tpu.memory_space<vmem>> -> memref<100x64xf32, #tpu.memory_space<vmem>>
        %dma_start3A_594 = arith.constant 0 : i32
        %dma_start3A_595 = tpu.memref_slice %arg5[%dma_start3A_588, %mul3A_587, %dma_start3A_594] : memref<2x256x100xi32, #tpu.memory_space<vmem>> -> memref<1x1x100xi32, #tpu.memory_space<vmem>>
        %dma_start3A_596 = tpu.memref_squeeze %dma_start3A_595 : memref<1x1x100xi32, #tpu.memory_space<vmem>> -> memref<100xi32, #tpu.memory_space<vmem>>
        %dma_start3A_597 = arith.constant 0 : i32
        %dma_start3A_598 = arith.constant 0 : i32
        %dma_start3A_599 = tpu.memref_slice %arg3[%dma_start3A_597, %dma_start3A_598] : memref<1000000x64xf32, #tpu.memory_space<hbm>> -> memref<1000000x64xf32, #tpu.memory_space<hbm>>
        tpu.enqueue_indirect_dma source(%dma_start3A_599 : memref<1000000x64xf32, #tpu.memory_space<hbm>>) target(%dma_start3A_593 : memref<100x64xf32, #tpu.memory_space<vmem>>) offsets(%dma_start3A_596 : memref<100xi32, #tpu.memory_space<vmem>>) semaphore(%arg10 : memref<!tpu.dma_semaphore, #tpu.memory_space<semaphore_mem>>)
        %mul3A_600 = arith.constant 2 : i32
        %mul3A_601 = arith.muli %mul3A_600, %sub3A_585 : i32
        %add3A_602 = arith.constant 1 : i32
        %add3A_603 = arith.addi %mul3A_601, %add3A_602 : i32
        %dma_start3A_604 = arith.constant 0 : i32
        %dma_start3A_605 = arith.constant 2 : i32
        %dma_start3A_606 = arith.constant 100 : i32
        %dma_start3A_607 = arith.constant 0 : i32
        %dma_start3A_608 = tpu.memref_slice %arg6[%dma_start3A_605, %dma_start3A_606, %dma_start3A_607] : memref<4x200x64xf32, #tpu.memory_space<vmem>> -> memref<1x100x64xf32, #tpu.memory_space<vmem>>
        %dma_start3A_609 = tpu.memref_squeeze %dma_start3A_608 : memref<1x100x64xf32, #tpu.memory_space<vmem>> -> memref<100x64xf32, #tpu.memory_space<vmem>>
        %dma_start3A_610 = arith.constant 0 : i32
        %dma_start3A_611 = tpu.memref_slice %arg5[%dma_start3A_604, %add3A_603, %dma_start3A_610] : memref<2x256x100xi32, #tpu.memory_space<vmem>> -> memref<1x1x100xi32, #tpu.memory_space<vmem>>
        %dma_start3A_612 = tpu.memref_squeeze %dma_start3A_611 : memref<1x1x100xi32, #tpu.memory_space<vmem>> -> memref<100xi32, #tpu.memory_space<vmem>>
        %dma_start3A_613 = arith.constant 0 : i32
        %dma_start3A_614 = arith.constant 0 : i32
        %dma_start3A_615 = tpu.memref_slice %arg3[%dma_start3A_613, %dma_start3A_614] : memref<1000000x64xf32, #tpu.memory_space<hbm>> -> memref<1000000x64xf32, #tpu.memory_space<hbm>>
        tpu.enqueue_indirect_dma source(%dma_start3A_615 : memref<1000000x64xf32, #tpu.memory_space<hbm>>) target(%dma_start3A_609 : memref<100x64xf32, #tpu.memory_space<vmem>>) offsets(%dma_start3A_612 : memref<100xi32, #tpu.memory_space<vmem>>) semaphore(%arg10 : memref<!tpu.dma_semaphore, #tpu.memory_space<semaphore_mem>>)
      } else {
      }
      %dma_wait3A_492 = arith.constant 3 : i32
      %dma_wait3A_493 = arith.constant 0 : i32
      %dma_wait3A_494 = arith.constant 0 : i32
      %dma_wait3A_495 = tpu.memref_slice %arg6[%dma_wait3A_492, %dma_wait3A_493, %dma_wait3A_494] : memref<4x200x64xf32, #tpu.memory_space<vmem>> -> memref<1x200x64xf32, #tpu.memory_space<vmem>>
      %dma_wait3A_496 = tpu.memref_squeeze %dma_wait3A_495 : memref<1x200x64xf32, #tpu.memory_space<vmem>> -> memref<200x64xf32, #tpu.memory_space<vmem>>
      %dma_wait3A_497 = arith.constant 0 : i32
      %dma_wait3A_498 = arith.constant 0 : i32
      %dma_wait3A_499 = tpu.memref_slice %arg3[%dma_wait3A_497, %dma_wait3A_498] : memref<1000000x64xf32, #tpu.memory_space<hbm>> -> memref<200x64xf32, #tpu.memory_space<hbm>>
      %dma_wait3A_500 = arith.constant 0 : i32
      %dma_wait3A_501 = arith.constant 0 : i32
      %dma_wait3A_502 = tpu.memref_slice %arg6[%dma_wait3A_492, %dma_wait3A_500, %dma_wait3A_501] : memref<4x200x64xf32, #tpu.memory_space<vmem>> -> memref<1x200x64xf32, #tpu.memory_space<vmem>>
      %dma_wait3A_503 = tpu.memref_squeeze %dma_wait3A_502 : memref<1x200x64xf32, #tpu.memory_space<vmem>> -> memref<200x64xf32, #tpu.memory_space<vmem>>
      %dma_wait3A_504 = arith.constant 0 : i32
      %dma_wait3A_505 = arith.constant 0 : i32
      %dma_wait3A_506 = tpu.memref_slice %arg3[%dma_wait3A_504, %dma_wait3A_505] : memref<1000000x64xf32, #tpu.memory_space<hbm>> -> memref<200x64xf32, #tpu.memory_space<hbm>>
      tpu.wait_dma2 semaphore(%arg11 : memref<!tpu.dma_semaphore, #tpu.memory_space<semaphore_mem>>) src(%dma_wait3A_506 : memref<200x64xf32, #tpu.memory_space<hbm>>) dst(%dma_wait3A_503 : memref<200x64xf32, #tpu.memory_space<vmem>>)
      %add3A_507 = arith.constant 3 : i32
      %add3A_508 = arith.addi %add3A_228, %add3A_507 : i32
      %broadcast_in_dim3A_509 = arith.constant 0.000000e+00 : f32
      %broadcast_in_dim3A_510 = vector.broadcast %broadcast_in_dim3A_509 : f32 to vector<16xf32>
      %parallel_loop3A_511 = arith.constant 0 : i32
      %parallel_loop3A_512 = arith.constant 200 : i32
      %parallel_loop3A_513 = arith.constant 1 : i32
      %parallel_loop3A_514:4 = scf.for %parallel_loop3A_584 = %parallel_loop3A_511 to %parallel_loop3A_512 step %parallel_loop3A_513 iter_args(%parallel_loop3A_585 = %broadcast_in_dim3A_510, %parallel_loop3A_586 = %broadcast_in_dim3A_510, %parallel_loop3A_587 = %broadcast_in_dim3A_510, %parallel_loop3A_588 = %broadcast_in_dim3A_510) -> (vector<16xf32>, vector<16xf32>, vector<16xf32>, vector<16xf32>)  : i32 {
        %parallel_loop3A_589 = arith.constant 3 : i32
        %parallel_loop3A_590 = arith.index_cast %parallel_loop3A_589 : i32 to index
        %parallel_loop3A_591 = arith.index_cast %parallel_loop3A_584 : i32 to index
        %parallel_loop3A_592 = arith.constant 0 : index
        %parallel_loop3A_593 = tpu.vector_load %arg6[%parallel_loop3A_590, %parallel_loop3A_591, %parallel_loop3A_592] {strides = array<i32>} : memref<4x200x64xf32, #tpu.memory_space<vmem>>, vector<1x1x16xf32>,
        %parallel_loop3A_594 = vector.shape_cast %parallel_loop3A_593 : vector<1x1x16xf32> to vector<16xf32>
        %parallel_loop3A_595 = arith.constant 3 : i32
        %parallel_loop3A_596 = arith.index_cast %parallel_loop3A_595 : i32 to index
        %parallel_loop3A_597 = arith.index_cast %parallel_loop3A_584 : i32 to index
        %parallel_loop3A_598 = arith.constant 16 : index
        %parallel_loop3A_599 = tpu.vector_load %arg6[%parallel_loop3A_596, %parallel_loop3A_597, %parallel_loop3A_598] {strides = array<i32>} : memref<4x200x64xf32, #tpu.memory_space<vmem>>, vector<1x1x16xf32>,
        %parallel_loop3A_600 = vector.shape_cast %parallel_loop3A_599 : vector<1x1x16xf32> to vector<16xf32>
        %parallel_loop3A_601 = arith.constant 3 : i32
        %parallel_loop3A_602 = arith.index_cast %parallel_loop3A_601 : i32 to index
        %parallel_loop3A_603 = arith.index_cast %parallel_loop3A_584 : i32 to index
        %parallel_loop3A_604 = arith.constant 32 : index
        %parallel_loop3A_605 = tpu.vector_load %arg6[%parallel_loop3A_602, %parallel_loop3A_603, %parallel_loop3A_604] {strides = array<i32>} : memref<4x200x64xf32, #tpu.memory_space<vmem>>, vector<1x1x16xf32>,
        %parallel_loop3A_606 = vector.shape_cast %parallel_loop3A_605 : vector<1x1x16xf32> to vector<16xf32>
        %parallel_loop3A_607 = arith.constant 3 : i32
        %parallel_loop3A_608 = arith.index_cast %parallel_loop3A_607 : i32 to index
        %parallel_loop3A_609 = arith.index_cast %parallel_loop3A_584 : i32 to index
        %parallel_loop3A_610 = arith.constant 48 : index
        %parallel_loop3A_611 = tpu.vector_load %arg6[%parallel_loop3A_608, %parallel_loop3A_609, %parallel_loop3A_610] {strides = array<i32>} : memref<4x200x64xf32, #tpu.memory_space<vmem>>, vector<1x1x16xf32>,
        %parallel_loop3A_612 = vector.shape_cast %parallel_loop3A_611 : vector<1x1x16xf32> to vector<16xf32>
        %parallel_loop3A_613 = arith.addf %parallel_loop3A_585, %parallel_loop3A_594 : vector<16xf32>
        %parallel_loop3A_614 = arith.addf %parallel_loop3A_586, %parallel_loop3A_600 : vector<16xf32>
        %parallel_loop3A_615 = arith.addf %parallel_loop3A_587, %parallel_loop3A_606 : vector<16xf32>
        %parallel_loop3A_616 = arith.addf %parallel_loop3A_588, %parallel_loop3A_612 : vector<16xf32>
        scf.yield %parallel_loop3A_613, %parallel_loop3A_614, %parallel_loop3A_615, %parallel_loop3A_616 : vector<16xf32>, vector<16xf32>, vector<16xf32>, vector<16xf32>
      } {sc.loop_unroll_factor = 8 : i64, sc.parallel_access}
      %jit3A_515 = arith.constant 128 : i32
      %eq3A_516 = arith.constant 0 : i32
      %eq3A_517 = arith.cmpi eq, %jit3A_515, %eq3A_516 : i32
      %jit3A_518 = arith.constant 1 : i32
      %select_n3A_519 = arith.select %eq3A_517, %jit3A_518, %jit3A_515 : i32
      %rem3A_520 = arith.remsi %add3A_508, %select_n3A_519 : i32
      %ne3A_521 = arith.constant 0 : i32
      %ne3A_522 = arith.cmpi ne, %rem3A_520, %ne3A_521 : i32
      %lt3A_523 = arith.constant 0 : i32
      %lt3A_524 = arith.cmpi slt, %rem3A_520, %lt3A_523 : i32
      %lt3A_525 = arith.constant 0 : i32
      %lt3A_526 = arith.cmpi slt, %select_n3A_519, %lt3A_525 : i32
      %ne3A_527 = arith.xori %lt3A_524, %lt3A_526 : i1
      %and3A_528 = arith.andi %ne3A_527, %ne3A_522 : i1
      %add3A_529 = arith.addi %rem3A_520, %select_n3A_519 : i32
      %select_n3A_530 = arith.select %and3A_528, %add3A_529, %rem3A_520 : i32
      %mul3A_531 = arith.constant 5.000000e-03 : f32
      %mul3A_532 = vector.broadcast %mul3A_531 : f32 to vector<16xf32>
      %mul3A_533 = arith.mulf %parallel_loop3A_514#0, %mul3A_532 : vector<16xf32>
      %swap3A_534 = arith.index_cast %select_n3A_530 : i32 to index
      %swap3A_535 = arith.constant 0 : index
      %swap3A_536 = tpu.vector_load %arg7[%swap3A_534, %swap3A_535] {strides = array<i32>} : memref<128x64xf32, #tpu.memory_space<vmem>>, vector<1x16xf32>,
      %swap3A_537 = vector.shape_cast %swap3A_536 : vector<1x16xf32> to vector<16xf32>
      %swap3A_538 = vector.shape_cast %mul3A_533 : vector<16xf32> to vector<1x16xf32>
      tpu.vector_store %arg7[%swap3A_534, %swap3A_535], %swap3A_538 {strides = array<i32>} : memref<128x64xf32, #tpu.memory_space<vmem>>, vector<1x16xf32>,
      %mul3A_539 = arith.constant 5.000000e-03 : f32
      %mul3A_540 = vector.broadcast %mul3A_539 : f32 to vector<16xf32>
      %mul3A_541 = arith.mulf %parallel_loop3A_514#1, %mul3A_540 : vector<16xf32>
      %swap3A_542 = arith.index_cast %select_n3A_530 : i32 to index
      %swap3A_543 = arith.constant 16 : index
      %swap3A_544 = tpu.vector_load %arg7[%swap3A_542, %swap3A_543] {strides = array<i32>} : memref<128x64xf32, #tpu.memory_space<vmem>>, vector<1x16xf32>,
      %swap3A_545 = vector.shape_cast %swap3A_544 : vector<1x16xf32> to vector<16xf32>
      %swap3A_546 = vector.shape_cast %mul3A_541 : vector<16xf32> to vector<1x16xf32>
      tpu.vector_store %arg7[%swap3A_542, %swap3A_543], %swap3A_546 {strides = array<i32>} : memref<128x64xf32, #tpu.memory_space<vmem>>, vector<1x16xf32>,
      %mul3A_547 = arith.constant 5.000000e-03 : f32
      %mul3A_548 = vector.broadcast %mul3A_547 : f32 to vector<16xf32>
      %mul3A_549 = arith.mulf %parallel_loop3A_514#2, %mul3A_548 : vector<16xf32>
      %swap3A_550 = arith.index_cast %select_n3A_530 : i32 to index
      %swap3A_551 = arith.constant 32 : index
      %swap3A_552 = tpu.vector_load %arg7[%swap3A_550, %swap3A_551] {strides = array<i32>} : memref<128x64xf32, #tpu.memory_space<vmem>>, vector<1x16xf32>,
      %swap3A_553 = vector.shape_cast %swap3A_552 : vector<1x16xf32> to vector<16xf32>
      %swap3A_554 = vector.shape_cast %mul3A_549 : vector<16xf32> to vector<1x16xf32>
      tpu.vector_store %arg7[%swap3A_550, %swap3A_551], %swap3A_554 {strides = array<i32>} : memref<128x64xf32, #tpu.memory_space<vmem>>, vector<1x16xf32>,
      %mul3A_555 = arith.constant 5.000000e-03 : f32
      %mul3A_556 = vector.broadcast %mul3A_555 : f32 to vector<16xf32>
      %mul3A_557 = arith.mulf %parallel_loop3A_514#3, %mul3A_556 : vector<16xf32>
      %swap3A_558 = arith.index_cast %select_n3A_530 : i32 to index
      %swap3A_559 = arith.constant 48 : index
      %swap3A_560 = tpu.vector_load %arg7[%swap3A_558, %swap3A_559] {strides = array<i32>} : memref<128x64xf32, #tpu.memory_space<vmem>>, vector<1x16xf32>,
      %swap3A_561 = vector.shape_cast %swap3A_560 : vector<1x16xf32> to vector<16xf32>
      %swap3A_562 = vector.shape_cast %mul3A_557 : vector<16xf32> to vector<1x16xf32>
      tpu.vector_store %arg7[%swap3A_558, %swap3A_559], %swap3A_562 {strides = array<i32>} : memref<128x64xf32, #tpu.memory_space<vmem>>, vector<1x16xf32>,
      %jit3A_563 = arith.constant 128 : i32
      %eq3A_564 = arith.constant 0 : i32
      %eq3A_565 = arith.cmpi eq, %jit3A_563, %eq3A_564 : i32
      %jit3A_566 = arith.constant 1 : i32
      %select_n3A_567 = arith.select %eq3A_565, %jit3A_566, %jit3A_563 : i32
      %rem3A_568 = arith.remsi %add3A_228, %select_n3A_567 : i32
      %ne3A_569 = arith.constant 0 : i32
      %ne3A_570 = arith.cmpi ne, %rem3A_568, %ne3A_569 : i32
      %lt3A_571 = arith.constant 0 : i32
      %lt3A_572 = arith.cmpi slt, %rem3A_568, %lt3A_571 : i32
      %lt3A_573 = arith.constant 0 : i32
      %lt3A_574 = arith.cmpi slt, %select_n3A_567, %lt3A_573 : i32
      %ne3A_575 = arith.xori %lt3A_572, %lt3A_574 : i1
      %and3A_576 = arith.andi %ne3A_575, %ne3A_570 : i1
      %add3A_577 = arith.addi %rem3A_568, %select_n3A_567 : i32
      %select_n3A_578 = arith.select %and3A_576, %add3A_577, %rem3A_568 : i32
      %eq3A_579 = arith.constant 124 : i32
      %eq3A_580 = arith.cmpi eq, %select_n3A_578, %eq3A_579 : i32
      %convert_element_type3A_581 = arith.extui %eq3A_580 : i1 to i32
      %cond3A_582 = arith.constant 0 : i32
      %cond3A_583 = arith.cmpi ne, %convert_element_type3A_581, %cond3A_582 : i32
      scf.if %cond3A_583 {
        %mul3A_584 = arith.constant 512 : i32
        %mul3A_585 = arith.muli %add3A, %mul3A_584 : i32
        %add3A_586 = arith.constant 128 : i32
        %add3A_587 = arith.addi %mul3A_585, %add3A_586 : i32
        %jit3A_588 = arith.constant 128 : i32
        %div3A = arith.divsi %add3A_228, %jit3A_588 : i32
        %sign3A = arith.constant 0 : i32
        %sign3A_589 = arith.cmpi sgt, %add3A_228, %sign3A : i32
        %sign3A_590 = arith.extui %sign3A_589 : i1 to i32
        %sign3A_591 = arith.constant 0 : i32
        %sign3A_592 = arith.cmpi slt, %add3A_228, %sign3A_591 : i32
        %sign3A_593 = arith.extui %sign3A_592 : i1 to i32
        %sign3A_594 = arith.subi %sign3A_590, %sign3A_593 : i32
        %sign3A_595 = arith.constant 0 : i32
        %sign3A_596 = arith.cmpi sgt, %jit3A_588, %sign3A_595 : i32
        %sign3A_597 = arith.extui %sign3A_596 : i1 to i32
        %sign3A_598 = arith.constant 0 : i32
        %sign3A_599 = arith.cmpi slt, %jit3A_588, %sign3A_598 : i32
        %sign3A_600 = arith.extui %sign3A_599 : i1 to i32
        %sign3A_601 = arith.subi %sign3A_597, %sign3A_600 : i32
        %ne3A_602 = arith.cmpi ne, %sign3A_594, %sign3A_601 : i32
        %rem3A_603 = arith.remsi %add3A_228, %jit3A_588 : i32
        %ne3A_604 = arith.constant 0 : i32
        %ne3A_605 = arith.cmpi ne, %rem3A_603, %ne3A_604 : i32
        %and3A_606 = arith.andi %ne3A_602, %ne3A_605 : i1
        %sub3A_607 = arith.constant 1 : i32
        %sub3A_608 = arith.subi %div3A, %sub3A_607 : i32
        %select_n3A_609 = arith.select %and3A_606, %sub3A_608, %div3A : i32
        %mul3A_610 = arith.constant 128 : i32
        %mul3A_611 = arith.muli %select_n3A_609, %mul3A_610 : i32
        %add3A_612 = arith.addi %add3A_587, %mul3A_611 : i32
        "tpu.region"() ({
          %run_scoped3A = tpu.sem_alloc : memref<!tpu.dma_semaphore, #tpu.memory_space<semaphore_mem>>
          %dma_start3A_613 = arith.constant 0 : i32
          %dma_start3A_614 = tpu.memref_slice %arg4[%add3A_612, %dma_start3A_613] : memref<16384x64xf32, #tpu.memory_space<hbm>> -> memref<128x64xf32, #tpu.memory_space<hbm>>
          %dma_start3A_615 = arith.constant 0 : i32
          %dma_start3A_616 = tpu.memref_slice %arg4[%add3A_612, %dma_start3A_615] : memref<16384x64xf32, #tpu.memory_space<hbm>> -> memref<128x64xf32, #tpu.memory_space<hbm>>
          tpu.enqueue_dma source(%arg7 : memref<128x64xf32, #tpu.memory_space<vmem>>) target(%dma_start3A_616 : memref<128x64xf32, #tpu.memory_space<hbm>>) target_semaphore(%run_scoped3A : memref<!tpu.dma_semaphore, #tpu.memory_space<semaphore_mem>>)
          %dma_wait3A_617 = arith.constant 0 : i32
          %dma_wait3A_618 = tpu.memref_slice %arg4[%add3A_612, %dma_wait3A_617] : memref<16384x64xf32, #tpu.memory_space<hbm>> -> memref<128x64xf32, #tpu.memory_space<hbm>>
          %dma_wait3A_619 = arith.constant 0 : i32
          %dma_wait3A_620 = tpu.memref_slice %arg4[%add3A_612, %dma_wait3A_619] : memref<16384x64xf32, #tpu.memory_space<hbm>> -> memref<128x64xf32, #tpu.memory_space<hbm>>
          tpu.wait_dma2 semaphore(%run_scoped3A : memref<!tpu.dma_semaphore, #tpu.memory_space<semaphore_mem>>) src(%arg7 : memref<128x64xf32, #tpu.memory_space<vmem>>) dst(%dma_wait3A_620 : memref<128x64xf32, #tpu.memory_space<hbm>>)
          tpu.yield
        }) : () -> ()
      } else {
      }
    }
    %scan3A_181 = arith.constant 32 : i32
    %mul3A_182 = arith.constant 1024 : i32
    %mul3A_183 = arith.muli %add3A, %mul3A_182 : i32
    %add3A_184 = arith.constant 768 : i32
    %add3A_185 = arith.addi %mul3A_183, %add3A_184 : i32
    %dma_start3A_186 = arith.constant 1 : i32
    %dma_start3A_187 = arith.constant 0 : i32
    %dma_start3A_188 = arith.constant 0 : i32
    %dma_start3A_189 = tpu.memref_slice %arg5[%dma_start3A_186, %dma_start3A_187, %dma_start3A_188] : memref<2x256x100xi32, #tpu.memory_space<vmem>> -> memref<1x256x100xi32, #tpu.memory_space<vmem>>
    %dma_start3A_190 = tpu.memref_squeeze %dma_start3A_189 : memref<1x256x100xi32, #tpu.memory_space<vmem>> -> memref<256x100xi32, #tpu.memory_space<vmem>>
    %dma_start3A_191 = arith.constant 0 : i32
    %dma_start3A_192 = tpu.memref_slice %arg2[%add3A_185, %dma_start3A_191] : memref<32768x100xi32, #tpu.memory_space<hbm>> -> memref<256x100xi32, #tpu.memory_space<hbm>>
    %dma_start3A_193 = arith.constant 0 : i32
    %dma_start3A_194 = arith.constant 0 : i32
    %dma_start3A_195 = tpu.memref_slice %arg5[%dma_start3A_186, %dma_start3A_193, %dma_start3A_194] : memref<2x256x100xi32, #tpu.memory_space<vmem>> -> memref<1x256x100xi32, #tpu.memory_space<vmem>>
    %dma_start3A_196 = tpu.memref_squeeze %dma_start3A_195 : memref<1x256x100xi32, #tpu.memory_space<vmem>> -> memref<256x100xi32, #tpu.memory_space<vmem>>
    %dma_start3A_197 = arith.constant 0 : i32
    %dma_start3A_198 = tpu.memref_slice %arg2[%add3A_185, %dma_start3A_197] : memref<32768x100xi32, #tpu.memory_space<hbm>> -> memref<256x100xi32, #tpu.memory_space<hbm>>
    tpu.enqueue_dma source(%dma_start3A_198 : memref<256x100xi32, #tpu.memory_space<hbm>>) target(%dma_start3A_196 : memref<256x100xi32, #tpu.memory_space<vmem>>) target_semaphore(%arg12 : memref<!tpu.dma_semaphore, #tpu.memory_space<semaphore_mem>>)
    %dma_wait3A_199 = arith.constant 1 : i32
    %dma_wait3A_200 = arith.constant 0 : i32
    %dma_wait3A_201 = arith.constant 0 : i32
    %dma_wait3A_202 = tpu.memref_slice %arg5[%dma_wait3A_199, %dma_wait3A_200, %dma_wait3A_201] : memref<2x256x100xi32, #tpu.memory_space<vmem>> -> memref<1x256x100xi32, #tpu.memory_space<vmem>>
    %dma_wait3A_203 = tpu.memref_squeeze %dma_wait3A_202 : memref<1x256x100xi32, #tpu.memory_space<vmem>> -> memref<256x100xi32, #tpu.memory_space<vmem>>
    %dma_wait3A_204 = arith.constant 0 : i32
    %dma_wait3A_205 = arith.constant 0 : i32
    %dma_wait3A_206 = tpu.memref_slice %arg2[%dma_wait3A_204, %dma_wait3A_205] : memref<32768x100xi32, #tpu.memory_space<hbm>> -> memref<256x100xi32, #tpu.memory_space<hbm>>
    %dma_wait3A_207 = arith.constant 0 : i32
    %dma_wait3A_208 = arith.constant 0 : i32
    %dma_wait3A_209 = tpu.memref_slice %arg5[%dma_wait3A_199, %dma_wait3A_207, %dma_wait3A_208] : memref<2x256x100xi32, #tpu.memory_space<vmem>> -> memref<1x256x100xi32, #tpu.memory_space<vmem>>
    %dma_wait3A_210 = tpu.memref_squeeze %dma_wait3A_209 : memref<1x256x100xi32, #tpu.memory_space<vmem>> -> memref<256x100xi32, #tpu.memory_space<vmem>>
    %dma_wait3A_211 = arith.constant 0 : i32
    %dma_wait3A_212 = arith.constant 0 : i32
    %dma_wait3A_213 = tpu.memref_slice %arg2[%dma_wait3A_211, %dma_wait3A_212] : memref<32768x100xi32, #tpu.memory_space<hbm>> -> memref<256x100xi32, #tpu.memory_space<hbm>>
    tpu.wait_dma2 semaphore(%arg12 : memref<!tpu.dma_semaphore, #tpu.memory_space<semaphore_mem>>) src(%dma_wait3A_213 : memref<256x100xi32, #tpu.memory_space<hbm>>) dst(%dma_wait3A_210 : memref<256x100xi32, #tpu.memory_space<vmem>>)
    %scan3A_214 = arith.constant 0 : i32
    %scan3A_215 = arith.constant 32 : i32
    %scan3A_216 = arith.addi %scan3A_214, %scan3A_215 : i32
    %scan3A_217 = arith.constant 1 : i32
    scf.for %scan3A_224 = %scan3A_214 to %scan3A_216 step %scan3A_217  : i32 {
      %mul3A_225 = arith.constant 4 : i32
      %mul3A_226 = arith.muli %scan3A_224, %mul3A_225 : i32
      %add3A_227 = arith.constant 0 : i32
      %add3A_228 = arith.addi %add3A_227, %mul3A_226 : i32
      %add3A_229 = arith.constant 0 : i32
      %add3A_230 = arith.addi %add3A_228, %add3A_229 : i32
      %add3A_231 = arith.constant 4 : i32
      %add3A_232 = arith.addi %add3A_230, %add3A_231 : i32
      %sub3A = arith.constant 1 : i32
      %sub3A_233 = arith.subi %add3A_232, %sub3A : i32
      %lt3A = arith.constant 128 : i32
      %lt3A_234 = arith.cmpi slt, %sub3A_233, %lt3A : i32
      %convert_element_type3A = arith.extui %lt3A_234 : i1 to i32
      %cond3A = arith.constant 0 : i32
      %cond3A_235 = arith.cmpi ne, %convert_element_type3A, %cond3A : i32
      scf.if %cond3A_235 {
        %mul3A_584 = arith.constant 2 : i32
        %mul3A_585 = arith.muli %mul3A_584, %sub3A_233 : i32
        %dma_start3A_586 = arith.constant 0 : i32
        %dma_start3A_587 = arith.constant 3 : i32
        %dma_start3A_588 = arith.constant 0 : i32
        %dma_start3A_589 = arith.constant 0 : i32
        %dma_start3A_590 = tpu.memref_slice %arg6[%dma_start3A_587, %dma_start3A_588, %dma_start3A_589] : memref<4x200x64xf32, #tpu.memory_space<vmem>> -> memref<1x100x64xf32, #tpu.memory_space<vmem>>
        %dma_start3A_591 = tpu.memref_squeeze %dma_start3A_590 : memref<1x100x64xf32, #tpu.memory_space<vmem>> -> memref<100x64xf32, #tpu.memory_space<vmem>>
        %dma_start3A_592 = arith.constant 0 : i32
        %dma_start3A_593 = tpu.memref_slice %arg5[%dma_start3A_586, %mul3A_585, %dma_start3A_592] : memref<2x256x100xi32, #tpu.memory_space<vmem>> -> memref<1x1x100xi32, #tpu.memory_space<vmem>>
        %dma_start3A_594 = tpu.memref_squeeze %dma_start3A_593 : memref<1x1x100xi32, #tpu.memory_space<vmem>> -> memref<100xi32, #tpu.memory_space<vmem>>
        %dma_start3A_595 = arith.constant 0 : i32
        %dma_start3A_596 = arith.constant 0 : i32
        %dma_start3A_597 = tpu.memref_slice %arg3[%dma_start3A_595, %dma_start3A_596] : memref<1000000x64xf32, #tpu.memory_space<hbm>> -> memref<1000000x64xf32, #tpu.memory_space<hbm>>
        tpu.enqueue_indirect_dma source(%dma_start3A_597 : memref<1000000x64xf32, #tpu.memory_space<hbm>>) target(%dma_start3A_591 : memref<100x64xf32, #tpu.memory_space<vmem>>) offsets(%dma_start3A_594 : memref<100xi32, #tpu.memory_space<vmem>>) semaphore(%arg11 : memref<!tpu.dma_semaphore, #tpu.memory_space<semaphore_mem>>)
        %mul3A_598 = arith.constant 2 : i32
        %mul3A_599 = arith.muli %mul3A_598, %sub3A_233 : i32
        %add3A_600 = arith.constant 1 : i32
        %add3A_601 = arith.addi %mul3A_599, %add3A_600 : i32
        %dma_start3A_602 = arith.constant 0 : i32
        %dma_start3A_603 = arith.constant 3 : i32
        %dma_start3A_604 = arith.constant 100 : i32
        %dma_start3A_605 = arith.constant 0 : i32
        %dma_start3A_606 = tpu.memref_slice %arg6[%dma_start3A_603, %dma_start3A_604, %dma_start3A_605] : memref<4x200x64xf32, #tpu.memory_space<vmem>> -> memref<1x100x64xf32, #tpu.memory_space<vmem>>
        %dma_start3A_607 = tpu.memref_squeeze %dma_start3A_606 : memref<1x100x64xf32, #tpu.memory_space<vmem>> -> memref<100x64xf32, #tpu.memory_space<vmem>>
        %dma_start3A_608 = arith.constant 0 : i32
        %dma_start3A_609 = tpu.memref_slice %arg5[%dma_start3A_602, %add3A_601, %dma_start3A_608] : memref<2x256x100xi32, #tpu.memory_space<vmem>> -> memref<1x1x100xi32, #tpu.memory_space<vmem>>
        %dma_start3A_610 = tpu.memref_squeeze %dma_start3A_609 : memref<1x1x100xi32, #tpu.memory_space<vmem>> -> memref<100xi32, #tpu.memory_space<vmem>>
        %dma_start3A_611 = arith.constant 0 : i32
        %dma_start3A_612 = arith.constant 0 : i32
        %dma_start3A_613 = tpu.memref_slice %arg3[%dma_start3A_611, %dma_start3A_612] : memref<1000000x64xf32, #tpu.memory_space<hbm>> -> memref<1000000x64xf32, #tpu.memory_space<hbm>>
        tpu.enqueue_indirect_dma source(%dma_start3A_613 : memref<1000000x64xf32, #tpu.memory_space<hbm>>) target(%dma_start3A_607 : memref<100x64xf32, #tpu.memory_space<vmem>>) offsets(%dma_start3A_610 : memref<100xi32, #tpu.memory_space<vmem>>) semaphore(%arg11 : memref<!tpu.dma_semaphore, #tpu.memory_space<semaphore_mem>>)
      } else {
      }
      %ge3A = arith.constant 128 : i32
      %ge3A_236 = arith.cmpi sge, %sub3A_233, %ge3A : i32
      %convert_element_type3A_237 = arith.extui %ge3A_236 : i1 to i32
      %cond3A_238 = arith.constant 0 : i32
      %cond3A_239 = arith.cmpi ne, %convert_element_type3A_237, %cond3A_238 : i32
      scf.if %cond3A_239 {
        %sub3A_584 = arith.constant 128 : i32
        %sub3A_585 = arith.subi %sub3A_233, %sub3A_584 : i32
        %mul3A_586 = arith.constant 2 : i32
        %mul3A_587 = arith.muli %mul3A_586, %sub3A_585 : i32
        %dma_start3A_588 = arith.constant 1 : i32
        %dma_start3A_589 = arith.constant 3 : i32
        %dma_start3A_590 = arith.constant 0 : i32
        %dma_start3A_591 = arith.constant 0 : i32
        %dma_start3A_592 = tpu.memref_slice %arg6[%dma_start3A_589, %dma_start3A_590, %dma_start3A_591] : memref<4x200x64xf32, #tpu.memory_space<vmem>> -> memref<1x100x64xf32, #tpu.memory_space<vmem>>
        %dma_start3A_593 = tpu.memref_squeeze %dma_start3A_592 : memref<1x100x64xf32, #tpu.memory_space<vmem>> -> memref<100x64xf32, #tpu.memory_space<vmem>>
        %dma_start3A_594 = arith.constant 0 : i32
        %dma_start3A_595 = tpu.memref_slice %arg5[%dma_start3A_588, %mul3A_587, %dma_start3A_594] : memref<2x256x100xi32, #tpu.memory_space<vmem>> -> memref<1x1x100xi32, #tpu.memory_space<vmem>>
        %dma_start3A_596 = tpu.memref_squeeze %dma_start3A_595 : memref<1x1x100xi32, #tpu.memory_space<vmem>> -> memref<100xi32, #tpu.memory_space<vmem>>
        %dma_start3A_597 = arith.constant 0 : i32
        %dma_start3A_598 = arith.constant 0 : i32
        %dma_start3A_599 = tpu.memref_slice %arg3[%dma_start3A_597, %dma_start3A_598] : memref<1000000x64xf32, #tpu.memory_space<hbm>> -> memref<1000000x64xf32, #tpu.memory_space<hbm>>
        tpu.enqueue_indirect_dma source(%dma_start3A_599 : memref<1000000x64xf32, #tpu.memory_space<hbm>>) target(%dma_start3A_593 : memref<100x64xf32, #tpu.memory_space<vmem>>) offsets(%dma_start3A_596 : memref<100xi32, #tpu.memory_space<vmem>>) semaphore(%arg11 : memref<!tpu.dma_semaphore, #tpu.memory_space<semaphore_mem>>)
        %mul3A_600 = arith.constant 2 : i32
        %mul3A_601 = arith.muli %mul3A_600, %sub3A_585 : i32
        %add3A_602 = arith.constant 1 : i32
        %add3A_603 = arith.addi %mul3A_601, %add3A_602 : i32
        %dma_start3A_604 = arith.constant 1 : i32
        %dma_start3A_605 = arith.constant 3 : i32
        %dma_start3A_606 = arith.constant 100 : i32
        %dma_start3A_607 = arith.constant 0 : i32
        %dma_start3A_608 = tpu.memref_slice %arg6[%dma_start3A_605, %dma_start3A_606, %dma_start3A_607] : memref<4x200x64xf32, #tpu.memory_space<vmem>> -> memref<1x100x64xf32, #tpu.memory_space<vmem>>
        %dma_start3A_609 = tpu.memref_squeeze %dma_start3A_608 : memref<1x100x64xf32, #tpu.memory_space<vmem>> -> memref<100x64xf32, #tpu.memory_space<vmem>>
        %dma_start3A_610 = arith.constant 0 : i32
        %dma_start3A_611 = tpu.memref_slice %arg5[%dma_start3A_604, %add3A_603, %dma_start3A_610] : memref<2x256x100xi32, #tpu.memory_space<vmem>> -> memref<1x1x100xi32, #tpu.memory_space<vmem>>
        %dma_start3A_612 = tpu.memref_squeeze %dma_start3A_611 : memref<1x1x100xi32, #tpu.memory_space<vmem>> -> memref<100xi32, #tpu.memory_space<vmem>>
        %dma_start3A_613 = arith.constant 0 : i32
        %dma_start3A_614 = arith.constant 0 : i32
        %dma_start3A_615 = tpu.memref_slice %arg3[%dma_start3A_613, %dma_start3A_614] : memref<1000000x64xf32, #tpu.memory_space<hbm>> -> memref<1000000x64xf32, #tpu.memory_space<hbm>>
        tpu.enqueue_indirect_dma source(%dma_start3A_615 : memref<1000000x64xf32, #tpu.memory_space<hbm>>) target(%dma_start3A_609 : memref<100x64xf32, #tpu.memory_space<vmem>>) offsets(%dma_start3A_612 : memref<100xi32, #tpu.memory_space<vmem>>) semaphore(%arg11 : memref<!tpu.dma_semaphore, #tpu.memory_space<semaphore_mem>>)
      } else {
      }
      %dma_wait3A_240 = arith.constant 0 : i32
      %dma_wait3A_241 = arith.constant 0 : i32
      %dma_wait3A_242 = arith.constant 0 : i32
      %dma_wait3A_243 = tpu.memref_slice %arg6[%dma_wait3A_240, %dma_wait3A_241, %dma_wait3A_242] : memref<4x200x64xf32, #tpu.memory_space<vmem>> -> memref<1x200x64xf32, #tpu.memory_space<vmem>>
      %dma_wait3A_244 = tpu.memref_squeeze %dma_wait3A_243 : memref<1x200x64xf32, #tpu.memory_space<vmem>> -> memref<200x64xf32, #tpu.memory_space<vmem>>
      %dma_wait3A_245 = arith.constant 0 : i32
      %dma_wait3A_246 = arith.constant 0 : i32
      %dma_wait3A_247 = tpu.memref_slice %arg3[%dma_wait3A_245, %dma_wait3A_246] : memref<1000000x64xf32, #tpu.memory_space<hbm>> -> memref<200x64xf32, #tpu.memory_space<hbm>>
      %dma_wait3A_248 = arith.constant 0 : i32
      %dma_wait3A_249 = arith.constant 0 : i32
      %dma_wait3A_250 = tpu.memref_slice %arg6[%dma_wait3A_240, %dma_wait3A_248, %dma_wait3A_249] : memref<4x200x64xf32, #tpu.memory_space<vmem>> -> memref<1x200x64xf32, #tpu.memory_space<vmem>>
      %dma_wait3A_251 = tpu.memref_squeeze %dma_wait3A_250 : memref<1x200x64xf32, #tpu.memory_space<vmem>> -> memref<200x64xf32, #tpu.memory_space<vmem>>
      %dma_wait3A_252 = arith.constant 0 : i32
      %dma_wait3A_253 = arith.constant 0 : i32
      %dma_wait3A_254 = tpu.memref_slice %arg3[%dma_wait3A_252, %dma_wait3A_253] : memref<1000000x64xf32, #tpu.memory_space<hbm>> -> memref<200x64xf32, #tpu.memory_space<hbm>>
      tpu.wait_dma2 semaphore(%arg8 : memref<!tpu.dma_semaphore, #tpu.memory_space<semaphore_mem>>) src(%dma_wait3A_254 : memref<200x64xf32, #tpu.memory_space<hbm>>) dst(%dma_wait3A_251 : memref<200x64xf32, #tpu.memory_space<vmem>>)
      %add3A_255 = arith.constant 0 : i32
      %add3A_256 = arith.addi %add3A_228, %add3A_255 : i32
      %broadcast_in_dim3A = arith.constant 0.000000e+00 : f32
      %broadcast_in_dim3A_257 = vector.broadcast %broadcast_in_dim3A : f32 to vector<16xf32>
      %parallel_loop3A = arith.constant 0 : i32
      %parallel_loop3A_258 = arith.constant 200 : i32
      %parallel_loop3A_259 = arith.constant 1 : i32
      %parallel_loop3A_260:4 = scf.for %parallel_loop3A_584 = %parallel_loop3A to %parallel_loop3A_258 step %parallel_loop3A_259 iter_args(%parallel_loop3A_585 = %broadcast_in_dim3A_257, %parallel_loop3A_586 = %broadcast_in_dim3A_257, %parallel_loop3A_587 = %broadcast_in_dim3A_257, %parallel_loop3A_588 = %broadcast_in_dim3A_257) -> (vector<16xf32>, vector<16xf32>, vector<16xf32>, vector<16xf32>)  : i32 {
        %parallel_loop3A_589 = arith.constant 0 : i32
        %parallel_loop3A_590 = arith.index_cast %parallel_loop3A_589 : i32 to index
        %parallel_loop3A_591 = arith.index_cast %parallel_loop3A_584 : i32 to index
        %parallel_loop3A_592 = arith.constant 0 : index
        %parallel_loop3A_593 = tpu.vector_load %arg6[%parallel_loop3A_590, %parallel_loop3A_591, %parallel_loop3A_592] {strides = array<i32>} : memref<4x200x64xf32, #tpu.memory_space<vmem>>, vector<1x1x16xf32>,
        %parallel_loop3A_594 = vector.shape_cast %parallel_loop3A_593 : vector<1x1x16xf32> to vector<16xf32>
        %parallel_loop3A_595 = arith.constant 0 : i32
        %parallel_loop3A_596 = arith.index_cast %parallel_loop3A_595 : i32 to index
        %parallel_loop3A_597 = arith.index_cast %parallel_loop3A_584 : i32 to index
        %parallel_loop3A_598 = arith.constant 16 : index
        %parallel_loop3A_599 = tpu.vector_load %arg6[%parallel_loop3A_596, %parallel_loop3A_597, %parallel_loop3A_598] {strides = array<i32>} : memref<4x200x64xf32, #tpu.memory_space<vmem>>, vector<1x1x16xf32>,
        %parallel_loop3A_600 = vector.shape_cast %parallel_loop3A_599 : vector<1x1x16xf32> to vector<16xf32>
        %parallel_loop3A_601 = arith.constant 0 : i32
        %parallel_loop3A_602 = arith.index_cast %parallel_loop3A_601 : i32 to index
        %parallel_loop3A_603 = arith.index_cast %parallel_loop3A_584 : i32 to index
        %parallel_loop3A_604 = arith.constant 32 : index
        %parallel_loop3A_605 = tpu.vector_load %arg6[%parallel_loop3A_602, %parallel_loop3A_603, %parallel_loop3A_604] {strides = array<i32>} : memref<4x200x64xf32, #tpu.memory_space<vmem>>, vector<1x1x16xf32>,
        %parallel_loop3A_606 = vector.shape_cast %parallel_loop3A_605 : vector<1x1x16xf32> to vector<16xf32>
        %parallel_loop3A_607 = arith.constant 0 : i32
        %parallel_loop3A_608 = arith.index_cast %parallel_loop3A_607 : i32 to index
        %parallel_loop3A_609 = arith.index_cast %parallel_loop3A_584 : i32 to index
        %parallel_loop3A_610 = arith.constant 48 : index
        %parallel_loop3A_611 = tpu.vector_load %arg6[%parallel_loop3A_608, %parallel_loop3A_609, %parallel_loop3A_610] {strides = array<i32>} : memref<4x200x64xf32, #tpu.memory_space<vmem>>, vector<1x1x16xf32>,
        %parallel_loop3A_612 = vector.shape_cast %parallel_loop3A_611 : vector<1x1x16xf32> to vector<16xf32>
        %parallel_loop3A_613 = arith.addf %parallel_loop3A_585, %parallel_loop3A_594 : vector<16xf32>
        %parallel_loop3A_614 = arith.addf %parallel_loop3A_586, %parallel_loop3A_600 : vector<16xf32>
        %parallel_loop3A_615 = arith.addf %parallel_loop3A_587, %parallel_loop3A_606 : vector<16xf32>
        %parallel_loop3A_616 = arith.addf %parallel_loop3A_588, %parallel_loop3A_612 : vector<16xf32>
        scf.yield %parallel_loop3A_613, %parallel_loop3A_614, %parallel_loop3A_615, %parallel_loop3A_616 : vector<16xf32>, vector<16xf32>, vector<16xf32>, vector<16xf32>
      } {sc.loop_unroll_factor = 8 : i64, sc.parallel_access}
      %jit3A = arith.constant 128 : i32
      %eq3A = arith.constant 0 : i32
      %eq3A_261 = arith.cmpi eq, %jit3A, %eq3A : i32
      %jit3A_262 = arith.constant 1 : i32
      %select_n3A = arith.select %eq3A_261, %jit3A_262, %jit3A : i32
      %rem3A = arith.remsi %add3A_256, %select_n3A : i32
      %ne3A = arith.constant 0 : i32
      %ne3A_263 = arith.cmpi ne, %rem3A, %ne3A : i32
      %lt3A_264 = arith.constant 0 : i32
      %lt3A_265 = arith.cmpi slt, %rem3A, %lt3A_264 : i32
      %lt3A_266 = arith.constant 0 : i32
      %lt3A_267 = arith.cmpi slt, %select_n3A, %lt3A_266 : i32
      %ne3A_268 = arith.xori %lt3A_265, %lt3A_267 : i1
      %and3A = arith.andi %ne3A_268, %ne3A_263 : i1
      %add3A_269 = arith.addi %rem3A, %select_n3A : i32
      %select_n3A_270 = arith.select %and3A, %add3A_269, %rem3A : i32
      %mul3A_271 = arith.constant 5.000000e-03 : f32
      %mul3A_272 = vector.broadcast %mul3A_271 : f32 to vector<16xf32>
      %mul3A_273 = arith.mulf %parallel_loop3A_260#0, %mul3A_272 : vector<16xf32>
      %swap3A = arith.index_cast %select_n3A_270 : i32 to index
      %swap3A_274 = arith.constant 0 : index
      %swap3A_275 = tpu.vector_load %arg7[%swap3A, %swap3A_274] {strides = array<i32>} : memref<128x64xf32, #tpu.memory_space<vmem>>, vector<1x16xf32>,
      %swap3A_276 = vector.shape_cast %swap3A_275 : vector<1x16xf32> to vector<16xf32>
      %swap3A_277 = vector.shape_cast %mul3A_273 : vector<16xf32> to vector<1x16xf32>
      tpu.vector_store %arg7[%swap3A, %swap3A_274], %swap3A_277 {strides = array<i32>} : memref<128x64xf32, #tpu.memory_space<vmem>>, vector<1x16xf32>,
      %mul3A_278 = arith.constant 5.000000e-03 : f32
      %mul3A_279 = vector.broadcast %mul3A_278 : f32 to vector<16xf32>
      %mul3A_280 = arith.mulf %parallel_loop3A_260#1, %mul3A_279 : vector<16xf32>
      %swap3A_281 = arith.index_cast %select_n3A_270 : i32 to index
      %swap3A_282 = arith.constant 16 : index
      %swap3A_283 = tpu.vector_load %arg7[%swap3A_281, %swap3A_282] {strides = array<i32>} : memref<128x64xf32, #tpu.memory_space<vmem>>, vector<1x16xf32>,
      %swap3A_284 = vector.shape_cast %swap3A_283 : vector<1x16xf32> to vector<16xf32>
      %swap3A_285 = vector.shape_cast %mul3A_280 : vector<16xf32> to vector<1x16xf32>
      tpu.vector_store %arg7[%swap3A_281, %swap3A_282], %swap3A_285 {strides = array<i32>} : memref<128x64xf32, #tpu.memory_space<vmem>>, vector<1x16xf32>,
      %mul3A_286 = arith.constant 5.000000e-03 : f32
      %mul3A_287 = vector.broadcast %mul3A_286 : f32 to vector<16xf32>
      %mul3A_288 = arith.mulf %parallel_loop3A_260#2, %mul3A_287 : vector<16xf32>
      %swap3A_289 = arith.index_cast %select_n3A_270 : i32 to index
      %swap3A_290 = arith.constant 32 : index
      %swap3A_291 = tpu.vector_load %arg7[%swap3A_289, %swap3A_290] {strides = array<i32>} : memref<128x64xf32, #tpu.memory_space<vmem>>, vector<1x16xf32>,
      %swap3A_292 = vector.shape_cast %swap3A_291 : vector<1x16xf32> to vector<16xf32>
      %swap3A_293 = vector.shape_cast %mul3A_288 : vector<16xf32> to vector<1x16xf32>
      tpu.vector_store %arg7[%swap3A_289, %swap3A_290], %swap3A_293 {strides = array<i32>} : memref<128x64xf32, #tpu.memory_space<vmem>>, vector<1x16xf32>,
      %mul3A_294 = arith.constant 5.000000e-03 : f32
      %mul3A_295 = vector.broadcast %mul3A_294 : f32 to vector<16xf32>
      %mul3A_296 = arith.mulf %parallel_loop3A_260#3, %mul3A_295 : vector<16xf32>
      %swap3A_297 = arith.index_cast %select_n3A_270 : i32 to index
      %swap3A_298 = arith.constant 48 : index
      %swap3A_299 = tpu.vector_load %arg7[%swap3A_297, %swap3A_298] {strides = array<i32>} : memref<128x64xf32, #tpu.memory_space<vmem>>, vector<1x16xf32>,
      %swap3A_300 = vector.shape_cast %swap3A_299 : vector<1x16xf32> to vector<16xf32>
      %swap3A_301 = vector.shape_cast %mul3A_296 : vector<16xf32> to vector<1x16xf32>
      tpu.vector_store %arg7[%swap3A_297, %swap3A_298], %swap3A_301 {strides = array<i32>} : memref<128x64xf32, #tpu.memory_space<vmem>>, vector<1x16xf32>,
      %add3A_302 = arith.constant 1 : i32
      %add3A_303 = arith.addi %add3A_228, %add3A_302 : i32
      %add3A_304 = arith.constant 4 : i32
      %add3A_305 = arith.addi %add3A_303, %add3A_304 : i32
      %sub3A_306 = arith.constant 1 : i32
      %sub3A_307 = arith.subi %add3A_305, %sub3A_306 : i32
      %lt3A_308 = arith.constant 128 : i32
      %lt3A_309 = arith.cmpi slt, %sub3A_307, %lt3A_308 : i32
      %convert_element_type3A_310 = arith.extui %lt3A_309 : i1 to i32
      %cond3A_311 = arith.constant 0 : i32
      %cond3A_312 = arith.cmpi ne, %convert_element_type3A_310, %cond3A_311 : i32
      scf.if %cond3A_312 {
        %mul3A_584 = arith.constant 2 : i32
        %mul3A_585 = arith.muli %mul3A_584, %sub3A_307 : i32
        %dma_start3A_586 = arith.constant 0 : i32
        %dma_start3A_587 = arith.constant 0 : i32
        %dma_start3A_588 = arith.constant 0 : i32
        %dma_start3A_589 = arith.constant 0 : i32
        %dma_start3A_590 = tpu.memref_slice %arg6[%dma_start3A_587, %dma_start3A_588, %dma_start3A_589] : memref<4x200x64xf32, #tpu.memory_space<vmem>> -> memref<1x100x64xf32, #tpu.memory_space<vmem>>
        %dma_start3A_591 = tpu.memref_squeeze %dma_start3A_590 : memref<1x100x64xf32, #tpu.memory_space<vmem>> -> memref<100x64xf32, #tpu.memory_space<vmem>>
        %dma_start3A_592 = arith.constant 0 : i32
        %dma_start3A_593 = tpu.memref_slice %arg5[%dma_start3A_586, %mul3A_585, %dma_start3A_592] : memref<2x256x100xi32, #tpu.memory_space<vmem>> -> memref<1x1x100xi32, #tpu.memory_space<vmem>>
        %dma_start3A_594 = tpu.memref_squeeze %dma_start3A_593 : memref<1x1x100xi32, #tpu.memory_space<vmem>> -> memref<100xi32, #tpu.memory_space<vmem>>
        %dma_start3A_595 = arith.constant 0 : i32
        %dma_start3A_596 = arith.constant 0 : i32
        %dma_start3A_597 = tpu.memref_slice %arg3[%dma_start3A_595, %dma_start3A_596] : memref<1000000x64xf32, #tpu.memory_space<hbm>> -> memref<1000000x64xf32, #tpu.memory_space<hbm>>
        tpu.enqueue_indirect_dma source(%dma_start3A_597 : memref<1000000x64xf32, #tpu.memory_space<hbm>>) target(%dma_start3A_591 : memref<100x64xf32, #tpu.memory_space<vmem>>) offsets(%dma_start3A_594 : memref<100xi32, #tpu.memory_space<vmem>>) semaphore(%arg8 : memref<!tpu.dma_semaphore, #tpu.memory_space<semaphore_mem>>)
        %mul3A_598 = arith.constant 2 : i32
        %mul3A_599 = arith.muli %mul3A_598, %sub3A_307 : i32
        %add3A_600 = arith.constant 1 : i32
        %add3A_601 = arith.addi %mul3A_599, %add3A_600 : i32
        %dma_start3A_602 = arith.constant 0 : i32
        %dma_start3A_603 = arith.constant 0 : i32
        %dma_start3A_604 = arith.constant 100 : i32
        %dma_start3A_605 = arith.constant 0 : i32
        %dma_start3A_606 = tpu.memref_slice %arg6[%dma_start3A_603, %dma_start3A_604, %dma_start3A_605] : memref<4x200x64xf32, #tpu.memory_space<vmem>> -> memref<1x100x64xf32, #tpu.memory_space<vmem>>
        %dma_start3A_607 = tpu.memref_squeeze %dma_start3A_606 : memref<1x100x64xf32, #tpu.memory_space<vmem>> -> memref<100x64xf32, #tpu.memory_space<vmem>>
        %dma_start3A_608 = arith.constant 0 : i32
        %dma_start3A_609 = tpu.memref_slice %arg5[%dma_start3A_602, %add3A_601, %dma_start3A_608] : memref<2x256x100xi32, #tpu.memory_space<vmem>> -> memref<1x1x100xi32, #tpu.memory_space<vmem>>
        %dma_start3A_610 = tpu.memref_squeeze %dma_start3A_609 : memref<1x1x100xi32, #tpu.memory_space<vmem>> -> memref<100xi32, #tpu.memory_space<vmem>>
        %dma_start3A_611 = arith.constant 0 : i32
        %dma_start3A_612 = arith.constant 0 : i32
        %dma_start3A_613 = tpu.memref_slice %arg3[%dma_start3A_611, %dma_start3A_612] : memref<1000000x64xf32, #tpu.memory_space<hbm>> -> memref<1000000x64xf32, #tpu.memory_space<hbm>>
        tpu.enqueue_indirect_dma source(%dma_start3A_613 : memref<1000000x64xf32, #tpu.memory_space<hbm>>) target(%dma_start3A_607 : memref<100x64xf32, #tpu.memory_space<vmem>>) offsets(%dma_start3A_610 : memref<100xi32, #tpu.memory_space<vmem>>) semaphore(%arg8 : memref<!tpu.dma_semaphore, #tpu.memory_space<semaphore_mem>>)
      } else {
      }
      %ge3A_313 = arith.constant 128 : i32
      %ge3A_314 = arith.cmpi sge, %sub3A_307, %ge3A_313 : i32
      %convert_element_type3A_315 = arith.extui %ge3A_314 : i1 to i32
      %cond3A_316 = arith.constant 0 : i32
      %cond3A_317 = arith.cmpi ne, %convert_element_type3A_315, %cond3A_316 : i32
      scf.if %cond3A_317 {
        %sub3A_584 = arith.constant 128 : i32
        %sub3A_585 = arith.subi %sub3A_307, %sub3A_584 : i32
        %mul3A_586 = arith.constant 2 : i32
        %mul3A_587 = arith.muli %mul3A_586, %sub3A_585 : i32
        %dma_start3A_588 = arith.constant 1 : i32
        %dma_start3A_589 = arith.constant 0 : i32
        %dma_start3A_590 = arith.constant 0 : i32
        %dma_start3A_591 = arith.constant 0 : i32
        %dma_start3A_592 = tpu.memref_slice %arg6[%dma_start3A_589, %dma_start3A_590, %dma_start3A_591] : memref<4x200x64xf32, #tpu.memory_space<vmem>> -> memref<1x100x64xf32, #tpu.memory_space<vmem>>
        %dma_start3A_593 = tpu.memref_squeeze %dma_start3A_592 : memref<1x100x64xf32, #tpu.memory_space<vmem>> -> memref<100x64xf32, #tpu.memory_space<vmem>>
        %dma_start3A_594 = arith.constant 0 : i32
        %dma_start3A_595 = tpu.memref_slice %arg5[%dma_start3A_588, %mul3A_587, %dma_start3A_594] : memref<2x256x100xi32, #tpu.memory_space<vmem>> -> memref<1x1x100xi32, #tpu.memory_space<vmem>>
        %dma_start3A_596 = tpu.memref_squeeze %dma_start3A_595 : memref<1x1x100xi32, #tpu.memory_space<vmem>> -> memref<100xi32, #tpu.memory_space<vmem>>
        %dma_start3A_597 = arith.constant 0 : i32
        %dma_start3A_598 = arith.constant 0 : i32
        %dma_start3A_599 = tpu.memref_slice %arg3[%dma_start3A_597, %dma_start3A_598] : memref<1000000x64xf32, #tpu.memory_space<hbm>> -> memref<1000000x64xf32, #tpu.memory_space<hbm>>
        tpu.enqueue_indirect_dma source(%dma_start3A_599 : memref<1000000x64xf32, #tpu.memory_space<hbm>>) target(%dma_start3A_593 : memref<100x64xf32, #tpu.memory_space<vmem>>) offsets(%dma_start3A_596 : memref<100xi32, #tpu.memory_space<vmem>>) semaphore(%arg8 : memref<!tpu.dma_semaphore, #tpu.memory_space<semaphore_mem>>)
        %mul3A_600 = arith.constant 2 : i32
        %mul3A_601 = arith.muli %mul3A_600, %sub3A_585 : i32
        %add3A_602 = arith.constant 1 : i32
        %add3A_603 = arith.addi %mul3A_601, %add3A_602 : i32
        %dma_start3A_604 = arith.constant 1 : i32
        %dma_start3A_605 = arith.constant 0 : i32
        %dma_start3A_606 = arith.constant 100 : i32
        %dma_start3A_607 = arith.constant 0 : i32
        %dma_start3A_608 = tpu.memref_slice %arg6[%dma_start3A_605, %dma_start3A_606, %dma_start3A_607] : memref<4x200x64xf32, #tpu.memory_space<vmem>> -> memref<1x100x64xf32, #tpu.memory_space<vmem>>
        %dma_start3A_609 = tpu.memref_squeeze %dma_start3A_608 : memref<1x100x64xf32, #tpu.memory_space<vmem>> -> memref<100x64xf32, #tpu.memory_space<vmem>>
        %dma_start3A_610 = arith.constant 0 : i32
        %dma_start3A_611 = tpu.memref_slice %arg5[%dma_start3A_604, %add3A_603, %dma_start3A_610] : memref<2x256x100xi32, #tpu.memory_space<vmem>> -> memref<1x1x100xi32, #tpu.memory_space<vmem>>
        %dma_start3A_612 = tpu.memref_squeeze %dma_start3A_611 : memref<1x1x100xi32, #tpu.memory_space<vmem>> -> memref<100xi32, #tpu.memory_space<vmem>>
        %dma_start3A_613 = arith.constant 0 : i32
        %dma_start3A_614 = arith.constant 0 : i32
        %dma_start3A_615 = tpu.memref_slice %arg3[%dma_start3A_613, %dma_start3A_614] : memref<1000000x64xf32, #tpu.memory_space<hbm>> -> memref<1000000x64xf32, #tpu.memory_space<hbm>>
        tpu.enqueue_indirect_dma source(%dma_start3A_615 : memref<1000000x64xf32, #tpu.memory_space<hbm>>) target(%dma_start3A_609 : memref<100x64xf32, #tpu.memory_space<vmem>>) offsets(%dma_start3A_612 : memref<100xi32, #tpu.memory_space<vmem>>) semaphore(%arg8 : memref<!tpu.dma_semaphore, #tpu.memory_space<semaphore_mem>>)
      } else {
      }
      %dma_wait3A_318 = arith.constant 1 : i32
      %dma_wait3A_319 = arith.constant 0 : i32
      %dma_wait3A_320 = arith.constant 0 : i32
      %dma_wait3A_321 = tpu.memref_slice %arg6[%dma_wait3A_318, %dma_wait3A_319, %dma_wait3A_320] : memref<4x200x64xf32, #tpu.memory_space<vmem>> -> memref<1x200x64xf32, #tpu.memory_space<vmem>>
      %dma_wait3A_322 = tpu.memref_squeeze %dma_wait3A_321 : memref<1x200x64xf32, #tpu.memory_space<vmem>> -> memref<200x64xf32, #tpu.memory_space<vmem>>
      %dma_wait3A_323 = arith.constant 0 : i32
      %dma_wait3A_324 = arith.constant 0 : i32
      %dma_wait3A_325 = tpu.memref_slice %arg3[%dma_wait3A_323, %dma_wait3A_324] : memref<1000000x64xf32, #tpu.memory_space<hbm>> -> memref<200x64xf32, #tpu.memory_space<hbm>>
      %dma_wait3A_326 = arith.constant 0 : i32
      %dma_wait3A_327 = arith.constant 0 : i32
      %dma_wait3A_328 = tpu.memref_slice %arg6[%dma_wait3A_318, %dma_wait3A_326, %dma_wait3A_327] : memref<4x200x64xf32, #tpu.memory_space<vmem>> -> memref<1x200x64xf32, #tpu.memory_space<vmem>>
      %dma_wait3A_329 = tpu.memref_squeeze %dma_wait3A_328 : memref<1x200x64xf32, #tpu.memory_space<vmem>> -> memref<200x64xf32, #tpu.memory_space<vmem>>
      %dma_wait3A_330 = arith.constant 0 : i32
      %dma_wait3A_331 = arith.constant 0 : i32
      %dma_wait3A_332 = tpu.memref_slice %arg3[%dma_wait3A_330, %dma_wait3A_331] : memref<1000000x64xf32, #tpu.memory_space<hbm>> -> memref<200x64xf32, #tpu.memory_space<hbm>>
      tpu.wait_dma2 semaphore(%arg9 : memref<!tpu.dma_semaphore, #tpu.memory_space<semaphore_mem>>) src(%dma_wait3A_332 : memref<200x64xf32, #tpu.memory_space<hbm>>) dst(%dma_wait3A_329 : memref<200x64xf32, #tpu.memory_space<vmem>>)
      %add3A_333 = arith.constant 1 : i32
      %add3A_334 = arith.addi %add3A_228, %add3A_333 : i32
      %broadcast_in_dim3A_335 = arith.constant 0.000000e+00 : f32
      %broadcast_in_dim3A_336 = vector.broadcast %broadcast_in_dim3A_335 : f32 to vector<16xf32>
      %parallel_loop3A_337 = arith.constant 0 : i32
      %parallel_loop3A_338 = arith.constant 200 : i32
      %parallel_loop3A_339 = arith.constant 1 : i32
      %parallel_loop3A_340:4 = scf.for %parallel_loop3A_584 = %parallel_loop3A_337 to %parallel_loop3A_338 step %parallel_loop3A_339 iter_args(%parallel_loop3A_585 = %broadcast_in_dim3A_336, %parallel_loop3A_586 = %broadcast_in_dim3A_336, %parallel_loop3A_587 = %broadcast_in_dim3A_336, %parallel_loop3A_588 = %broadcast_in_dim3A_336) -> (vector<16xf32>, vector<16xf32>, vector<16xf32>, vector<16xf32>)  : i32 {
        %parallel_loop3A_589 = arith.constant 1 : i32
        %parallel_loop3A_590 = arith.index_cast %parallel_loop3A_589 : i32 to index
        %parallel_loop3A_591 = arith.index_cast %parallel_loop3A_584 : i32 to index
        %parallel_loop3A_592 = arith.constant 0 : index
        %parallel_loop3A_593 = tpu.vector_load %arg6[%parallel_loop3A_590, %parallel_loop3A_591, %parallel_loop3A_592] {strides = array<i32>} : memref<4x200x64xf32, #tpu.memory_space<vmem>>, vector<1x1x16xf32>,
        %parallel_loop3A_594 = vector.shape_cast %parallel_loop3A_593 : vector<1x1x16xf32> to vector<16xf32>
        %parallel_loop3A_595 = arith.constant 1 : i32
        %parallel_loop3A_596 = arith.index_cast %parallel_loop3A_595 : i32 to index
        %parallel_loop3A_597 = arith.index_cast %parallel_loop3A_584 : i32 to index
        %parallel_loop3A_598 = arith.constant 16 : index
        %parallel_loop3A_599 = tpu.vector_load %arg6[%parallel_loop3A_596, %parallel_loop3A_597, %parallel_loop3A_598] {strides = array<i32>} : memref<4x200x64xf32, #tpu.memory_space<vmem>>, vector<1x1x16xf32>,
        %parallel_loop3A_600 = vector.shape_cast %parallel_loop3A_599 : vector<1x1x16xf32> to vector<16xf32>
        %parallel_loop3A_601 = arith.constant 1 : i32
        %parallel_loop3A_602 = arith.index_cast %parallel_loop3A_601 : i32 to index
        %parallel_loop3A_603 = arith.index_cast %parallel_loop3A_584 : i32 to index
        %parallel_loop3A_604 = arith.constant 32 : index
        %parallel_loop3A_605 = tpu.vector_load %arg6[%parallel_loop3A_602, %parallel_loop3A_603, %parallel_loop3A_604] {strides = array<i32>} : memref<4x200x64xf32, #tpu.memory_space<vmem>>, vector<1x1x16xf32>,
        %parallel_loop3A_606 = vector.shape_cast %parallel_loop3A_605 : vector<1x1x16xf32> to vector<16xf32>
        %parallel_loop3A_607 = arith.constant 1 : i32
        %parallel_loop3A_608 = arith.index_cast %parallel_loop3A_607 : i32 to index
        %parallel_loop3A_609 = arith.index_cast %parallel_loop3A_584 : i32 to index
        %parallel_loop3A_610 = arith.constant 48 : index
        %parallel_loop3A_611 = tpu.vector_load %arg6[%parallel_loop3A_608, %parallel_loop3A_609, %parallel_loop3A_610] {strides = array<i32>} : memref<4x200x64xf32, #tpu.memory_space<vmem>>, vector<1x1x16xf32>,
        %parallel_loop3A_612 = vector.shape_cast %parallel_loop3A_611 : vector<1x1x16xf32> to vector<16xf32>
        %parallel_loop3A_613 = arith.addf %parallel_loop3A_585, %parallel_loop3A_594 : vector<16xf32>
        %parallel_loop3A_614 = arith.addf %parallel_loop3A_586, %parallel_loop3A_600 : vector<16xf32>
        %parallel_loop3A_615 = arith.addf %parallel_loop3A_587, %parallel_loop3A_606 : vector<16xf32>
        %parallel_loop3A_616 = arith.addf %parallel_loop3A_588, %parallel_loop3A_612 : vector<16xf32>
        scf.yield %parallel_loop3A_613, %parallel_loop3A_614, %parallel_loop3A_615, %parallel_loop3A_616 : vector<16xf32>, vector<16xf32>, vector<16xf32>, vector<16xf32>
      } {sc.loop_unroll_factor = 8 : i64, sc.parallel_access}
      %jit3A_341 = arith.constant 128 : i32
      %eq3A_342 = arith.constant 0 : i32
      %eq3A_343 = arith.cmpi eq, %jit3A_341, %eq3A_342 : i32
      %jit3A_344 = arith.constant 1 : i32
      %select_n3A_345 = arith.select %eq3A_343, %jit3A_344, %jit3A_341 : i32
      %rem3A_346 = arith.remsi %add3A_334, %select_n3A_345 : i32
      %ne3A_347 = arith.constant 0 : i32
      %ne3A_348 = arith.cmpi ne, %rem3A_346, %ne3A_347 : i32
      %lt3A_349 = arith.constant 0 : i32
      %lt3A_350 = arith.cmpi slt, %rem3A_346, %lt3A_349 : i32
      %lt3A_351 = arith.constant 0 : i32
      %lt3A_352 = arith.cmpi slt, %select_n3A_345, %lt3A_351 : i32
      %ne3A_353 = arith.xori %lt3A_350, %lt3A_352 : i1
      %and3A_354 = arith.andi %ne3A_353, %ne3A_348 : i1
      %add3A_355 = arith.addi %rem3A_346, %select_n3A_345 : i32
      %select_n3A_356 = arith.select %and3A_354, %add3A_355, %rem3A_346 : i32
      %mul3A_357 = arith.constant 5.000000e-03 : f32
      %mul3A_358 = vector.broadcast %mul3A_357 : f32 to vector<16xf32>
      %mul3A_359 = arith.mulf %parallel_loop3A_340#0, %mul3A_358 : vector<16xf32>
      %swap3A_360 = arith.index_cast %select_n3A_356 : i32 to index
      %swap3A_361 = arith.constant 0 : index
      %swap3A_362 = tpu.vector_load %arg7[%swap3A_360, %swap3A_361] {strides = array<i32>} : memref<128x64xf32, #tpu.memory_space<vmem>>, vector<1x16xf32>,
      %swap3A_363 = vector.shape_cast %swap3A_362 : vector<1x16xf32> to vector<16xf32>
      %swap3A_364 = vector.shape_cast %mul3A_359 : vector<16xf32> to vector<1x16xf32>
      tpu.vector_store %arg7[%swap3A_360, %swap3A_361], %swap3A_364 {strides = array<i32>} : memref<128x64xf32, #tpu.memory_space<vmem>>, vector<1x16xf32>,
      %mul3A_365 = arith.constant 5.000000e-03 : f32
      %mul3A_366 = vector.broadcast %mul3A_365 : f32 to vector<16xf32>
      %mul3A_367 = arith.mulf %parallel_loop3A_340#1, %mul3A_366 : vector<16xf32>
      %swap3A_368 = arith.index_cast %select_n3A_356 : i32 to index
      %swap3A_369 = arith.constant 16 : index
      %swap3A_370 = tpu.vector_load %arg7[%swap3A_368, %swap3A_369] {strides = array<i32>} : memref<128x64xf32, #tpu.memory_space<vmem>>, vector<1x16xf32>,
      %swap3A_371 = vector.shape_cast %swap3A_370 : vector<1x16xf32> to vector<16xf32>
      %swap3A_372 = vector.shape_cast %mul3A_367 : vector<16xf32> to vector<1x16xf32>
      tpu.vector_store %arg7[%swap3A_368, %swap3A_369], %swap3A_372 {strides = array<i32>} : memref<128x64xf32, #tpu.memory_space<vmem>>, vector<1x16xf32>,
      %mul3A_373 = arith.constant 5.000000e-03 : f32
      %mul3A_374 = vector.broadcast %mul3A_373 : f32 to vector<16xf32>
      %mul3A_375 = arith.mulf %parallel_loop3A_340#2, %mul3A_374 : vector<16xf32>
      %swap3A_376 = arith.index_cast %select_n3A_356 : i32 to index
      %swap3A_377 = arith.constant 32 : index
      %swap3A_378 = tpu.vector_load %arg7[%swap3A_376, %swap3A_377] {strides = array<i32>} : memref<128x64xf32, #tpu.memory_space<vmem>>, vector<1x16xf32>,
      %swap3A_379 = vector.shape_cast %swap3A_378 : vector<1x16xf32> to vector<16xf32>
      %swap3A_380 = vector.shape_cast %mul3A_375 : vector<16xf32> to vector<1x16xf32>
      tpu.vector_store %arg7[%swap3A_376, %swap3A_377], %swap3A_380 {strides = array<i32>} : memref<128x64xf32, #tpu.memory_space<vmem>>, vector<1x16xf32>,
      %mul3A_381 = arith.constant 5.000000e-03 : f32
      %mul3A_382 = vector.broadcast %mul3A_381 : f32 to vector<16xf32>
      %mul3A_383 = arith.mulf %parallel_loop3A_340#3, %mul3A_382 : vector<16xf32>
      %swap3A_384 = arith.index_cast %select_n3A_356 : i32 to index
      %swap3A_385 = arith.constant 48 : index
      %swap3A_386 = tpu.vector_load %arg7[%swap3A_384, %swap3A_385] {strides = array<i32>} : memref<128x64xf32, #tpu.memory_space<vmem>>, vector<1x16xf32>,
      %swap3A_387 = vector.shape_cast %swap3A_386 : vector<1x16xf32> to vector<16xf32>
      %swap3A_388 = vector.shape_cast %mul3A_383 : vector<16xf32> to vector<1x16xf32>
      tpu.vector_store %arg7[%swap3A_384, %swap3A_385], %swap3A_388 {strides = array<i32>} : memref<128x64xf32, #tpu.memory_space<vmem>>, vector<1x16xf32>,
      %add3A_389 = arith.constant 2 : i32
      %add3A_390 = arith.addi %add3A_228, %add3A_389 : i32
      %add3A_391 = arith.constant 4 : i32
      %add3A_392 = arith.addi %add3A_390, %add3A_391 : i32
      %sub3A_393 = arith.constant 1 : i32
      %sub3A_394 = arith.subi %add3A_392, %sub3A_393 : i32
      %lt3A_395 = arith.constant 128 : i32
      %lt3A_396 = arith.cmpi slt, %sub3A_394, %lt3A_395 : i32
      %convert_element_type3A_397 = arith.extui %lt3A_396 : i1 to i32
      %cond3A_398 = arith.constant 0 : i32
      %cond3A_399 = arith.cmpi ne, %convert_element_type3A_397, %cond3A_398 : i32
      scf.if %cond3A_399 {
        %mul3A_584 = arith.constant 2 : i32
        %mul3A_585 = arith.muli %mul3A_584, %sub3A_394 : i32
        %dma_start3A_586 = arith.constant 0 : i32
        %dma_start3A_587 = arith.constant 1 : i32
        %dma_start3A_588 = arith.constant 0 : i32
        %dma_start3A_589 = arith.constant 0 : i32
        %dma_start3A_590 = tpu.memref_slice %arg6[%dma_start3A_587, %dma_start3A_588, %dma_start3A_589] : memref<4x200x64xf32, #tpu.memory_space<vmem>> -> memref<1x100x64xf32, #tpu.memory_space<vmem>>
        %dma_start3A_591 = tpu.memref_squeeze %dma_start3A_590 : memref<1x100x64xf32, #tpu.memory_space<vmem>> -> memref<100x64xf32, #tpu.memory_space<vmem>>
        %dma_start3A_592 = arith.constant 0 : i32
        %dma_start3A_593 = tpu.memref_slice %arg5[%dma_start3A_586, %mul3A_585, %dma_start3A_592] : memref<2x256x100xi32, #tpu.memory_space<vmem>> -> memref<1x1x100xi32, #tpu.memory_space<vmem>>
        %dma_start3A_594 = tpu.memref_squeeze %dma_start3A_593 : memref<1x1x100xi32, #tpu.memory_space<vmem>> -> memref<100xi32, #tpu.memory_space<vmem>>
        %dma_start3A_595 = arith.constant 0 : i32
        %dma_start3A_596 = arith.constant 0 : i32
        %dma_start3A_597 = tpu.memref_slice %arg3[%dma_start3A_595, %dma_start3A_596] : memref<1000000x64xf32, #tpu.memory_space<hbm>> -> memref<1000000x64xf32, #tpu.memory_space<hbm>>
        tpu.enqueue_indirect_dma source(%dma_start3A_597 : memref<1000000x64xf32, #tpu.memory_space<hbm>>) target(%dma_start3A_591 : memref<100x64xf32, #tpu.memory_space<vmem>>) offsets(%dma_start3A_594 : memref<100xi32, #tpu.memory_space<vmem>>) semaphore(%arg9 : memref<!tpu.dma_semaphore, #tpu.memory_space<semaphore_mem>>)
        %mul3A_598 = arith.constant 2 : i32
        %mul3A_599 = arith.muli %mul3A_598, %sub3A_394 : i32
        %add3A_600 = arith.constant 1 : i32
        %add3A_601 = arith.addi %mul3A_599, %add3A_600 : i32
        %dma_start3A_602 = arith.constant 0 : i32
        %dma_start3A_603 = arith.constant 1 : i32
        %dma_start3A_604 = arith.constant 100 : i32
        %dma_start3A_605 = arith.constant 0 : i32
        %dma_start3A_606 = tpu.memref_slice %arg6[%dma_start3A_603, %dma_start3A_604, %dma_start3A_605] : memref<4x200x64xf32, #tpu.memory_space<vmem>> -> memref<1x100x64xf32, #tpu.memory_space<vmem>>
        %dma_start3A_607 = tpu.memref_squeeze %dma_start3A_606 : memref<1x100x64xf32, #tpu.memory_space<vmem>> -> memref<100x64xf32, #tpu.memory_space<vmem>>
        %dma_start3A_608 = arith.constant 0 : i32
        %dma_start3A_609 = tpu.memref_slice %arg5[%dma_start3A_602, %add3A_601, %dma_start3A_608] : memref<2x256x100xi32, #tpu.memory_space<vmem>> -> memref<1x1x100xi32, #tpu.memory_space<vmem>>
        %dma_start3A_610 = tpu.memref_squeeze %dma_start3A_609 : memref<1x1x100xi32, #tpu.memory_space<vmem>> -> memref<100xi32, #tpu.memory_space<vmem>>
        %dma_start3A_611 = arith.constant 0 : i32
        %dma_start3A_612 = arith.constant 0 : i32
        %dma_start3A_613 = tpu.memref_slice %arg3[%dma_start3A_611, %dma_start3A_612] : memref<1000000x64xf32, #tpu.memory_space<hbm>> -> memref<1000000x64xf32, #tpu.memory_space<hbm>>
        tpu.enqueue_indirect_dma source(%dma_start3A_613 : memref<1000000x64xf32, #tpu.memory_space<hbm>>) target(%dma_start3A_607 : memref<100x64xf32, #tpu.memory_space<vmem>>) offsets(%dma_start3A_610 : memref<100xi32, #tpu.memory_space<vmem>>) semaphore(%arg9 : memref<!tpu.dma_semaphore, #tpu.memory_space<semaphore_mem>>)
      } else {
      }
      %ge3A_400 = arith.constant 128 : i32
      %ge3A_401 = arith.cmpi sge, %sub3A_394, %ge3A_400 : i32
      %convert_element_type3A_402 = arith.extui %ge3A_401 : i1 to i32
      %cond3A_403 = arith.constant 0 : i32
      %cond3A_404 = arith.cmpi ne, %convert_element_type3A_402, %cond3A_403 : i32
      scf.if %cond3A_404 {
        %sub3A_584 = arith.constant 128 : i32
        %sub3A_585 = arith.subi %sub3A_394, %sub3A_584 : i32
        %mul3A_586 = arith.constant 2 : i32
        %mul3A_587 = arith.muli %mul3A_586, %sub3A_585 : i32
        %dma_start3A_588 = arith.constant 1 : i32
        %dma_start3A_589 = arith.constant 1 : i32
        %dma_start3A_590 = arith.constant 0 : i32
        %dma_start3A_591 = arith.constant 0 : i32
        %dma_start3A_592 = tpu.memref_slice %arg6[%dma_start3A_589, %dma_start3A_590, %dma_start3A_591] : memref<4x200x64xf32, #tpu.memory_space<vmem>> -> memref<1x100x64xf32, #tpu.memory_space<vmem>>
        %dma_start3A_593 = tpu.memref_squeeze %dma_start3A_592 : memref<1x100x64xf32, #tpu.memory_space<vmem>> -> memref<100x64xf32, #tpu.memory_space<vmem>>
        %dma_start3A_594 = arith.constant 0 : i32
        %dma_start3A_595 = tpu.memref_slice %arg5[%dma_start3A_588, %mul3A_587, %dma_start3A_594] : memref<2x256x100xi32, #tpu.memory_space<vmem>> -> memref<1x1x100xi32, #tpu.memory_space<vmem>>
        %dma_start3A_596 = tpu.memref_squeeze %dma_start3A_595 : memref<1x1x100xi32, #tpu.memory_space<vmem>> -> memref<100xi32, #tpu.memory_space<vmem>>
        %dma_start3A_597 = arith.constant 0 : i32
        %dma_start3A_598 = arith.constant 0 : i32
        %dma_start3A_599 = tpu.memref_slice %arg3[%dma_start3A_597, %dma_start3A_598] : memref<1000000x64xf32, #tpu.memory_space<hbm>> -> memref<1000000x64xf32, #tpu.memory_space<hbm>>
        tpu.enqueue_indirect_dma source(%dma_start3A_599 : memref<1000000x64xf32, #tpu.memory_space<hbm>>) target(%dma_start3A_593 : memref<100x64xf32, #tpu.memory_space<vmem>>) offsets(%dma_start3A_596 : memref<100xi32, #tpu.memory_space<vmem>>) semaphore(%arg9 : memref<!tpu.dma_semaphore, #tpu.memory_space<semaphore_mem>>)
        %mul3A_600 = arith.constant 2 : i32
        %mul3A_601 = arith.muli %mul3A_600, %sub3A_585 : i32
        %add3A_602 = arith.constant 1 : i32
        %add3A_603 = arith.addi %mul3A_601, %add3A_602 : i32
        %dma_start3A_604 = arith.constant 1 : i32
        %dma_start3A_605 = arith.constant 1 : i32
        %dma_start3A_606 = arith.constant 100 : i32
        %dma_start3A_607 = arith.constant 0 : i32
        %dma_start3A_608 = tpu.memref_slice %arg6[%dma_start3A_605, %dma_start3A_606, %dma_start3A_607] : memref<4x200x64xf32, #tpu.memory_space<vmem>> -> memref<1x100x64xf32, #tpu.memory_space<vmem>>
        %dma_start3A_609 = tpu.memref_squeeze %dma_start3A_608 : memref<1x100x64xf32, #tpu.memory_space<vmem>> -> memref<100x64xf32, #tpu.memory_space<vmem>>
        %dma_start3A_610 = arith.constant 0 : i32
        %dma_start3A_611 = tpu.memref_slice %arg5[%dma_start3A_604, %add3A_603, %dma_start3A_610] : memref<2x256x100xi32, #tpu.memory_space<vmem>> -> memref<1x1x100xi32, #tpu.memory_space<vmem>>
        %dma_start3A_612 = tpu.memref_squeeze %dma_start3A_611 : memref<1x1x100xi32, #tpu.memory_space<vmem>> -> memref<100xi32, #tpu.memory_space<vmem>>
        %dma_start3A_613 = arith.constant 0 : i32
        %dma_start3A_614 = arith.constant 0 : i32
        %dma_start3A_615 = tpu.memref_slice %arg3[%dma_start3A_613, %dma_start3A_614] : memref<1000000x64xf32, #tpu.memory_space<hbm>> -> memref<1000000x64xf32, #tpu.memory_space<hbm>>
        tpu.enqueue_indirect_dma source(%dma_start3A_615 : memref<1000000x64xf32, #tpu.memory_space<hbm>>) target(%dma_start3A_609 : memref<100x64xf32, #tpu.memory_space<vmem>>) offsets(%dma_start3A_612 : memref<100xi32, #tpu.memory_space<vmem>>) semaphore(%arg9 : memref<!tpu.dma_semaphore, #tpu.memory_space<semaphore_mem>>)
      } else {
      }
      %dma_wait3A_405 = arith.constant 2 : i32
      %dma_wait3A_406 = arith.constant 0 : i32
      %dma_wait3A_407 = arith.constant 0 : i32
      %dma_wait3A_408 = tpu.memref_slice %arg6[%dma_wait3A_405, %dma_wait3A_406, %dma_wait3A_407] : memref<4x200x64xf32, #tpu.memory_space<vmem>> -> memref<1x200x64xf32, #tpu.memory_space<vmem>>
      %dma_wait3A_409 = tpu.memref_squeeze %dma_wait3A_408 : memref<1x200x64xf32, #tpu.memory_space<vmem>> -> memref<200x64xf32, #tpu.memory_space<vmem>>
      %dma_wait3A_410 = arith.constant 0 : i32
      %dma_wait3A_411 = arith.constant 0 : i32
      %dma_wait3A_412 = tpu.memref_slice %arg3[%dma_wait3A_410, %dma_wait3A_411] : memref<1000000x64xf32, #tpu.memory_space<hbm>> -> memref<200x64xf32, #tpu.memory_space<hbm>>
      %dma_wait3A_413 = arith.constant 0 : i32
      %dma_wait3A_414 = arith.constant 0 : i32
      %dma_wait3A_415 = tpu.memref_slice %arg6[%dma_wait3A_405, %dma_wait3A_413, %dma_wait3A_414] : memref<4x200x64xf32, #tpu.memory_space<vmem>> -> memref<1x200x64xf32, #tpu.memory_space<vmem>>
      %dma_wait3A_416 = tpu.memref_squeeze %dma_wait3A_415 : memref<1x200x64xf32, #tpu.memory_space<vmem>> -> memref<200x64xf32, #tpu.memory_space<vmem>>
      %dma_wait3A_417 = arith.constant 0 : i32
      %dma_wait3A_418 = arith.constant 0 : i32
      %dma_wait3A_419 = tpu.memref_slice %arg3[%dma_wait3A_417, %dma_wait3A_418] : memref<1000000x64xf32, #tpu.memory_space<hbm>> -> memref<200x64xf32, #tpu.memory_space<hbm>>
      tpu.wait_dma2 semaphore(%arg10 : memref<!tpu.dma_semaphore, #tpu.memory_space<semaphore_mem>>) src(%dma_wait3A_419 : memref<200x64xf32, #tpu.memory_space<hbm>>) dst(%dma_wait3A_416 : memref<200x64xf32, #tpu.memory_space<vmem>>)
      %add3A_420 = arith.constant 2 : i32
      %add3A_421 = arith.addi %add3A_228, %add3A_420 : i32
      %broadcast_in_dim3A_422 = arith.constant 0.000000e+00 : f32
      %broadcast_in_dim3A_423 = vector.broadcast %broadcast_in_dim3A_422 : f32 to vector<16xf32>
      %parallel_loop3A_424 = arith.constant 0 : i32
      %parallel_loop3A_425 = arith.constant 200 : i32
      %parallel_loop3A_426 = arith.constant 1 : i32
      %parallel_loop3A_427:4 = scf.for %parallel_loop3A_584 = %parallel_loop3A_424 to %parallel_loop3A_425 step %parallel_loop3A_426 iter_args(%parallel_loop3A_585 = %broadcast_in_dim3A_423, %parallel_loop3A_586 = %broadcast_in_dim3A_423, %parallel_loop3A_587 = %broadcast_in_dim3A_423, %parallel_loop3A_588 = %broadcast_in_dim3A_423) -> (vector<16xf32>, vector<16xf32>, vector<16xf32>, vector<16xf32>)  : i32 {
        %parallel_loop3A_589 = arith.constant 2 : i32
        %parallel_loop3A_590 = arith.index_cast %parallel_loop3A_589 : i32 to index
        %parallel_loop3A_591 = arith.index_cast %parallel_loop3A_584 : i32 to index
        %parallel_loop3A_592 = arith.constant 0 : index
        %parallel_loop3A_593 = tpu.vector_load %arg6[%parallel_loop3A_590, %parallel_loop3A_591, %parallel_loop3A_592] {strides = array<i32>} : memref<4x200x64xf32, #tpu.memory_space<vmem>>, vector<1x1x16xf32>,
        %parallel_loop3A_594 = vector.shape_cast %parallel_loop3A_593 : vector<1x1x16xf32> to vector<16xf32>
        %parallel_loop3A_595 = arith.constant 2 : i32
        %parallel_loop3A_596 = arith.index_cast %parallel_loop3A_595 : i32 to index
        %parallel_loop3A_597 = arith.index_cast %parallel_loop3A_584 : i32 to index
        %parallel_loop3A_598 = arith.constant 16 : index
        %parallel_loop3A_599 = tpu.vector_load %arg6[%parallel_loop3A_596, %parallel_loop3A_597, %parallel_loop3A_598] {strides = array<i32>} : memref<4x200x64xf32, #tpu.memory_space<vmem>>, vector<1x1x16xf32>,
        %parallel_loop3A_600 = vector.shape_cast %parallel_loop3A_599 : vector<1x1x16xf32> to vector<16xf32>
        %parallel_loop3A_601 = arith.constant 2 : i32
        %parallel_loop3A_602 = arith.index_cast %parallel_loop3A_601 : i32 to index
        %parallel_loop3A_603 = arith.index_cast %parallel_loop3A_584 : i32 to index
        %parallel_loop3A_604 = arith.constant 32 : index
        %parallel_loop3A_605 = tpu.vector_load %arg6[%parallel_loop3A_602, %parallel_loop3A_603, %parallel_loop3A_604] {strides = array<i32>} : memref<4x200x64xf32, #tpu.memory_space<vmem>>, vector<1x1x16xf32>,
        %parallel_loop3A_606 = vector.shape_cast %parallel_loop3A_605 : vector<1x1x16xf32> to vector<16xf32>
        %parallel_loop3A_607 = arith.constant 2 : i32
        %parallel_loop3A_608 = arith.index_cast %parallel_loop3A_607 : i32 to index
        %parallel_loop3A_609 = arith.index_cast %parallel_loop3A_584 : i32 to index
        %parallel_loop3A_610 = arith.constant 48 : index
        %parallel_loop3A_611 = tpu.vector_load %arg6[%parallel_loop3A_608, %parallel_loop3A_609, %parallel_loop3A_610] {strides = array<i32>} : memref<4x200x64xf32, #tpu.memory_space<vmem>>, vector<1x1x16xf32>,
        %parallel_loop3A_612 = vector.shape_cast %parallel_loop3A_611 : vector<1x1x16xf32> to vector<16xf32>
        %parallel_loop3A_613 = arith.addf %parallel_loop3A_585, %parallel_loop3A_594 : vector<16xf32>
        %parallel_loop3A_614 = arith.addf %parallel_loop3A_586, %parallel_loop3A_600 : vector<16xf32>
        %parallel_loop3A_615 = arith.addf %parallel_loop3A_587, %parallel_loop3A_606 : vector<16xf32>
        %parallel_loop3A_616 = arith.addf %parallel_loop3A_588, %parallel_loop3A_612 : vector<16xf32>
        scf.yield %parallel_loop3A_613, %parallel_loop3A_614, %parallel_loop3A_615, %parallel_loop3A_616 : vector<16xf32>, vector<16xf32>, vector<16xf32>, vector<16xf32>
      } {sc.loop_unroll_factor = 8 : i64, sc.parallel_access}
      %jit3A_428 = arith.constant 128 : i32
      %eq3A_429 = arith.constant 0 : i32
      %eq3A_430 = arith.cmpi eq, %jit3A_428, %eq3A_429 : i32
      %jit3A_431 = arith.constant 1 : i32
      %select_n3A_432 = arith.select %eq3A_430, %jit3A_431, %jit3A_428 : i32
      %rem3A_433 = arith.remsi %add3A_421, %select_n3A_432 : i32
      %ne3A_434 = arith.constant 0 : i32
      %ne3A_435 = arith.cmpi ne, %rem3A_433, %ne3A_434 : i32
      %lt3A_436 = arith.constant 0 : i32
      %lt3A_437 = arith.cmpi slt, %rem3A_433, %lt3A_436 : i32
      %lt3A_438 = arith.constant 0 : i32
      %lt3A_439 = arith.cmpi slt, %select_n3A_432, %lt3A_438 : i32
      %ne3A_440 = arith.xori %lt3A_437, %lt3A_439 : i1
      %and3A_441 = arith.andi %ne3A_440, %ne3A_435 : i1
      %add3A_442 = arith.addi %rem3A_433, %select_n3A_432 : i32
      %select_n3A_443 = arith.select %and3A_441, %add3A_442, %rem3A_433 : i32
      %mul3A_444 = arith.constant 5.000000e-03 : f32
      %mul3A_445 = vector.broadcast %mul3A_444 : f32 to vector<16xf32>
      %mul3A_446 = arith.mulf %parallel_loop3A_427#0, %mul3A_445 : vector<16xf32>
      %swap3A_447 = arith.index_cast %select_n3A_443 : i32 to index
      %swap3A_448 = arith.constant 0 : index
      %swap3A_449 = tpu.vector_load %arg7[%swap3A_447, %swap3A_448] {strides = array<i32>} : memref<128x64xf32, #tpu.memory_space<vmem>>, vector<1x16xf32>,
      %swap3A_450 = vector.shape_cast %swap3A_449 : vector<1x16xf32> to vector<16xf32>
      %swap3A_451 = vector.shape_cast %mul3A_446 : vector<16xf32> to vector<1x16xf32>
      tpu.vector_store %arg7[%swap3A_447, %swap3A_448], %swap3A_451 {strides = array<i32>} : memref<128x64xf32, #tpu.memory_space<vmem>>, vector<1x16xf32>,
      %mul3A_452 = arith.constant 5.000000e-03 : f32
      %mul3A_453 = vector.broadcast %mul3A_452 : f32 to vector<16xf32>
      %mul3A_454 = arith.mulf %parallel_loop3A_427#1, %mul3A_453 : vector<16xf32>
      %swap3A_455 = arith.index_cast %select_n3A_443 : i32 to index
      %swap3A_456 = arith.constant 16 : index
      %swap3A_457 = tpu.vector_load %arg7[%swap3A_455, %swap3A_456] {strides = array<i32>} : memref<128x64xf32, #tpu.memory_space<vmem>>, vector<1x16xf32>,
      %swap3A_458 = vector.shape_cast %swap3A_457 : vector<1x16xf32> to vector<16xf32>
      %swap3A_459 = vector.shape_cast %mul3A_454 : vector<16xf32> to vector<1x16xf32>
      tpu.vector_store %arg7[%swap3A_455, %swap3A_456], %swap3A_459 {strides = array<i32>} : memref<128x64xf32, #tpu.memory_space<vmem>>, vector<1x16xf32>,
      %mul3A_460 = arith.constant 5.000000e-03 : f32
      %mul3A_461 = vector.broadcast %mul3A_460 : f32 to vector<16xf32>
      %mul3A_462 = arith.mulf %parallel_loop3A_427#2, %mul3A_461 : vector<16xf32>
      %swap3A_463 = arith.index_cast %select_n3A_443 : i32 to index
      %swap3A_464 = arith.constant 32 : index
      %swap3A_465 = tpu.vector_load %arg7[%swap3A_463, %swap3A_464] {strides = array<i32>} : memref<128x64xf32, #tpu.memory_space<vmem>>, vector<1x16xf32>,
      %swap3A_466 = vector.shape_cast %swap3A_465 : vector<1x16xf32> to vector<16xf32>
      %swap3A_467 = vector.shape_cast %mul3A_462 : vector<16xf32> to vector<1x16xf32>
      tpu.vector_store %arg7[%swap3A_463, %swap3A_464], %swap3A_467 {strides = array<i32>} : memref<128x64xf32, #tpu.memory_space<vmem>>, vector<1x16xf32>,
      %mul3A_468 = arith.constant 5.000000e-03 : f32
      %mul3A_469 = vector.broadcast %mul3A_468 : f32 to vector<16xf32>
      %mul3A_470 = arith.mulf %parallel_loop3A_427#3, %mul3A_469 : vector<16xf32>
      %swap3A_471 = arith.index_cast %select_n3A_443 : i32 to index
      %swap3A_472 = arith.constant 48 : index
      %swap3A_473 = tpu.vector_load %arg7[%swap3A_471, %swap3A_472] {strides = array<i32>} : memref<128x64xf32, #tpu.memory_space<vmem>>, vector<1x16xf32>,
      %swap3A_474 = vector.shape_cast %swap3A_473 : vector<1x16xf32> to vector<16xf32>
      %swap3A_475 = vector.shape_cast %mul3A_470 : vector<16xf32> to vector<1x16xf32>
      tpu.vector_store %arg7[%swap3A_471, %swap3A_472], %swap3A_475 {strides = array<i32>} : memref<128x64xf32, #tpu.memory_space<vmem>>, vector<1x16xf32>,
      %add3A_476 = arith.constant 3 : i32
      %add3A_477 = arith.addi %add3A_228, %add3A_476 : i32
      %add3A_478 = arith.constant 4 : i32
      %add3A_479 = arith.addi %add3A_477, %add3A_478 : i32
      %sub3A_480 = arith.constant 1 : i32
      %sub3A_481 = arith.subi %add3A_479, %sub3A_480 : i32
      %lt3A_482 = arith.constant 128 : i32
      %lt3A_483 = arith.cmpi slt, %sub3A_481, %lt3A_482 : i32
      %convert_element_type3A_484 = arith.extui %lt3A_483 : i1 to i32
      %cond3A_485 = arith.constant 0 : i32
      %cond3A_486 = arith.cmpi ne, %convert_element_type3A_484, %cond3A_485 : i32
      scf.if %cond3A_486 {
        %mul3A_584 = arith.constant 2 : i32
        %mul3A_585 = arith.muli %mul3A_584, %sub3A_481 : i32
        %dma_start3A_586 = arith.constant 0 : i32
        %dma_start3A_587 = arith.constant 2 : i32
        %dma_start3A_588 = arith.constant 0 : i32
        %dma_start3A_589 = arith.constant 0 : i32
        %dma_start3A_590 = tpu.memref_slice %arg6[%dma_start3A_587, %dma_start3A_588, %dma_start3A_589] : memref<4x200x64xf32, #tpu.memory_space<vmem>> -> memref<1x100x64xf32, #tpu.memory_space<vmem>>
        %dma_start3A_591 = tpu.memref_squeeze %dma_start3A_590 : memref<1x100x64xf32, #tpu.memory_space<vmem>> -> memref<100x64xf32, #tpu.memory_space<vmem>>
        %dma_start3A_592 = arith.constant 0 : i32
        %dma_start3A_593 = tpu.memref_slice %arg5[%dma_start3A_586, %mul3A_585, %dma_start3A_592] : memref<2x256x100xi32, #tpu.memory_space<vmem>> -> memref<1x1x100xi32, #tpu.memory_space<vmem>>
        %dma_start3A_594 = tpu.memref_squeeze %dma_start3A_593 : memref<1x1x100xi32, #tpu.memory_space<vmem>> -> memref<100xi32, #tpu.memory_space<vmem>>
        %dma_start3A_595 = arith.constant 0 : i32
        %dma_start3A_596 = arith.constant 0 : i32
        %dma_start3A_597 = tpu.memref_slice %arg3[%dma_start3A_595, %dma_start3A_596] : memref<1000000x64xf32, #tpu.memory_space<hbm>> -> memref<1000000x64xf32, #tpu.memory_space<hbm>>
        tpu.enqueue_indirect_dma source(%dma_start3A_597 : memref<1000000x64xf32, #tpu.memory_space<hbm>>) target(%dma_start3A_591 : memref<100x64xf32, #tpu.memory_space<vmem>>) offsets(%dma_start3A_594 : memref<100xi32, #tpu.memory_space<vmem>>) semaphore(%arg10 : memref<!tpu.dma_semaphore, #tpu.memory_space<semaphore_mem>>)
        %mul3A_598 = arith.constant 2 : i32
        %mul3A_599 = arith.muli %mul3A_598, %sub3A_481 : i32
        %add3A_600 = arith.constant 1 : i32
        %add3A_601 = arith.addi %mul3A_599, %add3A_600 : i32
        %dma_start3A_602 = arith.constant 0 : i32
        %dma_start3A_603 = arith.constant 2 : i32
        %dma_start3A_604 = arith.constant 100 : i32
        %dma_start3A_605 = arith.constant 0 : i32
        %dma_start3A_606 = tpu.memref_slice %arg6[%dma_start3A_603, %dma_start3A_604, %dma_start3A_605] : memref<4x200x64xf32, #tpu.memory_space<vmem>> -> memref<1x100x64xf32, #tpu.memory_space<vmem>>
        %dma_start3A_607 = tpu.memref_squeeze %dma_start3A_606 : memref<1x100x64xf32, #tpu.memory_space<vmem>> -> memref<100x64xf32, #tpu.memory_space<vmem>>
        %dma_start3A_608 = arith.constant 0 : i32
        %dma_start3A_609 = tpu.memref_slice %arg5[%dma_start3A_602, %add3A_601, %dma_start3A_608] : memref<2x256x100xi32, #tpu.memory_space<vmem>> -> memref<1x1x100xi32, #tpu.memory_space<vmem>>
        %dma_start3A_610 = tpu.memref_squeeze %dma_start3A_609 : memref<1x1x100xi32, #tpu.memory_space<vmem>> -> memref<100xi32, #tpu.memory_space<vmem>>
        %dma_start3A_611 = arith.constant 0 : i32
        %dma_start3A_612 = arith.constant 0 : i32
        %dma_start3A_613 = tpu.memref_slice %arg3[%dma_start3A_611, %dma_start3A_612] : memref<1000000x64xf32, #tpu.memory_space<hbm>> -> memref<1000000x64xf32, #tpu.memory_space<hbm>>
        tpu.enqueue_indirect_dma source(%dma_start3A_613 : memref<1000000x64xf32, #tpu.memory_space<hbm>>) target(%dma_start3A_607 : memref<100x64xf32, #tpu.memory_space<vmem>>) offsets(%dma_start3A_610 : memref<100xi32, #tpu.memory_space<vmem>>) semaphore(%arg10 : memref<!tpu.dma_semaphore, #tpu.memory_space<semaphore_mem>>)
      } else {
      }
      %ge3A_487 = arith.constant 128 : i32
      %ge3A_488 = arith.cmpi sge, %sub3A_481, %ge3A_487 : i32
      %convert_element_type3A_489 = arith.extui %ge3A_488 : i1 to i32
      %cond3A_490 = arith.constant 0 : i32
      %cond3A_491 = arith.cmpi ne, %convert_element_type3A_489, %cond3A_490 : i32
      scf.if %cond3A_491 {
        %sub3A_584 = arith.constant 128 : i32
        %sub3A_585 = arith.subi %sub3A_481, %sub3A_584 : i32
        %mul3A_586 = arith.constant 2 : i32
        %mul3A_587 = arith.muli %mul3A_586, %sub3A_585 : i32
        %dma_start3A_588 = arith.constant 1 : i32
        %dma_start3A_589 = arith.constant 2 : i32
        %dma_start3A_590 = arith.constant 0 : i32
        %dma_start3A_591 = arith.constant 0 : i32
        %dma_start3A_592 = tpu.memref_slice %arg6[%dma_start3A_589, %dma_start3A_590, %dma_start3A_591] : memref<4x200x64xf32, #tpu.memory_space<vmem>> -> memref<1x100x64xf32, #tpu.memory_space<vmem>>
        %dma_start3A_593 = tpu.memref_squeeze %dma_start3A_592 : memref<1x100x64xf32, #tpu.memory_space<vmem>> -> memref<100x64xf32, #tpu.memory_space<vmem>>
        %dma_start3A_594 = arith.constant 0 : i32
        %dma_start3A_595 = tpu.memref_slice %arg5[%dma_start3A_588, %mul3A_587, %dma_start3A_594] : memref<2x256x100xi32, #tpu.memory_space<vmem>> -> memref<1x1x100xi32, #tpu.memory_space<vmem>>
        %dma_start3A_596 = tpu.memref_squeeze %dma_start3A_595 : memref<1x1x100xi32, #tpu.memory_space<vmem>> -> memref<100xi32, #tpu.memory_space<vmem>>
        %dma_start3A_597 = arith.constant 0 : i32
        %dma_start3A_598 = arith.constant 0 : i32
        %dma_start3A_599 = tpu.memref_slice %arg3[%dma_start3A_597, %dma_start3A_598] : memref<1000000x64xf32, #tpu.memory_space<hbm>> -> memref<1000000x64xf32, #tpu.memory_space<hbm>>
        tpu.enqueue_indirect_dma source(%dma_start3A_599 : memref<1000000x64xf32, #tpu.memory_space<hbm>>) target(%dma_start3A_593 : memref<100x64xf32, #tpu.memory_space<vmem>>) offsets(%dma_start3A_596 : memref<100xi32, #tpu.memory_space<vmem>>) semaphore(%arg10 : memref<!tpu.dma_semaphore, #tpu.memory_space<semaphore_mem>>)
        %mul3A_600 = arith.constant 2 : i32
        %mul3A_601 = arith.muli %mul3A_600, %sub3A_585 : i32
        %add3A_602 = arith.constant 1 : i32
        %add3A_603 = arith.addi %mul3A_601, %add3A_602 : i32
        %dma_start3A_604 = arith.constant 1 : i32
        %dma_start3A_605 = arith.constant 2 : i32
        %dma_start3A_606 = arith.constant 100 : i32
        %dma_start3A_607 = arith.constant 0 : i32
        %dma_start3A_608 = tpu.memref_slice %arg6[%dma_start3A_605, %dma_start3A_606, %dma_start3A_607] : memref<4x200x64xf32, #tpu.memory_space<vmem>> -> memref<1x100x64xf32, #tpu.memory_space<vmem>>
        %dma_start3A_609 = tpu.memref_squeeze %dma_start3A_608 : memref<1x100x64xf32, #tpu.memory_space<vmem>> -> memref<100x64xf32, #tpu.memory_space<vmem>>
        %dma_start3A_610 = arith.constant 0 : i32
        %dma_start3A_611 = tpu.memref_slice %arg5[%dma_start3A_604, %add3A_603, %dma_start3A_610] : memref<2x256x100xi32, #tpu.memory_space<vmem>> -> memref<1x1x100xi32, #tpu.memory_space<vmem>>
        %dma_start3A_612 = tpu.memref_squeeze %dma_start3A_611 : memref<1x1x100xi32, #tpu.memory_space<vmem>> -> memref<100xi32, #tpu.memory_space<vmem>>
        %dma_start3A_613 = arith.constant 0 : i32
        %dma_start3A_614 = arith.constant 0 : i32
        %dma_start3A_615 = tpu.memref_slice %arg3[%dma_start3A_613, %dma_start3A_614] : memref<1000000x64xf32, #tpu.memory_space<hbm>> -> memref<1000000x64xf32, #tpu.memory_space<hbm>>
        tpu.enqueue_indirect_dma source(%dma_start3A_615 : memref<1000000x64xf32, #tpu.memory_space<hbm>>) target(%dma_start3A_609 : memref<100x64xf32, #tpu.memory_space<vmem>>) offsets(%dma_start3A_612 : memref<100xi32, #tpu.memory_space<vmem>>) semaphore(%arg10 : memref<!tpu.dma_semaphore, #tpu.memory_space<semaphore_mem>>)
      } else {
      }
      %dma_wait3A_492 = arith.constant 3 : i32
      %dma_wait3A_493 = arith.constant 0 : i32
      %dma_wait3A_494 = arith.constant 0 : i32
      %dma_wait3A_495 = tpu.memref_slice %arg6[%dma_wait3A_492, %dma_wait3A_493, %dma_wait3A_494] : memref<4x200x64xf32, #tpu.memory_space<vmem>> -> memref<1x200x64xf32, #tpu.memory_space<vmem>>
      %dma_wait3A_496 = tpu.memref_squeeze %dma_wait3A_495 : memref<1x200x64xf32, #tpu.memory_space<vmem>> -> memref<200x64xf32, #tpu.memory_space<vmem>>
      %dma_wait3A_497 = arith.constant 0 : i32
      %dma_wait3A_498 = arith.constant 0 : i32
      %dma_wait3A_499 = tpu.memref_slice %arg3[%dma_wait3A_497, %dma_wait3A_498] : memref<1000000x64xf32, #tpu.memory_space<hbm>> -> memref<200x64xf32, #tpu.memory_space<hbm>>
      %dma_wait3A_500 = arith.constant 0 : i32
      %dma_wait3A_501 = arith.constant 0 : i32
      %dma_wait3A_502 = tpu.memref_slice %arg6[%dma_wait3A_492, %dma_wait3A_500, %dma_wait3A_501] : memref<4x200x64xf32, #tpu.memory_space<vmem>> -> memref<1x200x64xf32, #tpu.memory_space<vmem>>
      %dma_wait3A_503 = tpu.memref_squeeze %dma_wait3A_502 : memref<1x200x64xf32, #tpu.memory_space<vmem>> -> memref<200x64xf32, #tpu.memory_space<vmem>>
      %dma_wait3A_504 = arith.constant 0 : i32
      %dma_wait3A_505 = arith.constant 0 : i32
      %dma_wait3A_506 = tpu.memref_slice %arg3[%dma_wait3A_504, %dma_wait3A_505] : memref<1000000x64xf32, #tpu.memory_space<hbm>> -> memref<200x64xf32, #tpu.memory_space<hbm>>
      tpu.wait_dma2 semaphore(%arg11 : memref<!tpu.dma_semaphore, #tpu.memory_space<semaphore_mem>>) src(%dma_wait3A_506 : memref<200x64xf32, #tpu.memory_space<hbm>>) dst(%dma_wait3A_503 : memref<200x64xf32, #tpu.memory_space<vmem>>)
      %add3A_507 = arith.constant 3 : i32
      %add3A_508 = arith.addi %add3A_228, %add3A_507 : i32
      %broadcast_in_dim3A_509 = arith.constant 0.000000e+00 : f32
      %broadcast_in_dim3A_510 = vector.broadcast %broadcast_in_dim3A_509 : f32 to vector<16xf32>
      %parallel_loop3A_511 = arith.constant 0 : i32
      %parallel_loop3A_512 = arith.constant 200 : i32
      %parallel_loop3A_513 = arith.constant 1 : i32
      %parallel_loop3A_514:4 = scf.for %parallel_loop3A_584 = %parallel_loop3A_511 to %parallel_loop3A_512 step %parallel_loop3A_513 iter_args(%parallel_loop3A_585 = %broadcast_in_dim3A_510, %parallel_loop3A_586 = %broadcast_in_dim3A_510, %parallel_loop3A_587 = %broadcast_in_dim3A_510, %parallel_loop3A_588 = %broadcast_in_dim3A_510) -> (vector<16xf32>, vector<16xf32>, vector<16xf32>, vector<16xf32>)  : i32 {
        %parallel_loop3A_589 = arith.constant 3 : i32
        %parallel_loop3A_590 = arith.index_cast %parallel_loop3A_589 : i32 to index
        %parallel_loop3A_591 = arith.index_cast %parallel_loop3A_584 : i32 to index
        %parallel_loop3A_592 = arith.constant 0 : index
        %parallel_loop3A_593 = tpu.vector_load %arg6[%parallel_loop3A_590, %parallel_loop3A_591, %parallel_loop3A_592] {strides = array<i32>} : memref<4x200x64xf32, #tpu.memory_space<vmem>>, vector<1x1x16xf32>,
        %parallel_loop3A_594 = vector.shape_cast %parallel_loop3A_593 : vector<1x1x16xf32> to vector<16xf32>
        %parallel_loop3A_595 = arith.constant 3 : i32
        %parallel_loop3A_596 = arith.index_cast %parallel_loop3A_595 : i32 to index
        %parallel_loop3A_597 = arith.index_cast %parallel_loop3A_584 : i32 to index
        %parallel_loop3A_598 = arith.constant 16 : index
        %parallel_loop3A_599 = tpu.vector_load %arg6[%parallel_loop3A_596, %parallel_loop3A_597, %parallel_loop3A_598] {strides = array<i32>} : memref<4x200x64xf32, #tpu.memory_space<vmem>>, vector<1x1x16xf32>,
        %parallel_loop3A_600 = vector.shape_cast %parallel_loop3A_599 : vector<1x1x16xf32> to vector<16xf32>
        %parallel_loop3A_601 = arith.constant 3 : i32
        %parallel_loop3A_602 = arith.index_cast %parallel_loop3A_601 : i32 to index
        %parallel_loop3A_603 = arith.index_cast %parallel_loop3A_584 : i32 to index
        %parallel_loop3A_604 = arith.constant 32 : index
        %parallel_loop3A_605 = tpu.vector_load %arg6[%parallel_loop3A_602, %parallel_loop3A_603, %parallel_loop3A_604] {strides = array<i32>} : memref<4x200x64xf32, #tpu.memory_space<vmem>>, vector<1x1x16xf32>,
        %parallel_loop3A_606 = vector.shape_cast %parallel_loop3A_605 : vector<1x1x16xf32> to vector<16xf32>
        %parallel_loop3A_607 = arith.constant 3 : i32
        %parallel_loop3A_608 = arith.index_cast %parallel_loop3A_607 : i32 to index
        %parallel_loop3A_609 = arith.index_cast %parallel_loop3A_584 : i32 to index
        %parallel_loop3A_610 = arith.constant 48 : index
        %parallel_loop3A_611 = tpu.vector_load %arg6[%parallel_loop3A_608, %parallel_loop3A_609, %parallel_loop3A_610] {strides = array<i32>} : memref<4x200x64xf32, #tpu.memory_space<vmem>>, vector<1x1x16xf32>,
        %parallel_loop3A_612 = vector.shape_cast %parallel_loop3A_611 : vector<1x1x16xf32> to vector<16xf32>
        %parallel_loop3A_613 = arith.addf %parallel_loop3A_585, %parallel_loop3A_594 : vector<16xf32>
        %parallel_loop3A_614 = arith.addf %parallel_loop3A_586, %parallel_loop3A_600 : vector<16xf32>
        %parallel_loop3A_615 = arith.addf %parallel_loop3A_587, %parallel_loop3A_606 : vector<16xf32>
        %parallel_loop3A_616 = arith.addf %parallel_loop3A_588, %parallel_loop3A_612 : vector<16xf32>
        scf.yield %parallel_loop3A_613, %parallel_loop3A_614, %parallel_loop3A_615, %parallel_loop3A_616 : vector<16xf32>, vector<16xf32>, vector<16xf32>, vector<16xf32>
      } {sc.loop_unroll_factor = 8 : i64, sc.parallel_access}
      %jit3A_515 = arith.constant 128 : i32
      %eq3A_516 = arith.constant 0 : i32
      %eq3A_517 = arith.cmpi eq, %jit3A_515, %eq3A_516 : i32
      %jit3A_518 = arith.constant 1 : i32
      %select_n3A_519 = arith.select %eq3A_517, %jit3A_518, %jit3A_515 : i32
      %rem3A_520 = arith.remsi %add3A_508, %select_n3A_519 : i32
      %ne3A_521 = arith.constant 0 : i32
      %ne3A_522 = arith.cmpi ne, %rem3A_520, %ne3A_521 : i32
      %lt3A_523 = arith.constant 0 : i32
      %lt3A_524 = arith.cmpi slt, %rem3A_520, %lt3A_523 : i32
      %lt3A_525 = arith.constant 0 : i32
      %lt3A_526 = arith.cmpi slt, %select_n3A_519, %lt3A_525 : i32
      %ne3A_527 = arith.xori %lt3A_524, %lt3A_526 : i1
      %and3A_528 = arith.andi %ne3A_527, %ne3A_522 : i1
      %add3A_529 = arith.addi %rem3A_520, %select_n3A_519 : i32
      %select_n3A_530 = arith.select %and3A_528, %add3A_529, %rem3A_520 : i32
      %mul3A_531 = arith.constant 5.000000e-03 : f32
      %mul3A_532 = vector.broadcast %mul3A_531 : f32 to vector<16xf32>
      %mul3A_533 = arith.mulf %parallel_loop3A_514#0, %mul3A_532 : vector<16xf32>
      %swap3A_534 = arith.index_cast %select_n3A_530 : i32 to index
      %swap3A_535 = arith.constant 0 : index
      %swap3A_536 = tpu.vector_load %arg7[%swap3A_534, %swap3A_535] {strides = array<i32>} : memref<128x64xf32, #tpu.memory_space<vmem>>, vector<1x16xf32>,
      %swap3A_537 = vector.shape_cast %swap3A_536 : vector<1x16xf32> to vector<16xf32>
      %swap3A_538 = vector.shape_cast %mul3A_533 : vector<16xf32> to vector<1x16xf32>
      tpu.vector_store %arg7[%swap3A_534, %swap3A_535], %swap3A_538 {strides = array<i32>} : memref<128x64xf32, #tpu.memory_space<vmem>>, vector<1x16xf32>,
      %mul3A_539 = arith.constant 5.000000e-03 : f32
      %mul3A_540 = vector.broadcast %mul3A_539 : f32 to vector<16xf32>
      %mul3A_541 = arith.mulf %parallel_loop3A_514#1, %mul3A_540 : vector<16xf32>
      %swap3A_542 = arith.index_cast %select_n3A_530 : i32 to index
      %swap3A_543 = arith.constant 16 : index
      %swap3A_544 = tpu.vector_load %arg7[%swap3A_542, %swap3A_543] {strides = array<i32>} : memref<128x64xf32, #tpu.memory_space<vmem>>, vector<1x16xf32>,
      %swap3A_545 = vector.shape_cast %swap3A_544 : vector<1x16xf32> to vector<16xf32>
      %swap3A_546 = vector.shape_cast %mul3A_541 : vector<16xf32> to vector<1x16xf32>
      tpu.vector_store %arg7[%swap3A_542, %swap3A_543], %swap3A_546 {strides = array<i32>} : memref<128x64xf32, #tpu.memory_space<vmem>>, vector<1x16xf32>,
      %mul3A_547 = arith.constant 5.000000e-03 : f32
      %mul3A_548 = vector.broadcast %mul3A_547 : f32 to vector<16xf32>
      %mul3A_549 = arith.mulf %parallel_loop3A_514#2, %mul3A_548 : vector<16xf32>
      %swap3A_550 = arith.index_cast %select_n3A_530 : i32 to index
      %swap3A_551 = arith.constant 32 : index
      %swap3A_552 = tpu.vector_load %arg7[%swap3A_550, %swap3A_551] {strides = array<i32>} : memref<128x64xf32, #tpu.memory_space<vmem>>, vector<1x16xf32>,
      %swap3A_553 = vector.shape_cast %swap3A_552 : vector<1x16xf32> to vector<16xf32>
      %swap3A_554 = vector.shape_cast %mul3A_549 : vector<16xf32> to vector<1x16xf32>
      tpu.vector_store %arg7[%swap3A_550, %swap3A_551], %swap3A_554 {strides = array<i32>} : memref<128x64xf32, #tpu.memory_space<vmem>>, vector<1x16xf32>,
      %mul3A_555 = arith.constant 5.000000e-03 : f32
      %mul3A_556 = vector.broadcast %mul3A_555 : f32 to vector<16xf32>
      %mul3A_557 = arith.mulf %parallel_loop3A_514#3, %mul3A_556 : vector<16xf32>
      %swap3A_558 = arith.index_cast %select_n3A_530 : i32 to index
      %swap3A_559 = arith.constant 48 : index
      %swap3A_560 = tpu.vector_load %arg7[%swap3A_558, %swap3A_559] {strides = array<i32>} : memref<128x64xf32, #tpu.memory_space<vmem>>, vector<1x16xf32>,
      %swap3A_561 = vector.shape_cast %swap3A_560 : vector<1x16xf32> to vector<16xf32>
      %swap3A_562 = vector.shape_cast %mul3A_557 : vector<16xf32> to vector<1x16xf32>
      tpu.vector_store %arg7[%swap3A_558, %swap3A_559], %swap3A_562 {strides = array<i32>} : memref<128x64xf32, #tpu.memory_space<vmem>>, vector<1x16xf32>,
      %jit3A_563 = arith.constant 128 : i32
      %eq3A_564 = arith.constant 0 : i32
      %eq3A_565 = arith.cmpi eq, %jit3A_563, %eq3A_564 : i32
      %jit3A_566 = arith.constant 1 : i32
      %select_n3A_567 = arith.select %eq3A_565, %jit3A_566, %jit3A_563 : i32
      %rem3A_568 = arith.remsi %add3A_228, %select_n3A_567 : i32
      %ne3A_569 = arith.constant 0 : i32
      %ne3A_570 = arith.cmpi ne, %rem3A_568, %ne3A_569 : i32
      %lt3A_571 = arith.constant 0 : i32
      %lt3A_572 = arith.cmpi slt, %rem3A_568, %lt3A_571 : i32
      %lt3A_573 = arith.constant 0 : i32
      %lt3A_574 = arith.cmpi slt, %select_n3A_567, %lt3A_573 : i32
      %ne3A_575 = arith.xori %lt3A_572, %lt3A_574 : i1
      %and3A_576 = arith.andi %ne3A_575, %ne3A_570 : i1
      %add3A_577 = arith.addi %rem3A_568, %select_n3A_567 : i32
      %select_n3A_578 = arith.select %and3A_576, %add3A_577, %rem3A_568 : i32
      %eq3A_579 = arith.constant 124 : i32
      %eq3A_580 = arith.cmpi eq, %select_n3A_578, %eq3A_579 : i32
      %convert_element_type3A_581 = arith.extui %eq3A_580 : i1 to i32
      %cond3A_582 = arith.constant 0 : i32
      %cond3A_583 = arith.cmpi ne, %convert_element_type3A_581, %cond3A_582 : i32
      scf.if %cond3A_583 {
        %mul3A_584 = arith.constant 512 : i32
        %mul3A_585 = arith.muli %add3A, %mul3A_584 : i32
        %add3A_586 = arith.constant 256 : i32
        %add3A_587 = arith.addi %mul3A_585, %add3A_586 : i32
        %jit3A_588 = arith.constant 128 : i32
        %div3A = arith.divsi %add3A_228, %jit3A_588 : i32
        %sign3A = arith.constant 0 : i32
        %sign3A_589 = arith.cmpi sgt, %add3A_228, %sign3A : i32
        %sign3A_590 = arith.extui %sign3A_589 : i1 to i32
        %sign3A_591 = arith.constant 0 : i32
        %sign3A_592 = arith.cmpi slt, %add3A_228, %sign3A_591 : i32
        %sign3A_593 = arith.extui %sign3A_592 : i1 to i32
        %sign3A_594 = arith.subi %sign3A_590, %sign3A_593 : i32
        %sign3A_595 = arith.constant 0 : i32
        %sign3A_596 = arith.cmpi sgt, %jit3A_588, %sign3A_595 : i32
        %sign3A_597 = arith.extui %sign3A_596 : i1 to i32
        %sign3A_598 = arith.constant 0 : i32
        %sign3A_599 = arith.cmpi slt, %jit3A_588, %sign3A_598 : i32
        %sign3A_600 = arith.extui %sign3A_599 : i1 to i32
        %sign3A_601 = arith.subi %sign3A_597, %sign3A_600 : i32
        %ne3A_602 = arith.cmpi ne, %sign3A_594, %sign3A_601 : i32
        %rem3A_603 = arith.remsi %add3A_228, %jit3A_588 : i32
        %ne3A_604 = arith.constant 0 : i32
        %ne3A_605 = arith.cmpi ne, %rem3A_603, %ne3A_604 : i32
        %and3A_606 = arith.andi %ne3A_602, %ne3A_605 : i1
        %sub3A_607 = arith.constant 1 : i32
        %sub3A_608 = arith.subi %div3A, %sub3A_607 : i32
        %select_n3A_609 = arith.select %and3A_606, %sub3A_608, %div3A : i32
        %mul3A_610 = arith.constant 128 : i32
        %mul3A_611 = arith.muli %select_n3A_609, %mul3A_610 : i32
        %add3A_612 = arith.addi %add3A_587, %mul3A_611 : i32
        "tpu.region"() ({
          %run_scoped3A = tpu.sem_alloc : memref<!tpu.dma_semaphore, #tpu.memory_space<semaphore_mem>>
          %dma_start3A_613 = arith.constant 0 : i32
          %dma_start3A_614 = tpu.memref_slice %arg4[%add3A_612, %dma_start3A_613] : memref<16384x64xf32, #tpu.memory_space<hbm>> -> memref<128x64xf32, #tpu.memory_space<hbm>>
          %dma_start3A_615 = arith.constant 0 : i32
          %dma_start3A_616 = tpu.memref_slice %arg4[%add3A_612, %dma_start3A_615] : memref<16384x64xf32, #tpu.memory_space<hbm>> -> memref<128x64xf32, #tpu.memory_space<hbm>>
          tpu.enqueue_dma source(%arg7 : memref<128x64xf32, #tpu.memory_space<vmem>>) target(%dma_start3A_616 : memref<128x64xf32, #tpu.memory_space<hbm>>) target_semaphore(%run_scoped3A : memref<!tpu.dma_semaphore, #tpu.memory_space<semaphore_mem>>)
          %dma_wait3A_617 = arith.constant 0 : i32
          %dma_wait3A_618 = tpu.memref_slice %arg4[%add3A_612, %dma_wait3A_617] : memref<16384x64xf32, #tpu.memory_space<hbm>> -> memref<128x64xf32, #tpu.memory_space<hbm>>
          %dma_wait3A_619 = arith.constant 0 : i32
          %dma_wait3A_620 = tpu.memref_slice %arg4[%add3A_612, %dma_wait3A_619] : memref<16384x64xf32, #tpu.memory_space<hbm>> -> memref<128x64xf32, #tpu.memory_space<hbm>>
          tpu.wait_dma2 semaphore(%run_scoped3A : memref<!tpu.dma_semaphore, #tpu.memory_space<semaphore_mem>>) src(%arg7 : memref<128x64xf32, #tpu.memory_space<vmem>>) dst(%dma_wait3A_620 : memref<128x64xf32, #tpu.memory_space<hbm>>)
          tpu.yield
        }) : () -> ()
      } else {
      }
    }
    %scan3A_218 = arith.constant 32 : i32
    %scan3A_219 = arith.constant 0 : i32
    %scan3A_220 = arith.constant 32 : i32
    %scan3A_221 = arith.addi %scan3A_219, %scan3A_220 : i32
    %scan3A_222 = arith.constant 1 : i32
    scf.for %scan3A_224 = %scan3A_219 to %scan3A_221 step %scan3A_222  : i32 {
      %mul3A_225 = arith.constant 4 : i32
      %mul3A_226 = arith.muli %scan3A_224, %mul3A_225 : i32
      %add3A_227 = arith.constant 0 : i32
      %add3A_228 = arith.addi %add3A_227, %mul3A_226 : i32
      %add3A_229 = arith.constant 0 : i32
      %add3A_230 = arith.addi %add3A_228, %add3A_229 : i32
      %add3A_231 = arith.constant 4 : i32
      %add3A_232 = arith.addi %add3A_230, %add3A_231 : i32
      %sub3A = arith.constant 1 : i32
      %sub3A_233 = arith.subi %add3A_232, %sub3A : i32
      %lt3A = arith.constant 128 : i32
      %lt3A_234 = arith.cmpi slt, %sub3A_233, %lt3A : i32
      %convert_element_type3A = arith.extui %lt3A_234 : i1 to i32
      %cond3A = arith.constant 0 : i32
      %cond3A_235 = arith.cmpi ne, %convert_element_type3A, %cond3A : i32
      scf.if %cond3A_235 {
        %mul3A_565 = arith.constant 2 : i32
        %mul3A_566 = arith.muli %mul3A_565, %sub3A_233 : i32
        %dma_start3A_567 = arith.constant 1 : i32
        %dma_start3A_568 = arith.constant 3 : i32
        %dma_start3A_569 = arith.constant 0 : i32
        %dma_start3A_570 = arith.constant 0 : i32
        %dma_start3A_571 = tpu.memref_slice %arg6[%dma_start3A_568, %dma_start3A_569, %dma_start3A_570] : memref<4x200x64xf32, #tpu.memory_space<vmem>> -> memref<1x100x64xf32, #tpu.memory_space<vmem>>
        %dma_start3A_572 = tpu.memref_squeeze %dma_start3A_571 : memref<1x100x64xf32, #tpu.memory_space<vmem>> -> memref<100x64xf32, #tpu.memory_space<vmem>>
        %dma_start3A_573 = arith.constant 0 : i32
        %dma_start3A_574 = tpu.memref_slice %arg5[%dma_start3A_567, %mul3A_566, %dma_start3A_573] : memref<2x256x100xi32, #tpu.memory_space<vmem>> -> memref<1x1x100xi32, #tpu.memory_space<vmem>>
        %dma_start3A_575 = tpu.memref_squeeze %dma_start3A_574 : memref<1x1x100xi32, #tpu.memory_space<vmem>> -> memref<100xi32, #tpu.memory_space<vmem>>
        %dma_start3A_576 = arith.constant 0 : i32
        %dma_start3A_577 = arith.constant 0 : i32
        %dma_start3A_578 = tpu.memref_slice %arg3[%dma_start3A_576, %dma_start3A_577] : memref<1000000x64xf32, #tpu.memory_space<hbm>> -> memref<1000000x64xf32, #tpu.memory_space<hbm>>
        tpu.enqueue_indirect_dma source(%dma_start3A_578 : memref<1000000x64xf32, #tpu.memory_space<hbm>>) target(%dma_start3A_572 : memref<100x64xf32, #tpu.memory_space<vmem>>) offsets(%dma_start3A_575 : memref<100xi32, #tpu.memory_space<vmem>>) semaphore(%arg11 : memref<!tpu.dma_semaphore, #tpu.memory_space<semaphore_mem>>)
        %mul3A_579 = arith.constant 2 : i32
        %mul3A_580 = arith.muli %mul3A_579, %sub3A_233 : i32
        %add3A_581 = arith.constant 1 : i32
        %add3A_582 = arith.addi %mul3A_580, %add3A_581 : i32
        %dma_start3A_583 = arith.constant 1 : i32
        %dma_start3A_584 = arith.constant 3 : i32
        %dma_start3A_585 = arith.constant 100 : i32
        %dma_start3A_586 = arith.constant 0 : i32
        %dma_start3A_587 = tpu.memref_slice %arg6[%dma_start3A_584, %dma_start3A_585, %dma_start3A_586] : memref<4x200x64xf32, #tpu.memory_space<vmem>> -> memref<1x100x64xf32, #tpu.memory_space<vmem>>
        %dma_start3A_588 = tpu.memref_squeeze %dma_start3A_587 : memref<1x100x64xf32, #tpu.memory_space<vmem>> -> memref<100x64xf32, #tpu.memory_space<vmem>>
        %dma_start3A_589 = arith.constant 0 : i32
        %dma_start3A_590 = tpu.memref_slice %arg5[%dma_start3A_583, %add3A_582, %dma_start3A_589] : memref<2x256x100xi32, #tpu.memory_space<vmem>> -> memref<1x1x100xi32, #tpu.memory_space<vmem>>
        %dma_start3A_591 = tpu.memref_squeeze %dma_start3A_590 : memref<1x1x100xi32, #tpu.memory_space<vmem>> -> memref<100xi32, #tpu.memory_space<vmem>>
        %dma_start3A_592 = arith.constant 0 : i32
        %dma_start3A_593 = arith.constant 0 : i32
        %dma_start3A_594 = tpu.memref_slice %arg3[%dma_start3A_592, %dma_start3A_593] : memref<1000000x64xf32, #tpu.memory_space<hbm>> -> memref<1000000x64xf32, #tpu.memory_space<hbm>>
        tpu.enqueue_indirect_dma source(%dma_start3A_594 : memref<1000000x64xf32, #tpu.memory_space<hbm>>) target(%dma_start3A_588 : memref<100x64xf32, #tpu.memory_space<vmem>>) offsets(%dma_start3A_591 : memref<100xi32, #tpu.memory_space<vmem>>) semaphore(%arg11 : memref<!tpu.dma_semaphore, #tpu.memory_space<semaphore_mem>>)
      } else {
      }
      %dma_wait3A_236 = arith.constant 0 : i32
      %dma_wait3A_237 = arith.constant 0 : i32
      %dma_wait3A_238 = arith.constant 0 : i32
      %dma_wait3A_239 = tpu.memref_slice %arg6[%dma_wait3A_236, %dma_wait3A_237, %dma_wait3A_238] : memref<4x200x64xf32, #tpu.memory_space<vmem>> -> memref<1x200x64xf32, #tpu.memory_space<vmem>>
      %dma_wait3A_240 = tpu.memref_squeeze %dma_wait3A_239 : memref<1x200x64xf32, #tpu.memory_space<vmem>> -> memref<200x64xf32, #tpu.memory_space<vmem>>
      %dma_wait3A_241 = arith.constant 0 : i32
      %dma_wait3A_242 = arith.constant 0 : i32
      %dma_wait3A_243 = tpu.memref_slice %arg3[%dma_wait3A_241, %dma_wait3A_242] : memref<1000000x64xf32, #tpu.memory_space<hbm>> -> memref<200x64xf32, #tpu.memory_space<hbm>>
      %dma_wait3A_244 = arith.constant 0 : i32
      %dma_wait3A_245 = arith.constant 0 : i32
      %dma_wait3A_246 = tpu.memref_slice %arg6[%dma_wait3A_236, %dma_wait3A_244, %dma_wait3A_245] : memref<4x200x64xf32, #tpu.memory_space<vmem>> -> memref<1x200x64xf32, #tpu.memory_space<vmem>>
      %dma_wait3A_247 = tpu.memref_squeeze %dma_wait3A_246 : memref<1x200x64xf32, #tpu.memory_space<vmem>> -> memref<200x64xf32, #tpu.memory_space<vmem>>
      %dma_wait3A_248 = arith.constant 0 : i32
      %dma_wait3A_249 = arith.constant 0 : i32
      %dma_wait3A_250 = tpu.memref_slice %arg3[%dma_wait3A_248, %dma_wait3A_249] : memref<1000000x64xf32, #tpu.memory_space<hbm>> -> memref<200x64xf32, #tpu.memory_space<hbm>>
      tpu.wait_dma2 semaphore(%arg8 : memref<!tpu.dma_semaphore, #tpu.memory_space<semaphore_mem>>) src(%dma_wait3A_250 : memref<200x64xf32, #tpu.memory_space<hbm>>) dst(%dma_wait3A_247 : memref<200x64xf32, #tpu.memory_space<vmem>>)
      %add3A_251 = arith.constant 0 : i32
      %add3A_252 = arith.addi %add3A_228, %add3A_251 : i32
      %broadcast_in_dim3A = arith.constant 0.000000e+00 : f32
      %broadcast_in_dim3A_253 = vector.broadcast %broadcast_in_dim3A : f32 to vector<16xf32>
      %parallel_loop3A = arith.constant 0 : i32
      %parallel_loop3A_254 = arith.constant 200 : i32
      %parallel_loop3A_255 = arith.constant 1 : i32
      %parallel_loop3A_256:4 = scf.for %parallel_loop3A_565 = %parallel_loop3A to %parallel_loop3A_254 step %parallel_loop3A_255 iter_args(%parallel_loop3A_566 = %broadcast_in_dim3A_253, %parallel_loop3A_567 = %broadcast_in_dim3A_253, %parallel_loop3A_568 = %broadcast_in_dim3A_253, %parallel_loop3A_569 = %broadcast_in_dim3A_253) -> (vector<16xf32>, vector<16xf32>, vector<16xf32>, vector<16xf32>)  : i32 {
        %parallel_loop3A_570 = arith.constant 0 : i32
        %parallel_loop3A_571 = arith.index_cast %parallel_loop3A_570 : i32 to index
        %parallel_loop3A_572 = arith.index_cast %parallel_loop3A_565 : i32 to index
        %parallel_loop3A_573 = arith.constant 0 : index
        %parallel_loop3A_574 = tpu.vector_load %arg6[%parallel_loop3A_571, %parallel_loop3A_572, %parallel_loop3A_573] {strides = array<i32>} : memref<4x200x64xf32, #tpu.memory_space<vmem>>, vector<1x1x16xf32>,
        %parallel_loop3A_575 = vector.shape_cast %parallel_loop3A_574 : vector<1x1x16xf32> to vector<16xf32>
        %parallel_loop3A_576 = arith.constant 0 : i32
        %parallel_loop3A_577 = arith.index_cast %parallel_loop3A_576 : i32 to index
        %parallel_loop3A_578 = arith.index_cast %parallel_loop3A_565 : i32 to index
        %parallel_loop3A_579 = arith.constant 16 : index
        %parallel_loop3A_580 = tpu.vector_load %arg6[%parallel_loop3A_577, %parallel_loop3A_578, %parallel_loop3A_579] {strides = array<i32>} : memref<4x200x64xf32, #tpu.memory_space<vmem>>, vector<1x1x16xf32>,
        %parallel_loop3A_581 = vector.shape_cast %parallel_loop3A_580 : vector<1x1x16xf32> to vector<16xf32>
        %parallel_loop3A_582 = arith.constant 0 : i32
        %parallel_loop3A_583 = arith.index_cast %parallel_loop3A_582 : i32 to index
        %parallel_loop3A_584 = arith.index_cast %parallel_loop3A_565 : i32 to index
        %parallel_loop3A_585 = arith.constant 32 : index
        %parallel_loop3A_586 = tpu.vector_load %arg6[%parallel_loop3A_583, %parallel_loop3A_584, %parallel_loop3A_585] {strides = array<i32>} : memref<4x200x64xf32, #tpu.memory_space<vmem>>, vector<1x1x16xf32>,
        %parallel_loop3A_587 = vector.shape_cast %parallel_loop3A_586 : vector<1x1x16xf32> to vector<16xf32>
        %parallel_loop3A_588 = arith.constant 0 : i32
        %parallel_loop3A_589 = arith.index_cast %parallel_loop3A_588 : i32 to index
        %parallel_loop3A_590 = arith.index_cast %parallel_loop3A_565 : i32 to index
        %parallel_loop3A_591 = arith.constant 48 : index
        %parallel_loop3A_592 = tpu.vector_load %arg6[%parallel_loop3A_589, %parallel_loop3A_590, %parallel_loop3A_591] {strides = array<i32>} : memref<4x200x64xf32, #tpu.memory_space<vmem>>, vector<1x1x16xf32>,
        %parallel_loop3A_593 = vector.shape_cast %parallel_loop3A_592 : vector<1x1x16xf32> to vector<16xf32>
        %parallel_loop3A_594 = arith.addf %parallel_loop3A_566, %parallel_loop3A_575 : vector<16xf32>
        %parallel_loop3A_595 = arith.addf %parallel_loop3A_567, %parallel_loop3A_581 : vector<16xf32>
        %parallel_loop3A_596 = arith.addf %parallel_loop3A_568, %parallel_loop3A_587 : vector<16xf32>
        %parallel_loop3A_597 = arith.addf %parallel_loop3A_569, %parallel_loop3A_593 : vector<16xf32>
        scf.yield %parallel_loop3A_594, %parallel_loop3A_595, %parallel_loop3A_596, %parallel_loop3A_597 : vector<16xf32>, vector<16xf32>, vector<16xf32>, vector<16xf32>
      } {sc.loop_unroll_factor = 8 : i64, sc.parallel_access}
      %jit3A = arith.constant 128 : i32
      %eq3A = arith.constant 0 : i32
      %eq3A_257 = arith.cmpi eq, %jit3A, %eq3A : i32
      %jit3A_258 = arith.constant 1 : i32
      %select_n3A = arith.select %eq3A_257, %jit3A_258, %jit3A : i32
      %rem3A = arith.remsi %add3A_252, %select_n3A : i32
      %ne3A = arith.constant 0 : i32
      %ne3A_259 = arith.cmpi ne, %rem3A, %ne3A : i32
      %lt3A_260 = arith.constant 0 : i32
      %lt3A_261 = arith.cmpi slt, %rem3A, %lt3A_260 : i32
      %lt3A_262 = arith.constant 0 : i32
      %lt3A_263 = arith.cmpi slt, %select_n3A, %lt3A_262 : i32
      %ne3A_264 = arith.xori %lt3A_261, %lt3A_263 : i1
      %and3A = arith.andi %ne3A_264, %ne3A_259 : i1
      %add3A_265 = arith.addi %rem3A, %select_n3A : i32
      %select_n3A_266 = arith.select %and3A, %add3A_265, %rem3A : i32
      %mul3A_267 = arith.constant 5.000000e-03 : f32
      %mul3A_268 = vector.broadcast %mul3A_267 : f32 to vector<16xf32>
      %mul3A_269 = arith.mulf %parallel_loop3A_256#0, %mul3A_268 : vector<16xf32>
      %swap3A = arith.index_cast %select_n3A_266 : i32 to index
      %swap3A_270 = arith.constant 0 : index
      %swap3A_271 = tpu.vector_load %arg7[%swap3A, %swap3A_270] {strides = array<i32>} : memref<128x64xf32, #tpu.memory_space<vmem>>, vector<1x16xf32>,
      %swap3A_272 = vector.shape_cast %swap3A_271 : vector<1x16xf32> to vector<16xf32>
      %swap3A_273 = vector.shape_cast %mul3A_269 : vector<16xf32> to vector<1x16xf32>
      tpu.vector_store %arg7[%swap3A, %swap3A_270], %swap3A_273 {strides = array<i32>} : memref<128x64xf32, #tpu.memory_space<vmem>>, vector<1x16xf32>,
      %mul3A_274 = arith.constant 5.000000e-03 : f32
      %mul3A_275 = vector.broadcast %mul3A_274 : f32 to vector<16xf32>
      %mul3A_276 = arith.mulf %parallel_loop3A_256#1, %mul3A_275 : vector<16xf32>
      %swap3A_277 = arith.index_cast %select_n3A_266 : i32 to index
      %swap3A_278 = arith.constant 16 : index
      %swap3A_279 = tpu.vector_load %arg7[%swap3A_277, %swap3A_278] {strides = array<i32>} : memref<128x64xf32, #tpu.memory_space<vmem>>, vector<1x16xf32>,
      %swap3A_280 = vector.shape_cast %swap3A_279 : vector<1x16xf32> to vector<16xf32>
      %swap3A_281 = vector.shape_cast %mul3A_276 : vector<16xf32> to vector<1x16xf32>
      tpu.vector_store %arg7[%swap3A_277, %swap3A_278], %swap3A_281 {strides = array<i32>} : memref<128x64xf32, #tpu.memory_space<vmem>>, vector<1x16xf32>,
      %mul3A_282 = arith.constant 5.000000e-03 : f32
      %mul3A_283 = vector.broadcast %mul3A_282 : f32 to vector<16xf32>
      %mul3A_284 = arith.mulf %parallel_loop3A_256#2, %mul3A_283 : vector<16xf32>
      %swap3A_285 = arith.index_cast %select_n3A_266 : i32 to index
      %swap3A_286 = arith.constant 32 : index
      %swap3A_287 = tpu.vector_load %arg7[%swap3A_285, %swap3A_286] {strides = array<i32>} : memref<128x64xf32, #tpu.memory_space<vmem>>, vector<1x16xf32>,
      %swap3A_288 = vector.shape_cast %swap3A_287 : vector<1x16xf32> to vector<16xf32>
      %swap3A_289 = vector.shape_cast %mul3A_284 : vector<16xf32> to vector<1x16xf32>
      tpu.vector_store %arg7[%swap3A_285, %swap3A_286], %swap3A_289 {strides = array<i32>} : memref<128x64xf32, #tpu.memory_space<vmem>>, vector<1x16xf32>,
      %mul3A_290 = arith.constant 5.000000e-03 : f32
      %mul3A_291 = vector.broadcast %mul3A_290 : f32 to vector<16xf32>
      %mul3A_292 = arith.mulf %parallel_loop3A_256#3, %mul3A_291 : vector<16xf32>
      %swap3A_293 = arith.index_cast %select_n3A_266 : i32 to index
      %swap3A_294 = arith.constant 48 : index
      %swap3A_295 = tpu.vector_load %arg7[%swap3A_293, %swap3A_294] {strides = array<i32>} : memref<128x64xf32, #tpu.memory_space<vmem>>, vector<1x16xf32>,
      %swap3A_296 = vector.shape_cast %swap3A_295 : vector<1x16xf32> to vector<16xf32>
      %swap3A_297 = vector.shape_cast %mul3A_292 : vector<16xf32> to vector<1x16xf32>
      tpu.vector_store %arg7[%swap3A_293, %swap3A_294], %swap3A_297 {strides = array<i32>} : memref<128x64xf32, #tpu.memory_space<vmem>>, vector<1x16xf32>,
      %add3A_298 = arith.constant 1 : i32
      %add3A_299 = arith.addi %add3A_228, %add3A_298 : i32
      %add3A_300 = arith.constant 4 : i32
      %add3A_301 = arith.addi %add3A_299, %add3A_300 : i32
      %sub3A_302 = arith.constant 1 : i32
      %sub3A_303 = arith.subi %add3A_301, %sub3A_302 : i32
      %lt3A_304 = arith.constant 128 : i32
      %lt3A_305 = arith.cmpi slt, %sub3A_303, %lt3A_304 : i32
      %convert_element_type3A_306 = arith.extui %lt3A_305 : i1 to i32
      %cond3A_307 = arith.constant 0 : i32
      %cond3A_308 = arith.cmpi ne, %convert_element_type3A_306, %cond3A_307 : i32
      scf.if %cond3A_308 {
        %mul3A_565 = arith.constant 2 : i32
        %mul3A_566 = arith.muli %mul3A_565, %sub3A_303 : i32
        %dma_start3A_567 = arith.constant 1 : i32
        %dma_start3A_568 = arith.constant 0 : i32
        %dma_start3A_569 = arith.constant 0 : i32
        %dma_start3A_570 = arith.constant 0 : i32
        %dma_start3A_571 = tpu.memref_slice %arg6[%dma_start3A_568, %dma_start3A_569, %dma_start3A_570] : memref<4x200x64xf32, #tpu.memory_space<vmem>> -> memref<1x100x64xf32, #tpu.memory_space<vmem>>
        %dma_start3A_572 = tpu.memref_squeeze %dma_start3A_571 : memref<1x100x64xf32, #tpu.memory_space<vmem>> -> memref<100x64xf32, #tpu.memory_space<vmem>>
        %dma_start3A_573 = arith.constant 0 : i32
        %dma_start3A_574 = tpu.memref_slice %arg5[%dma_start3A_567, %mul3A_566, %dma_start3A_573] : memref<2x256x100xi32, #tpu.memory_space<vmem>> -> memref<1x1x100xi32, #tpu.memory_space<vmem>>
        %dma_start3A_575 = tpu.memref_squeeze %dma_start3A_574 : memref<1x1x100xi32, #tpu.memory_space<vmem>> -> memref<100xi32, #tpu.memory_space<vmem>>
        %dma_start3A_576 = arith.constant 0 : i32
        %dma_start3A_577 = arith.constant 0 : i32
        %dma_start3A_578 = tpu.memref_slice %arg3[%dma_start3A_576, %dma_start3A_577] : memref<1000000x64xf32, #tpu.memory_space<hbm>> -> memref<1000000x64xf32, #tpu.memory_space<hbm>>
        tpu.enqueue_indirect_dma source(%dma_start3A_578 : memref<1000000x64xf32, #tpu.memory_space<hbm>>) target(%dma_start3A_572 : memref<100x64xf32, #tpu.memory_space<vmem>>) offsets(%dma_start3A_575 : memref<100xi32, #tpu.memory_space<vmem>>) semaphore(%arg8 : memref<!tpu.dma_semaphore, #tpu.memory_space<semaphore_mem>>)
        %mul3A_579 = arith.constant 2 : i32
        %mul3A_580 = arith.muli %mul3A_579, %sub3A_303 : i32
        %add3A_581 = arith.constant 1 : i32
        %add3A_582 = arith.addi %mul3A_580, %add3A_581 : i32
        %dma_start3A_583 = arith.constant 1 : i32
        %dma_start3A_584 = arith.constant 0 : i32
        %dma_start3A_585 = arith.constant 100 : i32
        %dma_start3A_586 = arith.constant 0 : i32
        %dma_start3A_587 = tpu.memref_slice %arg6[%dma_start3A_584, %dma_start3A_585, %dma_start3A_586] : memref<4x200x64xf32, #tpu.memory_space<vmem>> -> memref<1x100x64xf32, #tpu.memory_space<vmem>>
        %dma_start3A_588 = tpu.memref_squeeze %dma_start3A_587 : memref<1x100x64xf32, #tpu.memory_space<vmem>> -> memref<100x64xf32, #tpu.memory_space<vmem>>
        %dma_start3A_589 = arith.constant 0 : i32
        %dma_start3A_590 = tpu.memref_slice %arg5[%dma_start3A_583, %add3A_582, %dma_start3A_589] : memref<2x256x100xi32, #tpu.memory_space<vmem>> -> memref<1x1x100xi32, #tpu.memory_space<vmem>>
        %dma_start3A_591 = tpu.memref_squeeze %dma_start3A_590 : memref<1x1x100xi32, #tpu.memory_space<vmem>> -> memref<100xi32, #tpu.memory_space<vmem>>
        %dma_start3A_592 = arith.constant 0 : i32
        %dma_start3A_593 = arith.constant 0 : i32
        %dma_start3A_594 = tpu.memref_slice %arg3[%dma_start3A_592, %dma_start3A_593] : memref<1000000x64xf32, #tpu.memory_space<hbm>> -> memref<1000000x64xf32, #tpu.memory_space<hbm>>
        tpu.enqueue_indirect_dma source(%dma_start3A_594 : memref<1000000x64xf32, #tpu.memory_space<hbm>>) target(%dma_start3A_588 : memref<100x64xf32, #tpu.memory_space<vmem>>) offsets(%dma_start3A_591 : memref<100xi32, #tpu.memory_space<vmem>>) semaphore(%arg8 : memref<!tpu.dma_semaphore, #tpu.memory_space<semaphore_mem>>)
      } else {
      }
      %dma_wait3A_309 = arith.constant 1 : i32
      %dma_wait3A_310 = arith.constant 0 : i32
      %dma_wait3A_311 = arith.constant 0 : i32
      %dma_wait3A_312 = tpu.memref_slice %arg6[%dma_wait3A_309, %dma_wait3A_310, %dma_wait3A_311] : memref<4x200x64xf32, #tpu.memory_space<vmem>> -> memref<1x200x64xf32, #tpu.memory_space<vmem>>
      %dma_wait3A_313 = tpu.memref_squeeze %dma_wait3A_312 : memref<1x200x64xf32, #tpu.memory_space<vmem>> -> memref<200x64xf32, #tpu.memory_space<vmem>>
      %dma_wait3A_314 = arith.constant 0 : i32
      %dma_wait3A_315 = arith.constant 0 : i32
      %dma_wait3A_316 = tpu.memref_slice %arg3[%dma_wait3A_314, %dma_wait3A_315] : memref<1000000x64xf32, #tpu.memory_space<hbm>> -> memref<200x64xf32, #tpu.memory_space<hbm>>
      %dma_wait3A_317 = arith.constant 0 : i32
      %dma_wait3A_318 = arith.constant 0 : i32
      %dma_wait3A_319 = tpu.memref_slice %arg6[%dma_wait3A_309, %dma_wait3A_317, %dma_wait3A_318] : memref<4x200x64xf32, #tpu.memory_space<vmem>> -> memref<1x200x64xf32, #tpu.memory_space<vmem>>
      %dma_wait3A_320 = tpu.memref_squeeze %dma_wait3A_319 : memref<1x200x64xf32, #tpu.memory_space<vmem>> -> memref<200x64xf32, #tpu.memory_space<vmem>>
      %dma_wait3A_321 = arith.constant 0 : i32
      %dma_wait3A_322 = arith.constant 0 : i32
      %dma_wait3A_323 = tpu.memref_slice %arg3[%dma_wait3A_321, %dma_wait3A_322] : memref<1000000x64xf32, #tpu.memory_space<hbm>> -> memref<200x64xf32, #tpu.memory_space<hbm>>
      tpu.wait_dma2 semaphore(%arg9 : memref<!tpu.dma_semaphore, #tpu.memory_space<semaphore_mem>>) src(%dma_wait3A_323 : memref<200x64xf32, #tpu.memory_space<hbm>>) dst(%dma_wait3A_320 : memref<200x64xf32, #tpu.memory_space<vmem>>)
      %add3A_324 = arith.constant 1 : i32
      %add3A_325 = arith.addi %add3A_228, %add3A_324 : i32
      %broadcast_in_dim3A_326 = arith.constant 0.000000e+00 : f32
      %broadcast_in_dim3A_327 = vector.broadcast %broadcast_in_dim3A_326 : f32 to vector<16xf32>
      %parallel_loop3A_328 = arith.constant 0 : i32
      %parallel_loop3A_329 = arith.constant 200 : i32
      %parallel_loop3A_330 = arith.constant 1 : i32
      %parallel_loop3A_331:4 = scf.for %parallel_loop3A_565 = %parallel_loop3A_328 to %parallel_loop3A_329 step %parallel_loop3A_330 iter_args(%parallel_loop3A_566 = %broadcast_in_dim3A_327, %parallel_loop3A_567 = %broadcast_in_dim3A_327, %parallel_loop3A_568 = %broadcast_in_dim3A_327, %parallel_loop3A_569 = %broadcast_in_dim3A_327) -> (vector<16xf32>, vector<16xf32>, vector<16xf32>, vector<16xf32>)  : i32 {
        %parallel_loop3A_570 = arith.constant 1 : i32
        %parallel_loop3A_571 = arith.index_cast %parallel_loop3A_570 : i32 to index
        %parallel_loop3A_572 = arith.index_cast %parallel_loop3A_565 : i32 to index
        %parallel_loop3A_573 = arith.constant 0 : index
        %parallel_loop3A_574 = tpu.vector_load %arg6[%parallel_loop3A_571, %parallel_loop3A_572, %parallel_loop3A_573] {strides = array<i32>} : memref<4x200x64xf32, #tpu.memory_space<vmem>>, vector<1x1x16xf32>,
        %parallel_loop3A_575 = vector.shape_cast %parallel_loop3A_574 : vector<1x1x16xf32> to vector<16xf32>
        %parallel_loop3A_576 = arith.constant 1 : i32
        %parallel_loop3A_577 = arith.index_cast %parallel_loop3A_576 : i32 to index
        %parallel_loop3A_578 = arith.index_cast %parallel_loop3A_565 : i32 to index
        %parallel_loop3A_579 = arith.constant 16 : index
        %parallel_loop3A_580 = tpu.vector_load %arg6[%parallel_loop3A_577, %parallel_loop3A_578, %parallel_loop3A_579] {strides = array<i32>} : memref<4x200x64xf32, #tpu.memory_space<vmem>>, vector<1x1x16xf32>,
        %parallel_loop3A_581 = vector.shape_cast %parallel_loop3A_580 : vector<1x1x16xf32> to vector<16xf32>
        %parallel_loop3A_582 = arith.constant 1 : i32
        %parallel_loop3A_583 = arith.index_cast %parallel_loop3A_582 : i32 to index
        %parallel_loop3A_584 = arith.index_cast %parallel_loop3A_565 : i32 to index
        %parallel_loop3A_585 = arith.constant 32 : index
        %parallel_loop3A_586 = tpu.vector_load %arg6[%parallel_loop3A_583, %parallel_loop3A_584, %parallel_loop3A_585] {strides = array<i32>} : memref<4x200x64xf32, #tpu.memory_space<vmem>>, vector<1x1x16xf32>,
        %parallel_loop3A_587 = vector.shape_cast %parallel_loop3A_586 : vector<1x1x16xf32> to vector<16xf32>
        %parallel_loop3A_588 = arith.constant 1 : i32
        %parallel_loop3A_589 = arith.index_cast %parallel_loop3A_588 : i32 to index
        %parallel_loop3A_590 = arith.index_cast %parallel_loop3A_565 : i32 to index
        %parallel_loop3A_591 = arith.constant 48 : index
        %parallel_loop3A_592 = tpu.vector_load %arg6[%parallel_loop3A_589, %parallel_loop3A_590, %parallel_loop3A_591] {strides = array<i32>} : memref<4x200x64xf32, #tpu.memory_space<vmem>>, vector<1x1x16xf32>,
        %parallel_loop3A_593 = vector.shape_cast %parallel_loop3A_592 : vector<1x1x16xf32> to vector<16xf32>
        %parallel_loop3A_594 = arith.addf %parallel_loop3A_566, %parallel_loop3A_575 : vector<16xf32>
        %parallel_loop3A_595 = arith.addf %parallel_loop3A_567, %parallel_loop3A_581 : vector<16xf32>
        %parallel_loop3A_596 = arith.addf %parallel_loop3A_568, %parallel_loop3A_587 : vector<16xf32>
        %parallel_loop3A_597 = arith.addf %parallel_loop3A_569, %parallel_loop3A_593 : vector<16xf32>
        scf.yield %parallel_loop3A_594, %parallel_loop3A_595, %parallel_loop3A_596, %parallel_loop3A_597 : vector<16xf32>, vector<16xf32>, vector<16xf32>, vector<16xf32>
      } {sc.loop_unroll_factor = 8 : i64, sc.parallel_access}
      %jit3A_332 = arith.constant 128 : i32
      %eq3A_333 = arith.constant 0 : i32
      %eq3A_334 = arith.cmpi eq, %jit3A_332, %eq3A_333 : i32
      %jit3A_335 = arith.constant 1 : i32
      %select_n3A_336 = arith.select %eq3A_334, %jit3A_335, %jit3A_332 : i32
      %rem3A_337 = arith.remsi %add3A_325, %select_n3A_336 : i32
      %ne3A_338 = arith.constant 0 : i32
      %ne3A_339 = arith.cmpi ne, %rem3A_337, %ne3A_338 : i32
      %lt3A_340 = arith.constant 0 : i32
      %lt3A_341 = arith.cmpi slt, %rem3A_337, %lt3A_340 : i32
      %lt3A_342 = arith.constant 0 : i32
      %lt3A_343 = arith.cmpi slt, %select_n3A_336, %lt3A_342 : i32
      %ne3A_344 = arith.xori %lt3A_341, %lt3A_343 : i1
      %and3A_345 = arith.andi %ne3A_344, %ne3A_339 : i1
      %add3A_346 = arith.addi %rem3A_337, %select_n3A_336 : i32
      %select_n3A_347 = arith.select %and3A_345, %add3A_346, %rem3A_337 : i32
      %mul3A_348 = arith.constant 5.000000e-03 : f32
      %mul3A_349 = vector.broadcast %mul3A_348 : f32 to vector<16xf32>
      %mul3A_350 = arith.mulf %parallel_loop3A_331#0, %mul3A_349 : vector<16xf32>
      %swap3A_351 = arith.index_cast %select_n3A_347 : i32 to index
      %swap3A_352 = arith.constant 0 : index
      %swap3A_353 = tpu.vector_load %arg7[%swap3A_351, %swap3A_352] {strides = array<i32>} : memref<128x64xf32, #tpu.memory_space<vmem>>, vector<1x16xf32>,
      %swap3A_354 = vector.shape_cast %swap3A_353 : vector<1x16xf32> to vector<16xf32>
      %swap3A_355 = vector.shape_cast %mul3A_350 : vector<16xf32> to vector<1x16xf32>
      tpu.vector_store %arg7[%swap3A_351, %swap3A_352], %swap3A_355 {strides = array<i32>} : memref<128x64xf32, #tpu.memory_space<vmem>>, vector<1x16xf32>,
      %mul3A_356 = arith.constant 5.000000e-03 : f32
      %mul3A_357 = vector.broadcast %mul3A_356 : f32 to vector<16xf32>
      %mul3A_358 = arith.mulf %parallel_loop3A_331#1, %mul3A_357 : vector<16xf32>
      %swap3A_359 = arith.index_cast %select_n3A_347 : i32 to index
      %swap3A_360 = arith.constant 16 : index
      %swap3A_361 = tpu.vector_load %arg7[%swap3A_359, %swap3A_360] {strides = array<i32>} : memref<128x64xf32, #tpu.memory_space<vmem>>, vector<1x16xf32>,
      %swap3A_362 = vector.shape_cast %swap3A_361 : vector<1x16xf32> to vector<16xf32>
      %swap3A_363 = vector.shape_cast %mul3A_358 : vector<16xf32> to vector<1x16xf32>
      tpu.vector_store %arg7[%swap3A_359, %swap3A_360], %swap3A_363 {strides = array<i32>} : memref<128x64xf32, #tpu.memory_space<vmem>>, vector<1x16xf32>,
      %mul3A_364 = arith.constant 5.000000e-03 : f32
      %mul3A_365 = vector.broadcast %mul3A_364 : f32 to vector<16xf32>
      %mul3A_366 = arith.mulf %parallel_loop3A_331#2, %mul3A_365 : vector<16xf32>
      %swap3A_367 = arith.index_cast %select_n3A_347 : i32 to index
      %swap3A_368 = arith.constant 32 : index
      %swap3A_369 = tpu.vector_load %arg7[%swap3A_367, %swap3A_368] {strides = array<i32>} : memref<128x64xf32, #tpu.memory_space<vmem>>, vector<1x16xf32>,
      %swap3A_370 = vector.shape_cast %swap3A_369 : vector<1x16xf32> to vector<16xf32>
      %swap3A_371 = vector.shape_cast %mul3A_366 : vector<16xf32> to vector<1x16xf32>
      tpu.vector_store %arg7[%swap3A_367, %swap3A_368], %swap3A_371 {strides = array<i32>} : memref<128x64xf32, #tpu.memory_space<vmem>>, vector<1x16xf32>,
      %mul3A_372 = arith.constant 5.000000e-03 : f32
      %mul3A_373 = vector.broadcast %mul3A_372 : f32 to vector<16xf32>
      %mul3A_374 = arith.mulf %parallel_loop3A_331#3, %mul3A_373 : vector<16xf32>
      %swap3A_375 = arith.index_cast %select_n3A_347 : i32 to index
      %swap3A_376 = arith.constant 48 : index
      %swap3A_377 = tpu.vector_load %arg7[%swap3A_375, %swap3A_376] {strides = array<i32>} : memref<128x64xf32, #tpu.memory_space<vmem>>, vector<1x16xf32>,
      %swap3A_378 = vector.shape_cast %swap3A_377 : vector<1x16xf32> to vector<16xf32>
      %swap3A_379 = vector.shape_cast %mul3A_374 : vector<16xf32> to vector<1x16xf32>
      tpu.vector_store %arg7[%swap3A_375, %swap3A_376], %swap3A_379 {strides = array<i32>} : memref<128x64xf32, #tpu.memory_space<vmem>>, vector<1x16xf32>,
      %add3A_380 = arith.constant 2 : i32
      %add3A_381 = arith.addi %add3A_228, %add3A_380 : i32
      %add3A_382 = arith.constant 4 : i32
      %add3A_383 = arith.addi %add3A_381, %add3A_382 : i32
      %sub3A_384 = arith.constant 1 : i32
      %sub3A_385 = arith.subi %add3A_383, %sub3A_384 : i32
      %lt3A_386 = arith.constant 128 : i32
      %lt3A_387 = arith.cmpi slt, %sub3A_385, %lt3A_386 : i32
      %convert_element_type3A_388 = arith.extui %lt3A_387 : i1 to i32
      %cond3A_389 = arith.constant 0 : i32
      %cond3A_390 = arith.cmpi ne, %convert_element_type3A_388, %cond3A_389 : i32
      scf.if %cond3A_390 {
        %mul3A_565 = arith.constant 2 : i32
        %mul3A_566 = arith.muli %mul3A_565, %sub3A_385 : i32
        %dma_start3A_567 = arith.constant 1 : i32
        %dma_start3A_568 = arith.constant 1 : i32
        %dma_start3A_569 = arith.constant 0 : i32
        %dma_start3A_570 = arith.constant 0 : i32
        %dma_start3A_571 = tpu.memref_slice %arg6[%dma_start3A_568, %dma_start3A_569, %dma_start3A_570] : memref<4x200x64xf32, #tpu.memory_space<vmem>> -> memref<1x100x64xf32, #tpu.memory_space<vmem>>
        %dma_start3A_572 = tpu.memref_squeeze %dma_start3A_571 : memref<1x100x64xf32, #tpu.memory_space<vmem>> -> memref<100x64xf32, #tpu.memory_space<vmem>>
        %dma_start3A_573 = arith.constant 0 : i32
        %dma_start3A_574 = tpu.memref_slice %arg5[%dma_start3A_567, %mul3A_566, %dma_start3A_573] : memref<2x256x100xi32, #tpu.memory_space<vmem>> -> memref<1x1x100xi32, #tpu.memory_space<vmem>>
        %dma_start3A_575 = tpu.memref_squeeze %dma_start3A_574 : memref<1x1x100xi32, #tpu.memory_space<vmem>> -> memref<100xi32, #tpu.memory_space<vmem>>
        %dma_start3A_576 = arith.constant 0 : i32
        %dma_start3A_577 = arith.constant 0 : i32
        %dma_start3A_578 = tpu.memref_slice %arg3[%dma_start3A_576, %dma_start3A_577] : memref<1000000x64xf32, #tpu.memory_space<hbm>> -> memref<1000000x64xf32, #tpu.memory_space<hbm>>
        tpu.enqueue_indirect_dma source(%dma_start3A_578 : memref<1000000x64xf32, #tpu.memory_space<hbm>>) target(%dma_start3A_572 : memref<100x64xf32, #tpu.memory_space<vmem>>) offsets(%dma_start3A_575 : memref<100xi32, #tpu.memory_space<vmem>>) semaphore(%arg9 : memref<!tpu.dma_semaphore, #tpu.memory_space<semaphore_mem>>)
        %mul3A_579 = arith.constant 2 : i32
        %mul3A_580 = arith.muli %mul3A_579, %sub3A_385 : i32
        %add3A_581 = arith.constant 1 : i32
        %add3A_582 = arith.addi %mul3A_580, %add3A_581 : i32
        %dma_start3A_583 = arith.constant 1 : i32
        %dma_start3A_584 = arith.constant 1 : i32
        %dma_start3A_585 = arith.constant 100 : i32
        %dma_start3A_586 = arith.constant 0 : i32
        %dma_start3A_587 = tpu.memref_slice %arg6[%dma_start3A_584, %dma_start3A_585, %dma_start3A_586] : memref<4x200x64xf32, #tpu.memory_space<vmem>> -> memref<1x100x64xf32, #tpu.memory_space<vmem>>
        %dma_start3A_588 = tpu.memref_squeeze %dma_start3A_587 : memref<1x100x64xf32, #tpu.memory_space<vmem>> -> memref<100x64xf32, #tpu.memory_space<vmem>>
        %dma_start3A_589 = arith.constant 0 : i32
        %dma_start3A_590 = tpu.memref_slice %arg5[%dma_start3A_583, %add3A_582, %dma_start3A_589] : memref<2x256x100xi32, #tpu.memory_space<vmem>> -> memref<1x1x100xi32, #tpu.memory_space<vmem>>
        %dma_start3A_591 = tpu.memref_squeeze %dma_start3A_590 : memref<1x1x100xi32, #tpu.memory_space<vmem>> -> memref<100xi32, #tpu.memory_space<vmem>>
        %dma_start3A_592 = arith.constant 0 : i32
        %dma_start3A_593 = arith.constant 0 : i32
        %dma_start3A_594 = tpu.memref_slice %arg3[%dma_start3A_592, %dma_start3A_593] : memref<1000000x64xf32, #tpu.memory_space<hbm>> -> memref<1000000x64xf32, #tpu.memory_space<hbm>>
        tpu.enqueue_indirect_dma source(%dma_start3A_594 : memref<1000000x64xf32, #tpu.memory_space<hbm>>) target(%dma_start3A_588 : memref<100x64xf32, #tpu.memory_space<vmem>>) offsets(%dma_start3A_591 : memref<100xi32, #tpu.memory_space<vmem>>) semaphore(%arg9 : memref<!tpu.dma_semaphore, #tpu.memory_space<semaphore_mem>>)
      } else {
      }
      %dma_wait3A_391 = arith.constant 2 : i32
      %dma_wait3A_392 = arith.constant 0 : i32
      %dma_wait3A_393 = arith.constant 0 : i32
      %dma_wait3A_394 = tpu.memref_slice %arg6[%dma_wait3A_391, %dma_wait3A_392, %dma_wait3A_393] : memref<4x200x64xf32, #tpu.memory_space<vmem>> -> memref<1x200x64xf32, #tpu.memory_space<vmem>>
      %dma_wait3A_395 = tpu.memref_squeeze %dma_wait3A_394 : memref<1x200x64xf32, #tpu.memory_space<vmem>> -> memref<200x64xf32, #tpu.memory_space<vmem>>
      %dma_wait3A_396 = arith.constant 0 : i32
      %dma_wait3A_397 = arith.constant 0 : i32
      %dma_wait3A_398 = tpu.memref_slice %arg3[%dma_wait3A_396, %dma_wait3A_397] : memref<1000000x64xf32, #tpu.memory_space<hbm>> -> memref<200x64xf32, #tpu.memory_space<hbm>>
      %dma_wait3A_399 = arith.constant 0 : i32
      %dma_wait3A_400 = arith.constant 0 : i32
      %dma_wait3A_401 = tpu.memref_slice %arg6[%dma_wait3A_391, %dma_wait3A_399, %dma_wait3A_400] : memref<4x200x64xf32, #tpu.memory_space<vmem>> -> memref<1x200x64xf32, #tpu.memory_space<vmem>>
      %dma_wait3A_402 = tpu.memref_squeeze %dma_wait3A_401 : memref<1x200x64xf32, #tpu.memory_space<vmem>> -> memref<200x64xf32, #tpu.memory_space<vmem>>
      %dma_wait3A_403 = arith.constant 0 : i32
      %dma_wait3A_404 = arith.constant 0 : i32
      %dma_wait3A_405 = tpu.memref_slice %arg3[%dma_wait3A_403, %dma_wait3A_404] : memref<1000000x64xf32, #tpu.memory_space<hbm>> -> memref<200x64xf32, #tpu.memory_space<hbm>>
      tpu.wait_dma2 semaphore(%arg10 : memref<!tpu.dma_semaphore, #tpu.memory_space<semaphore_mem>>) src(%dma_wait3A_405 : memref<200x64xf32, #tpu.memory_space<hbm>>) dst(%dma_wait3A_402 : memref<200x64xf32, #tpu.memory_space<vmem>>)
      %add3A_406 = arith.constant 2 : i32
      %add3A_407 = arith.addi %add3A_228, %add3A_406 : i32
      %broadcast_in_dim3A_408 = arith.constant 0.000000e+00 : f32
      %broadcast_in_dim3A_409 = vector.broadcast %broadcast_in_dim3A_408 : f32 to vector<16xf32>
      %parallel_loop3A_410 = arith.constant 0 : i32
      %parallel_loop3A_411 = arith.constant 200 : i32
      %parallel_loop3A_412 = arith.constant 1 : i32
      %parallel_loop3A_413:4 = scf.for %parallel_loop3A_565 = %parallel_loop3A_410 to %parallel_loop3A_411 step %parallel_loop3A_412 iter_args(%parallel_loop3A_566 = %broadcast_in_dim3A_409, %parallel_loop3A_567 = %broadcast_in_dim3A_409, %parallel_loop3A_568 = %broadcast_in_dim3A_409, %parallel_loop3A_569 = %broadcast_in_dim3A_409) -> (vector<16xf32>, vector<16xf32>, vector<16xf32>, vector<16xf32>)  : i32 {
        %parallel_loop3A_570 = arith.constant 2 : i32
        %parallel_loop3A_571 = arith.index_cast %parallel_loop3A_570 : i32 to index
        %parallel_loop3A_572 = arith.index_cast %parallel_loop3A_565 : i32 to index
        %parallel_loop3A_573 = arith.constant 0 : index
        %parallel_loop3A_574 = tpu.vector_load %arg6[%parallel_loop3A_571, %parallel_loop3A_572, %parallel_loop3A_573] {strides = array<i32>} : memref<4x200x64xf32, #tpu.memory_space<vmem>>, vector<1x1x16xf32>,
        %parallel_loop3A_575 = vector.shape_cast %parallel_loop3A_574 : vector<1x1x16xf32> to vector<16xf32>
        %parallel_loop3A_576 = arith.constant 2 : i32
        %parallel_loop3A_577 = arith.index_cast %parallel_loop3A_576 : i32 to index
        %parallel_loop3A_578 = arith.index_cast %parallel_loop3A_565 : i32 to index
        %parallel_loop3A_579 = arith.constant 16 : index
        %parallel_loop3A_580 = tpu.vector_load %arg6[%parallel_loop3A_577, %parallel_loop3A_578, %parallel_loop3A_579] {strides = array<i32>} : memref<4x200x64xf32, #tpu.memory_space<vmem>>, vector<1x1x16xf32>,
        %parallel_loop3A_581 = vector.shape_cast %parallel_loop3A_580 : vector<1x1x16xf32> to vector<16xf32>
        %parallel_loop3A_582 = arith.constant 2 : i32
        %parallel_loop3A_583 = arith.index_cast %parallel_loop3A_582 : i32 to index
        %parallel_loop3A_584 = arith.index_cast %parallel_loop3A_565 : i32 to index
        %parallel_loop3A_585 = arith.constant 32 : index
        %parallel_loop3A_586 = tpu.vector_load %arg6[%parallel_loop3A_583, %parallel_loop3A_584, %parallel_loop3A_585] {strides = array<i32>} : memref<4x200x64xf32, #tpu.memory_space<vmem>>, vector<1x1x16xf32>,
        %parallel_loop3A_587 = vector.shape_cast %parallel_loop3A_586 : vector<1x1x16xf32> to vector<16xf32>
        %parallel_loop3A_588 = arith.constant 2 : i32
        %parallel_loop3A_589 = arith.index_cast %parallel_loop3A_588 : i32 to index
        %parallel_loop3A_590 = arith.index_cast %parallel_loop3A_565 : i32 to index
        %parallel_loop3A_591 = arith.constant 48 : index
        %parallel_loop3A_592 = tpu.vector_load %arg6[%parallel_loop3A_589, %parallel_loop3A_590, %parallel_loop3A_591] {strides = array<i32>} : memref<4x200x64xf32, #tpu.memory_space<vmem>>, vector<1x1x16xf32>,
        %parallel_loop3A_593 = vector.shape_cast %parallel_loop3A_592 : vector<1x1x16xf32> to vector<16xf32>
        %parallel_loop3A_594 = arith.addf %parallel_loop3A_566, %parallel_loop3A_575 : vector<16xf32>
        %parallel_loop3A_595 = arith.addf %parallel_loop3A_567, %parallel_loop3A_581 : vector<16xf32>
        %parallel_loop3A_596 = arith.addf %parallel_loop3A_568, %parallel_loop3A_587 : vector<16xf32>
        %parallel_loop3A_597 = arith.addf %parallel_loop3A_569, %parallel_loop3A_593 : vector<16xf32>
        scf.yield %parallel_loop3A_594, %parallel_loop3A_595, %parallel_loop3A_596, %parallel_loop3A_597 : vector<16xf32>, vector<16xf32>, vector<16xf32>, vector<16xf32>
      } {sc.loop_unroll_factor = 8 : i64, sc.parallel_access}
      %jit3A_414 = arith.constant 128 : i32
      %eq3A_415 = arith.constant 0 : i32
      %eq3A_416 = arith.cmpi eq, %jit3A_414, %eq3A_415 : i32
      %jit3A_417 = arith.constant 1 : i32
      %select_n3A_418 = arith.select %eq3A_416, %jit3A_417, %jit3A_414 : i32
      %rem3A_419 = arith.remsi %add3A_407, %select_n3A_418 : i32
      %ne3A_420 = arith.constant 0 : i32
      %ne3A_421 = arith.cmpi ne, %rem3A_419, %ne3A_420 : i32
      %lt3A_422 = arith.constant 0 : i32
      %lt3A_423 = arith.cmpi slt, %rem3A_419, %lt3A_422 : i32
      %lt3A_424 = arith.constant 0 : i32
      %lt3A_425 = arith.cmpi slt, %select_n3A_418, %lt3A_424 : i32
      %ne3A_426 = arith.xori %lt3A_423, %lt3A_425 : i1
      %and3A_427 = arith.andi %ne3A_426, %ne3A_421 : i1
      %add3A_428 = arith.addi %rem3A_419, %select_n3A_418 : i32
      %select_n3A_429 = arith.select %and3A_427, %add3A_428, %rem3A_419 : i32
      %mul3A_430 = arith.constant 5.000000e-03 : f32
      %mul3A_431 = vector.broadcast %mul3A_430 : f32 to vector<16xf32>
      %mul3A_432 = arith.mulf %parallel_loop3A_413#0, %mul3A_431 : vector<16xf32>
      %swap3A_433 = arith.index_cast %select_n3A_429 : i32 to index
      %swap3A_434 = arith.constant 0 : index
      %swap3A_435 = tpu.vector_load %arg7[%swap3A_433, %swap3A_434] {strides = array<i32>} : memref<128x64xf32, #tpu.memory_space<vmem>>, vector<1x16xf32>,
      %swap3A_436 = vector.shape_cast %swap3A_435 : vector<1x16xf32> to vector<16xf32>
      %swap3A_437 = vector.shape_cast %mul3A_432 : vector<16xf32> to vector<1x16xf32>
      tpu.vector_store %arg7[%swap3A_433, %swap3A_434], %swap3A_437 {strides = array<i32>} : memref<128x64xf32, #tpu.memory_space<vmem>>, vector<1x16xf32>,
      %mul3A_438 = arith.constant 5.000000e-03 : f32
      %mul3A_439 = vector.broadcast %mul3A_438 : f32 to vector<16xf32>
      %mul3A_440 = arith.mulf %parallel_loop3A_413#1, %mul3A_439 : vector<16xf32>
      %swap3A_441 = arith.index_cast %select_n3A_429 : i32 to index
      %swap3A_442 = arith.constant 16 : index
      %swap3A_443 = tpu.vector_load %arg7[%swap3A_441, %swap3A_442] {strides = array<i32>} : memref<128x64xf32, #tpu.memory_space<vmem>>, vector<1x16xf32>,
      %swap3A_444 = vector.shape_cast %swap3A_443 : vector<1x16xf32> to vector<16xf32>
      %swap3A_445 = vector.shape_cast %mul3A_440 : vector<16xf32> to vector<1x16xf32>
      tpu.vector_store %arg7[%swap3A_441, %swap3A_442], %swap3A_445 {strides = array<i32>} : memref<128x64xf32, #tpu.memory_space<vmem>>, vector<1x16xf32>,
      %mul3A_446 = arith.constant 5.000000e-03 : f32
      %mul3A_447 = vector.broadcast %mul3A_446 : f32 to vector<16xf32>
      %mul3A_448 = arith.mulf %parallel_loop3A_413#2, %mul3A_447 : vector<16xf32>
      %swap3A_449 = arith.index_cast %select_n3A_429 : i32 to index
      %swap3A_450 = arith.constant 32 : index
      %swap3A_451 = tpu.vector_load %arg7[%swap3A_449, %swap3A_450] {strides = array<i32>} : memref<128x64xf32, #tpu.memory_space<vmem>>, vector<1x16xf32>,
      %swap3A_452 = vector.shape_cast %swap3A_451 : vector<1x16xf32> to vector<16xf32>
      %swap3A_453 = vector.shape_cast %mul3A_448 : vector<16xf32> to vector<1x16xf32>
      tpu.vector_store %arg7[%swap3A_449, %swap3A_450], %swap3A_453 {strides = array<i32>} : memref<128x64xf32, #tpu.memory_space<vmem>>, vector<1x16xf32>,
      %mul3A_454 = arith.constant 5.000000e-03 : f32
      %mul3A_455 = vector.broadcast %mul3A_454 : f32 to vector<16xf32>
      %mul3A_456 = arith.mulf %parallel_loop3A_413#3, %mul3A_455 : vector<16xf32>
      %swap3A_457 = arith.index_cast %select_n3A_429 : i32 to index
      %swap3A_458 = arith.constant 48 : index
      %swap3A_459 = tpu.vector_load %arg7[%swap3A_457, %swap3A_458] {strides = array<i32>} : memref<128x64xf32, #tpu.memory_space<vmem>>, vector<1x16xf32>,
      %swap3A_460 = vector.shape_cast %swap3A_459 : vector<1x16xf32> to vector<16xf32>
      %swap3A_461 = vector.shape_cast %mul3A_456 : vector<16xf32> to vector<1x16xf32>
      tpu.vector_store %arg7[%swap3A_457, %swap3A_458], %swap3A_461 {strides = array<i32>} : memref<128x64xf32, #tpu.memory_space<vmem>>, vector<1x16xf32>,
      %add3A_462 = arith.constant 3 : i32
      %add3A_463 = arith.addi %add3A_228, %add3A_462 : i32
      %add3A_464 = arith.constant 4 : i32
      %add3A_465 = arith.addi %add3A_463, %add3A_464 : i32
      %sub3A_466 = arith.constant 1 : i32
      %sub3A_467 = arith.subi %add3A_465, %sub3A_466 : i32
      %lt3A_468 = arith.constant 128 : i32
      %lt3A_469 = arith.cmpi slt, %sub3A_467, %lt3A_468 : i32
      %convert_element_type3A_470 = arith.extui %lt3A_469 : i1 to i32
      %cond3A_471 = arith.constant 0 : i32
      %cond3A_472 = arith.cmpi ne, %convert_element_type3A_470, %cond3A_471 : i32
      scf.if %cond3A_472 {
        %mul3A_565 = arith.constant 2 : i32
        %mul3A_566 = arith.muli %mul3A_565, %sub3A_467 : i32
        %dma_start3A_567 = arith.constant 1 : i32
        %dma_start3A_568 = arith.constant 2 : i32
        %dma_start3A_569 = arith.constant 0 : i32
        %dma_start3A_570 = arith.constant 0 : i32
        %dma_start3A_571 = tpu.memref_slice %arg6[%dma_start3A_568, %dma_start3A_569, %dma_start3A_570] : memref<4x200x64xf32, #tpu.memory_space<vmem>> -> memref<1x100x64xf32, #tpu.memory_space<vmem>>
        %dma_start3A_572 = tpu.memref_squeeze %dma_start3A_571 : memref<1x100x64xf32, #tpu.memory_space<vmem>> -> memref<100x64xf32, #tpu.memory_space<vmem>>
        %dma_start3A_573 = arith.constant 0 : i32
        %dma_start3A_574 = tpu.memref_slice %arg5[%dma_start3A_567, %mul3A_566, %dma_start3A_573] : memref<2x256x100xi32, #tpu.memory_space<vmem>> -> memref<1x1x100xi32, #tpu.memory_space<vmem>>
        %dma_start3A_575 = tpu.memref_squeeze %dma_start3A_574 : memref<1x1x100xi32, #tpu.memory_space<vmem>> -> memref<100xi32, #tpu.memory_space<vmem>>
        %dma_start3A_576 = arith.constant 0 : i32
        %dma_start3A_577 = arith.constant 0 : i32
        %dma_start3A_578 = tpu.memref_slice %arg3[%dma_start3A_576, %dma_start3A_577] : memref<1000000x64xf32, #tpu.memory_space<hbm>> -> memref<1000000x64xf32, #tpu.memory_space<hbm>>
        tpu.enqueue_indirect_dma source(%dma_start3A_578 : memref<1000000x64xf32, #tpu.memory_space<hbm>>) target(%dma_start3A_572 : memref<100x64xf32, #tpu.memory_space<vmem>>) offsets(%dma_start3A_575 : memref<100xi32, #tpu.memory_space<vmem>>) semaphore(%arg10 : memref<!tpu.dma_semaphore, #tpu.memory_space<semaphore_mem>>)
        %mul3A_579 = arith.constant 2 : i32
        %mul3A_580 = arith.muli %mul3A_579, %sub3A_467 : i32
        %add3A_581 = arith.constant 1 : i32
        %add3A_582 = arith.addi %mul3A_580, %add3A_581 : i32
        %dma_start3A_583 = arith.constant 1 : i32
        %dma_start3A_584 = arith.constant 2 : i32
        %dma_start3A_585 = arith.constant 100 : i32
        %dma_start3A_586 = arith.constant 0 : i32
        %dma_start3A_587 = tpu.memref_slice %arg6[%dma_start3A_584, %dma_start3A_585, %dma_start3A_586] : memref<4x200x64xf32, #tpu.memory_space<vmem>> -> memref<1x100x64xf32, #tpu.memory_space<vmem>>
        %dma_start3A_588 = tpu.memref_squeeze %dma_start3A_587 : memref<1x100x64xf32, #tpu.memory_space<vmem>> -> memref<100x64xf32, #tpu.memory_space<vmem>>
        %dma_start3A_589 = arith.constant 0 : i32
        %dma_start3A_590 = tpu.memref_slice %arg5[%dma_start3A_583, %add3A_582, %dma_start3A_589] : memref<2x256x100xi32, #tpu.memory_space<vmem>> -> memref<1x1x100xi32, #tpu.memory_space<vmem>>
        %dma_start3A_591 = tpu.memref_squeeze %dma_start3A_590 : memref<1x1x100xi32, #tpu.memory_space<vmem>> -> memref<100xi32, #tpu.memory_space<vmem>>
        %dma_start3A_592 = arith.constant 0 : i32
        %dma_start3A_593 = arith.constant 0 : i32
        %dma_start3A_594 = tpu.memref_slice %arg3[%dma_start3A_592, %dma_start3A_593] : memref<1000000x64xf32, #tpu.memory_space<hbm>> -> memref<1000000x64xf32, #tpu.memory_space<hbm>>
        tpu.enqueue_indirect_dma source(%dma_start3A_594 : memref<1000000x64xf32, #tpu.memory_space<hbm>>) target(%dma_start3A_588 : memref<100x64xf32, #tpu.memory_space<vmem>>) offsets(%dma_start3A_591 : memref<100xi32, #tpu.memory_space<vmem>>) semaphore(%arg10 : memref<!tpu.dma_semaphore, #tpu.memory_space<semaphore_mem>>)
      } else {
      }
      %dma_wait3A_473 = arith.constant 3 : i32
      %dma_wait3A_474 = arith.constant 0 : i32
      %dma_wait3A_475 = arith.constant 0 : i32
      %dma_wait3A_476 = tpu.memref_slice %arg6[%dma_wait3A_473, %dma_wait3A_474, %dma_wait3A_475] : memref<4x200x64xf32, #tpu.memory_space<vmem>> -> memref<1x200x64xf32, #tpu.memory_space<vmem>>
      %dma_wait3A_477 = tpu.memref_squeeze %dma_wait3A_476 : memref<1x200x64xf32, #tpu.memory_space<vmem>> -> memref<200x64xf32, #tpu.memory_space<vmem>>
      %dma_wait3A_478 = arith.constant 0 : i32
      %dma_wait3A_479 = arith.constant 0 : i32
      %dma_wait3A_480 = tpu.memref_slice %arg3[%dma_wait3A_478, %dma_wait3A_479] : memref<1000000x64xf32, #tpu.memory_space<hbm>> -> memref<200x64xf32, #tpu.memory_space<hbm>>
      %dma_wait3A_481 = arith.constant 0 : i32
      %dma_wait3A_482 = arith.constant 0 : i32
      %dma_wait3A_483 = tpu.memref_slice %arg6[%dma_wait3A_473, %dma_wait3A_481, %dma_wait3A_482] : memref<4x200x64xf32, #tpu.memory_space<vmem>> -> memref<1x200x64xf32, #tpu.memory_space<vmem>>
      %dma_wait3A_484 = tpu.memref_squeeze %dma_wait3A_483 : memref<1x200x64xf32, #tpu.memory_space<vmem>> -> memref<200x64xf32, #tpu.memory_space<vmem>>
      %dma_wait3A_485 = arith.constant 0 : i32
      %dma_wait3A_486 = arith.constant 0 : i32
      %dma_wait3A_487 = tpu.memref_slice %arg3[%dma_wait3A_485, %dma_wait3A_486] : memref<1000000x64xf32, #tpu.memory_space<hbm>> -> memref<200x64xf32, #tpu.memory_space<hbm>>
      tpu.wait_dma2 semaphore(%arg11 : memref<!tpu.dma_semaphore, #tpu.memory_space<semaphore_mem>>) src(%dma_wait3A_487 : memref<200x64xf32, #tpu.memory_space<hbm>>) dst(%dma_wait3A_484 : memref<200x64xf32, #tpu.memory_space<vmem>>)
      %add3A_488 = arith.constant 3 : i32
      %add3A_489 = arith.addi %add3A_228, %add3A_488 : i32
      %broadcast_in_dim3A_490 = arith.constant 0.000000e+00 : f32
      %broadcast_in_dim3A_491 = vector.broadcast %broadcast_in_dim3A_490 : f32 to vector<16xf32>
      %parallel_loop3A_492 = arith.constant 0 : i32
      %parallel_loop3A_493 = arith.constant 200 : i32
      %parallel_loop3A_494 = arith.constant 1 : i32
      %parallel_loop3A_495:4 = scf.for %parallel_loop3A_565 = %parallel_loop3A_492 to %parallel_loop3A_493 step %parallel_loop3A_494 iter_args(%parallel_loop3A_566 = %broadcast_in_dim3A_491, %parallel_loop3A_567 = %broadcast_in_dim3A_491, %parallel_loop3A_568 = %broadcast_in_dim3A_491, %parallel_loop3A_569 = %broadcast_in_dim3A_491) -> (vector<16xf32>, vector<16xf32>, vector<16xf32>, vector<16xf32>)  : i32 {
        %parallel_loop3A_570 = arith.constant 3 : i32
        %parallel_loop3A_571 = arith.index_cast %parallel_loop3A_570 : i32 to index
        %parallel_loop3A_572 = arith.index_cast %parallel_loop3A_565 : i32 to index
        %parallel_loop3A_573 = arith.constant 0 : index
        %parallel_loop3A_574 = tpu.vector_load %arg6[%parallel_loop3A_571, %parallel_loop3A_572, %parallel_loop3A_573] {strides = array<i32>} : memref<4x200x64xf32, #tpu.memory_space<vmem>>, vector<1x1x16xf32>,
        %parallel_loop3A_575 = vector.shape_cast %parallel_loop3A_574 : vector<1x1x16xf32> to vector<16xf32>
        %parallel_loop3A_576 = arith.constant 3 : i32
        %parallel_loop3A_577 = arith.index_cast %parallel_loop3A_576 : i32 to index
        %parallel_loop3A_578 = arith.index_cast %parallel_loop3A_565 : i32 to index
        %parallel_loop3A_579 = arith.constant 16 : index
        %parallel_loop3A_580 = tpu.vector_load %arg6[%parallel_loop3A_577, %parallel_loop3A_578, %parallel_loop3A_579] {strides = array<i32>} : memref<4x200x64xf32, #tpu.memory_space<vmem>>, vector<1x1x16xf32>,
        %parallel_loop3A_581 = vector.shape_cast %parallel_loop3A_580 : vector<1x1x16xf32> to vector<16xf32>
        %parallel_loop3A_582 = arith.constant 3 : i32
        %parallel_loop3A_583 = arith.index_cast %parallel_loop3A_582 : i32 to index
        %parallel_loop3A_584 = arith.index_cast %parallel_loop3A_565 : i32 to index
        %parallel_loop3A_585 = arith.constant 32 : index
        %parallel_loop3A_586 = tpu.vector_load %arg6[%parallel_loop3A_583, %parallel_loop3A_584, %parallel_loop3A_585] {strides = array<i32>} : memref<4x200x64xf32, #tpu.memory_space<vmem>>, vector<1x1x16xf32>,
        %parallel_loop3A_587 = vector.shape_cast %parallel_loop3A_586 : vector<1x1x16xf32> to vector<16xf32>
        %parallel_loop3A_588 = arith.constant 3 : i32
        %parallel_loop3A_589 = arith.index_cast %parallel_loop3A_588 : i32 to index
        %parallel_loop3A_590 = arith.index_cast %parallel_loop3A_565 : i32 to index
        %parallel_loop3A_591 = arith.constant 48 : index
        %parallel_loop3A_592 = tpu.vector_load %arg6[%parallel_loop3A_589, %parallel_loop3A_590, %parallel_loop3A_591] {strides = array<i32>} : memref<4x200x64xf32, #tpu.memory_space<vmem>>, vector<1x1x16xf32>,
        %parallel_loop3A_593 = vector.shape_cast %parallel_loop3A_592 : vector<1x1x16xf32> to vector<16xf32>
        %parallel_loop3A_594 = arith.addf %parallel_loop3A_566, %parallel_loop3A_575 : vector<16xf32>
        %parallel_loop3A_595 = arith.addf %parallel_loop3A_567, %parallel_loop3A_581 : vector<16xf32>
        %parallel_loop3A_596 = arith.addf %parallel_loop3A_568, %parallel_loop3A_587 : vector<16xf32>
        %parallel_loop3A_597 = arith.addf %parallel_loop3A_569, %parallel_loop3A_593 : vector<16xf32>
        scf.yield %parallel_loop3A_594, %parallel_loop3A_595, %parallel_loop3A_596, %parallel_loop3A_597 : vector<16xf32>, vector<16xf32>, vector<16xf32>, vector<16xf32>
      } {sc.loop_unroll_factor = 8 : i64, sc.parallel_access}
      %jit3A_496 = arith.constant 128 : i32
      %eq3A_497 = arith.constant 0 : i32
      %eq3A_498 = arith.cmpi eq, %jit3A_496, %eq3A_497 : i32
      %jit3A_499 = arith.constant 1 : i32
      %select_n3A_500 = arith.select %eq3A_498, %jit3A_499, %jit3A_496 : i32
      %rem3A_501 = arith.remsi %add3A_489, %select_n3A_500 : i32
      %ne3A_502 = arith.constant 0 : i32
      %ne3A_503 = arith.cmpi ne, %rem3A_501, %ne3A_502 : i32
      %lt3A_504 = arith.constant 0 : i32
      %lt3A_505 = arith.cmpi slt, %rem3A_501, %lt3A_504 : i32
      %lt3A_506 = arith.constant 0 : i32
      %lt3A_507 = arith.cmpi slt, %select_n3A_500, %lt3A_506 : i32
      %ne3A_508 = arith.xori %lt3A_505, %lt3A_507 : i1
      %and3A_509 = arith.andi %ne3A_508, %ne3A_503 : i1
      %add3A_510 = arith.addi %rem3A_501, %select_n3A_500 : i32
      %select_n3A_511 = arith.select %and3A_509, %add3A_510, %rem3A_501 : i32
      %mul3A_512 = arith.constant 5.000000e-03 : f32
      %mul3A_513 = vector.broadcast %mul3A_512 : f32 to vector<16xf32>
      %mul3A_514 = arith.mulf %parallel_loop3A_495#0, %mul3A_513 : vector<16xf32>
      %swap3A_515 = arith.index_cast %select_n3A_511 : i32 to index
      %swap3A_516 = arith.constant 0 : index
      %swap3A_517 = tpu.vector_load %arg7[%swap3A_515, %swap3A_516] {strides = array<i32>} : memref<128x64xf32, #tpu.memory_space<vmem>>, vector<1x16xf32>,
      %swap3A_518 = vector.shape_cast %swap3A_517 : vector<1x16xf32> to vector<16xf32>
      %swap3A_519 = vector.shape_cast %mul3A_514 : vector<16xf32> to vector<1x16xf32>
      tpu.vector_store %arg7[%swap3A_515, %swap3A_516], %swap3A_519 {strides = array<i32>} : memref<128x64xf32, #tpu.memory_space<vmem>>, vector<1x16xf32>,
      %mul3A_520 = arith.constant 5.000000e-03 : f32
      %mul3A_521 = vector.broadcast %mul3A_520 : f32 to vector<16xf32>
      %mul3A_522 = arith.mulf %parallel_loop3A_495#1, %mul3A_521 : vector<16xf32>
      %swap3A_523 = arith.index_cast %select_n3A_511 : i32 to index
      %swap3A_524 = arith.constant 16 : index
      %swap3A_525 = tpu.vector_load %arg7[%swap3A_523, %swap3A_524] {strides = array<i32>} : memref<128x64xf32, #tpu.memory_space<vmem>>, vector<1x16xf32>,
      %swap3A_526 = vector.shape_cast %swap3A_525 : vector<1x16xf32> to vector<16xf32>
      %swap3A_527 = vector.shape_cast %mul3A_522 : vector<16xf32> to vector<1x16xf32>
      tpu.vector_store %arg7[%swap3A_523, %swap3A_524], %swap3A_527 {strides = array<i32>} : memref<128x64xf32, #tpu.memory_space<vmem>>, vector<1x16xf32>,
      %mul3A_528 = arith.constant 5.000000e-03 : f32
      %mul3A_529 = vector.broadcast %mul3A_528 : f32 to vector<16xf32>
      %mul3A_530 = arith.mulf %parallel_loop3A_495#2, %mul3A_529 : vector<16xf32>
      %swap3A_531 = arith.index_cast %select_n3A_511 : i32 to index
      %swap3A_532 = arith.constant 32 : index
      %swap3A_533 = tpu.vector_load %arg7[%swap3A_531, %swap3A_532] {strides = array<i32>} : memref<128x64xf32, #tpu.memory_space<vmem>>, vector<1x16xf32>,
      %swap3A_534 = vector.shape_cast %swap3A_533 : vector<1x16xf32> to vector<16xf32>
      %swap3A_535 = vector.shape_cast %mul3A_530 : vector<16xf32> to vector<1x16xf32>
      tpu.vector_store %arg7[%swap3A_531, %swap3A_532], %swap3A_535 {strides = array<i32>} : memref<128x64xf32, #tpu.memory_space<vmem>>, vector<1x16xf32>,
      %mul3A_536 = arith.constant 5.000000e-03 : f32
      %mul3A_537 = vector.broadcast %mul3A_536 : f32 to vector<16xf32>
      %mul3A_538 = arith.mulf %parallel_loop3A_495#3, %mul3A_537 : vector<16xf32>
      %swap3A_539 = arith.index_cast %select_n3A_511 : i32 to index
      %swap3A_540 = arith.constant 48 : index
      %swap3A_541 = tpu.vector_load %arg7[%swap3A_539, %swap3A_540] {strides = array<i32>} : memref<128x64xf32, #tpu.memory_space<vmem>>, vector<1x16xf32>,
      %swap3A_542 = vector.shape_cast %swap3A_541 : vector<1x16xf32> to vector<16xf32>
      %swap3A_543 = vector.shape_cast %mul3A_538 : vector<16xf32> to vector<1x16xf32>
      tpu.vector_store %arg7[%swap3A_539, %swap3A_540], %swap3A_543 {strides = array<i32>} : memref<128x64xf32, #tpu.memory_space<vmem>>, vector<1x16xf32>,
      %jit3A_544 = arith.constant 128 : i32
      %eq3A_545 = arith.constant 0 : i32
      %eq3A_546 = arith.cmpi eq, %jit3A_544, %eq3A_545 : i32
      %jit3A_547 = arith.constant 1 : i32
      %select_n3A_548 = arith.select %eq3A_546, %jit3A_547, %jit3A_544 : i32
      %rem3A_549 = arith.remsi %add3A_228, %select_n3A_548 : i32
      %ne3A_550 = arith.constant 0 : i32
      %ne3A_551 = arith.cmpi ne, %rem3A_549, %ne3A_550 : i32
      %lt3A_552 = arith.constant 0 : i32
      %lt3A_553 = arith.cmpi slt, %rem3A_549, %lt3A_552 : i32
      %lt3A_554 = arith.constant 0 : i32
      %lt3A_555 = arith.cmpi slt, %select_n3A_548, %lt3A_554 : i32
      %ne3A_556 = arith.xori %lt3A_553, %lt3A_555 : i1
      %and3A_557 = arith.andi %ne3A_556, %ne3A_551 : i1
      %add3A_558 = arith.addi %rem3A_549, %select_n3A_548 : i32
      %select_n3A_559 = arith.select %and3A_557, %add3A_558, %rem3A_549 : i32
      %eq3A_560 = arith.constant 124 : i32
      %eq3A_561 = arith.cmpi eq, %select_n3A_559, %eq3A_560 : i32
      %convert_element_type3A_562 = arith.extui %eq3A_561 : i1 to i32
      %cond3A_563 = arith.constant 0 : i32
      %cond3A_564 = arith.cmpi ne, %convert_element_type3A_562, %cond3A_563 : i32
      scf.if %cond3A_564 {
        %mul3A_565 = arith.constant 512 : i32
        %mul3A_566 = arith.muli %add3A, %mul3A_565 : i32
        %add3A_567 = arith.constant 384 : i32
        %add3A_568 = arith.addi %mul3A_566, %add3A_567 : i32
        %jit3A_569 = arith.constant 128 : i32
        %div3A = arith.divsi %add3A_228, %jit3A_569 : i32
        %sign3A = arith.constant 0 : i32
        %sign3A_570 = arith.cmpi sgt, %add3A_228, %sign3A : i32
        %sign3A_571 = arith.extui %sign3A_570 : i1 to i32
        %sign3A_572 = arith.constant 0 : i32
        %sign3A_573 = arith.cmpi slt, %add3A_228, %sign3A_572 : i32
        %sign3A_574 = arith.extui %sign3A_573 : i1 to i32
        %sign3A_575 = arith.subi %sign3A_571, %sign3A_574 : i32
        %sign3A_576 = arith.constant 0 : i32
        %sign3A_577 = arith.cmpi sgt, %jit3A_569, %sign3A_576 : i32
        %sign3A_578 = arith.extui %sign3A_577 : i1 to i32
        %sign3A_579 = arith.constant 0 : i32
        %sign3A_580 = arith.cmpi slt, %jit3A_569, %sign3A_579 : i32
        %sign3A_581 = arith.extui %sign3A_580 : i1 to i32
        %sign3A_582 = arith.subi %sign3A_578, %sign3A_581 : i32
        %ne3A_583 = arith.cmpi ne, %sign3A_575, %sign3A_582 : i32
        %rem3A_584 = arith.remsi %add3A_228, %jit3A_569 : i32
        %ne3A_585 = arith.constant 0 : i32
        %ne3A_586 = arith.cmpi ne, %rem3A_584, %ne3A_585 : i32
        %and3A_587 = arith.andi %ne3A_583, %ne3A_586 : i1
        %sub3A_588 = arith.constant 1 : i32
        %sub3A_589 = arith.subi %div3A, %sub3A_588 : i32
        %select_n3A_590 = arith.select %and3A_587, %sub3A_589, %div3A : i32
        %mul3A_591 = arith.constant 128 : i32
        %mul3A_592 = arith.muli %select_n3A_590, %mul3A_591 : i32
        %add3A_593 = arith.addi %add3A_568, %mul3A_592 : i32
        "tpu.region"() ({
          %run_scoped3A = tpu.sem_alloc : memref<!tpu.dma_semaphore, #tpu.memory_space<semaphore_mem>>
          %dma_start3A_594 = arith.constant 0 : i32
          %dma_start3A_595 = tpu.memref_slice %arg4[%add3A_593, %dma_start3A_594] : memref<16384x64xf32, #tpu.memory_space<hbm>> -> memref<128x64xf32, #tpu.memory_space<hbm>>
          %dma_start3A_596 = arith.constant 0 : i32
          %dma_start3A_597 = tpu.memref_slice %arg4[%add3A_593, %dma_start3A_596] : memref<16384x64xf32, #tpu.memory_space<hbm>> -> memref<128x64xf32, #tpu.memory_space<hbm>>
          tpu.enqueue_dma source(%arg7 : memref<128x64xf32, #tpu.memory_space<vmem>>) target(%dma_start3A_597 : memref<128x64xf32, #tpu.memory_space<hbm>>) target_semaphore(%run_scoped3A : memref<!tpu.dma_semaphore, #tpu.memory_space<semaphore_mem>>)
          %dma_wait3A_598 = arith.constant 0 : i32
          %dma_wait3A_599 = tpu.memref_slice %arg4[%add3A_593, %dma_wait3A_598] : memref<16384x64xf32, #tpu.memory_space<hbm>> -> memref<128x64xf32, #tpu.memory_space<hbm>>
          %dma_wait3A_600 = arith.constant 0 : i32
          %dma_wait3A_601 = tpu.memref_slice %arg4[%add3A_593, %dma_wait3A_600] : memref<16384x64xf32, #tpu.memory_space<hbm>> -> memref<128x64xf32, #tpu.memory_space<hbm>>
          tpu.wait_dma2 semaphore(%run_scoped3A : memref<!tpu.dma_semaphore, #tpu.memory_space<semaphore_mem>>) src(%arg7 : memref<128x64xf32, #tpu.memory_space<vmem>>) dst(%dma_wait3A_601 : memref<128x64xf32, #tpu.memory_space<hbm>>)
          tpu.yield
        }) : () -> ()
      } else {
      }
    }
    %scan3A_223 = arith.constant 32 : i32
    return
  }
}

</mosaic_0001>

<sc_bundles>
// kernel: kernel.3.cloned.1.call-start
scs
__scs_entry_jumppad:
0x0: {  	(pc) =	sbr.rel $0x88, $3  }
0x1: {  	(tag) =	ssettag $0x0;
	lr =	simm.s32 $0x1  }
0x2: {  	[smem:$0x3F9F] =	sst lr;
	_ =	strace $0xD0000000  }
0x3: {  	_ = 	snop  }
0x4: {  	_ = 	snop  }
0x5: {  	_ = 	snop  }
0x6: {  	_ = 	snop  }
0x7: {  	_ = 	snop  }
__scs_overlays_trampoline_lowered:
0x8: {  	[smem:$0x3FAE] =	sst s0  }
0x9: {  	[smem:$0x3FAF] =	sst s1  }
0xa: {  	[smem:$0x3FB0] =	sst s2  }
0xb: {  	[smem:$0x3FB1] =	sst s3  }
0xc: {  	[smem:$0x3FB2] =	sst s4  }
0xd: {  	[smem:$0x3FB3] =	sst s5  }
0xe: {  	[smem:$0x3FB4] =	sst s6  }
0xf: {  	[smem:$0x3FB5] =	sst s7  }
0x10: {  	[smem:$0x3FB6] =	sst s8  }
0x11: {  	[smem:$0x3FB7] =	sst s9;
	s0 =	simm.s32 @!p0 $0x0  }
0x12: {  	s1 =	sld [smem:$0x3F9D];
	s0 =	simm.s32 @p0 $0x1  }
0x13: {  	[smem:$0x3FB8] =	sst s0;
	s0 =	simm.s32 @!p1 $0x0  }
0x14: {  	s2 =	sld [smem:$0x3F9C];
	s0 =	simm.s32 @p1 $0x1  }
0x15: {  	[smem:$0x3FB9] =	sst s0;
	s0 =	simm.s32 @!p2 $0x0  }
0x16: {  	s3 =	sld [smem:$0x3FDB];
	s0 =	simm.s32 @p2 $0x1  }
0x17: {  	s4 =	simm.s32 $0x1BF5;
	[smem:$0x3FBB] =	sst s0  }
0x18: {  	s0 =	sld [smem:$0x3F9E];
	_ =	swait.ge [sflag:s4], $0x0  }
0x19: {  	s7 =	sld [smem:$0x3F9F]  }
0x1a: {  	s8 =	sadd.s32 $0xFFFFE003, lr  }
0x1b: {  	s9 =	sadd.s32 $0xFFFFFEF7, lr;
	s5 =	simm.s32 $0xFFFFFFFF;
	p2 =	slt.u32 s8, $0xFFFFF086  }
0x1c: {  	p1 =	slt.u32 s9, $0xF7A;
	s5 =	simm.s32 @!p2 $0x0  }
0x1d: {  	s5 =	simm.s32 @p1 $0x1;
	p0 =	seq.s32 s7, s2  }
0x1e: {  	s7 =	smul.u32 @!p0 $0xF7A, s2;
	p2 =	seq.s32 @!p0 s5, $0x0  }
0x1f: {  	s9 =	smul.u32 $0xF7A, s1;
	s8 =	simm.s32 @!p0 $0x1BF5;
	p2 =	por !p2, p0  }
0x20: {  	[sflag:s8] =	ssyncset.s32 @!p0 $0xFFFFF086;
	s6 =	sadd.s32 @!p0 s3, s7;
	s7 =	simm.s32 @!p0 $0x108  }
0x21: {  	s3 =	sadd.s32 s3, s9;
	s6 =	sadd.s32 @!p0 $0x88, s6;
	s7 =	simm.s32 @p2 $0x1082  }
0x22: {  	[simem:s7], [sflag:s8] =	dma.local @!p0 [hbm:s6], $0xF7A  }
0x23: {  	s9 =	sor.u32 $0xD0000000, s2;
	s6 =	simm.s32 $0x108;
	_ =	swait.ge @!p0 [sflag:s8], $0x0  }
0x24: {  	s3 =	sadd.s32 $0x88, s3;
	s6 =	simm.s32 @!p1 $0x1082;
	[sflag:s4] =	ssyncset.s32 $0xFFFFF086  }
0x25: {  	[simem:s6], [sflag:s4] =	dma.local [hbm:s3], $0xF7A  }
0x26: {  	[smem:$0x3F9F] =	sst s1;
	(tag) =	ssettag s2;
	_ =	strace s9  }
0x27: {  	s1 =	sld [smem:$0x3FAF]  }
0x28: {  	s2 =	sld [smem:$0x3FB0]  }
0x29: {  	s4 =	sld [smem:$0x3FB2]  }
0x2a: {  	p0 =	seq.s32 s5, $0x0;
	s5 =	sld [smem:$0x3FB3]  }
0x2b: {  	s6 =	sld [smem:$0x3FB4]  }
0x2c: {  	s7 =	sld [smem:$0x3FB5]  }
0x2d: {  	s3 =	simm.s32 $0x108;
	s8 =	sld [smem:$0x3FB6]  }
0x2e: {  	s3 =	simm.s32 @!p0 $0x1082;
	s9 =	sld [smem:$0x3FB7]  }
0x2f: {  	lr =	sadd.s32 s0, s3;
	s0 =	sld [smem:$0x3FAE]  }
0x30: {  	s3 =	sld [smem:$0x3FB1]  }
0x31: {  	[smem:$0x3FBA] =	sst s10  }
0x32: {  	s10 =	sld [smem:$0x3FB8];
	_ =	sdelay $0x3  }
0x33: {  	p0 =	seq.s32 s10, $0x1;
	s10 =	sld [smem:$0x3FBA];
	_ =	sdelay $0x3  }
0x34: {  	[smem:$0x3FBA] =	sst s10  }
0x35: {  	s10 =	sld [smem:$0x3FB9];
	_ =	sdelay $0x3  }
0x36: {  	p1 =	seq.s32 s10, $0x1;
	s10 =	sld [smem:$0x3FBA];
	_ =	sdelay $0x3  }
0x37: {  	[smem:$0x3FBA] =	sst s10  }
0x38: {  	s10 =	sld [smem:$0x3FBB]  }
0x39: {  	_ = 	snop;
	(pc) =	sbr.ind lr, $3  }
0x3a: {  	_ = 	snop  }
0x3b: {  	_ = 	snop  }
0x3c: {  	p2 =	seq.s32 s10, $0x1;
	s10 =	sld [smem:$0x3FBA]  }
0x3d: {  	_ =	shalt  }
0x3e: {  	_ =	shalt  }
0x3f: {  	_ =	shalt  }
0x40: {  	_ =	shalt  }
0x41: {  	_ =	shalt  }
0x42: {  	_ =	shalt  }
0x43: {  	_ =	shalt  }
0x44: {  	_ =	shalt  }
0x45: {  	_ =	shalt  }
0x46: {  	_ =	shalt  }
0x47: {  	_ =	shalt  }
0x48: {  	_ =	shalt  }
0x49: {  	_ =	shalt  }
0x4a: {  	_ =	shalt  }
0x4b: {  	_ =	shalt  }
0x4c: {  	_ =	shalt  }
0x4d: {  	_ =	shalt  }
0x4e: {  	_ =	shalt  }
0x4f: {  	_ =	shalt  }
0x50: {  	_ =	shalt  }
0x51: {  	_ =	shalt  }
0x52: {  	_ =	shalt  }
0x53: {  	_ =	shalt  }
0x54: {  	_ =	shalt  }
0x55: {  	_ =	shalt  }
0x56: {  	_ =	shalt  }
0x57: {  	_ =	shalt  }
0x58: {  	_ =	shalt  }
0x59: {  	_ =	shalt  }
0x5a: {  	_ =	shalt  }
0x5b: {  	_ =	shalt  }
0x5c: {  	_ =	shalt  }
0x5d: {  	_ =	shalt  }
0x5e: {  	_ =	shalt  }
0x5f: {  	_ =	shalt  }
0x60: {  	_ =	shalt  }
0x61: {  	_ =	shalt  }
0x62: {  	_ =	shalt  }
0x63: {  	_ =	shalt  }
0x64: {  	_ =	shalt  }
0x65: {  	_ =	shalt  }
0x66: {  	_ =	shalt  }
0x67: {  	_ =	shalt  }
0x68: {  	_ =	shalt  }
0x69: {  	_ =	shalt  }
0x6a: {  	_ =	shalt  }
0x6b: {  	_ =	shalt  }
0x6c: {  	_ =	shalt  }
0x6d: {  	_ =	shalt  }
0x6e: {  	_ =	shalt  }
0x6f: {  	_ =	shalt  }
0x70: {  	_ =	shalt  }
0x71: {  	_ =	shalt  }
0x72: {  	_ =	shalt  }
0x73: {  	_ =	shalt  }
0x74: {  	_ =	shalt  }
0x75: {  	_ =	shalt  }
0x76: {  	_ =	shalt  }
0x77: {  	_ =	shalt  }
0x78: {  	_ =	shalt  }
0x79: {  	_ =	shalt  }
0x7a: {  	_ =	shalt  }
0x7b: {  	_ =	shalt  }
0x7c: {  	_ =	shalt  }
0x7d: {  	_ =	shalt  }
0x7e: {  	_ =	shalt  }
0x7f: {  	_ =	shalt  }
0x80: {  	_ =	shalt  }
0x81: {  	_ =	shalt  }
0x82: {  	_ =	shalt  }
0x83: {  	_ =	shalt  }
0x84: {  	_ =	shalt  }
0x85: {  	_ =	shalt  }
0x86: {  	_ =	shalt  }
0x87: {  	_ =	shalt  }
.Lfunc_end0:
.L_simem_size_0:
called_computation_lowered:
.L_overlay_start_0:
0x88: {  	s2 =	sld [smem:$0x3FD9]  }
0x89: {  	s3 =	sld [smem:$0x3FFE];
	_ =	sdelay $0x1  }
0x8a: {  	s1 =	srdreg.scid  }
0x8b: {  	s0 =	sand.u32 $0x1, s1  }
0x8c: {  	s17 =	sshll.u32 s0, $0xA;
	s2 =	sadd.s32 s3, s2  }
0x8d: {  	s2 =	sadd.s32 s2, s17  }
0x8e: {  	[smem:$0x3FC6] =	sst s2  }
0x8f: {  	_ = 	snop  }
0x90: {  	s2 =	sld [smem:$0x3FD0];
	(tm) =	ssettm $0x1  }
0x91: {  	s18 =	sld [smem:$0x3FFB];
	_ =	sdelay $0x3  }
0x92: {  	_ =	strace s18  }
0x93: {  	s3 =	sld [smem:$0x3FFC];
	_ =	sdelay $0x3  }
0x94: {  	_ =	strace s3  }
0x95: {  	s3 =	sld [smem:$0x3FFD];
	_ =	sdelay $0x3  }
0x96: {  	_ =	strace s3  }
0x97: {  	_ =	strace $0x8FFFFFFF  }
0x98: {  	s19 =	sld [smem:$0x3FDB];
	_ =	sdelay $0x1  }
0x99: {  	s4 =	simm.s32 $_scs_section_size  }
0x9a: {  	s5 =	simm.s32 $_size__tile_overlayer_lowered;
	s6 =	simm.s32 $_tile_overlayer_lowered  }
0x9b: {  	s22 =	simm.s32 $0x1BFF;
	s21 =	sshll.u32 s6, $0x1;
	s3 =	sadd.s32 s4, s19  }
0x9c: {  	s7 =	simm.s32 $0x0;
	s20 =	sshll.u32 s5, $0x1;
	s5 =	sadd.s32 s21, s3  }
0x9d: {  	[timem:s7], [sflag:s22] =	dma.local [hbm:s5], s20  }
0x9e: {  	_ =	swait.ge [sflag:s22], s20  }
0x9f: {  	s4 =	ssub.s32 $0x0, s20;
	[sflag:s22] =	ssyncset.done $0x0  }
0xa0: {  	[sflag:s22] =	ssyncadd.s32 s4;
	_ =	sdelay $0x1  }
0xa1: {  	s23 =	simm.s32 $0x1B8B  }
0xa2: {  	_ =	swait.ge [sflag:s23], $0x1  }
0xa3: {  	[sflag:s23] =	ssyncset.done $0x0  }
0xa4: {  	s25 =	simm.s32 $0x1B8E;
	s24 =	sld [smem:$0x3FFE];
	[sflag:s23] =	ssyncadd.s32 $0xFFFFFFFF  }
0xa5: {  	s26 =	simm.s32 $execute0_lowered;
	[smem:$0x3FD2] =	sst s25  }
0xa6: {  	s5 =	sshll.u32 s26, $0x1;
	_ =	strace $0x80000046;
	[dreg:$0x1] =	wrdreg $0xFFFFFFFF  }
0xa7: {  	s28 =	simm.s32 $_size_execute0_lowered;
	s3 =	sadd.s32 s3, s5;
	[dreg:$0x0] =	wrdreg $0x0  }
0xa8: {  	s5 =	sshll.u32 s28, $0x1;
	[dreg:$0x2] =	wrdreg s3  }
0xa9: {  	[dreg:$0x3] =	wrdreg s5  }
0xaa: {  	[dreg:$0x4] =	wrdreg $0xC0  }
0xab: {  	_ =	task [dreg:s7], $0x5FFFF  }
0xac: {  	[dreg:$0x1] =	wrdreg $0xFFFFFFFF  }
0xad: {  	[dreg:$0x0] =	wrdreg $0x60  }
0xae: {  	[dreg:$0x2] =	wrdreg s24  }
0xaf: {  	[dreg:$0x3] =	wrdreg s2  }
0xb0: {  	[dreg:$0x4] =	wrdreg $0x9  }
0xb1: {  	_ =	task.clear_ibuf [dreg:s7], $0x5FFFF;
	_ =	strace $0x90000046  }
0xb2: {  	s29 =	simm.s32 $0x9;
	_ =	strace $0x80000048  }
0xb3: {  	_ =	swait.ge [sflag:s29], $0x1  }
0xb4: {  	[sflag:s29] =	ssyncadd.s32 $0xFFFFFFFF  }
0xb5: {  	_ =	strace $0x90000048  }
0xb6: {  	_ =	sfence  }
0xb7: {  	s30 =	sld [smem:$0x0];
	_ =	sdelay $0x2  }
0xb8: {  	s31 =	sshll.u32 s1, $0xD;
	s1 =	sshrl.u32 s1, $0x2  }
0xb9: {  	s3 =	sand.u32 $0x4000, s31;
	s1 =	sadd.s32 s1, s30  }
0xba: {  	s0 =	sor.u32 s3, s0;
	s1 =	sshll.u32 s1, $0x11  }
0xbb: {  	s0 =	sor.u32 s1, s0  }
0xbc: {  	s0 =	sadd.s32 $0x8F2B, s0  }
0xbd: {  	[sflag:s0] =	ssyncadd.remote.s32 $0x1  }
0xbe: {  	_ =	sfence.sel $0xFFFF  }
0xbf: {  	[dreg:$0x0] =	wrdreg $0xFFFFFFFF;
	(pc) =	sbr.abs _section_cstart, $3  }
0xc0: {  	[dreg:$0x1] =	wrdreg $0xFFFFFFFF  }
0xc1: {  	_ =	task.clear_ibuf [dreg:s7], $0x2FFFF;
	_ =	strace $0x9FFFFFFF  }
0xc2: {  	(tm) =	ssettm $0x7FFFFFFF  }
0xc3: {  	_ =	shalt  }
tec
execute0_lowered:
.L_overlay_start_1:
0x0: {  	(tag) =	ssettag $0x1  }
0x1: {  	s0 =	rddreg [dreg:$0x0]  }
0x2: {  	s1 =	rddreg [dreg:$0x1]  }
0x3: {  	s2 =	simm.s32 $0x0;
	s3 =	srdreg.scid;
	s4 =	stileid.u32  }
0x4: {  	s13 =	simm.s32 $0x5;
	s15 =	simm.s32 $0x64;
	s18 =	simm.s32 $0xE900  }
0x5: {  	s22 =	simm.s32 $0x11B00;
	s28 =	simm.s32 $0x16600;
	s29 =	simm.s32 $0x17F00  }
0x6: {  	s30 =	simm.s32 $0x1;
	s31 =	simm.s32 $0x2;
	s16 =	simm.s32 $0x19800  }
0x7: {  	s17 =	simm.s32 $0x6;
	s3 =	sand.u32 $0x1, s3;
	s4 =	sshll.u32 s4, $0x1  }
0x8: {  	s19 =	simm.s32 $0x0;
	[smem:$0x7FF] =	sst s2;
	s4 =	sor.u32 s3, s4  }
0x9: {  	s5 =	sadd.s32 $0x600, s0;
	s6 =	ssub.s32 $0x2, s3;
	s7 =	smul.u32 $0x1A000, s4  }
0xa: {  	_ =	strace $0x80000047;
	s23 =	sshrl.u32 s6, $0x1;
	s8 =	smul.u32 $0x3400, s4  }
0xb: {  	s3 =	sadd.s32 $0xF42A00, s0;
	s25 =	sshll.u32 s4, $0xC;
	s0 =	ssub.s32 s6, s23  }
0xc: {  	s24 =	sshrl.u32 s7, $0x3;
	s26 =	sadd.s32 s5, s8;
	s12 =	smax.u32 s0, $0x1  }
0xd: {  	s0 =	simm.s32 $0x3;
	[dreg:$0x3] =	wrdreg s26;
	s9 =	sadd.s32 s5, s24  }
0xe: {  	s5 =	sadd.s32 s1, s25;
	s26 =	simm.s32 $0x14D00;
	s1 =	simm.s32 $0x4  }
0xf: {  	s6 =	sadd.s32 $0xD00, s9;
	s7 =	sadd.s32 $0x1A00, s9;
	s8 =	sadd.s32 $0x400, s5  }
0x10: {  	s9 =	sadd.s32 $0x2700, s9;
	s10 =	sadd.s32 $0x800, s5;
	s11 =	sadd.s32 $0xC00, s5  }
.LBB2_1:
0x11: {  	s4 =	rddreg [dreg:$0x3]  }
0x12: {  	[tilespmem:s2], [sflag:$0x5] =	stream.linear.gather [hbm4b:s4+s2], $0x6800, $0x38;
	[tilespmem:$0x1B800] =	vst v63  }
0x13: {  	_ =	swait.ge [sflag:s13], $0x6800  }
0x14: {  	[sflag:s13] =	ssyncset.done $0x0  }
0x15: {  	s24 =	simm.s32 $0x6800;
	[sflag:s13] =	ssyncadd.s32 $0xFFFF9800  }
0x16: {  	[tilespmem:s24], [sflag:$0x5] =	stream.linear.gather [hbm4b:s6+s2], $0x6800, $0x38;
	[tilespmem:$0x1B800] =	vst v63  }
0x17: {  	_ =	swait.ge [sflag:s13], $0x6800  }
0x18: {  	[sflag:s13] =	ssyncset.done $0x0  }
0x19: {  	s25 =	simm.s32 $0xD000;
	[sflag:s13] =	ssyncadd.s32 $0xFFFF9800  }
0x1a: {  	[tilespmem:s25], [sflag:$0x1] =	stream.indirect.gather [hbm4b:s3+s15], $0x40, s2, s15, $0xb8;
	[tilespmem:$0x1B800] =	vst v63  }
0x1b: {  	s14 =	simm.s32 $0x68  }
0x1c: {  	[tilespmem:s18], [sflag:$0x1] =	stream.indirect.gather [hbm4b:s3+s15], $0x40, s14, s15, $0xb8;
	[tilespmem:$0x1B800] =	vst v63  }
0x1d: {  	s20 =	simm.s32 $0xD0;
	s14 =	simm.s32 $0x10200  }
0x1e: {  	[tilespmem:s14], [sflag:$0x2] =	stream.indirect.gather [hbm4b:s3+s15], $0x40, s20, s15, $0xb8;
	[tilespmem:$0x1B800] =	vst v63  }
0x1f: {  	s21 =	simm.s32 $0x138  }
0x20: {  	[tilespmem:s22], [sflag:$0x2] =	stream.indirect.gather [hbm4b:s3+s15], $0x40, s21, s15, $0xb8;
	[tilespmem:$0x1B800] =	vst v63  }
0x21: {  	s23 =	simm.s32 $0x1A0;
	s24 =	simm.s32 $0x13400  }
0x22: {  	[tilespmem:s24], [sflag:$0x3] =	stream.indirect.gather [hbm4b:s3+s15], $0x40, s23, s15, $0xb8;
	[tilespmem:$0x1B800] =	vst v63  }
0x23: {  	s25 =	simm.s32 $0x208;
	s20 =	simm.s32 $0x0  }
0x24: {  	[tilespmem:s26], [sflag:$0x3] =	stream.indirect.gather [hbm4b:s3+s15], $0x40, s25, s15, $0xb8;
	[tilespmem:$0x1B800] =	vst v63  }
.LBB2_2:
0x25: {  	s21 =	sshllo.u32 s20, $0x2  }
0x26: {  	s23 =	smul.u32 $0x340, s21;
	_ =	sdelay $0x1  }
0x27: {  	s23 =	sshra.s32 s23, $0x2  }
0x28: {  	[tilespmem:s28], [sflag:$0x4] =	stream.indirect.gather [hbm4b:s3+s15], $0x40, s23, s15, $0xb8;
	[tilespmem:$0x1B800] =	vst v63  }
0x29: {  	s23 =	sadd.s32 $0x68, s23  }
0x2a: {  	[tilespmem:s29], [sflag:$0x4] =	stream.indirect.gather [hbm4b:s3+s15], $0x40, s23, s15, $0xb8;
	[tilespmem:$0x1B800] =	vst v63  }
0x2b: {  	_ =	swait.ge [sflag:s30], $0x3200  }
0x2c: {  	[sflag:s30] =	ssyncset.done $0x0  }
0x2d: {  	s24 =	simm.s32 $0x0;
	[sflag:s30] =	ssyncadd.s32 $0xFFFFCE00  }
0x2e: {  	v1 =	vld [tilespmem:s24+$0xD030]  }
0x2f: {  	v2 =	vld [tilespmem:s24+$0xD000]  }
0x30: {  	v0 =	vimm.f32 $0.0e+00;
	v3 =	vld [tilespmem:s24+$0xD010]  }
0x31: {  	v5 =	vimm.f32 $0.0e+00;
	v6 =	vimm.f32 $0.0e+00;
	v7 =	vimm.f32 $0.0e+00;
	s23 =	simm.s32 $0x100;
	v4 =	vld [tilespmem:s24+$0xD020]  }
.LBB2_3:
0x32: {  	p0 =	sne.s32 s23, $0xC700  }
.Ltmp0:
0x33: {  	s24 =	sshra.s32 s23, $0x2;
	s23 =	sadd.s32 $0x100, s23;
	v0 =	vadd.f32 v1, v0;
	(pc) =	sbr.rel @p0 .LBB2_3-.Ltmp0, $4  }
0x34: {  	v1 =	vld [tilespmem:s24+$0xD030];
	v5 =	vadd.f32 v2, v5  }
0x35: {  	v2 =	vld [tilespmem:s24+$0xD000];
	v6 =	vadd.f32 v3, v6  }
0x36: {  	v3 =	vld [tilespmem:s24+$0xD010];
	v7 =	vadd.f32 v4, v7  }
0x37: {  	v4 =	vld [tilespmem:s24+$0xD020]  }
0x38: {  	_ = 	snop  }
0x39: {  	v0 =	vadd.f32 v1, v0  }
0x3a: {  	v2 =	vadd.f32 v2, v5  }
0x3b: {  	s23 =	sshll.u32 s20, $0x8;
	v3 =	vadd.f32 v3, v6;
	v0 =	vmul.f32 $4.999999890e-03, v0  }
0x3c: {  	s23 =	sand.u32 $0x3FFFFF00, s23;
	v4 =	vadd.f32 v4, v7;
	v2 =	vmul.f32 $4.999999890e-03, v2  }
0x3d: {  	v1 =	vmul.f32 $4.999999890e-03, v3;
	[tilespmem:s23+$0x19830] =	vst v0  }
0x3e: {  	p0 =	seq.s32 s20, $0x1F;
	[tilespmem:s23+$0x19800] =	vst v2;
	v2 =	vmul.f32 $4.999999890e-03, v4  }
0x3f: {  	s24 =	simm.s32 @p0 $0x64;
	[tilespmem:s23+$0x19810] =	vst v1  }
0x40: {  	s25 =	simm.s32 @p0 $0x6800;
	s14 =	simm.s32 @p0 $0xD000;
	s4 =	smul.u32 @!p0 $0xD00, s20;
	[tilespmem:s23+$0x19820] =	vst v2  }
0x41: {  	[tilespmem:s14], [sflag:$0x1] =	stream.indirect.gather @p0 [hbm4b:s3+s24], $0x40, s25, s24, $0xb8;
	[tilespmem:$0x1B800] =	vst v63  }
0x42: {  	s24 =	sshra.s32 @!p0 s4, $0x2  }
0x43: {  	s14 =	simm.s32 @!p0 $0x64;
	s25 =	simm.s32 @!p0 $0xD000;
	s4 =	sadd.s32 @!p0 $0x340, s24  }
0x44: {  	[tilespmem:s25], [sflag:$0x1] =	stream.indirect.gather @!p0 [hbm4b:s3+s14], $0x40, s4, s14, $0xb8;
	[tilespmem:$0x1B800] =	vst v63  }
0x45: {  	s4 =	sadd.s32 @!p0 $0x3A8, s24  }
0x46: {  	s4 =	simm.s32 @p0 $0x6868  }
0x47: {  	[tilespmem:s18], [sflag:$0x1] =	stream.indirect.gather [hbm4b:s3+s15], $0x40, s4, s15, $0xb8;
	[tilespmem:$0x1B800] =	vst v63  }
0x48: {  	_ =	swait.ge [sflag:s31], $0x3200  }
0x49: {  	[sflag:s31] =	ssyncset.done $0x0  }
0x4a: {  	s14 =	simm.s32 $0x0;
	[sflag:s31] =	ssyncadd.s32 $0xFFFFCE00  }
0x4b: {  	v1 =	vld [tilespmem:s14+$0x10230]  }
0x4c: {  	v2 =	vld [tilespmem:s14+$0x10200]  }
0x4d: {  	v5 =	vimm.f32 $0.0e+00;
	v3 =	vld [tilespmem:s14+$0x10210]  }
0x4e: {  	v6 =	vimm.f32 $0.0e+00;
	v7 =	vimm.f32 $0.0e+00;
	v0 =	vimm.f32 $0.0e+00;
	s25 =	simm.s32 $0x100;
	v4 =	vld [tilespmem:s14+$0x10220]  }
.LBB2_5:
0x4f: {  	p1 =	sne.s32 s25, $0xC700  }
.Ltmp1:
0x50: {  	s4 =	sshra.s32 s25, $0x2;
	s25 =	sadd.s32 $0x100, s25;
	v0 =	vadd.f32 v1, v0;
	(pc) =	sbr.rel @p1 .LBB2_5-.Ltmp1, $4  }
0x51: {  	v1 =	vld [tilespmem:s4+$0x10230];
	v5 =	vadd.f32 v2, v5  }
0x52: {  	v2 =	vld [tilespmem:s4+$0x10200];
	v6 =	vadd.f32 v3, v6  }
0x53: {  	v3 =	vld [tilespmem:s4+$0x10210];
	v7 =	vadd.f32 v4, v7  }
0x54: {  	v4 =	vld [tilespmem:s4+$0x10220]  }
0x55: {  	_ = 	snop  }
0x56: {  	v0 =	vadd.f32 v1, v0  }
0x57: {  	v2 =	vadd.f32 v2, v5  }
0x58: {  	v3 =	vadd.f32 v3, v6;
	v0 =	vmul.f32 $4.999999890e-03, v0  }
0x59: {  	v4 =	vadd.f32 v4, v7;
	v2 =	vmul.f32 $4.999999890e-03, v2  }
0x5a: {  	v1 =	vmul.f32 $4.999999890e-03, v3;
	[tilespmem:s23+$0x19870] =	vst v0  }
0x5b: {  	[tilespmem:s23+$0x19840] =	vst v2;
	v2 =	vmul.f32 $4.999999890e-03, v4  }
0x5c: {  	[tilespmem:s23+$0x19850] =	vst v1  }
0x5d: {  	s4 =	simm.s32 @p0 $0x64;
	s14 =	simm.s32 @p0 $0x68D0;
	s25 =	simm.s32 @p0 $0x10200;
	[tilespmem:s23+$0x19860] =	vst v2  }
0x5e: {  	[tilespmem:s25], [sflag:$0x2] =	stream.indirect.gather @p0 [hbm4b:s3+s4], $0x40, s14, s4, $0xb8;
	[tilespmem:$0x1B800] =	vst v63  }
0x5f: {  	s4 =	sadd.s32 @!p0 $0x410, s24;
	s14 =	simm.s32 @!p0 $0x64;
	s25 =	simm.s32 @!p0 $0x10200  }
0x60: {  	[tilespmem:s25], [sflag:$0x2] =	stream.indirect.gather @!p0 [hbm4b:s3+s14], $0x40, s4, s14, $0xb8;
	[tilespmem:$0x1B800] =	vst v63  }
0x61: {  	s4 =	sadd.s32 @!p0 $0x478, s24  }
0x62: {  	s4 =	simm.s32 @p0 $0x6938  }
0x63: {  	[tilespmem:s22], [sflag:$0x2] =	stream.indirect.gather [hbm4b:s3+s15], $0x40, s4, s15, $0xb8;
	[tilespmem:$0x1B800] =	vst v63  }
0x64: {  	_ =	swait.ge [sflag:s0], $0x3200  }
0x65: {  	[sflag:s0] =	ssyncset.done $0x0  }
0x66: {  	s14 =	simm.s32 $0x0;
	[sflag:s0] =	ssyncadd.s32 $0xFFFFCE00  }
0x67: {  	v1 =	vld [tilespmem:s14+$0x13430]  }
0x68: {  	v2 =	vld [tilespmem:s14+$0x13400]  }
0x69: {  	v5 =	vimm.f32 $0.0e+00;
	v3 =	vld [tilespmem:s14+$0x13410]  }
0x6a: {  	v6 =	vimm.f32 $0.0e+00;
	v7 =	vimm.f32 $0.0e+00;
	v0 =	vimm.f32 $0.0e+00;
	s25 =	simm.s32 $0x100;
	v4 =	vld [tilespmem:s14+$0x13420]  }
.LBB2_7:
0x6b: {  	p1 =	sne.s32 s25, $0xC700  }
.Ltmp2:
0x6c: {  	s4 =	sshra.s32 s25, $0x2;
	s25 =	sadd.s32 $0x100, s25;
	v0 =	vadd.f32 v1, v0;
	(pc) =	sbr.rel @p1 .LBB2_7-.Ltmp2, $4  }
0x6d: {  	v1 =	vld [tilespmem:s4+$0x13430];
	v5 =	vadd.f32 v2, v5  }
0x6e: {  	v2 =	vld [tilespmem:s4+$0x13400];
	v6 =	vadd.f32 v3, v6  }
0x6f: {  	v3 =	vld [tilespmem:s4+$0x13410];
	v7 =	vadd.f32 v4, v7  }
0x70: {  	v4 =	vld [tilespmem:s4+$0x13420]  }
0x71: {  	_ = 	snop  }
0x72: {  	v0 =	vadd.f32 v1, v0  }
0x73: {  	v2 =	vadd.f32 v2, v5  }
0x74: {  	v3 =	vadd.f32 v3, v6;
	v0 =	vmul.f32 $4.999999890e-03, v0  }
0x75: {  	v4 =	vadd.f32 v4, v7;
	v2 =	vmul.f32 $4.999999890e-03, v2  }
0x76: {  	v1 =	vmul.f32 $4.999999890e-03, v3;
	[tilespmem:s23+$0x198B0] =	vst v0  }
0x77: {  	[tilespmem:s23+$0x19880] =	vst v2;
	v2 =	vmul.f32 $4.999999890e-03, v4  }
0x78: {  	[tilespmem:s23+$0x19890] =	vst v1  }
0x79: {  	s4 =	simm.s32 @p0 $0x64;
	s14 =	simm.s32 @p0 $0x69A0;
	[tilespmem:s23+$0x198A0] =	vst v2;
	s23 =	simm.s32 @p0 $0x13400  }
0x7a: {  	[tilespmem:s23], [sflag:$0x3] =	stream.indirect.gather @p0 [hbm4b:s3+s4], $0x40, s14, s4, $0xb8;
	[tilespmem:$0x1B800] =	vst v63  }
0x7b: {  	s4 =	sadd.s32 @!p0 $0x4E0, s24;
	s14 =	simm.s32 @!p0 $0x64;
	s23 =	simm.s32 @!p0 $0x13400  }
0x7c: {  	[tilespmem:s23], [sflag:$0x3] =	stream.indirect.gather @!p0 [hbm4b:s3+s14], $0x40, s4, s14, $0xb8;
	[tilespmem:$0x1B800] =	vst v63  }
0x7d: {  	s4 =	sadd.s32 @!p0 $0x548, s24  }
0x7e: {  	s4 =	simm.s32 @p0 $0x6A08  }
0x7f: {  	[tilespmem:s26], [sflag:$0x3] =	stream.indirect.gather [hbm4b:s3+s15], $0x40, s4, s15, $0xb8;
	[tilespmem:$0x1B800] =	vst v63  }
0x80: {  	_ =	swait.ge [sflag:s1], $0x3200  }
0x81: {  	[sflag:s1] =	ssyncset.done $0x0  }
0x82: {  	s25 =	simm.s32 $0x0;
	[sflag:s1] =	ssyncadd.s32 $0xFFFFCE00  }
0x83: {  	v1 =	vld [tilespmem:s25+$0x16630]  }
0x84: {  	v2 =	vld [tilespmem:s25+$0x16600]  }
0x85: {  	v5 =	vimm.f32 $0.0e+00;
	v3 =	vld [tilespmem:s25+$0x16610]  }
0x86: {  	v6 =	vimm.f32 $0.0e+00;
	v7 =	vimm.f32 $0.0e+00;
	v0 =	vimm.f32 $0.0e+00;
	s23 =	simm.s32 $0x100;
	v4 =	vld [tilespmem:s25+$0x16620]  }
.LBB2_9:
0x87: {  	p0 =	sne.s32 s23, $0xC700  }
.Ltmp3:
0x88: {  	s4 =	sshra.s32 s23, $0x2;
	s23 =	sadd.s32 $0x100, s23;
	v0 =	vadd.f32 v1, v0;
	(pc) =	sbr.rel @p0 .LBB2_9-.Ltmp3, $4  }
0x89: {  	v1 =	vld [tilespmem:s4+$0x16630];
	v5 =	vadd.f32 v2, v5  }
0x8a: {  	v2 =	vld [tilespmem:s4+$0x16600];
	v6 =	vadd.f32 v3, v6  }
0x8b: {  	v3 =	vld [tilespmem:s4+$0x16610];
	v7 =	vadd.f32 v4, v7  }
0x8c: {  	v4 =	vld [tilespmem:s4+$0x16620]  }
0x8d: {  	_ = 	snop  }
0x8e: {  	v0 =	vadd.f32 v1, v0  }
0x8f: {  	v2 =	vadd.f32 v2, v5  }
0x90: {  	s4 =	sshll.u32 s21, $0x6;
	p0 =	sne.s32 s20, $0x1F;
	v3 =	vadd.f32 v3, v6;
	v0 =	vmul.f32 $4.999999890e-03, v0  }
.Ltmp4:
0x91: {  	s4 =	sand.u32 $0x3FFFFFC0, s4;
	v4 =	vadd.f32 v4, v7;
	v2 =	vmul.f32 $4.999999890e-03, v2;
	(pc) =	sbr.rel @p0 .LBB2_2-.Ltmp4, $4  }
0x92: {  	v62 =	vmul.f32 $4.999999890e-03, v3;
	[tilespmem:s4+$0x19830] =	vst v0  }
0x93: {  	[tilespmem:s4+$0x19800] =	vst v2;
	v63 =	vmul.f32 $4.999999890e-03, v4  }
0x94: {  	[tilespmem:s4+$0x19810] =	vst v62  }
0x95: {  	s20 =	sadd.s32 $0x1, s20;
	[tilespmem:s4+$0x19820] =	vst v63  }
0x96: {  	s20 =	simm.s32 $0x0  }
0x97: {  	[hbm4b:s5+s20] =	stream.linear.scatter [tilespmem:s16], [sflag:$0x6], $0x2000, $0x38;
	[tilespmem:$0x1B800] =	vst v63  }
0x98: {  	_ =	swait.ge [sflag:s17], $0x2000  }
0x99: {  	[sflag:s17] =	ssyncset.done $0x0  }
0x9a: {  	[sflag:s17] =	ssyncadd.s32 $0xFFFFE000  }
0x9b: {  	[tilespmem:s20], [sflag:$0x5] =	stream.linear.gather [hbm4b:s7+s20], $0x6800, $0x38;
	[tilespmem:$0x1B800] =	vst v63  }
0x9c: {  	_ =	swait.ge [sflag:s13], $0x6800  }
0x9d: {  	[sflag:s13] =	ssyncset.done $0x0  }
0x9e: {  	[sflag:s13] =	ssyncadd.s32 $0xFFFF9800  }
.LBB2_12:
0x9f: {  	s21 =	sshllo.u32 s20, $0x2  }
0xa0: {  	s4 =	smul.u32 $0x340, s21;
	_ =	sdelay $0x1  }
0xa1: {  	s4 =	sshra.s32 s4, $0x2  }
0xa2: {  	s14 =	sadd.s32 $0x6800, s4  }
0xa3: {  	[tilespmem:s28], [sflag:$0x4] =	stream.indirect.gather [hbm4b:s3+s15], $0x40, s14, s15, $0xb8;
	[tilespmem:$0x1B800] =	vst v63  }
0xa4: {  	s4 =	sadd.s32 $0x6868, s4  }
0xa5: {  	[tilespmem:s29], [sflag:$0x4] =	stream.indirect.gather [hbm4b:s3+s15], $0x40, s4, s15, $0xb8;
	[tilespmem:$0x1B800] =	vst v63  }
0xa6: {  	_ =	swait.ge [sflag:s30], $0x3200  }
0xa7: {  	[sflag:s30] =	ssyncset.done $0x0  }
0xa8: {  	s25 =	simm.s32 $0x0;
	[sflag:s30] =	ssyncadd.s32 $0xFFFFCE00  }
0xa9: {  	v1 =	vld [tilespmem:s25+$0xD030]  }
0xaa: {  	v2 =	vld [tilespmem:s25+$0xD000]  }
0xab: {  	v0 =	vimm.f32 $0.0e+00;
	v3 =	vld [tilespmem:s25+$0xD010]  }
0xac: {  	s23 =	simm.s32 $0x100;
	v5 =	vimm.f32 $0.0e+00;
	v6 =	vimm.f32 $0.0e+00;
	v7 =	vimm.f32 $0.0e+00;
	v4 =	vld [tilespmem:s25+$0xD020]  }
.LBB2_13:
0xad: {  	p0 =	sne.s32 s23, $0xC700  }
.Ltmp5:
0xae: {  	s4 =	sshra.s32 s23, $0x2;
	s23 =	sadd.s32 $0x100, s23;
	v0 =	vadd.f32 v1, v0;
	(pc) =	sbr.rel @p0 .LBB2_13-.Ltmp5, $4  }
0xaf: {  	v1 =	vld [tilespmem:s4+$0xD030];
	v5 =	vadd.f32 v2, v5  }
0xb0: {  	v2 =	vld [tilespmem:s4+$0xD000];
	v6 =	vadd.f32 v3, v6  }
0xb1: {  	v3 =	vld [tilespmem:s4+$0xD010];
	v7 =	vadd.f32 v4, v7  }
0xb2: {  	v4 =	vld [tilespmem:s4+$0xD020]  }
0xb3: {  	_ = 	snop  }
0xb4: {  	v0 =	vadd.f32 v1, v0  }
0xb5: {  	v2 =	vadd.f32 v2, v5  }
0xb6: {  	s4 =	sshll.u32 s20, $0x8;
	v3 =	vadd.f32 v3, v6;
	v0 =	vmul.f32 $4.999999890e-03, v0  }
0xb7: {  	s23 =	sand.u32 $0x3FFFFF00, s4;
	v4 =	vadd.f32 v4, v7;
	v2 =	vmul.f32 $4.999999890e-03, v2  }
0xb8: {  	v1 =	vmul.f32 $4.999999890e-03, v3;
	[tilespmem:s23+$0x19830] =	vst v0  }
0xb9: {  	p0 =	seq.s32 s20, $0x1F;
	[tilespmem:s23+$0x19800] =	vst v2;
	v2 =	vmul.f32 $4.999999890e-03, v4  }
0xba: {  	s4 =	simm.s32 @p0 $0x64;
	[tilespmem:s23+$0x19810] =	vst v1  }
0xbb: {  	s14 =	simm.s32 @p0 $0x0;
	s24 =	simm.s32 @p0 $0xD000;
	s25 =	smul.u32 @!p0 $0xD00, s20;
	[tilespmem:s23+$0x19820] =	vst v2  }
0xbc: {  	[tilespmem:s24], [sflag:$0x1] =	stream.indirect.gather @p0 [hbm4b:s3+s4], $0x40, s14, s4, $0xb8;
	[tilespmem:$0x1B800] =	vst v63  }
0xbd: {  	s24 =	sshra.s32 @!p0 s25, $0x2  }
0xbe: {  	s14 =	simm.s32 @!p0 $0x64;
	s25 =	simm.s32 @!p0 $0xD000;
	s4 =	sadd.s32 @!p0 $0x6B40, s24  }
0xbf: {  	[tilespmem:s25], [sflag:$0x1] =	stream.indirect.gather @!p0 [hbm4b:s3+s14], $0x40, s4, s14, $0xb8;
	[tilespmem:$0x1B800] =	vst v63  }
0xc0: {  	s4 =	sadd.s32 @!p0 $0x6BA8, s24  }
0xc1: {  	s4 =	simm.s32 @p0 $0x68  }
0xc2: {  	[tilespmem:s18], [sflag:$0x1] =	stream.indirect.gather [hbm4b:s3+s15], $0x40, s4, s15, $0xb8;
	[tilespmem:$0x1B800] =	vst v63  }
0xc3: {  	_ =	swait.ge [sflag:s31], $0x3200  }
0xc4: {  	[sflag:s31] =	ssyncset.done $0x0  }
0xc5: {  	s14 =	simm.s32 $0x0;
	[sflag:s31] =	ssyncadd.s32 $0xFFFFCE00  }
0xc6: {  	v1 =	vld [tilespmem:s14+$0x10230]  }
0xc7: {  	v2 =	vld [tilespmem:s14+$0x10200]  }
0xc8: {  	v5 =	vimm.f32 $0.0e+00;
	v3 =	vld [tilespmem:s14+$0x10210]  }
0xc9: {  	v6 =	vimm.f32 $0.0e+00;
	v7 =	vimm.f32 $0.0e+00;
	v0 =	vimm.f32 $0.0e+00;
	s25 =	simm.s32 $0x100;
	v4 =	vld [tilespmem:s14+$0x10220]  }
.LBB2_15:
0xca: {  	p1 =	sne.s32 s25, $0xC700  }
.Ltmp6:
0xcb: {  	s4 =	sshra.s32 s25, $0x2;
	s25 =	sadd.s32 $0x100, s25;
	v0 =	vadd.f32 v1, v0;
	(pc) =	sbr.rel @p1 .LBB2_15-.Ltmp6, $4  }
0xcc: {  	v1 =	vld [tilespmem:s4+$0x10230];
	v5 =	vadd.f32 v2, v5  }
0xcd: {  	v2 =	vld [tilespmem:s4+$0x10200];
	v6 =	vadd.f32 v3, v6  }
0xce: {  	v3 =	vld [tilespmem:s4+$0x10210];
	v7 =	vadd.f32 v4, v7  }
0xcf: {  	v4 =	vld [tilespmem:s4+$0x10220]  }
0xd0: {  	_ = 	snop  }
0xd1: {  	v0 =	vadd.f32 v1, v0  }
0xd2: {  	v2 =	vadd.f32 v2, v5  }
0xd3: {  	v3 =	vadd.f32 v3, v6;
	v0 =	vmul.f32 $4.999999890e-03, v0  }
0xd4: {  	v4 =	vadd.f32 v4, v7;
	v2 =	vmul.f32 $4.999999890e-03, v2  }
0xd5: {  	v1 =	vmul.f32 $4.999999890e-03, v3;
	[tilespmem:s23+$0x19870] =	vst v0  }
0xd6: {  	[tilespmem:s23+$0x19840] =	vst v2;
	v2 =	vmul.f32 $4.999999890e-03, v4  }
0xd7: {  	[tilespmem:s23+$0x19850] =	vst v1  }
0xd8: {  	s4 =	simm.s32 @p0 $0x64;
	s14 =	simm.s32 @p0 $0xD0;
	s25 =	simm.s32 @p0 $0x10200;
	[tilespmem:s23+$0x19860] =	vst v2  }
0xd9: {  	[tilespmem:s25], [sflag:$0x2] =	stream.indirect.gather @p0 [hbm4b:s3+s4], $0x40, s14, s4, $0xb8;
	[tilespmem:$0x1B800] =	vst v63  }
0xda: {  	s4 =	sadd.s32 @!p0 $0x6C10, s24;
	s14 =	simm.s32 @!p0 $0x64;
	s25 =	simm.s32 @!p0 $0x10200  }
0xdb: {  	[tilespmem:s25], [sflag:$0x2] =	stream.indirect.gather @!p0 [hbm4b:s3+s14], $0x40, s4, s14, $0xb8;
	[tilespmem:$0x1B800] =	vst v63  }
0xdc: {  	s4 =	sadd.s32 @!p0 $0x6C78, s24  }
0xdd: {  	s4 =	simm.s32 @p0 $0x138  }
0xde: {  	[tilespmem:s22], [sflag:$0x2] =	stream.indirect.gather [hbm4b:s3+s15], $0x40, s4, s15, $0xb8;
	[tilespmem:$0x1B800] =	vst v63  }
0xdf: {  	_ =	swait.ge [sflag:s0], $0x3200  }
0xe0: {  	[sflag:s0] =	ssyncset.done $0x0  }
0xe1: {  	s14 =	simm.s32 $0x0;
	[sflag:s0] =	ssyncadd.s32 $0xFFFFCE00  }
0xe2: {  	v1 =	vld [tilespmem:s14+$0x13430]  }
0xe3: {  	v2 =	vld [tilespmem:s14+$0x13400]  }
0xe4: {  	v5 =	vimm.f32 $0.0e+00;
	v3 =	vld [tilespmem:s14+$0x13410]  }
0xe5: {  	v6 =	vimm.f32 $0.0e+00;
	v7 =	vimm.f32 $0.0e+00;
	v0 =	vimm.f32 $0.0e+00;
	s25 =	simm.s32 $0x100;
	v4 =	vld [tilespmem:s14+$0x13420]  }
.LBB2_17:
0xe6: {  	p1 =	sne.s32 s25, $0xC700  }
.Ltmp7:
0xe7: {  	s4 =	sshra.s32 s25, $0x2;
	s25 =	sadd.s32 $0x100, s25;
	v0 =	vadd.f32 v1, v0;
	(pc) =	sbr.rel @p1 .LBB2_17-.Ltmp7, $4  }
0xe8: {  	v1 =	vld [tilespmem:s4+$0x13430];
	v5 =	vadd.f32 v2, v5  }
0xe9: {  	v2 =	vld [tilespmem:s4+$0x13400];
	v6 =	vadd.f32 v3, v6  }
0xea: {  	v3 =	vld [tilespmem:s4+$0x13410];
	v7 =	vadd.f32 v4, v7  }
0xeb: {  	v4 =	vld [tilespmem:s4+$0x13420]  }
0xec: {  	_ = 	snop  }
0xed: {  	v0 =	vadd.f32 v1, v0  }
0xee: {  	v2 =	vadd.f32 v2, v5  }
0xef: {  	v3 =	vadd.f32 v3, v6;
	v0 =	vmul.f32 $4.999999890e-03, v0  }
0xf0: {  	v4 =	vadd.f32 v4, v7;
	v2 =	vmul.f32 $4.999999890e-03, v2  }
0xf1: {  	v1 =	vmul.f32 $4.999999890e-03, v3;
	[tilespmem:s23+$0x198B0] =	vst v0  }
0xf2: {  	[tilespmem:s23+$0x19880] =	vst v2;
	v2 =	vmul.f32 $4.999999890e-03, v4  }
0xf3: {  	[tilespmem:s23+$0x19890] =	vst v1  }
0xf4: {  	s4 =	simm.s32 @p0 $0x64;
	s14 =	simm.s32 @p0 $0x1A0;
	[tilespmem:s23+$0x198A0] =	vst v2;
	s23 =	simm.s32 @p0 $0x13400  }
0xf5: {  	[tilespmem:s23], [sflag:$0x3] =	stream.indirect.gather @p0 [hbm4b:s3+s4], $0x40, s14, s4, $0xb8;
	[tilespmem:$0x1B800] =	vst v63  }
0xf6: {  	s4 =	sadd.s32 @!p0 $0x6CE0, s24;
	s14 =	simm.s32 @!p0 $0x64;
	s23 =	simm.s32 @!p0 $0x13400  }
0xf7: {  	[tilespmem:s23], [sflag:$0x3] =	stream.indirect.gather @!p0 [hbm4b:s3+s14], $0x40, s4, s14, $0xb8;
	[tilespmem:$0x1B800] =	vst v63  }
0xf8: {  	s4 =	sadd.s32 @!p0 $0x6D48, s24  }
0xf9: {  	s4 =	simm.s32 @p0 $0x208  }
0xfa: {  	[tilespmem:s26], [sflag:$0x3] =	stream.indirect.gather [hbm4b:s3+s15], $0x40, s4, s15, $0xb8;
	[tilespmem:$0x1B800] =	vst v63  }
0xfb: {  	_ =	swait.ge [sflag:s1], $0x3200  }
0xfc: {  	[sflag:s1] =	ssyncset.done $0x0  }
0xfd: {  	s25 =	simm.s32 $0x0;
	[sflag:s1] =	ssyncadd.s32 $0xFFFFCE00  }
0xfe: {  	v1 =	vld [tilespmem:s25+$0x16630]  }
0xff: {  	v2 =	vld [tilespmem:s25+$0x16600]  }
0x100: {  	v5 =	vimm.f32 $0.0e+00;
	v3 =	vld [tilespmem:s25+$0x16610]  }
0x101: {  	v6 =	vimm.f32 $0.0e+00;
	v7 =	vimm.f32 $0.0e+00;
	v0 =	vimm.f32 $0.0e+00;
	s23 =	simm.s32 $0x100;
	v4 =	vld [tilespmem:s25+$0x16620]  }
.LBB2_19:
0x102: {  	p0 =	sne.s32 s23, $0xC700  }
.Ltmp8:
0x103: {  	s4 =	sshra.s32 s23, $0x2;
	s23 =	sadd.s32 $0x100, s23;
	v0 =	vadd.f32 v1, v0;
	(pc) =	sbr.rel @p0 .LBB2_19-.Ltmp8, $4  }
0x104: {  	v1 =	vld [tilespmem:s4+$0x16630];
	v5 =	vadd.f32 v2, v5  }
0x105: {  	v2 =	vld [tilespmem:s4+$0x16600];
	v6 =	vadd.f32 v3, v6  }
0x106: {  	v3 =	vld [tilespmem:s4+$0x16610];
	v7 =	vadd.f32 v4, v7  }
0x107: {  	v4 =	vld [tilespmem:s4+$0x16620]  }
0x108: {  	_ = 	snop  }
0x109: {  	v0 =	vadd.f32 v1, v0  }
0x10a: {  	v2 =	vadd.f32 v2, v5  }
0x10b: {  	s4 =	sshll.u32 s21, $0x6;
	p0 =	sne.s32 s20, $0x1F;
	v3 =	vadd.f32 v3, v6;
	v0 =	vmul.f32 $4.999999890e-03, v0  }
.Ltmp9:
0x10c: {  	s4 =	sand.u32 $0x3FFFFFC0, s4;
	v4 =	vadd.f32 v4, v7;
	v2 =	vmul.f32 $4.999999890e-03, v2;
	(pc) =	sbr.rel @p0 .LBB2_12-.Ltmp9, $4  }
0x10d: {  	v62 =	vmul.f32 $4.999999890e-03, v3;
	[tilespmem:s4+$0x19830] =	vst v0  }
0x10e: {  	[tilespmem:s4+$0x19800] =	vst v2;
	v63 =	vmul.f32 $4.999999890e-03, v4  }
0x10f: {  	[tilespmem:s4+$0x19810] =	vst v62  }
0x110: {  	s20 =	sadd.s32 $0x1, s20;
	[tilespmem:s4+$0x19820] =	vst v63  }
0x111: {  	s20 =	simm.s32 $0x0  }
0x112: {  	[hbm4b:s8+s20] =	stream.linear.scatter [tilespmem:s16], [sflag:$0x6], $0x2000, $0x38;
	[tilespmem:$0x1B800] =	vst v63  }
0x113: {  	_ =	swait.ge [sflag:s17], $0x2000  }
0x114: {  	[sflag:s17] =	ssyncset.done $0x0  }
0x115: {  	s4 =	simm.s32 $0x6800;
	[sflag:s17] =	ssyncadd.s32 $0xFFFFE000  }
0x116: {  	[tilespmem:s4], [sflag:$0x5] =	stream.linear.gather [hbm4b:s9+s20], $0x6800, $0x38;
	[tilespmem:$0x1B800] =	vst v63  }
0x117: {  	_ =	swait.ge [sflag:s13], $0x6800  }
0x118: {  	[sflag:s13] =	ssyncset.done $0x0  }
0x119: {  	[sflag:s13] =	ssyncadd.s32 $0xFFFF9800  }
.LBB2_22:
0x11a: {  	s21 =	sshllo.u32 s20, $0x2  }
0x11b: {  	s4 =	smul.u32 $0x340, s21;
	_ =	sdelay $0x1  }
0x11c: {  	s4 =	sshra.s32 s4, $0x2  }
0x11d: {  	[tilespmem:s28], [sflag:$0x4] =	stream.indirect.gather [hbm4b:s3+s15], $0x40, s4, s15, $0xb8;
	[tilespmem:$0x1B800] =	vst v63  }
0x11e: {  	s4 =	sadd.s32 $0x68, s4  }
0x11f: {  	[tilespmem:s29], [sflag:$0x4] =	stream.indirect.gather [hbm4b:s3+s15], $0x40, s4, s15, $0xb8;
	[tilespmem:$0x1B800] =	vst v63  }
0x120: {  	_ =	swait.ge [sflag:s30], $0x3200  }
0x121: {  	[sflag:s30] =	ssyncset.done $0x0  }
0x122: {  	s25 =	simm.s32 $0x0;
	[sflag:s30] =	ssyncadd.s32 $0xFFFFCE00  }
0x123: {  	v1 =	vld [tilespmem:s25+$0xD030]  }
0x124: {  	v2 =	vld [tilespmem:s25+$0xD000]  }
0x125: {  	v0 =	vimm.f32 $0.0e+00;
	v3 =	vld [tilespmem:s25+$0xD010]  }
0x126: {  	s23 =	simm.s32 $0x100;
	v5 =	vimm.f32 $0.0e+00;
	v6 =	vimm.f32 $0.0e+00;
	v7 =	vimm.f32 $0.0e+00;
	v4 =	vld [tilespmem:s25+$0xD020]  }
.LBB2_23:
0x127: {  	p0 =	sne.s32 s23, $0xC700  }
.Ltmp10:
0x128: {  	s4 =	sshra.s32 s23, $0x2;
	s23 =	sadd.s32 $0x100, s23;
	v0 =	vadd.f32 v1, v0;
	(pc) =	sbr.rel @p0 .LBB2_23-.Ltmp10, $4  }
0x129: {  	v1 =	vld [tilespmem:s4+$0xD030];
	v5 =	vadd.f32 v2, v5  }
0x12a: {  	v2 =	vld [tilespmem:s4+$0xD000];
	v6 =	vadd.f32 v3, v6  }
0x12b: {  	v3 =	vld [tilespmem:s4+$0xD010];
	v7 =	vadd.f32 v4, v7  }
0x12c: {  	v4 =	vld [tilespmem:s4+$0xD020]  }
0x12d: {  	_ = 	snop  }
0x12e: {  	v0 =	vadd.f32 v1, v0  }
0x12f: {  	v2 =	vadd.f32 v2, v5  }
0x130: {  	s4 =	sshll.u32 s20, $0x8;
	v3 =	vadd.f32 v3, v6;
	v0 =	vmul.f32 $4.999999890e-03, v0  }
0x131: {  	s23 =	sand.u32 $0x3FFFFF00, s4;
	v4 =	vadd.f32 v4, v7;
	v2 =	vmul.f32 $4.999999890e-03, v2  }
0x132: {  	v1 =	vmul.f32 $4.999999890e-03, v3;
	[tilespmem:s23+$0x19830] =	vst v0  }
0x133: {  	p0 =	seq.s32 s20, $0x1F;
	[tilespmem:s23+$0x19800] =	vst v2;
	v2 =	vmul.f32 $4.999999890e-03, v4  }
0x134: {  	s4 =	simm.s32 @p0 $0x64;
	[tilespmem:s23+$0x19810] =	vst v1  }
0x135: {  	s14 =	simm.s32 @p0 $0x6800;
	s24 =	simm.s32 @p0 $0xD000;
	s25 =	smul.u32 @!p0 $0xD00, s20;
	[tilespmem:s23+$0x19820] =	vst v2  }
0x136: {  	[tilespmem:s24], [sflag:$0x1] =	stream.indirect.gather @p0 [hbm4b:s3+s4], $0x40, s14, s4, $0xb8;
	[tilespmem:$0x1B800] =	vst v63  }
0x137: {  	s24 =	sshra.s32 @!p0 s25, $0x2  }
0x138: {  	s14 =	simm.s32 @!p0 $0x64;
	s25 =	simm.s32 @!p0 $0xD000;
	s4 =	sadd.s32 @!p0 $0x340, s24  }
0x139: {  	[tilespmem:s25], [sflag:$0x1] =	stream.indirect.gather @!p0 [hbm4b:s3+s14], $0x40, s4, s14, $0xb8;
	[tilespmem:$0x1B800] =	vst v63  }
0x13a: {  	s4 =	sadd.s32 @!p0 $0x3A8, s24  }
0x13b: {  	s4 =	simm.s32 @p0 $0x6868  }
0x13c: {  	[tilespmem:s18], [sflag:$0x1] =	stream.indirect.gather [hbm4b:s3+s15], $0x40, s4, s15, $0xb8;
	[tilespmem:$0x1B800] =	vst v63  }
0x13d: {  	_ =	swait.ge [sflag:s31], $0x3200  }
0x13e: {  	[sflag:s31] =	ssyncset.done $0x0  }
0x13f: {  	s14 =	simm.s32 $0x0;
	[sflag:s31] =	ssyncadd.s32 $0xFFFFCE00  }
0x140: {  	v1 =	vld [tilespmem:s14+$0x10230]  }
0x141: {  	v2 =	vld [tilespmem:s14+$0x10200]  }
0x142: {  	v5 =	vimm.f32 $0.0e+00;
	v3 =	vld [tilespmem:s14+$0x10210]  }
0x143: {  	v6 =	vimm.f32 $0.0e+00;
	v7 =	vimm.f32 $0.0e+00;
	v0 =	vimm.f32 $0.0e+00;
	s25 =	simm.s32 $0x100;
	v4 =	vld [tilespmem:s14+$0x10220]  }
.LBB2_25:
0x144: {  	p1 =	sne.s32 s25, $0xC700  }
.Ltmp11:
0x145: {  	s4 =	sshra.s32 s25, $0x2;
	s25 =	sadd.s32 $0x100, s25;
	v0 =	vadd.f32 v1, v0;
	(pc) =	sbr.rel @p1 .LBB2_25-.Ltmp11, $4  }
0x146: {  	v1 =	vld [tilespmem:s4+$0x10230];
	v5 =	vadd.f32 v2, v5  }
0x147: {  	v2 =	vld [tilespmem:s4+$0x10200];
	v6 =	vadd.f32 v3, v6  }
0x148: {  	v3 =	vld [tilespmem:s4+$0x10210];
	v7 =	vadd.f32 v4, v7  }
0x149: {  	v4 =	vld [tilespmem:s4+$0x10220]  }
0x14a: {  	_ = 	snop  }
0x14b: {  	v0 =	vadd.f32 v1, v0  }
0x14c: {  	v2 =	vadd.f32 v2, v5  }
0x14d: {  	v3 =	vadd.f32 v3, v6;
	v0 =	vmul.f32 $4.999999890e-03, v0  }
0x14e: {  	v4 =	vadd.f32 v4, v7;
	v2 =	vmul.f32 $4.999999890e-03, v2  }
0x14f: {  	v1 =	vmul.f32 $4.999999890e-03, v3;
	[tilespmem:s23+$0x19870] =	vst v0  }
0x150: {  	[tilespmem:s23+$0x19840] =	vst v2;
	v2 =	vmul.f32 $4.999999890e-03, v4  }
0x151: {  	[tilespmem:s23+$0x19850] =	vst v1  }
0x152: {  	s4 =	simm.s32 @p0 $0x64;
	s14 =	simm.s32 @p0 $0x68D0;
	s25 =	simm.s32 @p0 $0x10200;
	[tilespmem:s23+$0x19860] =	vst v2  }
0x153: {  	[tilespmem:s25], [sflag:$0x2] =	stream.indirect.gather @p0 [hbm4b:s3+s4], $0x40, s14, s4, $0xb8;
	[tilespmem:$0x1B800] =	vst v63  }
0x154: {  	s4 =	sadd.s32 @!p0 $0x410, s24;
	s14 =	simm.s32 @!p0 $0x64;
	s25 =	simm.s32 @!p0 $0x10200  }
0x155: {  	[tilespmem:s25], [sflag:$0x2] =	stream.indirect.gather @!p0 [hbm4b:s3+s14], $0x40, s4, s14, $0xb8;
	[tilespmem:$0x1B800] =	vst v63  }
0x156: {  	s4 =	sadd.s32 @!p0 $0x478, s24  }
0x157: {  	s4 =	simm.s32 @p0 $0x6938  }
0x158: {  	[tilespmem:s22], [sflag:$0x2] =	stream.indirect.gather [hbm4b:s3+s15], $0x40, s4, s15, $0xb8;
	[tilespmem:$0x1B800] =	vst v63  }
0x159: {  	_ =	swait.ge [sflag:s0], $0x3200  }
0x15a: {  	[sflag:s0] =	ssyncset.done $0x0  }
0x15b: {  	s14 =	simm.s32 $0x0;
	[sflag:s0] =	ssyncadd.s32 $0xFFFFCE00  }
0x15c: {  	v1 =	vld [tilespmem:s14+$0x13430]  }
0x15d: {  	v2 =	vld [tilespmem:s14+$0x13400]  }
0x15e: {  	v5 =	vimm.f32 $0.0e+00;
	v3 =	vld [tilespmem:s14+$0x13410]  }
0x15f: {  	v6 =	vimm.f32 $0.0e+00;
	v7 =	vimm.f32 $0.0e+00;
	v0 =	vimm.f32 $0.0e+00;
	s25 =	simm.s32 $0x100;
	v4 =	vld [tilespmem:s14+$0x13420]  }
.LBB2_27:
0x160: {  	p1 =	sne.s32 s25, $0xC700  }
.Ltmp12:
0x161: {  	s4 =	sshra.s32 s25, $0x2;
	s25 =	sadd.s32 $0x100, s25;
	v0 =	vadd.f32 v1, v0;
	(pc) =	sbr.rel @p1 .LBB2_27-.Ltmp12, $4  }
0x162: {  	v1 =	vld [tilespmem:s4+$0x13430];
	v5 =	vadd.f32 v2, v5  }
0x163: {  	v2 =	vld [tilespmem:s4+$0x13400];
	v6 =	vadd.f32 v3, v6  }
0x164: {  	v3 =	vld [tilespmem:s4+$0x13410];
	v7 =	vadd.f32 v4, v7  }
0x165: {  	v4 =	vld [tilespmem:s4+$0x13420]  }
0x166: {  	_ = 	snop  }
0x167: {  	v0 =	vadd.f32 v1, v0  }
0x168: {  	v2 =	vadd.f32 v2, v5  }
0x169: {  	v3 =	vadd.f32 v3, v6;
	v0 =	vmul.f32 $4.999999890e-03, v0  }
0x16a: {  	v4 =	vadd.f32 v4, v7;
	v2 =	vmul.f32 $4.999999890e-03, v2  }
0x16b: {  	v1 =	vmul.f32 $4.999999890e-03, v3;
	[tilespmem:s23+$0x198B0] =	vst v0  }
0x16c: {  	[tilespmem:s23+$0x19880] =	vst v2;
	v2 =	vmul.f32 $4.999999890e-03, v4  }
0x16d: {  	[tilespmem:s23+$0x19890] =	vst v1  }
0x16e: {  	s4 =	simm.s32 @p0 $0x64;
	s14 =	simm.s32 @p0 $0x69A0;
	[tilespmem:s23+$0x198A0] =	vst v2;
	s23 =	simm.s32 @p0 $0x13400  }
0x16f: {  	[tilespmem:s23], [sflag:$0x3] =	stream.indirect.gather @p0 [hbm4b:s3+s4], $0x40, s14, s4, $0xb8;
	[tilespmem:$0x1B800] =	vst v63  }
0x170: {  	s4 =	sadd.s32 @!p0 $0x4E0, s24;
	s14 =	simm.s32 @!p0 $0x64;
	s23 =	simm.s32 @!p0 $0x13400  }
0x171: {  	[tilespmem:s23], [sflag:$0x3] =	stream.indirect.gather @!p0 [hbm4b:s3+s14], $0x40, s4, s14, $0xb8;
	[tilespmem:$0x1B800] =	vst v63  }
0x172: {  	s4 =	sadd.s32 @!p0 $0x548, s24  }
0x173: {  	s4 =	simm.s32 @p0 $0x6A08  }
0x174: {  	[tilespmem:s26], [sflag:$0x3] =	stream.indirect.gather [hbm4b:s3+s15], $0x40, s4, s15, $0xb8;
	[tilespmem:$0x1B800] =	vst v63  }
0x175: {  	_ =	swait.ge [sflag:s1], $0x3200  }
0x176: {  	[sflag:s1] =	ssyncset.done $0x0  }
0x177: {  	s25 =	simm.s32 $0x0;
	[sflag:s1] =	ssyncadd.s32 $0xFFFFCE00  }
0x178: {  	v1 =	vld [tilespmem:s25+$0x16630]  }
0x179: {  	v2 =	vld [tilespmem:s25+$0x16600]  }
0x17a: {  	v5 =	vimm.f32 $0.0e+00;
	v3 =	vld [tilespmem:s25+$0x16610]  }
0x17b: {  	v6 =	vimm.f32 $0.0e+00;
	v7 =	vimm.f32 $0.0e+00;
	v0 =	vimm.f32 $0.0e+00;
	s23 =	simm.s32 $0x100;
	v4 =	vld [tilespmem:s25+$0x16620]  }
.LBB2_29:
0x17c: {  	p0 =	sne.s32 s23, $0xC700  }
.Ltmp13:
0x17d: {  	s4 =	sshra.s32 s23, $0x2;
	s23 =	sadd.s32 $0x100, s23;
	v0 =	vadd.f32 v1, v0;
	(pc) =	sbr.rel @p0 .LBB2_29-.Ltmp13, $4  }
0x17e: {  	v1 =	vld [tilespmem:s4+$0x16630];
	v5 =	vadd.f32 v2, v5  }
0x17f: {  	v2 =	vld [tilespmem:s4+$0x16600];
	v6 =	vadd.f32 v3, v6  }
0x180: {  	v3 =	vld [tilespmem:s4+$0x16610];
	v7 =	vadd.f32 v4, v7  }
0x181: {  	v4 =	vld [tilespmem:s4+$0x16620]  }
0x182: {  	_ = 	snop  }
0x183: {  	v0 =	vadd.f32 v1, v0  }
0x184: {  	v2 =	vadd.f32 v2, v5  }
0x185: {  	s4 =	sshll.u32 s21, $0x6;
	p0 =	sne.s32 s20, $0x1F;
	v3 =	vadd.f32 v3, v6;
	v0 =	vmul.f32 $4.999999890e-03, v0  }
.Ltmp14:
0x186: {  	s4 =	sand.u32 $0x3FFFFFC0, s4;
	v4 =	vadd.f32 v4, v7;
	v2 =	vmul.f32 $4.999999890e-03, v2;
	(pc) =	sbr.rel @p0 .LBB2_22-.Ltmp14, $4  }
0x187: {  	v62 =	vmul.f32 $4.999999890e-03, v3;
	[tilespmem:s4+$0x19830] =	vst v0  }
0x188: {  	[tilespmem:s4+$0x19800] =	vst v2;
	v63 =	vmul.f32 $4.999999890e-03, v4  }
0x189: {  	[tilespmem:s4+$0x19810] =	vst v62  }
0x18a: {  	s20 =	sadd.s32 $0x1, s20;
	[tilespmem:s4+$0x19820] =	vst v63  }
0x18b: {  	s20 =	simm.s32 $0x0  }
0x18c: {  	[hbm4b:s10+s20] =	stream.linear.scatter [tilespmem:s16], [sflag:$0x6], $0x2000, $0x38;
	[tilespmem:$0x1B800] =	vst v63  }
0x18d: {  	_ =	swait.ge [sflag:s17], $0x2000  }
0x18e: {  	[sflag:s17] =	ssyncset.done $0x0  }
0x18f: {  	[sflag:s17] =	ssyncadd.s32 $0xFFFFE000  }
.LBB2_32:
0x190: {  	s21 =	sshllo.u32 s20, $0x2  }
0x191: {  	s4 =	smul.u32 $0x340, s21;
	_ =	sdelay $0x1  }
0x192: {  	s4 =	sshra.s32 s4, $0x2  }
0x193: {  	s14 =	sadd.s32 $0x6800, s4  }
0x194: {  	[tilespmem:s28], [sflag:$0x4] =	stream.indirect.gather [hbm4b:s3+s15], $0x40, s14, s15, $0xb8;
	[tilespmem:$0x1B800] =	vst v63  }
0x195: {  	s4 =	sadd.s32 $0x6868, s4  }
0x196: {  	[tilespmem:s29], [sflag:$0x4] =	stream.indirect.gather [hbm4b:s3+s15], $0x40, s4, s15, $0xb8;
	[tilespmem:$0x1B800] =	vst v63  }
0x197: {  	_ =	swait.ge [sflag:s30], $0x3200  }
0x198: {  	[sflag:s30] =	ssyncset.done $0x0  }
0x199: {  	s25 =	simm.s32 $0x0;
	[sflag:s30] =	ssyncadd.s32 $0xFFFFCE00  }
0x19a: {  	v1 =	vld [tilespmem:s25+$0xD030]  }
0x19b: {  	v2 =	vld [tilespmem:s25+$0xD000]  }
0x19c: {  	v0 =	vimm.f32 $0.0e+00;
	v3 =	vld [tilespmem:s25+$0xD010]  }
0x19d: {  	s23 =	simm.s32 $0x100;
	v5 =	vimm.f32 $0.0e+00;
	v6 =	vimm.f32 $0.0e+00;
	v7 =	vimm.f32 $0.0e+00;
	v4 =	vld [tilespmem:s25+$0xD020]  }
.LBB2_33:
0x19e: {  	p0 =	sne.s32 s23, $0xC700  }
.Ltmp15:
0x19f: {  	s4 =	sshra.s32 s23, $0x2;
	s23 =	sadd.s32 $0x100, s23;
	v0 =	vadd.f32 v1, v0;
	(pc) =	sbr.rel @p0 .LBB2_33-.Ltmp15, $4  }
0x1a0: {  	v1 =	vld [tilespmem:s4+$0xD030];
	v5 =	vadd.f32 v2, v5  }
0x1a1: {  	v2 =	vld [tilespmem:s4+$0xD000];
	v6 =	vadd.f32 v3, v6  }
0x1a2: {  	v3 =	vld [tilespmem:s4+$0xD010];
	v7 =	vadd.f32 v4, v7  }
0x1a3: {  	v4 =	vld [tilespmem:s4+$0xD020]  }
0x1a4: {  	_ = 	snop  }
0x1a5: {  	v0 =	vadd.f32 v1, v0  }
0x1a6: {  	v2 =	vadd.f32 v2, v5  }
0x1a7: {  	s4 =	sshll.u32 s20, $0x8;
	v3 =	vadd.f32 v3, v6;
	v0 =	vmul.f32 $4.999999890e-03, v0  }
0x1a8: {  	p0 =	seq.s32 s20, $0x1F;
	s23 =	sand.u32 $0x3FFFFF00, s4;
	v4 =	vadd.f32 v4, v7;
	v2 =	vmul.f32 $4.999999890e-03, v2  }
0x1a9: {  	s4 =	smul.u32 @!p0 $0xD00, s20;
	v1 =	vmul.f32 $4.999999890e-03, v3;
	[tilespmem:s23+$0x19830] =	vst v0  }
0x1aa: {  	[tilespmem:s23+$0x19800] =	vst v2;
	v2 =	vmul.f32 $4.999999890e-03, v4  }
0x1ab: {  	s24 =	sshra.s32 @!p0 s4, $0x2;
	[tilespmem:s23+$0x19810] =	vst v1  }
0x1ac: {  	s14 =	simm.s32 @!p0 $0x64;
	s25 =	simm.s32 @!p0 $0xD000;
	s4 =	sadd.s32 @!p0 $0x6B40, s24;
	[tilespmem:s23+$0x19820] =	vst v2  }
0x1ad: {  	[tilespmem:s25], [sflag:$0x1] =	stream.indirect.gather @!p0 [hbm4b:s3+s14], $0x40, s4, s14, $0xb8;
	[tilespmem:$0x1B800] =	vst v63  }
0x1ae: {  	s4 =	sadd.s32 @!p0 $0x6BA8, s24;
	s25 =	simm.s32 @!p0 $0xE900  }
0x1af: {  	[tilespmem:s25], [sflag:$0x1] =	stream.indirect.gather @!p0 [hbm4b:s3+s14], $0x40, s4, s14, $0xb8;
	[tilespmem:$0x1B800] =	vst v63  }
0x1b0: {  	_ =	swait.ge [sflag:s31], $0x3200  }
0x1b1: {  	[sflag:s31] =	ssyncset.done $0x0  }
0x1b2: {  	s14 =	simm.s32 $0x0;
	[sflag:s31] =	ssyncadd.s32 $0xFFFFCE00  }
0x1b3: {  	v1 =	vld [tilespmem:s14+$0x10230]  }
0x1b4: {  	v2 =	vld [tilespmem:s14+$0x10200]  }
0x1b5: {  	v5 =	vimm.f32 $0.0e+00;
	v3 =	vld [tilespmem:s14+$0x10210]  }
0x1b6: {  	v6 =	vimm.f32 $0.0e+00;
	v7 =	vimm.f32 $0.0e+00;
	v0 =	vimm.f32 $0.0e+00;
	s25 =	simm.s32 $0x100;
	v4 =	vld [tilespmem:s14+$0x10220]  }
.LBB2_35:
0x1b7: {  	p1 =	sne.s32 s25, $0xC700  }
.Ltmp16:
0x1b8: {  	s4 =	sshra.s32 s25, $0x2;
	s25 =	sadd.s32 $0x100, s25;
	v0 =	vadd.f32 v1, v0;
	(pc) =	sbr.rel @p1 .LBB2_35-.Ltmp16, $4  }
0x1b9: {  	v1 =	vld [tilespmem:s4+$0x10230];
	v5 =	vadd.f32 v2, v5  }
0x1ba: {  	v2 =	vld [tilespmem:s4+$0x10200];
	v6 =	vadd.f32 v3, v6  }
0x1bb: {  	v3 =	vld [tilespmem:s4+$0x10210];
	v7 =	vadd.f32 v4, v7  }
0x1bc: {  	v4 =	vld [tilespmem:s4+$0x10220]  }
0x1bd: {  	_ = 	snop  }
0x1be: {  	v0 =	vadd.f32 v1, v0  }
0x1bf: {  	v2 =	vadd.f32 v2, v5  }
0x1c0: {  	v3 =	vadd.f32 v3, v6;
	v0 =	vmul.f32 $4.999999890e-03, v0  }
0x1c1: {  	v4 =	vadd.f32 v4, v7;
	v2 =	vmul.f32 $4.999999890e-03, v2  }
0x1c2: {  	v1 =	vmul.f32 $4.999999890e-03, v3;
	[tilespmem:s23+$0x19870] =	vst v0  }
0x1c3: {  	[tilespmem:s23+$0x19840] =	vst v2;
	v2 =	vmul.f32 $4.999999890e-03, v4  }
0x1c4: {  	[tilespmem:s23+$0x19850] =	vst v1  }
0x1c5: {  	s4 =	sadd.s32 @!p0 $0x6C10, s24;
	s14 =	simm.s32 @!p0 $0x64;
	s25 =	simm.s32 @!p0 $0x10200;
	[tilespmem:s23+$0x19860] =	vst v2  }
0x1c6: {  	[tilespmem:s25], [sflag:$0x2] =	stream.indirect.gather @!p0 [hbm4b:s3+s14], $0x40, s4, s14, $0xb8;
	[tilespmem:$0x1B800] =	vst v63  }
0x1c7: {  	s4 =	sadd.s32 @!p0 $0x6C78, s24;
	s25 =	simm.s32 @!p0 $0x11B00  }
0x1c8: {  	[tilespmem:s25], [sflag:$0x2] =	stream.indirect.gather @!p0 [hbm4b:s3+s14], $0x40, s4, s14, $0xb8;
	[tilespmem:$0x1B800] =	vst v63  }
0x1c9: {  	_ =	swait.ge [sflag:s0], $0x3200  }
0x1ca: {  	[sflag:s0] =	ssyncset.done $0x0  }
0x1cb: {  	s14 =	simm.s32 $0x0;
	[sflag:s0] =	ssyncadd.s32 $0xFFFFCE00  }
0x1cc: {  	v1 =	vld [tilespmem:s14+$0x13430]  }
0x1cd: {  	v2 =	vld [tilespmem:s14+$0x13400]  }
0x1ce: {  	v5 =	vimm.f32 $0.0e+00;
	v3 =	vld [tilespmem:s14+$0x13410]  }
0x1cf: {  	v6 =	vimm.f32 $0.0e+00;
	v7 =	vimm.f32 $0.0e+00;
	v0 =	vimm.f32 $0.0e+00;
	s25 =	simm.s32 $0x100;
	v4 =	vld [tilespmem:s14+$0x13420]  }
.LBB2_37:
0x1d0: {  	p1 =	sne.s32 s25, $0xC700  }
.Ltmp17:
0x1d1: {  	s4 =	sshra.s32 s25, $0x2;
	s25 =	sadd.s32 $0x100, s25;
	v0 =	vadd.f32 v1, v0;
	(pc) =	sbr.rel @p1 .LBB2_37-.Ltmp17, $4  }
0x1d2: {  	v1 =	vld [tilespmem:s4+$0x13430];
	v5 =	vadd.f32 v2, v5  }
0x1d3: {  	v2 =	vld [tilespmem:s4+$0x13400];
	v6 =	vadd.f32 v3, v6  }
0x1d4: {  	v3 =	vld [tilespmem:s4+$0x13410];
	v7 =	vadd.f32 v4, v7  }
0x1d5: {  	v4 =	vld [tilespmem:s4+$0x13420]  }
0x1d6: {  	_ = 	snop  }
0x1d7: {  	v0 =	vadd.f32 v1, v0  }
0x1d8: {  	v2 =	vadd.f32 v2, v5  }
0x1d9: {  	v3 =	vadd.f32 v3, v6;
	v0 =	vmul.f32 $4.999999890e-03, v0  }
0x1da: {  	v4 =	vadd.f32 v4, v7;
	v2 =	vmul.f32 $4.999999890e-03, v2  }
0x1db: {  	v1 =	vmul.f32 $4.999999890e-03, v3;
	[tilespmem:s23+$0x198B0] =	vst v0  }
0x1dc: {  	[tilespmem:s23+$0x19880] =	vst v2;
	v2 =	vmul.f32 $4.999999890e-03, v4  }
0x1dd: {  	[tilespmem:s23+$0x19890] =	vst v1  }
0x1de: {  	s4 =	sadd.s32 @!p0 $0x6CE0, s24;
	s14 =	simm.s32 @!p0 $0x64;
	[tilespmem:s23+$0x198A0] =	vst v2;
	s23 =	simm.s32 @!p0 $0x13400  }
0x1df: {  	[tilespmem:s23], [sflag:$0x3] =	stream.indirect.gather @!p0 [hbm4b:s3+s14], $0x40, s4, s14, $0xb8;
	[tilespmem:$0x1B800] =	vst v63  }
0x1e0: {  	s4 =	sadd.s32 @!p0 $0x6D48, s24;
	s23 =	simm.s32 @!p0 $0x14D00  }
0x1e1: {  	[tilespmem:s23], [sflag:$0x3] =	stream.indirect.gather @!p0 [hbm4b:s3+s14], $0x40, s4, s14, $0xb8;
	[tilespmem:$0x1B800] =	vst v63  }
0x1e2: {  	_ =	swait.ge [sflag:s1], $0x3200  }
0x1e3: {  	[sflag:s1] =	ssyncset.done $0x0  }
0x1e4: {  	s25 =	simm.s32 $0x0;
	[sflag:s1] =	ssyncadd.s32 $0xFFFFCE00  }
0x1e5: {  	v1 =	vld [tilespmem:s25+$0x16630]  }
0x1e6: {  	v2 =	vld [tilespmem:s25+$0x16600]  }
0x1e7: {  	v5 =	vimm.f32 $0.0e+00;
	v3 =	vld [tilespmem:s25+$0x16610]  }
0x1e8: {  	v6 =	vimm.f32 $0.0e+00;
	v7 =	vimm.f32 $0.0e+00;
	v0 =	vimm.f32 $0.0e+00;
	s23 =	simm.s32 $0x100;
	v4 =	vld [tilespmem:s25+$0x16620]  }
.LBB2_39:
0x1e9: {  	p0 =	sne.s32 s23, $0xC700  }
.Ltmp18:
0x1ea: {  	s4 =	sshra.s32 s23, $0x2;
	s23 =	sadd.s32 $0x100, s23;
	v0 =	vadd.f32 v1, v0;
	(pc) =	sbr.rel @p0 .LBB2_39-.Ltmp18, $4  }
0x1eb: {  	v1 =	vld [tilespmem:s4+$0x16630];
	v5 =	vadd.f32 v2, v5  }
0x1ec: {  	v2 =	vld [tilespmem:s4+$0x16600];
	v6 =	vadd.f32 v3, v6  }
0x1ed: {  	v3 =	vld [tilespmem:s4+$0x16610];
	v7 =	vadd.f32 v4, v7  }
0x1ee: {  	v4 =	vld [tilespmem:s4+$0x16620]  }
0x1ef: {  	_ = 	snop  }
0x1f0: {  	v0 =	vadd.f32 v1, v0  }
0x1f1: {  	v2 =	vadd.f32 v2, v5  }
0x1f2: {  	s4 =	sshll.u32 s21, $0x6;
	p0 =	sne.s32 s20, $0x1F;
	v3 =	vadd.f32 v3, v6;
	v0 =	vmul.f32 $4.999999890e-03, v0  }
.Ltmp19:
0x1f3: {  	s4 =	sand.u32 $0x3FFFFFC0, s4;
	v4 =	vadd.f32 v4, v7;
	v2 =	vmul.f32 $4.999999890e-03, v2;
	(pc) =	sbr.rel @p0 .LBB2_32-.Ltmp19, $4  }
0x1f4: {  	v62 =	vmul.f32 $4.999999890e-03, v3;
	[tilespmem:s4+$0x19830] =	vst v0  }
0x1f5: {  	[tilespmem:s4+$0x19800] =	vst v2;
	v63 =	vmul.f32 $4.999999890e-03, v4  }
0x1f6: {  	[tilespmem:s4+$0x19810] =	vst v62  }
0x1f7: {  	s20 =	sadd.s32 $0x1, s20;
	[tilespmem:s4+$0x19820] =	vst v63  }
0x1f8: {  	s19 =	sadd.s32 $0x1, s19  }
0x1f9: {  	p0 =	sne.s32 s19, s12  }
.Ltmp20:
0x1fa: {  	_ = 	snop;
	(pc) =	sbr.rel @p0 .LBB2_1-.Ltmp20, $4  }
0x1fb: {  	[hbm4b:s11+s2] =	stream.linear.scatter [tilespmem:s16], [sflag:$0x6], $0x2000, $0x38;
	[tilespmem:$0x1B800] =	vst v63  }
0x1fc: {  	_ =	swait.ge [sflag:s17], $0x2000  }
0x1fd: {  	[sflag:s17] =	ssyncset.done $0x0  }
0x1fe: {  	[sflag:s17] =	ssyncadd.s32 $0xFFFFE000  }
0x1ff: {  	_ =	sfence.sel $0x180000  }
0x200: {  	[bflag:$0x0] =	sbarrier.arrive $0xFFFF  }
0x201: {  	_ =	strace $0x90000047  }
0x202: {  	s0 =	stileid.u32;
	[bflag:$0x2] =	sbarrier.arrive $0xFFFF  }
0x203: {  	p0 =	sne.s32 s0, $0x0;
	s0 =	rddreg [dreg:$0x2]  }
0x204: {  	s0 =	sadd.s32 @!p0 $0x100000, s0  }
0x205: {  	[sflag:s0] =	ssyncadd.tile.s32 @!p0 $0x1;
	_ =	shalt  }
.Lfunc_end2:
_tile_overlayer_lowered:
.L_overlay_start_2:
0x206: {  	(tag) =	ssettag $0x2  }
0x207: {  	s0 =	rddreg [dreg:$0x0];
	s2 =	stileid.u32  }
0x208: {  	s1 =	rddreg [dreg:$0x1];
	p0 =	sne.s32 s2, $0x0  }
0x209: {  	s3 =	rddreg [dreg:$0x2];
	[bflag:$0x3] =	sbarrier.arrive $0xFFFF;
	s2 =	simm.s32 @!p0 $0x1C06  }
0x20a: {  	[timem:s3], [sflag:s2] =	dma.local @!p0 [hbm:s0], s1  }
0x20b: {  	s0 =	simm.s32 @!p0 $0x6  }
0x20c: {  	_ =	swait.ge @!p0 [sflag:s0], s1  }
0x20d: {  	s1 =	ssub.s32 @!p0 $0x0, s1;
	[sflag:s0] =	ssyncset.done @!p0 $0x0  }
0x20e: {  	[sflag:s0] =	ssyncadd.s32 @!p0 s1  }
0x20f: {  	[bflag:$0x3] =	sbarrier.arrive $0xFFFF  }
0x210: {  	_ =	shalt  }

</sc_bundles>
